<compile_context>
chip_gen: v7x
topology: tpu7x:2x2x1
jax: 0.10.2.dev20260603
libtpu: 0.0.44.dev20260713+nightly
codegen_flags: <defaults>
</compile_context>

<pallas_src>
import functools

import jax
import jax.numpy as jnp
from jax import lax
from jax.experimental import pallas as pl
from jax.experimental.pallas import tpu as pltpu
from jax.experimental.pallas import tpu_sc as plsc

_BLK = 128
_LANES = 16
_PITCH = 136
_PADW = 128


def _pos_encoding(length: int, hidden: int) -> jax.Array:
    depth = hidden // 2
    positions = jnp.arange(length)[:, None].astype(jnp.float32)
    depths = jnp.arange(depth)[None, :].astype(jnp.float32) / depth
    angle_rates = 1.0 / (10000.0 ** depths)
    angle_rads = positions * angle_rates
    return jnp.concatenate(
        [jnp.sin(angle_rads), jnp.cos(angle_rads)], axis=-1
    ).astype(jnp.float32)


@functools.partial(jax.jit, static_argnames=("b_total", "hidden", "length"))
def _emb_lookup(xt2d, pos, tablep, *, b_total, hidden, length):
    info = plsc.get_sparse_core_info()
    nc, ns = info.num_cores, info.num_subcores
    nw = nc * ns
    n_btiles = b_total // _BLK
    per_w = (length * n_btiles) // nw
    scale = float(hidden) ** 0.5
    hgrp = hidden // 8
    nvr = hidden // _LANES

    mesh = plsc.VectorSubcoreMesh(core_axis_name="c", subcore_axis_name="s")

    @functools.partial(
        pl.kernel,
        mesh=mesh,
        compiler_params=pltpu.CompilerParams(
            use_tc_tiling_on_sc=False, needs_layout_passes=False),
        out_type=jax.ShapeDtypeStruct(
            (length, hgrp, n_btiles, 8, _BLK), jnp.float32),
        scratch_types=[
            pltpu.VMEM((per_w, _BLK), jnp.int32),
            pltpu.VMEM((_BLK, _PADW), jnp.float32),
            pltpu.VMEM((_BLK, _PADW), jnp.float32),
            pltpu.VMEM((length * hidden,), jnp.float32),
            pltpu.VMEM((hidden * _PITCH,), jnp.float32),
            pltpu.VMEM((hidden * _PITCH,), jnp.float32),
            pltpu.SemaphoreType.DMA,
            pltpu.SemaphoreType.DMA,
            pltpu.SemaphoreType.DMA,
            pltpu.SemaphoreType.DMA,
        ],
    )
    def k(x_hbm, pos_hbm, tab_hbm, out_hbm, idx_all, rows0, rows1,
          pos_v, ob0, ob1, sg0, sg1, so0, so1):
        wid = lax.axis_index("s") * nc + lax.axis_index("c")
        base_c = wid * per_w
        rows = (rows0, rows1)
        obuf = (ob0, ob1)
        sem_g = (sg0, sg1)
        sem_o = (so0, so1)

        pltpu.sync_copy(x_hbm.at[pl.ds(base_c, per_w)], idx_all)
        pltpu.sync_copy(pos_hbm, pos_v)

        iota = lax.iota(jnp.int32, _LANES)
        hvecs = [(iota + ci * _LANES) * _PITCH for ci in range(nvr)]

        def gather_copy(j, b):
            return pltpu.make_async_copy(
                tab_hbm.at[idx_all.at[j]], rows[b], sem_g[b])

        def store_drain(b):
            return pltpu.make_async_copy(
                pos_hbm.at[pl.ds(0, 8 * _BLK * 8)],
                obuf[b].at[pl.ds(0, 8 * _BLK * 8)], sem_o[b])

        def store_copy(j, b, g1, s):
            c = base_c + j
            l = lax.shift_right_logical(c, 5)
            g0b = lax.rem(c, n_btiles)
            return pltpu.make_async_copy(
                obuf[b].at[pl.ds((g1 * 8 + s) * _PITCH, _BLK)],
                out_hbm.at[l, g1, g0b, s], sem_o[b])

        def step(j, b):
            @pl.when(j + 1 < per_w)
            def _():
                gather_copy(j + 1, 1 - b).start()

            gather_copy(j, b).wait()

            @pl.when(j >= 2)
            def _():
                store_drain(b).wait()

            c = base_c + j
            l = lax.shift_right_logical(c, 5)
            rv = rows[b]
            ov = obuf[b]
            pvec = [pos_v[pl.ds(l * hidden + ci * _LANES, _LANES)]
                    for ci in range(nvr)]

            def row_body(r, carry):
                rsplat = jnp.zeros((_LANES,), jnp.int32) + r
                for ci in range(nvr):
                    v = rv[r, pl.ds(ci * _LANES, _LANES)]
                    plsc.store_scatter(
                        ov, [hvecs[ci] + rsplat], v * scale + pvec[ci])
                return carry

            lax.fori_loop(0, _BLK, row_body, 0, unroll=8)

            for g1 in range(hgrp):
                for s in range(8):
                    store_copy(j, b, g1, s).start()

        gather_copy(0, 0).start()

        def pair(i, carry):
            step(2 * i + 0, 0)
            step(2 * i + 1, 1)
            return carry

        lax.fori_loop(0, per_w // 2, pair, 0)
        store_drain(0).wait()
        store_drain(1).wait()

    return k(xt2d, pos, tablep)


def kernel(x, table):
    b_total, length = x.shape
    hidden = table.shape[1]
    pos = _pos_encoding(length, hidden).reshape(length * hidden)
    xt2d = x.T.reshape(length * b_total // _BLK, _BLK)
    tablep = jnp.pad(table, ((0, 0), (0, _PADW - hidden)))
    out5 = _emb_lookup(
        xt2d, pos, tablep,
        b_total=b_total, hidden=hidden, length=length,
    )
    return (out5.transpose(2, 4, 0, 1, 3)
            .reshape(b_total, length, hidden))

# --- scband reference (transcript-rebuilt; emitter-appended) ---
"""Pipeline reference for scband-positional-embedding-67688684585373 (READ-ONLY COPY).

The authoritative reference and input builder live on the scoring server;
editing this copy changes nothing except your own understanding.
"""

import jax, jax.numpy as jnp
import numpy as np

VOCAB = 1000000
HIDDEN = 64
B = 4096
L = 200


def _positional_encoding(x):
    length = x.shape[1]
    depth = x.shape[2] // 2
    positions = jnp.arange(length)[:, None].astype(jnp.float32)
    depths = jnp.arange(depth)[None, :].astype(jnp.float32) / depth
    angle_rates = 1.0 / (10000.0 ** depths)
    angle_rads = positions * angle_rates
    pos_encoding = jnp.concatenate([jnp.sin(angle_rads), jnp.cos(angle_rads)], axis=-1).astype(x.dtype)
    return x + pos_encoding.astype(jnp.float32)


def setup_inputs(seed: int = 0) -> dict:
    key = jax.random.key(seed)
    k1, k2 = jax.random.split(key)
    x = jax.random.randint(k1, (B, L), 0, VOCAB, dtype=jnp.int32)
    table = jax.random.normal(k2, (VOCAB, HIDDEN), dtype=jnp.float32) * 0.02
    # padding_idx=0: row 0 initialized to zeros
    table = table.at[0].set(0.0)
    return {"x": x, "table": table}


def reference(x, table):
    emb = jnp.take(table, x, axis=0)
    emb = emb * np.sqrt(HIDDEN)
    out = _positional_encoding(emb)
    return out

if __name__ == "__main__":
    import jax
    _d = setup_inputs()
    print(jax.jit(kernel)(*tuple(_d.values())))

</pallas_src>

<mosaic_0001>
#map = affine_map<(d0, d1) -> (0, 0)>
#map1 = affine_map<(d0, d1) -> (0)>
#map2 = affine_map<(d0, d1) -> (0, 0, 0, 0, 0)>
module attributes {stable_mosaic.version = 14 : i64} {
  func.func @k(%arg0: i32, %arg1: i32, %arg2: memref<6400x128xi32, #tpu.memory_space<hbm>>, %arg3: memref<12800xf32, #tpu.memory_space<hbm>>, %arg4: memref<1000000x128xf32, #tpu.memory_space<hbm>>, %arg5: memref<200x8x32x8x128xf32, #tpu.memory_space<hbm>>, %arg6: memref<200x128xi32, #tpu.memory_space<vmem>>, %arg7: memref<128x128xf32, #tpu.memory_space<vmem>>, %arg8: memref<128x128xf32, #tpu.memory_space<vmem>>, %arg9: memref<12800xf32, #tpu.memory_space<vmem>>, %arg10: memref<8704xf32, #tpu.memory_space<vmem>>, %arg11: memref<8704xf32, #tpu.memory_space<vmem>>, %arg12: memref<!tpu.dma_semaphore, #tpu.memory_space<semaphore_mem>>, %arg13: memref<!tpu.dma_semaphore, #tpu.memory_space<semaphore_mem>>, %arg14: memref<!tpu.dma_semaphore, #tpu.memory_space<semaphore_mem>>, %arg15: memref<!tpu.dma_semaphore, #tpu.memory_space<semaphore_mem>>) attributes {dimension_semantics = [#tpu.dimension_semantics<core_parallel>, #tpu.dimension_semantics<subcore_parallel>], iteration_bounds = array<i64: 2, 16>, scalar_prefetch = 0 : i64, scratch_operands = 10 : i64, tpu.core_type = #tpu.core_type<sc_vector_subcore>, window_params = [{transform_indices = #map}, {transform_indices = #map1}, {transform_indices = #map}, {transform_indices = #map2}]} {
    %mul3A = arith.constant 2 : i32
    %mul3A_0 = arith.muli %arg1, %mul3A : i32
    %add3A = arith.addi %mul3A_0, %arg0 : i32
    %mul3A_1 = arith.constant 200 : i32
    %mul3A_2 = arith.muli %add3A, %mul3A_1 : i32
    "tpu.region"() ({
      %run_scoped3A = tpu.sem_alloc : memref<!tpu.dma_semaphore, #tpu.memory_space<semaphore_mem>>
      %dma_start3A_53 = arith.constant 0 : i32
      %dma_start3A_54 = tpu.memref_slice %arg2[%mul3A_2, %dma_start3A_53] : memref<6400x128xi32, #tpu.memory_space<hbm>> -> memref<200x128xi32, #tpu.memory_space<hbm>>
      %dma_start3A_55 = arith.constant 0 : i32
      %dma_start3A_56 = tpu.memref_slice %arg2[%mul3A_2, %dma_start3A_55] : memref<6400x128xi32, #tpu.memory_space<hbm>> -> memref<200x128xi32, #tpu.memory_space<hbm>>
      tpu.enqueue_dma source(%dma_start3A_56 : memref<200x128xi32, #tpu.memory_space<hbm>>) target(%arg6 : memref<200x128xi32, #tpu.memory_space<vmem>>) target_semaphore(%run_scoped3A : memref<!tpu.dma_semaphore, #tpu.memory_space<semaphore_mem>>)
      %dma_wait3A_57 = arith.constant 0 : i32
      %dma_wait3A_58 = tpu.memref_slice %arg2[%mul3A_2, %dma_wait3A_57] : memref<6400x128xi32, #tpu.memory_space<hbm>> -> memref<200x128xi32, #tpu.memory_space<hbm>>
      %dma_wait3A_59 = arith.constant 0 : i32
      %dma_wait3A_60 = tpu.memref_slice %arg2[%mul3A_2, %dma_wait3A_59] : memref<6400x128xi32, #tpu.memory_space<hbm>> -> memref<200x128xi32, #tpu.memory_space<hbm>>
      tpu.wait_dma2 semaphore(%run_scoped3A : memref<!tpu.dma_semaphore, #tpu.memory_space<semaphore_mem>>) src(%dma_wait3A_60 : memref<200x128xi32, #tpu.memory_space<hbm>>) dst(%arg6 : memref<200x128xi32, #tpu.memory_space<vmem>>)
      tpu.yield
    }) : () -> ()
    "tpu.region"() ({
      %run_scoped3A = tpu.sem_alloc : memref<!tpu.dma_semaphore, #tpu.memory_space<semaphore_mem>>
      tpu.enqueue_dma source(%arg3 : memref<12800xf32, #tpu.memory_space<hbm>>) target(%arg9 : memref<12800xf32, #tpu.memory_space<vmem>>) target_semaphore(%run_scoped3A : memref<!tpu.dma_semaphore, #tpu.memory_space<semaphore_mem>>)
      tpu.wait_dma2 semaphore(%run_scoped3A : memref<!tpu.dma_semaphore, #tpu.memory_space<semaphore_mem>>) src(%arg3 : memref<12800xf32, #tpu.memory_space<hbm>>) dst(%arg9 : memref<12800xf32, #tpu.memory_space<vmem>>)
      tpu.yield
    }) : () -> ()
    %iota3A = tpu.iota {dimensions = array<i32: 0>} : vector<16xi32>
    %add3A_3 = arith.constant 0 : i32
    %add3A_4 = vector.broadcast %add3A_3 : i32 to vector<16xi32>
    %add3A_5 = arith.addi %iota3A, %add3A_4 : vector<16xi32>
    %mul3A_6 = arith.constant 136 : i32
    %mul3A_7 = vector.broadcast %mul3A_6 : i32 to vector<16xi32>
    %mul3A_8 = arith.muli %add3A_5, %mul3A_7 : vector<16xi32>
    %add3A_9 = arith.constant 16 : i32
    %add3A_10 = vector.broadcast %add3A_9 : i32 to vector<16xi32>
    %add3A_11 = arith.addi %iota3A, %add3A_10 : vector<16xi32>
    %mul3A_12 = arith.constant 136 : i32
    %mul3A_13 = vector.broadcast %mul3A_12 : i32 to vector<16xi32>
    %mul3A_14 = arith.muli %add3A_11, %mul3A_13 : vector<16xi32>
    %add3A_15 = arith.constant 32 : i32
    %add3A_16 = vector.broadcast %add3A_15 : i32 to vector<16xi32>
    %add3A_17 = arith.addi %iota3A, %add3A_16 : vector<16xi32>
    %mul3A_18 = arith.constant 136 : i32
    %mul3A_19 = vector.broadcast %mul3A_18 : i32 to vector<16xi32>
    %mul3A_20 = arith.muli %add3A_17, %mul3A_19 : vector<16xi32>
    %add3A_21 = arith.constant 48 : i32
    %add3A_22 = vector.broadcast %add3A_21 : i32 to vector<16xi32>
    %add3A_23 = arith.addi %iota3A, %add3A_22 : vector<16xi32>
    %mul3A_24 = arith.constant 136 : i32
    %mul3A_25 = vector.broadcast %mul3A_24 : i32 to vector<16xi32>
    %mul3A_26 = arith.muli %add3A_23, %mul3A_25 : vector<16xi32>
    %dma_start3A = arith.constant 0 : i32
    %dma_start3A_27 = arith.constant 0 : i32
    %dma_start3A_28 = tpu.memref_slice %arg6[%dma_start3A, %dma_start3A_27] : memref<200x128xi32, #tpu.memory_space<vmem>> -> memref<1x128xi32, #tpu.memory_space<vmem>>
    %dma_start3A_29 = tpu.memref_squeeze %dma_start3A_28 : memref<1x128xi32, #tpu.memory_space<vmem>> -> memref<128xi32, #tpu.memory_space<vmem>>
    %dma_start3A_30 = arith.constant 0 : i32
    %dma_start3A_31 = arith.constant 0 : i32
    %dma_start3A_32 = tpu.memref_slice %arg4[%dma_start3A_30, %dma_start3A_31] : memref<1000000x128xf32, #tpu.memory_space<hbm>> -> memref<1000000x128xf32, #tpu.memory_space<hbm>>
    tpu.enqueue_indirect_dma source(%dma_start3A_32 : memref<1000000x128xf32, #tpu.memory_space<hbm>>) target(%arg7 : memref<128x128xf32, #tpu.memory_space<vmem>>) offsets(%dma_start3A_29 : memref<128xi32, #tpu.memory_space<vmem>>) semaphore(%arg12 : memref<!tpu.dma_semaphore, #tpu.memory_space<semaphore_mem>>)
    %scan3A = arith.constant 0 : i32
    %scan3A_33 = arith.constant 0 : i32
    %scan3A_34 = arith.constant 100 : i32
    %scan3A_35 = arith.addi %scan3A_33, %scan3A_34 : i32
    %scan3A_36 = arith.constant 1 : i32
    scf.for %scan3A_53 = %scan3A_33 to %scan3A_35 step %scan3A_36  : i32 {
      %mul3A_54 = arith.constant 2 : i32
      %mul3A_55 = arith.muli %mul3A_54, %scan3A_53 : i32
      %add3A_56 = arith.constant 0 : i32
      %add3A_57 = arith.addi %mul3A_55, %add3A_56 : i32
      %add3A_58 = arith.constant 1 : i32
      %add3A_59 = arith.addi %add3A_57, %add3A_58 : i32
      %lt3A = arith.constant 200 : i32
      %lt3A_60 = arith.cmpi slt, %add3A_59, %lt3A : i32
      %convert_element_type3A = arith.extui %lt3A_60 : i1 to i32
      %cond3A = arith.constant 0 : i32
      %cond3A_61 = arith.cmpi ne, %convert_element_type3A, %cond3A : i32
      scf.if %cond3A_61 {
        %add3A_2333 = arith.constant 1 : i32
        %add3A_2334 = arith.addi %add3A_57, %add3A_2333 : i32
        %dma_start3A_2335 = arith.constant 0 : i32
        %dma_start3A_2336 = tpu.memref_slice %arg6[%add3A_2334, %dma_start3A_2335] : memref<200x128xi32, #tpu.memory_space<vmem>> -> memref<1x128xi32, #tpu.memory_space<vmem>>
        %dma_start3A_2337 = tpu.memref_squeeze %dma_start3A_2336 : memref<1x128xi32, #tpu.memory_space<vmem>> -> memref<128xi32, #tpu.memory_space<vmem>>
        %dma_start3A_2338 = arith.constant 0 : i32
        %dma_start3A_2339 = arith.constant 0 : i32
        %dma_start3A_2340 = tpu.memref_slice %arg4[%dma_start3A_2338, %dma_start3A_2339] : memref<1000000x128xf32, #tpu.memory_space<hbm>> -> memref<1000000x128xf32, #tpu.memory_space<hbm>>
        tpu.enqueue_indirect_dma source(%dma_start3A_2340 : memref<1000000x128xf32, #tpu.memory_space<hbm>>) target(%arg8 : memref<128x128xf32, #tpu.memory_space<vmem>>) offsets(%dma_start3A_2337 : memref<128xi32, #tpu.memory_space<vmem>>) semaphore(%arg13 : memref<!tpu.dma_semaphore, #tpu.memory_space<semaphore_mem>>)
      } else {
      }
      %dma_wait3A_62 = arith.constant 0 : i32
      %dma_wait3A_63 = tpu.memref_slice %arg6[%add3A_57, %dma_wait3A_62] : memref<200x128xi32, #tpu.memory_space<vmem>> -> memref<1x128xi32, #tpu.memory_space<vmem>>
      %dma_wait3A_64 = tpu.memref_squeeze %dma_wait3A_63 : memref<1x128xi32, #tpu.memory_space<vmem>> -> memref<128xi32, #tpu.memory_space<vmem>>
      %dma_wait3A_65 = arith.constant 0 : i32
      %dma_wait3A_66 = arith.constant 0 : i32
      %dma_wait3A_67 = tpu.memref_slice %arg4[%dma_wait3A_65, %dma_wait3A_66] : memref<1000000x128xf32, #tpu.memory_space<hbm>> -> memref<1000000x128xf32, #tpu.memory_space<hbm>>
      tpu.wait_indirect_dma semaphore(%arg12 : memref<!tpu.dma_semaphore, #tpu.memory_space<semaphore_mem>>) src(%dma_wait3A_67 : memref<1000000x128xf32, #tpu.memory_space<hbm>>) dst(%arg7 : memref<128x128xf32, #tpu.memory_space<vmem>>)
      %ge3A = arith.constant 2 : i32
      %ge3A_68 = arith.cmpi sge, %add3A_57, %ge3A : i32
      %convert_element_type3A_69 = arith.extui %ge3A_68 : i1 to i32
      %cond3A_70 = arith.constant 0 : i32
      %cond3A_71 = arith.cmpi ne, %convert_element_type3A_69, %cond3A_70 : i32
      scf.if %cond3A_71 {
        %dma_wait3A_2333 = arith.constant 0 : i32
        %dma_wait3A_2334 = tpu.memref_slice %arg10[%dma_wait3A_2333] : memref<8704xf32, #tpu.memory_space<vmem>> -> memref<8192xf32, #tpu.memory_space<vmem>>
        %dma_wait3A_2335 = arith.constant 0 : i32
        %dma_wait3A_2336 = tpu.memref_slice %arg3[%dma_wait3A_2335] : memref<12800xf32, #tpu.memory_space<hbm>> -> memref<8192xf32, #tpu.memory_space<hbm>>
        %dma_wait3A_2337 = arith.constant 0 : i32
        %dma_wait3A_2338 = tpu.memref_slice %arg10[%dma_wait3A_2337] : memref<8704xf32, #tpu.memory_space<vmem>> -> memref<8192xf32, #tpu.memory_space<vmem>>
        %dma_wait3A_2339 = arith.constant 0 : i32
        %dma_wait3A_2340 = tpu.memref_slice %arg3[%dma_wait3A_2339] : memref<12800xf32, #tpu.memory_space<hbm>> -> memref<8192xf32, #tpu.memory_space<hbm>>
        tpu.wait_dma2 semaphore(%arg14 : memref<!tpu.dma_semaphore, #tpu.memory_space<semaphore_mem>>) src(%dma_wait3A_2340 : memref<8192xf32, #tpu.memory_space<hbm>>) dst(%dma_wait3A_2338 : memref<8192xf32, #tpu.memory_space<vmem>>)
      } else {
      }
      %add3A_72 = arith.addi %mul3A_2, %add3A_57 : i32
      %shift_right_logical3A = arith.constant 5 : i32
      %shift_right_logical3A_73 = arith.shrui %add3A_72, %shift_right_logical3A : i32
      %mul3A_74 = arith.constant 64 : i32
      %mul3A_75 = arith.muli %shift_right_logical3A_73, %mul3A_74 : i32
      %add3A_76 = arith.constant 0 : i32
      %add3A_77 = arith.addi %mul3A_75, %add3A_76 : i32
      %get3A = arith.index_cast %add3A_77 : i32 to index
      %get3A_78 = tpu.vector_load %arg9[%get3A] {strides = array<i32>} : memref<12800xf32, #tpu.memory_space<vmem>>, vector<16xf32>,
      %mul3A_79 = arith.constant 64 : i32
      %mul3A_80 = arith.muli %shift_right_logical3A_73, %mul3A_79 : i32
      %add3A_81 = arith.constant 16 : i32
      %add3A_82 = arith.addi %mul3A_80, %add3A_81 : i32
      %get3A_83 = arith.index_cast %add3A_82 : i32 to index
      %get3A_84 = tpu.vector_load %arg9[%get3A_83] {strides = array<i32>} : memref<12800xf32, #tpu.memory_space<vmem>>, vector<16xf32>,
      %mul3A_85 = arith.constant 64 : i32
      %mul3A_86 = arith.muli %shift_right_logical3A_73, %mul3A_85 : i32
      %add3A_87 = arith.constant 32 : i32
      %add3A_88 = arith.addi %mul3A_86, %add3A_87 : i32
      %get3A_89 = arith.index_cast %add3A_88 : i32 to index
      %get3A_90 = tpu.vector_load %arg9[%get3A_89] {strides = array<i32>} : memref<12800xf32, #tpu.memory_space<vmem>>, vector<16xf32>,
      %mul3A_91 = arith.constant 64 : i32
      %mul3A_92 = arith.muli %shift_right_logical3A_73, %mul3A_91 : i32
      %add3A_93 = arith.constant 48 : i32
      %add3A_94 = arith.addi %mul3A_92, %add3A_93 : i32
      %get3A_95 = arith.index_cast %add3A_94 : i32 to index
      %get3A_96 = tpu.vector_load %arg9[%get3A_95] {strides = array<i32>} : memref<12800xf32, #tpu.memory_space<vmem>>, vector<16xf32>,
      %scan3A_97 = arith.constant 0 : i32
      %scan3A_98 = arith.constant 0 : i32
      %scan3A_99 = arith.constant 128 : i32
      %scan3A_100 = arith.addi %scan3A_98, %scan3A_99 : i32
      %scan3A_101 = arith.constant 8 : i32
      scf.for %scan3A_2333 = %scan3A_98 to %scan3A_100 step %scan3A_101  : i32 {
        %broadcast_in_dim3A = arith.constant 0 : i32
        %broadcast_in_dim3A_2334 = vector.broadcast %broadcast_in_dim3A : i32 to vector<16xi32>
        %add3A_2335 = vector.broadcast %scan3A_2333 : i32 to vector<16xi32>
        %add3A_2336 = arith.addi %broadcast_in_dim3A_2334, %add3A_2335 : vector<16xi32>
        %get3A_2337 = arith.index_cast %scan3A_2333 : i32 to index
        %get3A_2338 = arith.constant 0 : index
        %get3A_2339 = tpu.vector_load %arg7[%get3A_2337, %get3A_2338] {strides = array<i32>} : memref<128x128xf32, #tpu.memory_space<vmem>>, vector<16xf32>,
        %add3A_2340 = arith.addi %mul3A_8, %add3A_2336 : vector<16xi32>
        %mul3A_2341 = arith.constant 8.000000e+00 : f32
        %mul3A_2342 = vector.broadcast %mul3A_2341 : f32 to vector<16xf32>
        %mul3A_2343 = arith.mulf %get3A_2339, %mul3A_2342 : vector<16xf32>
        %add3A_2344 = arith.addf %mul3A_2343, %get3A_78 : vector<16xf32>
        tpu.vector_store_idx %arg10[%add3A_2340], %add3A_2344 : memref<8704xf32, #tpu.memory_space<vmem>>[vector<16xi32>], vector<16xf32>,
        %get3A_2345 = arith.index_cast %scan3A_2333 : i32 to index
        %get3A_2346 = arith.constant 16 : index
        %get3A_2347 = tpu.vector_load %arg7[%get3A_2345, %get3A_2346] {strides = array<i32>} : memref<128x128xf32, #tpu.memory_space<vmem>>, vector<16xf32>,
        %add3A_2348 = arith.addi %mul3A_14, %add3A_2336 : vector<16xi32>
        %mul3A_2349 = arith.constant 8.000000e+00 : f32
        %mul3A_2350 = vector.broadcast %mul3A_2349 : f32 to vector<16xf32>
        %mul3A_2351 = arith.mulf %get3A_2347, %mul3A_2350 : vector<16xf32>
        %add3A_2352 = arith.addf %mul3A_2351, %get3A_84 : vector<16xf32>
        tpu.vector_store_idx %arg10[%add3A_2348], %add3A_2352 : memref<8704xf32, #tpu.memory_space<vmem>>[vector<16xi32>], vector<16xf32>,
        %get3A_2353 = arith.index_cast %scan3A_2333 : i32 to index
        %get3A_2354 = arith.constant 32 : index
        %get3A_2355 = tpu.vector_load %arg7[%get3A_2353, %get3A_2354] {strides = array<i32>} : memref<128x128xf32, #tpu.memory_space<vmem>>, vector<16xf32>,
        %add3A_2356 = arith.addi %mul3A_20, %add3A_2336 : vector<16xi32>
        %mul3A_2357 = arith.constant 8.000000e+00 : f32
        %mul3A_2358 = vector.broadcast %mul3A_2357 : f32 to vector<16xf32>
        %mul3A_2359 = arith.mulf %get3A_2355, %mul3A_2358 : vector<16xf32>
        %add3A_2360 = arith.addf %mul3A_2359, %get3A_90 : vector<16xf32>
        tpu.vector_store_idx %arg10[%add3A_2356], %add3A_2360 : memref<8704xf32, #tpu.memory_space<vmem>>[vector<16xi32>], vector<16xf32>,
        %get3A_2361 = arith.index_cast %scan3A_2333 : i32 to index
        %get3A_2362 = arith.constant 48 : index
        %get3A_2363 = tpu.vector_load %arg7[%get3A_2361, %get3A_2362] {strides = array<i32>} : memref<128x128xf32, #tpu.memory_space<vmem>>, vector<16xf32>,
        %add3A_2364 = arith.addi %mul3A_26, %add3A_2336 : vector<16xi32>
        %mul3A_2365 = arith.constant 8.000000e+00 : f32
        %mul3A_2366 = vector.broadcast %mul3A_2365 : f32 to vector<16xf32>
        %mul3A_2367 = arith.mulf %get3A_2363, %mul3A_2366 : vector<16xf32>
        %add3A_2368 = arith.addf %mul3A_2367, %get3A_96 : vector<16xf32>
        tpu.vector_store_idx %arg10[%add3A_2364], %add3A_2368 : memref<8704xf32, #tpu.memory_space<vmem>>[vector<16xi32>], vector<16xf32>,
        %scan3A_2369 = arith.constant 1 : i32
        %scan3A_2370 = arith.addi %scan3A_2333, %scan3A_2369 : i32
        %broadcast_in_dim3A_2371 = arith.constant 0 : i32
        %broadcast_in_dim3A_2372 = vector.broadcast %broadcast_in_dim3A_2371 : i32 to vector<16xi32>
        %add3A_2373 = vector.broadcast %scan3A_2370 : i32 to vector<16xi32>
        %add3A_2374 = arith.addi %broadcast_in_dim3A_2372, %add3A_2373 : vector<16xi32>
        %get3A_2375 = arith.index_cast %scan3A_2370 : i32 to index
        %get3A_2376 = arith.constant 0 : index
        %get3A_2377 = tpu.vector_load %arg7[%get3A_2375, %get3A_2376] {strides = array<i32>} : memref<128x128xf32, #tpu.memory_space<vmem>>, vector<16xf32>,
        %add3A_2378 = arith.addi %mul3A_8, %add3A_2374 : vector<16xi32>
        %mul3A_2379 = arith.constant 8.000000e+00 : f32
        %mul3A_2380 = vector.broadcast %mul3A_2379 : f32 to vector<16xf32>
        %mul3A_2381 = arith.mulf %get3A_2377, %mul3A_2380 : vector<16xf32>
        %add3A_2382 = arith.addf %mul3A_2381, %get3A_78 : vector<16xf32>
        tpu.vector_store_idx %arg10[%add3A_2378], %add3A_2382 : memref<8704xf32, #tpu.memory_space<vmem>>[vector<16xi32>], vector<16xf32>,
        %get3A_2383 = arith.index_cast %scan3A_2370 : i32 to index
        %get3A_2384 = arith.constant 16 : index
        %get3A_2385 = tpu.vector_load %arg7[%get3A_2383, %get3A_2384] {strides = array<i32>} : memref<128x128xf32, #tpu.memory_space<vmem>>, vector<16xf32>,
        %add3A_2386 = arith.addi %mul3A_14, %add3A_2374 : vector<16xi32>
        %mul3A_2387 = arith.constant 8.000000e+00 : f32
        %mul3A_2388 = vector.broadcast %mul3A_2387 : f32 to vector<16xf32>
        %mul3A_2389 = arith.mulf %get3A_2385, %mul3A_2388 : vector<16xf32>
        %add3A_2390 = arith.addf %mul3A_2389, %get3A_84 : vector<16xf32>
        tpu.vector_store_idx %arg10[%add3A_2386], %add3A_2390 : memref<8704xf32, #tpu.memory_space<vmem>>[vector<16xi32>], vector<16xf32>,
        %get3A_2391 = arith.index_cast %scan3A_2370 : i32 to index
        %get3A_2392 = arith.constant 32 : index
        %get3A_2393 = tpu.vector_load %arg7[%get3A_2391, %get3A_2392] {strides = array<i32>} : memref<128x128xf32, #tpu.memory_space<vmem>>, vector<16xf32>,
        %add3A_2394 = arith.addi %mul3A_20, %add3A_2374 : vector<16xi32>
        %mul3A_2395 = arith.constant 8.000000e+00 : f32
        %mul3A_2396 = vector.broadcast %mul3A_2395 : f32 to vector<16xf32>
        %mul3A_2397 = arith.mulf %get3A_2393, %mul3A_2396 : vector<16xf32>
        %add3A_2398 = arith.addf %mul3A_2397, %get3A_90 : vector<16xf32>
        tpu.vector_store_idx %arg10[%add3A_2394], %add3A_2398 : memref<8704xf32, #tpu.memory_space<vmem>>[vector<16xi32>], vector<16xf32>,
        %get3A_2399 = arith.index_cast %scan3A_2370 : i32 to index
        %get3A_2400 = arith.constant 48 : index
        %get3A_2401 = tpu.vector_load %arg7[%get3A_2399, %get3A_2400] {strides = array<i32>} : memref<128x128xf32, #tpu.memory_space<vmem>>, vector<16xf32>,
        %add3A_2402 = arith.addi %mul3A_26, %add3A_2374 : vector<16xi32>
        %mul3A_2403 = arith.constant 8.000000e+00 : f32
        %mul3A_2404 = vector.broadcast %mul3A_2403 : f32 to vector<16xf32>
        %mul3A_2405 = arith.mulf %get3A_2401, %mul3A_2404 : vector<16xf32>
        %add3A_2406 = arith.addf %mul3A_2405, %get3A_96 : vector<16xf32>
        tpu.vector_store_idx %arg10[%add3A_2402], %add3A_2406 : memref<8704xf32, #tpu.memory_space<vmem>>[vector<16xi32>], vector<16xf32>,
        %scan3A_2407 = arith.constant 2 : i32
        %scan3A_2408 = arith.addi %scan3A_2333, %scan3A_2407 : i32
        %broadcast_in_dim3A_2409 = arith.constant 0 : i32
        %broadcast_in_dim3A_2410 = vector.broadcast %broadcast_in_dim3A_2409 : i32 to vector<16xi32>
        %add3A_2411 = vector.broadcast %scan3A_2408 : i32 to vector<16xi32>
        %add3A_2412 = arith.addi %broadcast_in_dim3A_2410, %add3A_2411 : vector<16xi32>
        %get3A_2413 = arith.index_cast %scan3A_2408 : i32 to index
        %get3A_2414 = arith.constant 0 : index
        %get3A_2415 = tpu.vector_load %arg7[%get3A_2413, %get3A_2414] {strides = array<i32>} : memref<128x128xf32, #tpu.memory_space<vmem>>, vector<16xf32>,
        %add3A_2416 = arith.addi %mul3A_8, %add3A_2412 : vector<16xi32>
        %mul3A_2417 = arith.constant 8.000000e+00 : f32
        %mul3A_2418 = vector.broadcast %mul3A_2417 : f32 to vector<16xf32>
        %mul3A_2419 = arith.mulf %get3A_2415, %mul3A_2418 : vector<16xf32>
        %add3A_2420 = arith.addf %mul3A_2419, %get3A_78 : vector<16xf32>
        tpu.vector_store_idx %arg10[%add3A_2416], %add3A_2420 : memref<8704xf32, #tpu.memory_space<vmem>>[vector<16xi32>], vector<16xf32>,
        %get3A_2421 = arith.index_cast %scan3A_2408 : i32 to index
        %get3A_2422 = arith.constant 16 : index
        %get3A_2423 = tpu.vector_load %arg7[%get3A_2421, %get3A_2422] {strides = array<i32>} : memref<128x128xf32, #tpu.memory_space<vmem>>, vector<16xf32>,
        %add3A_2424 = arith.addi %mul3A_14, %add3A_2412 : vector<16xi32>
        %mul3A_2425 = arith.constant 8.000000e+00 : f32
        %mul3A_2426 = vector.broadcast %mul3A_2425 : f32 to vector<16xf32>
        %mul3A_2427 = arith.mulf %get3A_2423, %mul3A_2426 : vector<16xf32>
        %add3A_2428 = arith.addf %mul3A_2427, %get3A_84 : vector<16xf32>
        tpu.vector_store_idx %arg10[%add3A_2424], %add3A_2428 : memref<8704xf32, #tpu.memory_space<vmem>>[vector<16xi32>], vector<16xf32>,
        %get3A_2429 = arith.index_cast %scan3A_2408 : i32 to index
        %get3A_2430 = arith.constant 32 : index
        %get3A_2431 = tpu.vector_load %arg7[%get3A_2429, %get3A_2430] {strides = array<i32>} : memref<128x128xf32, #tpu.memory_space<vmem>>, vector<16xf32>,
        %add3A_2432 = arith.addi %mul3A_20, %add3A_2412 : vector<16xi32>
        %mul3A_2433 = arith.constant 8.000000e+00 : f32
        %mul3A_2434 = vector.broadcast %mul3A_2433 : f32 to vector<16xf32>
        %mul3A_2435 = arith.mulf %get3A_2431, %mul3A_2434 : vector<16xf32>
        %add3A_2436 = arith.addf %mul3A_2435, %get3A_90 : vector<16xf32>
        tpu.vector_store_idx %arg10[%add3A_2432], %add3A_2436 : memref<8704xf32, #tpu.memory_space<vmem>>[vector<16xi32>], vector<16xf32>,
        %get3A_2437 = arith.index_cast %scan3A_2408 : i32 to index
        %get3A_2438 = arith.constant 48 : index
        %get3A_2439 = tpu.vector_load %arg7[%get3A_2437, %get3A_2438] {strides = array<i32>} : memref<128x128xf32, #tpu.memory_space<vmem>>, vector<16xf32>,
        %add3A_2440 = arith.addi %mul3A_26, %add3A_2412 : vector<16xi32>
        %mul3A_2441 = arith.constant 8.000000e+00 : f32
        %mul3A_2442 = vector.broadcast %mul3A_2441 : f32 to vector<16xf32>
        %mul3A_2443 = arith.mulf %get3A_2439, %mul3A_2442 : vector<16xf32>
        %add3A_2444 = arith.addf %mul3A_2443, %get3A_96 : vector<16xf32>
        tpu.vector_store_idx %arg10[%add3A_2440], %add3A_2444 : memref<8704xf32, #tpu.memory_space<vmem>>[vector<16xi32>], vector<16xf32>,
        %scan3A_2445 = arith.constant 3 : i32
        %scan3A_2446 = arith.addi %scan3A_2333, %scan3A_2445 : i32
        %broadcast_in_dim3A_2447 = arith.constant 0 : i32
        %broadcast_in_dim3A_2448 = vector.broadcast %broadcast_in_dim3A_2447 : i32 to vector<16xi32>
        %add3A_2449 = vector.broadcast %scan3A_2446 : i32 to vector<16xi32>
        %add3A_2450 = arith.addi %broadcast_in_dim3A_2448, %add3A_2449 : vector<16xi32>
        %get3A_2451 = arith.index_cast %scan3A_2446 : i32 to index
        %get3A_2452 = arith.constant 0 : index
        %get3A_2453 = tpu.vector_load %arg7[%get3A_2451, %get3A_2452] {strides = array<i32>} : memref<128x128xf32, #tpu.memory_space<vmem>>, vector<16xf32>,
        %add3A_2454 = arith.addi %mul3A_8, %add3A_2450 : vector<16xi32>
        %mul3A_2455 = arith.constant 8.000000e+00 : f32
        %mul3A_2456 = vector.broadcast %mul3A_2455 : f32 to vector<16xf32>
        %mul3A_2457 = arith.mulf %get3A_2453, %mul3A_2456 : vector<16xf32>
        %add3A_2458 = arith.addf %mul3A_2457, %get3A_78 : vector<16xf32>
        tpu.vector_store_idx %arg10[%add3A_2454], %add3A_2458 : memref<8704xf32, #tpu.memory_space<vmem>>[vector<16xi32>], vector<16xf32>,
        %get3A_2459 = arith.index_cast %scan3A_2446 : i32 to index
        %get3A_2460 = arith.constant 16 : index
        %get3A_2461 = tpu.vector_load %arg7[%get3A_2459, %get3A_2460] {strides = array<i32>} : memref<128x128xf32, #tpu.memory_space<vmem>>, vector<16xf32>,
        %add3A_2462 = arith.addi %mul3A_14, %add3A_2450 : vector<16xi32>
        %mul3A_2463 = arith.constant 8.000000e+00 : f32
        %mul3A_2464 = vector.broadcast %mul3A_2463 : f32 to vector<16xf32>
        %mul3A_2465 = arith.mulf %get3A_2461, %mul3A_2464 : vector<16xf32>
        %add3A_2466 = arith.addf %mul3A_2465, %get3A_84 : vector<16xf32>
        tpu.vector_store_idx %arg10[%add3A_2462], %add3A_2466 : memref<8704xf32, #tpu.memory_space<vmem>>[vector<16xi32>], vector<16xf32>,
        %get3A_2467 = arith.index_cast %scan3A_2446 : i32 to index
        %get3A_2468 = arith.constant 32 : index
        %get3A_2469 = tpu.vector_load %arg7[%get3A_2467, %get3A_2468] {strides = array<i32>} : memref<128x128xf32, #tpu.memory_space<vmem>>, vector<16xf32>,
        %add3A_2470 = arith.addi %mul3A_20, %add3A_2450 : vector<16xi32>
        %mul3A_2471 = arith.constant 8.000000e+00 : f32
        %mul3A_2472 = vector.broadcast %mul3A_2471 : f32 to vector<16xf32>
        %mul3A_2473 = arith.mulf %get3A_2469, %mul3A_2472 : vector<16xf32>
        %add3A_2474 = arith.addf %mul3A_2473, %get3A_90 : vector<16xf32>
        tpu.vector_store_idx %arg10[%add3A_2470], %add3A_2474 : memref<8704xf32, #tpu.memory_space<vmem>>[vector<16xi32>], vector<16xf32>,
        %get3A_2475 = arith.index_cast %scan3A_2446 : i32 to index
        %get3A_2476 = arith.constant 48 : index
        %get3A_2477 = tpu.vector_load %arg7[%get3A_2475, %get3A_2476] {strides = array<i32>} : memref<128x128xf32, #tpu.memory_space<vmem>>, vector<16xf32>,
        %add3A_2478 = arith.addi %mul3A_26, %add3A_2450 : vector<16xi32>
        %mul3A_2479 = arith.constant 8.000000e+00 : f32
        %mul3A_2480 = vector.broadcast %mul3A_2479 : f32 to vector<16xf32>
        %mul3A_2481 = arith.mulf %get3A_2477, %mul3A_2480 : vector<16xf32>
        %add3A_2482 = arith.addf %mul3A_2481, %get3A_96 : vector<16xf32>
        tpu.vector_store_idx %arg10[%add3A_2478], %add3A_2482 : memref<8704xf32, #tpu.memory_space<vmem>>[vector<16xi32>], vector<16xf32>,
        %scan3A_2483 = arith.constant 4 : i32
        %scan3A_2484 = arith.addi %scan3A_2333, %scan3A_2483 : i32
        %broadcast_in_dim3A_2485 = arith.constant 0 : i32
        %broadcast_in_dim3A_2486 = vector.broadcast %broadcast_in_dim3A_2485 : i32 to vector<16xi32>
        %add3A_2487 = vector.broadcast %scan3A_2484 : i32 to vector<16xi32>
        %add3A_2488 = arith.addi %broadcast_in_dim3A_2486, %add3A_2487 : vector<16xi32>
        %get3A_2489 = arith.index_cast %scan3A_2484 : i32 to index
        %get3A_2490 = arith.constant 0 : index
        %get3A_2491 = tpu.vector_load %arg7[%get3A_2489, %get3A_2490] {strides = array<i32>} : memref<128x128xf32, #tpu.memory_space<vmem>>, vector<16xf32>,
        %add3A_2492 = arith.addi %mul3A_8, %add3A_2488 : vector<16xi32>
        %mul3A_2493 = arith.constant 8.000000e+00 : f32
        %mul3A_2494 = vector.broadcast %mul3A_2493 : f32 to vector<16xf32>
        %mul3A_2495 = arith.mulf %get3A_2491, %mul3A_2494 : vector<16xf32>
        %add3A_2496 = arith.addf %mul3A_2495, %get3A_78 : vector<16xf32>
        tpu.vector_store_idx %arg10[%add3A_2492], %add3A_2496 : memref<8704xf32, #tpu.memory_space<vmem>>[vector<16xi32>], vector<16xf32>,
        %get3A_2497 = arith.index_cast %scan3A_2484 : i32 to index
        %get3A_2498 = arith.constant 16 : index
        %get3A_2499 = tpu.vector_load %arg7[%get3A_2497, %get3A_2498] {strides = array<i32>} : memref<128x128xf32, #tpu.memory_space<vmem>>, vector<16xf32>,
        %add3A_2500 = arith.addi %mul3A_14, %add3A_2488 : vector<16xi32>
        %mul3A_2501 = arith.constant 8.000000e+00 : f32
        %mul3A_2502 = vector.broadcast %mul3A_2501 : f32 to vector<16xf32>
        %mul3A_2503 = arith.mulf %get3A_2499, %mul3A_2502 : vector<16xf32>
        %add3A_2504 = arith.addf %mul3A_2503, %get3A_84 : vector<16xf32>
        tpu.vector_store_idx %arg10[%add3A_2500], %add3A_2504 : memref<8704xf32, #tpu.memory_space<vmem>>[vector<16xi32>], vector<16xf32>,
        %get3A_2505 = arith.index_cast %scan3A_2484 : i32 to index
        %get3A_2506 = arith.constant 32 : index
        %get3A_2507 = tpu.vector_load %arg7[%get3A_2505, %get3A_2506] {strides = array<i32>} : memref<128x128xf32, #tpu.memory_space<vmem>>, vector<16xf32>,
        %add3A_2508 = arith.addi %mul3A_20, %add3A_2488 : vector<16xi32>
        %mul3A_2509 = arith.constant 8.000000e+00 : f32
        %mul3A_2510 = vector.broadcast %mul3A_2509 : f32 to vector<16xf32>
        %mul3A_2511 = arith.mulf %get3A_2507, %mul3A_2510 : vector<16xf32>
        %add3A_2512 = arith.addf %mul3A_2511, %get3A_90 : vector<16xf32>
        tpu.vector_store_idx %arg10[%add3A_2508], %add3A_2512 : memref<8704xf32, #tpu.memory_space<vmem>>[vector<16xi32>], vector<16xf32>,
        %get3A_2513 = arith.index_cast %scan3A_2484 : i32 to index
        %get3A_2514 = arith.constant 48 : index
        %get3A_2515 = tpu.vector_load %arg7[%get3A_2513, %get3A_2514] {strides = array<i32>} : memref<128x128xf32, #tpu.memory_space<vmem>>, vector<16xf32>,
        %add3A_2516 = arith.addi %mul3A_26, %add3A_2488 : vector<16xi32>
        %mul3A_2517 = arith.constant 8.000000e+00 : f32
        %mul3A_2518 = vector.broadcast %mul3A_2517 : f32 to vector<16xf32>
        %mul3A_2519 = arith.mulf %get3A_2515, %mul3A_2518 : vector<16xf32>
        %add3A_2520 = arith.addf %mul3A_2519, %get3A_96 : vector<16xf32>
        tpu.vector_store_idx %arg10[%add3A_2516], %add3A_2520 : memref<8704xf32, #tpu.memory_space<vmem>>[vector<16xi32>], vector<16xf32>,
        %scan3A_2521 = arith.constant 5 : i32
        %scan3A_2522 = arith.addi %scan3A_2333, %scan3A_2521 : i32
        %broadcast_in_dim3A_2523 = arith.constant 0 : i32
        %broadcast_in_dim3A_2524 = vector.broadcast %broadcast_in_dim3A_2523 : i32 to vector<16xi32>
        %add3A_2525 = vector.broadcast %scan3A_2522 : i32 to vector<16xi32>
        %add3A_2526 = arith.addi %broadcast_in_dim3A_2524, %add3A_2525 : vector<16xi32>
        %get3A_2527 = arith.index_cast %scan3A_2522 : i32 to index
        %get3A_2528 = arith.constant 0 : index
        %get3A_2529 = tpu.vector_load %arg7[%get3A_2527, %get3A_2528] {strides = array<i32>} : memref<128x128xf32, #tpu.memory_space<vmem>>, vector<16xf32>,
        %add3A_2530 = arith.addi %mul3A_8, %add3A_2526 : vector<16xi32>
        %mul3A_2531 = arith.constant 8.000000e+00 : f32
        %mul3A_2532 = vector.broadcast %mul3A_2531 : f32 to vector<16xf32>
        %mul3A_2533 = arith.mulf %get3A_2529, %mul3A_2532 : vector<16xf32>
        %add3A_2534 = arith.addf %mul3A_2533, %get3A_78 : vector<16xf32>
        tpu.vector_store_idx %arg10[%add3A_2530], %add3A_2534 : memref<8704xf32, #tpu.memory_space<vmem>>[vector<16xi32>], vector<16xf32>,
        %get3A_2535 = arith.index_cast %scan3A_2522 : i32 to index
        %get3A_2536 = arith.constant 16 : index
        %get3A_2537 = tpu.vector_load %arg7[%get3A_2535, %get3A_2536] {strides = array<i32>} : memref<128x128xf32, #tpu.memory_space<vmem>>, vector<16xf32>,
        %add3A_2538 = arith.addi %mul3A_14, %add3A_2526 : vector<16xi32>
        %mul3A_2539 = arith.constant 8.000000e+00 : f32
        %mul3A_2540 = vector.broadcast %mul3A_2539 : f32 to vector<16xf32>
        %mul3A_2541 = arith.mulf %get3A_2537, %mul3A_2540 : vector<16xf32>
        %add3A_2542 = arith.addf %mul3A_2541, %get3A_84 : vector<16xf32>
        tpu.vector_store_idx %arg10[%add3A_2538], %add3A_2542 : memref<8704xf32, #tpu.memory_space<vmem>>[vector<16xi32>], vector<16xf32>,
        %get3A_2543 = arith.index_cast %scan3A_2522 : i32 to index
        %get3A_2544 = arith.constant 32 : index
        %get3A_2545 = tpu.vector_load %arg7[%get3A_2543, %get3A_2544] {strides = array<i32>} : memref<128x128xf32, #tpu.memory_space<vmem>>, vector<16xf32>,
        %add3A_2546 = arith.addi %mul3A_20, %add3A_2526 : vector<16xi32>
        %mul3A_2547 = arith.constant 8.000000e+00 : f32
        %mul3A_2548 = vector.broadcast %mul3A_2547 : f32 to vector<16xf32>
        %mul3A_2549 = arith.mulf %get3A_2545, %mul3A_2548 : vector<16xf32>
        %add3A_2550 = arith.addf %mul3A_2549, %get3A_90 : vector<16xf32>
        tpu.vector_store_idx %arg10[%add3A_2546], %add3A_2550 : memref<8704xf32, #tpu.memory_space<vmem>>[vector<16xi32>], vector<16xf32>,
        %get3A_2551 = arith.index_cast %scan3A_2522 : i32 to index
        %get3A_2552 = arith.constant 48 : index
        %get3A_2553 = tpu.vector_load %arg7[%get3A_2551, %get3A_2552] {strides = array<i32>} : memref<128x128xf32, #tpu.memory_space<vmem>>, vector<16xf32>,
        %add3A_2554 = arith.addi %mul3A_26, %add3A_2526 : vector<16xi32>
        %mul3A_2555 = arith.constant 8.000000e+00 : f32
        %mul3A_2556 = vector.broadcast %mul3A_2555 : f32 to vector<16xf32>
        %mul3A_2557 = arith.mulf %get3A_2553, %mul3A_2556 : vector<16xf32>
        %add3A_2558 = arith.addf %mul3A_2557, %get3A_96 : vector<16xf32>
        tpu.vector_store_idx %arg10[%add3A_2554], %add3A_2558 : memref<8704xf32, #tpu.memory_space<vmem>>[vector<16xi32>], vector<16xf32>,
        %scan3A_2559 = arith.constant 6 : i32
        %scan3A_2560 = arith.addi %scan3A_2333, %scan3A_2559 : i32
        %broadcast_in_dim3A_2561 = arith.constant 0 : i32
        %broadcast_in_dim3A_2562 = vector.broadcast %broadcast_in_dim3A_2561 : i32 to vector<16xi32>
        %add3A_2563 = vector.broadcast %scan3A_2560 : i32 to vector<16xi32>
        %add3A_2564 = arith.addi %broadcast_in_dim3A_2562, %add3A_2563 : vector<16xi32>
        %get3A_2565 = arith.index_cast %scan3A_2560 : i32 to index
        %get3A_2566 = arith.constant 0 : index
        %get3A_2567 = tpu.vector_load %arg7[%get3A_2565, %get3A_2566] {strides = array<i32>} : memref<128x128xf32, #tpu.memory_space<vmem>>, vector<16xf32>,
        %add3A_2568 = arith.addi %mul3A_8, %add3A_2564 : vector<16xi32>
        %mul3A_2569 = arith.constant 8.000000e+00 : f32
        %mul3A_2570 = vector.broadcast %mul3A_2569 : f32 to vector<16xf32>
        %mul3A_2571 = arith.mulf %get3A_2567, %mul3A_2570 : vector<16xf32>
        %add3A_2572 = arith.addf %mul3A_2571, %get3A_78 : vector<16xf32>
        tpu.vector_store_idx %arg10[%add3A_2568], %add3A_2572 : memref<8704xf32, #tpu.memory_space<vmem>>[vector<16xi32>], vector<16xf32>,
        %get3A_2573 = arith.index_cast %scan3A_2560 : i32 to index
        %get3A_2574 = arith.constant 16 : index
        %get3A_2575 = tpu.vector_load %arg7[%get3A_2573, %get3A_2574] {strides = array<i32>} : memref<128x128xf32, #tpu.memory_space<vmem>>, vector<16xf32>,
        %add3A_2576 = arith.addi %mul3A_14, %add3A_2564 : vector<16xi32>
        %mul3A_2577 = arith.constant 8.000000e+00 : f32
        %mul3A_2578 = vector.broadcast %mul3A_2577 : f32 to vector<16xf32>
        %mul3A_2579 = arith.mulf %get3A_2575, %mul3A_2578 : vector<16xf32>
        %add3A_2580 = arith.addf %mul3A_2579, %get3A_84 : vector<16xf32>
        tpu.vector_store_idx %arg10[%add3A_2576], %add3A_2580 : memref<8704xf32, #tpu.memory_space<vmem>>[vector<16xi32>], vector<16xf32>,
        %get3A_2581 = arith.index_cast %scan3A_2560 : i32 to index
        %get3A_2582 = arith.constant 32 : index
        %get3A_2583 = tpu.vector_load %arg7[%get3A_2581, %get3A_2582] {strides = array<i32>} : memref<128x128xf32, #tpu.memory_space<vmem>>, vector<16xf32>,
        %add3A_2584 = arith.addi %mul3A_20, %add3A_2564 : vector<16xi32>
        %mul3A_2585 = arith.constant 8.000000e+00 : f32
        %mul3A_2586 = vector.broadcast %mul3A_2585 : f32 to vector<16xf32>
        %mul3A_2587 = arith.mulf %get3A_2583, %mul3A_2586 : vector<16xf32>
        %add3A_2588 = arith.addf %mul3A_2587, %get3A_90 : vector<16xf32>
        tpu.vector_store_idx %arg10[%add3A_2584], %add3A_2588 : memref<8704xf32, #tpu.memory_space<vmem>>[vector<16xi32>], vector<16xf32>,
        %get3A_2589 = arith.index_cast %scan3A_2560 : i32 to index
        %get3A_2590 = arith.constant 48 : index
        %get3A_2591 = tpu.vector_load %arg7[%get3A_2589, %get3A_2590] {strides = array<i32>} : memref<128x128xf32, #tpu.memory_space<vmem>>, vector<16xf32>,
        %add3A_2592 = arith.addi %mul3A_26, %add3A_2564 : vector<16xi32>
        %mul3A_2593 = arith.constant 8.000000e+00 : f32
        %mul3A_2594 = vector.broadcast %mul3A_2593 : f32 to vector<16xf32>
        %mul3A_2595 = arith.mulf %get3A_2591, %mul3A_2594 : vector<16xf32>
        %add3A_2596 = arith.addf %mul3A_2595, %get3A_96 : vector<16xf32>
        tpu.vector_store_idx %arg10[%add3A_2592], %add3A_2596 : memref<8704xf32, #tpu.memory_space<vmem>>[vector<16xi32>], vector<16xf32>,
        %scan3A_2597 = arith.constant 7 : i32
        %scan3A_2598 = arith.addi %scan3A_2333, %scan3A_2597 : i32
        %broadcast_in_dim3A_2599 = arith.constant 0 : i32
        %broadcast_in_dim3A_2600 = vector.broadcast %broadcast_in_dim3A_2599 : i32 to vector<16xi32>
        %add3A_2601 = vector.broadcast %scan3A_2598 : i32 to vector<16xi32>
        %add3A_2602 = arith.addi %broadcast_in_dim3A_2600, %add3A_2601 : vector<16xi32>
        %get3A_2603 = arith.index_cast %scan3A_2598 : i32 to index
        %get3A_2604 = arith.constant 0 : index
        %get3A_2605 = tpu.vector_load %arg7[%get3A_2603, %get3A_2604] {strides = array<i32>} : memref<128x128xf32, #tpu.memory_space<vmem>>, vector<16xf32>,
        %add3A_2606 = arith.addi %mul3A_8, %add3A_2602 : vector<16xi32>
        %mul3A_2607 = arith.constant 8.000000e+00 : f32
        %mul3A_2608 = vector.broadcast %mul3A_2607 : f32 to vector<16xf32>
        %mul3A_2609 = arith.mulf %get3A_2605, %mul3A_2608 : vector<16xf32>
        %add3A_2610 = arith.addf %mul3A_2609, %get3A_78 : vector<16xf32>
        tpu.vector_store_idx %arg10[%add3A_2606], %add3A_2610 : memref<8704xf32, #tpu.memory_space<vmem>>[vector<16xi32>], vector<16xf32>,
        %get3A_2611 = arith.index_cast %scan3A_2598 : i32 to index
        %get3A_2612 = arith.constant 16 : index
        %get3A_2613 = tpu.vector_load %arg7[%get3A_2611, %get3A_2612] {strides = array<i32>} : memref<128x128xf32, #tpu.memory_space<vmem>>, vector<16xf32>,
        %add3A_2614 = arith.addi %mul3A_14, %add3A_2602 : vector<16xi32>
        %mul3A_2615 = arith.constant 8.000000e+00 : f32
        %mul3A_2616 = vector.broadcast %mul3A_2615 : f32 to vector<16xf32>
        %mul3A_2617 = arith.mulf %get3A_2613, %mul3A_2616 : vector<16xf32>
        %add3A_2618 = arith.addf %mul3A_2617, %get3A_84 : vector<16xf32>
        tpu.vector_store_idx %arg10[%add3A_2614], %add3A_2618 : memref<8704xf32, #tpu.memory_space<vmem>>[vector<16xi32>], vector<16xf32>,
        %get3A_2619 = arith.index_cast %scan3A_2598 : i32 to index
        %get3A_2620 = arith.constant 32 : index
        %get3A_2621 = tpu.vector_load %arg7[%get3A_2619, %get3A_2620] {strides = array<i32>} : memref<128x128xf32, #tpu.memory_space<vmem>>, vector<16xf32>,
        %add3A_2622 = arith.addi %mul3A_20, %add3A_2602 : vector<16xi32>
        %mul3A_2623 = arith.constant 8.000000e+00 : f32
        %mul3A_2624 = vector.broadcast %mul3A_2623 : f32 to vector<16xf32>
        %mul3A_2625 = arith.mulf %get3A_2621, %mul3A_2624 : vector<16xf32>
        %add3A_2626 = arith.addf %mul3A_2625, %get3A_90 : vector<16xf32>
        tpu.vector_store_idx %arg10[%add3A_2622], %add3A_2626 : memref<8704xf32, #tpu.memory_space<vmem>>[vector<16xi32>], vector<16xf32>,
        %get3A_2627 = arith.index_cast %scan3A_2598 : i32 to index
        %get3A_2628 = arith.constant 48 : index
        %get3A_2629 = tpu.vector_load %arg7[%get3A_2627, %get3A_2628] {strides = array<i32>} : memref<128x128xf32, #tpu.memory_space<vmem>>, vector<16xf32>,
        %add3A_2630 = arith.addi %mul3A_26, %add3A_2602 : vector<16xi32>
        %mul3A_2631 = arith.constant 8.000000e+00 : f32
        %mul3A_2632 = vector.broadcast %mul3A_2631 : f32 to vector<16xf32>
        %mul3A_2633 = arith.mulf %get3A_2629, %mul3A_2632 : vector<16xf32>
        %add3A_2634 = arith.addf %mul3A_2633, %get3A_96 : vector<16xf32>
        tpu.vector_store_idx %arg10[%add3A_2630], %add3A_2634 : memref<8704xf32, #tpu.memory_space<vmem>>[vector<16xi32>], vector<16xf32>,
      }
      %scan3A_102 = arith.constant 128 : i32
      %add3A_103 = arith.addi %mul3A_2, %add3A_57 : i32
      %shift_right_logical3A_104 = arith.constant 5 : i32
      %shift_right_logical3A_105 = arith.shrui %add3A_103, %shift_right_logical3A_104 : i32
      %rem3A = arith.constant 32 : i32
      %rem3A_106 = arith.remsi %add3A_103, %rem3A : i32
      %dma_start3A_107 = arith.constant 0 : i32
      %dma_start3A_108 = arith.constant 0 : i32
      %dma_start3A_109 = arith.constant 0 : i32
      %dma_start3A_110 = tpu.memref_slice %arg10[%dma_start3A_109] : memref<8704xf32, #tpu.memory_space<vmem>> -> memref<128xf32, #tpu.memory_space<vmem>>
      %dma_start3A_111 = arith.constant 0 : i32
      %dma_start3A_112 = tpu.memref_slice %arg5[%shift_right_logical3A_105, %dma_start3A_107, %rem3A_106, %dma_start3A_108, %dma_start3A_111] : memref<200x8x32x8x128xf32, #tpu.memory_space<hbm>> -> memref<1x1x1x1x128xf32, #tpu.memory_space<hbm>>
      %dma_start3A_113 = tpu.memref_squeeze %dma_start3A_112 : memref<1x1x1x1x128xf32, #tpu.memory_space<hbm>> -> memref<128xf32, #tpu.memory_space<hbm>>
      %dma_start3A_114 = arith.constant 0 : i32
      %dma_start3A_115 = tpu.memref_slice %arg5[%shift_right_logical3A_105, %dma_start3A_107, %rem3A_106, %dma_start3A_108, %dma_start3A_114] : memref<200x8x32x8x128xf32, #tpu.memory_space<hbm>> -> memref<1x1x1x1x128xf32, #tpu.memory_space<hbm>>
      %dma_start3A_116 = tpu.memref_squeeze %dma_start3A_115 : memref<1x1x1x1x128xf32, #tpu.memory_space<hbm>> -> memref<128xf32, #tpu.memory_space<hbm>>
      %dma_start3A_117 = arith.constant 0 : i32
      %dma_start3A_118 = tpu.memref_slice %arg10[%dma_start3A_117] : memref<8704xf32, #tpu.memory_space<vmem>> -> memref<128xf32, #tpu.memory_space<vmem>>
      tpu.enqueue_dma source(%dma_start3A_118 : memref<128xf32, #tpu.memory_space<vmem>>) target(%dma_start3A_116 : memref<128xf32, #tpu.memory_space<hbm>>) target_semaphore(%arg14 : memref<!tpu.dma_semaphore, #tpu.memory_space<semaphore_mem>>)
      %add3A_119 = arith.addi %mul3A_2, %add3A_57 : i32
      %shift_right_logical3A_120 = arith.constant 5 : i32
      %shift_right_logical3A_121 = arith.shrui %add3A_119, %shift_right_logical3A_120 : i32
      %rem3A_122 = arith.constant 32 : i32
      %rem3A_123 = arith.remsi %add3A_119, %rem3A_122 : i32
      %dma_start3A_124 = arith.constant 0 : i32
      %dma_start3A_125 = arith.constant 1 : i32
      %dma_start3A_126 = arith.constant 136 : i32
      %dma_start3A_127 = tpu.memref_slice %arg10[%dma_start3A_126] : memref<8704xf32, #tpu.memory_space<vmem>> -> memref<128xf32, #tpu.memory_space<vmem>>
      %dma_start3A_128 = arith.constant 0 : i32
      %dma_start3A_129 = tpu.memref_slice %arg5[%shift_right_logical3A_121, %dma_start3A_124, %rem3A_123, %dma_start3A_125, %dma_start3A_128] : memref<200x8x32x8x128xf32, #tpu.memory_space<hbm>> -> memref<1x1x1x1x128xf32, #tpu.memory_space<hbm>>
      %dma_start3A_130 = tpu.memref_squeeze %dma_start3A_129 : memref<1x1x1x1x128xf32, #tpu.memory_space<hbm>> -> memref<128xf32, #tpu.memory_space<hbm>>
      %dma_start3A_131 = arith.constant 0 : i32
      %dma_start3A_132 = tpu.memref_slice %arg5[%shift_right_logical3A_121, %dma_start3A_124, %rem3A_123, %dma_start3A_125, %dma_start3A_131] : memref<200x8x32x8x128xf32, #tpu.memory_space<hbm>> -> memref<1x1x1x1x128xf32, #tpu.memory_space<hbm>>
      %dma_start3A_133 = tpu.memref_squeeze %dma_start3A_132 : memref<1x1x1x1x128xf32, #tpu.memory_space<hbm>> -> memref<128xf32, #tpu.memory_space<hbm>>
      %dma_start3A_134 = arith.constant 136 : i32
      %dma_start3A_135 = tpu.memref_slice %arg10[%dma_start3A_134] : memref<8704xf32, #tpu.memory_space<vmem>> -> memref<128xf32, #tpu.memory_space<vmem>>
      tpu.enqueue_dma source(%dma_start3A_135 : memref<128xf32, #tpu.memory_space<vmem>>) target(%dma_start3A_133 : memref<128xf32, #tpu.memory_space<hbm>>) target_semaphore(%arg14 : memref<!tpu.dma_semaphore, #tpu.memory_space<semaphore_mem>>)
      %add3A_136 = arith.addi %mul3A_2, %add3A_57 : i32
      %shift_right_logical3A_137 = arith.constant 5 : i32
      %shift_right_logical3A_138 = arith.shrui %add3A_136, %shift_right_logical3A_137 : i32
      %rem3A_139 = arith.constant 32 : i32
      %rem3A_140 = arith.remsi %add3A_136, %rem3A_139 : i32
      %dma_start3A_141 = arith.constant 0 : i32
      %dma_start3A_142 = arith.constant 2 : i32
      %dma_start3A_143 = arith.constant 272 : i32
      %dma_start3A_144 = tpu.memref_slice %arg10[%dma_start3A_143] : memref<8704xf32, #tpu.memory_space<vmem>> -> memref<128xf32, #tpu.memory_space<vmem>>
      %dma_start3A_145 = arith.constant 0 : i32
      %dma_start3A_146 = tpu.memref_slice %arg5[%shift_right_logical3A_138, %dma_start3A_141, %rem3A_140, %dma_start3A_142, %dma_start3A_145] : memref<200x8x32x8x128xf32, #tpu.memory_space<hbm>> -> memref<1x1x1x1x128xf32, #tpu.memory_space<hbm>>
      %dma_start3A_147 = tpu.memref_squeeze %dma_start3A_146 : memref<1x1x1x1x128xf32, #tpu.memory_space<hbm>> -> memref<128xf32, #tpu.memory_space<hbm>>
      %dma_start3A_148 = arith.constant 0 : i32
      %dma_start3A_149 = tpu.memref_slice %arg5[%shift_right_logical3A_138, %dma_start3A_141, %rem3A_140, %dma_start3A_142, %dma_start3A_148] : memref<200x8x32x8x128xf32, #tpu.memory_space<hbm>> -> memref<1x1x1x1x128xf32, #tpu.memory_space<hbm>>
      %dma_start3A_150 = tpu.memref_squeeze %dma_start3A_149 : memref<1x1x1x1x128xf32, #tpu.memory_space<hbm>> -> memref<128xf32, #tpu.memory_space<hbm>>
      %dma_start3A_151 = arith.constant 272 : i32
      %dma_start3A_152 = tpu.memref_slice %arg10[%dma_start3A_151] : memref<8704xf32, #tpu.memory_space<vmem>> -> memref<128xf32, #tpu.memory_space<vmem>>
      tpu.enqueue_dma source(%dma_start3A_152 : memref<128xf32, #tpu.memory_space<vmem>>) target(%dma_start3A_150 : memref<128xf32, #tpu.memory_space<hbm>>) target_semaphore(%arg14 : memref<!tpu.dma_semaphore, #tpu.memory_space<semaphore_mem>>)
      %add3A_153 = arith.addi %mul3A_2, %add3A_57 : i32
      %shift_right_logical3A_154 = arith.constant 5 : i32
      %shift_right_logical3A_155 = arith.shrui %add3A_153, %shift_right_logical3A_154 : i32
      %rem3A_156 = arith.constant 32 : i32
      %rem3A_157 = arith.remsi %add3A_153, %rem3A_156 : i32
      %dma_start3A_158 = arith.constant 0 : i32
      %dma_start3A_159 = arith.constant 3 : i32
      %dma_start3A_160 = arith.constant 408 : i32
      %dma_start3A_161 = tpu.memref_slice %arg10[%dma_start3A_160] : memref<8704xf32, #tpu.memory_space<vmem>> -> memref<128xf32, #tpu.memory_space<vmem>>
      %dma_start3A_162 = arith.constant 0 : i32
      %dma_start3A_163 = tpu.memref_slice %arg5[%shift_right_logical3A_155, %dma_start3A_158, %rem3A_157, %dma_start3A_159, %dma_start3A_162] : memref<200x8x32x8x128xf32, #tpu.memory_space<hbm>> -> memref<1x1x1x1x128xf32, #tpu.memory_space<hbm>>
      %dma_start3A_164 = tpu.memref_squeeze %dma_start3A_163 : memref<1x1x1x1x128xf32, #tpu.memory_space<hbm>> -> memref<128xf32, #tpu.memory_space<hbm>>
      %dma_start3A_165 = arith.constant 0 : i32
      %dma_start3A_166 = tpu.memref_slice %arg5[%shift_right_logical3A_155, %dma_start3A_158, %rem3A_157, %dma_start3A_159, %dma_start3A_165] : memref<200x8x32x8x128xf32, #tpu.memory_space<hbm>> -> memref<1x1x1x1x128xf32, #tpu.memory_space<hbm>>
      %dma_start3A_167 = tpu.memref_squeeze %dma_start3A_166 : memref<1x1x1x1x128xf32, #tpu.memory_space<hbm>> -> memref<128xf32, #tpu.memory_space<hbm>>
      %dma_start3A_168 = arith.constant 408 : i32
      %dma_start3A_169 = tpu.memref_slice %arg10[%dma_start3A_168] : memref<8704xf32, #tpu.memory_space<vmem>> -> memref<128xf32, #tpu.memory_space<vmem>>
      tpu.enqueue_dma source(%dma_start3A_169 : memref<128xf32, #tpu.memory_space<vmem>>) target(%dma_start3A_167 : memref<128xf32, #tpu.memory_space<hbm>>) target_semaphore(%arg14 : memref<!tpu.dma_semaphore, #tpu.memory_space<semaphore_mem>>)
      %add3A_170 = arith.addi %mul3A_2, %add3A_57 : i32
      %shift_right_logical3A_171 = arith.constant 5 : i32
      %shift_right_logical3A_172 = arith.shrui %add3A_170, %shift_right_logical3A_171 : i32
      %rem3A_173 = arith.constant 32 : i32
      %rem3A_174 = arith.remsi %add3A_170, %rem3A_173 : i32
      %dma_start3A_175 = arith.constant 0 : i32
      %dma_start3A_176 = arith.constant 4 : i32
      %dma_start3A_177 = arith.constant 544 : i32
      %dma_start3A_178 = tpu.memref_slice %arg10[%dma_start3A_177] : memref<8704xf32, #tpu.memory_space<vmem>> -> memref<128xf32, #tpu.memory_space<vmem>>
      %dma_start3A_179 = arith.constant 0 : i32
      %dma_start3A_180 = tpu.memref_slice %arg5[%shift_right_logical3A_172, %dma_start3A_175, %rem3A_174, %dma_start3A_176, %dma_start3A_179] : memref<200x8x32x8x128xf32, #tpu.memory_space<hbm>> -> memref<1x1x1x1x128xf32, #tpu.memory_space<hbm>>
      %dma_start3A_181 = tpu.memref_squeeze %dma_start3A_180 : memref<1x1x1x1x128xf32, #tpu.memory_space<hbm>> -> memref<128xf32, #tpu.memory_space<hbm>>
      %dma_start3A_182 = arith.constant 0 : i32
      %dma_start3A_183 = tpu.memref_slice %arg5[%shift_right_logical3A_172, %dma_start3A_175, %rem3A_174, %dma_start3A_176, %dma_start3A_182] : memref<200x8x32x8x128xf32, #tpu.memory_space<hbm>> -> memref<1x1x1x1x128xf32, #tpu.memory_space<hbm>>
      %dma_start3A_184 = tpu.memref_squeeze %dma_start3A_183 : memref<1x1x1x1x128xf32, #tpu.memory_space<hbm>> -> memref<128xf32, #tpu.memory_space<hbm>>
      %dma_start3A_185 = arith.constant 544 : i32
      %dma_start3A_186 = tpu.memref_slice %arg10[%dma_start3A_185] : memref<8704xf32, #tpu.memory_space<vmem>> -> memref<128xf32, #tpu.memory_space<vmem>>
      tpu.enqueue_dma source(%dma_start3A_186 : memref<128xf32, #tpu.memory_space<vmem>>) target(%dma_start3A_184 : memref<128xf32, #tpu.memory_space<hbm>>) target_semaphore(%arg14 : memref<!tpu.dma_semaphore, #tpu.memory_space<semaphore_mem>>)
      %add3A_187 = arith.addi %mul3A_2, %add3A_57 : i32
      %shift_right_logical3A_188 = arith.constant 5 : i32
      %shift_right_logical3A_189 = arith.shrui %add3A_187, %shift_right_logical3A_188 : i32
      %rem3A_190 = arith.constant 32 : i32
      %rem3A_191 = arith.remsi %add3A_187, %rem3A_190 : i32
      %dma_start3A_192 = arith.constant 0 : i32
      %dma_start3A_193 = arith.constant 5 : i32
      %dma_start3A_194 = arith.constant 680 : i32
      %dma_start3A_195 = tpu.memref_slice %arg10[%dma_start3A_194] : memref<8704xf32, #tpu.memory_space<vmem>> -> memref<128xf32, #tpu.memory_space<vmem>>
      %dma_start3A_196 = arith.constant 0 : i32
      %dma_start3A_197 = tpu.memref_slice %arg5[%shift_right_logical3A_189, %dma_start3A_192, %rem3A_191, %dma_start3A_193, %dma_start3A_196] : memref<200x8x32x8x128xf32, #tpu.memory_space<hbm>> -> memref<1x1x1x1x128xf32, #tpu.memory_space<hbm>>
      %dma_start3A_198 = tpu.memref_squeeze %dma_start3A_197 : memref<1x1x1x1x128xf32, #tpu.memory_space<hbm>> -> memref<128xf32, #tpu.memory_space<hbm>>
      %dma_start3A_199 = arith.constant 0 : i32
      %dma_start3A_200 = tpu.memref_slice %arg5[%shift_right_logical3A_189, %dma_start3A_192, %rem3A_191, %dma_start3A_193, %dma_start3A_199] : memref<200x8x32x8x128xf32, #tpu.memory_space<hbm>> -> memref<1x1x1x1x128xf32, #tpu.memory_space<hbm>>
      %dma_start3A_201 = tpu.memref_squeeze %dma_start3A_200 : memref<1x1x1x1x128xf32, #tpu.memory_space<hbm>> -> memref<128xf32, #tpu.memory_space<hbm>>
      %dma_start3A_202 = arith.constant 680 : i32
      %dma_start3A_203 = tpu.memref_slice %arg10[%dma_start3A_202] : memref<8704xf32, #tpu.memory_space<vmem>> -> memref<128xf32, #tpu.memory_space<vmem>>
      tpu.enqueue_dma source(%dma_start3A_203 : memref<128xf32, #tpu.memory_space<vmem>>) target(%dma_start3A_201 : memref<128xf32, #tpu.memory_space<hbm>>) target_semaphore(%arg14 : memref<!tpu.dma_semaphore, #tpu.memory_space<semaphore_mem>>)
      %add3A_204 = arith.addi %mul3A_2, %add3A_57 : i32
      %shift_right_logical3A_205 = arith.constant 5 : i32
      %shift_right_logical3A_206 = arith.shrui %add3A_204, %shift_right_logical3A_205 : i32
      %rem3A_207 = arith.constant 32 : i32
      %rem3A_208 = arith.remsi %add3A_204, %rem3A_207 : i32
      %dma_start3A_209 = arith.constant 0 : i32
      %dma_start3A_210 = arith.constant 6 : i32
      %dma_start3A_211 = arith.constant 816 : i32
      %dma_start3A_212 = tpu.memref_slice %arg10[%dma_start3A_211] : memref<8704xf32, #tpu.memory_space<vmem>> -> memref<128xf32, #tpu.memory_space<vmem>>
      %dma_start3A_213 = arith.constant 0 : i32
      %dma_start3A_214 = tpu.memref_slice %arg5[%shift_right_logical3A_206, %dma_start3A_209, %rem3A_208, %dma_start3A_210, %dma_start3A_213] : memref<200x8x32x8x128xf32, #tpu.memory_space<hbm>> -> memref<1x1x1x1x128xf32, #tpu.memory_space<hbm>>
      %dma_start3A_215 = tpu.memref_squeeze %dma_start3A_214 : memref<1x1x1x1x128xf32, #tpu.memory_space<hbm>> -> memref<128xf32, #tpu.memory_space<hbm>>
      %dma_start3A_216 = arith.constant 0 : i32
      %dma_start3A_217 = tpu.memref_slice %arg5[%shift_right_logical3A_206, %dma_start3A_209, %rem3A_208, %dma_start3A_210, %dma_start3A_216] : memref<200x8x32x8x128xf32, #tpu.memory_space<hbm>> -> memref<1x1x1x1x128xf32, #tpu.memory_space<hbm>>
      %dma_start3A_218 = tpu.memref_squeeze %dma_start3A_217 : memref<1x1x1x1x128xf32, #tpu.memory_space<hbm>> -> memref<128xf32, #tpu.memory_space<hbm>>
      %dma_start3A_219 = arith.constant 816 : i32
      %dma_start3A_220 = tpu.memref_slice %arg10[%dma_start3A_219] : memref<8704xf32, #tpu.memory_space<vmem>> -> memref<128xf32, #tpu.memory_space<vmem>>
      tpu.enqueue_dma source(%dma_start3A_220 : memref<128xf32, #tpu.memory_space<vmem>>) target(%dma_start3A_218 : memref<128xf32, #tpu.memory_space<hbm>>) target_semaphore(%arg14 : memref<!tpu.dma_semaphore, #tpu.memory_space<semaphore_mem>>)
      %add3A_221 = arith.addi %mul3A_2, %add3A_57 : i32
      %shift_right_logical3A_222 = arith.constant 5 : i32
      %shift_right_logical3A_223 = arith.shrui %add3A_221, %shift_right_logical3A_222 : i32
      %rem3A_224 = arith.constant 32 : i32
      %rem3A_225 = arith.remsi %add3A_221, %rem3A_224 : i32
      %dma_start3A_226 = arith.constant 0 : i32
      %dma_start3A_227 = arith.constant 7 : i32
      %dma_start3A_228 = arith.constant 952 : i32
      %dma_start3A_229 = tpu.memref_slice %arg10[%dma_start3A_228] : memref<8704xf32, #tpu.memory_space<vmem>> -> memref<128xf32, #tpu.memory_space<vmem>>
      %dma_start3A_230 = arith.constant 0 : i32
      %dma_start3A_231 = tpu.memref_slice %arg5[%shift_right_logical3A_223, %dma_start3A_226, %rem3A_225, %dma_start3A_227, %dma_start3A_230] : memref<200x8x32x8x128xf32, #tpu.memory_space<hbm>> -> memref<1x1x1x1x128xf32, #tpu.memory_space<hbm>>
      %dma_start3A_232 = tpu.memref_squeeze %dma_start3A_231 : memref<1x1x1x1x128xf32, #tpu.memory_space<hbm>> -> memref<128xf32, #tpu.memory_space<hbm>>
      %dma_start3A_233 = arith.constant 0 : i32
      %dma_start3A_234 = tpu.memref_slice %arg5[%shift_right_logical3A_223, %dma_start3A_226, %rem3A_225, %dma_start3A_227, %dma_start3A_233] : memref<200x8x32x8x128xf32, #tpu.memory_space<hbm>> -> memref<1x1x1x1x128xf32, #tpu.memory_space<hbm>>
      %dma_start3A_235 = tpu.memref_squeeze %dma_start3A_234 : memref<1x1x1x1x128xf32, #tpu.memory_space<hbm>> -> memref<128xf32, #tpu.memory_space<hbm>>
      %dma_start3A_236 = arith.constant 952 : i32
      %dma_start3A_237 = tpu.memref_slice %arg10[%dma_start3A_236] : memref<8704xf32, #tpu.memory_space<vmem>> -> memref<128xf32, #tpu.memory_space<vmem>>
      tpu.enqueue_dma source(%dma_start3A_237 : memref<128xf32, #tpu.memory_space<vmem>>) target(%dma_start3A_235 : memref<128xf32, #tpu.memory_space<hbm>>) target_semaphore(%arg14 : memref<!tpu.dma_semaphore, #tpu.memory_space<semaphore_mem>>)
      %add3A_238 = arith.addi %mul3A_2, %add3A_57 : i32
      %shift_right_logical3A_239 = arith.constant 5 : i32
      %shift_right_logical3A_240 = arith.shrui %add3A_238, %shift_right_logical3A_239 : i32
      %rem3A_241 = arith.constant 32 : i32
      %rem3A_242 = arith.remsi %add3A_238, %rem3A_241 : i32
      %dma_start3A_243 = arith.constant 1 : i32
      %dma_start3A_244 = arith.constant 0 : i32
      %dma_start3A_245 = arith.constant 1088 : i32
      %dma_start3A_246 = tpu.memref_slice %arg10[%dma_start3A_245] : memref<8704xf32, #tpu.memory_space<vmem>> -> memref<128xf32, #tpu.memory_space<vmem>>
      %dma_start3A_247 = arith.constant 0 : i32
      %dma_start3A_248 = tpu.memref_slice %arg5[%shift_right_logical3A_240, %dma_start3A_243, %rem3A_242, %dma_start3A_244, %dma_start3A_247] : memref<200x8x32x8x128xf32, #tpu.memory_space<hbm>> -> memref<1x1x1x1x128xf32, #tpu.memory_space<hbm>>
      %dma_start3A_249 = tpu.memref_squeeze %dma_start3A_248 : memref<1x1x1x1x128xf32, #tpu.memory_space<hbm>> -> memref<128xf32, #tpu.memory_space<hbm>>
      %dma_start3A_250 = arith.constant 0 : i32
      %dma_start3A_251 = tpu.memref_slice %arg5[%shift_right_logical3A_240, %dma_start3A_243, %rem3A_242, %dma_start3A_244, %dma_start3A_250] : memref<200x8x32x8x128xf32, #tpu.memory_space<hbm>> -> memref<1x1x1x1x128xf32, #tpu.memory_space<hbm>>
      %dma_start3A_252 = tpu.memref_squeeze %dma_start3A_251 : memref<1x1x1x1x128xf32, #tpu.memory_space<hbm>> -> memref<128xf32, #tpu.memory_space<hbm>>
      %dma_start3A_253 = arith.constant 1088 : i32
      %dma_start3A_254 = tpu.memref_slice %arg10[%dma_start3A_253] : memref<8704xf32, #tpu.memory_space<vmem>> -> memref<128xf32, #tpu.memory_space<vmem>>
      tpu.enqueue_dma source(%dma_start3A_254 : memref<128xf32, #tpu.memory_space<vmem>>) target(%dma_start3A_252 : memref<128xf32, #tpu.memory_space<hbm>>) target_semaphore(%arg14 : memref<!tpu.dma_semaphore, #tpu.memory_space<semaphore_mem>>)
      %add3A_255 = arith.addi %mul3A_2, %add3A_57 : i32
      %shift_right_logical3A_256 = arith.constant 5 : i32
      %shift_right_logical3A_257 = arith.shrui %add3A_255, %shift_right_logical3A_256 : i32
      %rem3A_258 = arith.constant 32 : i32
      %rem3A_259 = arith.remsi %add3A_255, %rem3A_258 : i32
      %dma_start3A_260 = arith.constant 1 : i32
      %dma_start3A_261 = arith.constant 1 : i32
      %dma_start3A_262 = arith.constant 1224 : i32
      %dma_start3A_263 = tpu.memref_slice %arg10[%dma_start3A_262] : memref<8704xf32, #tpu.memory_space<vmem>> -> memref<128xf32, #tpu.memory_space<vmem>>
      %dma_start3A_264 = arith.constant 0 : i32
      %dma_start3A_265 = tpu.memref_slice %arg5[%shift_right_logical3A_257, %dma_start3A_260, %rem3A_259, %dma_start3A_261, %dma_start3A_264] : memref<200x8x32x8x128xf32, #tpu.memory_space<hbm>> -> memref<1x1x1x1x128xf32, #tpu.memory_space<hbm>>
      %dma_start3A_266 = tpu.memref_squeeze %dma_start3A_265 : memref<1x1x1x1x128xf32, #tpu.memory_space<hbm>> -> memref<128xf32, #tpu.memory_space<hbm>>
      %dma_start3A_267 = arith.constant 0 : i32
      %dma_start3A_268 = tpu.memref_slice %arg5[%shift_right_logical3A_257, %dma_start3A_260, %rem3A_259, %dma_start3A_261, %dma_start3A_267] : memref<200x8x32x8x128xf32, #tpu.memory_space<hbm>> -> memref<1x1x1x1x128xf32, #tpu.memory_space<hbm>>
      %dma_start3A_269 = tpu.memref_squeeze %dma_start3A_268 : memref<1x1x1x1x128xf32, #tpu.memory_space<hbm>> -> memref<128xf32, #tpu.memory_space<hbm>>
      %dma_start3A_270 = arith.constant 1224 : i32
      %dma_start3A_271 = tpu.memref_slice %arg10[%dma_start3A_270] : memref<8704xf32, #tpu.memory_space<vmem>> -> memref<128xf32, #tpu.memory_space<vmem>>
      tpu.enqueue_dma source(%dma_start3A_271 : memref<128xf32, #tpu.memory_space<vmem>>) target(%dma_start3A_269 : memref<128xf32, #tpu.memory_space<hbm>>) target_semaphore(%arg14 : memref<!tpu.dma_semaphore, #tpu.memory_space<semaphore_mem>>)
      %add3A_272 = arith.addi %mul3A_2, %add3A_57 : i32
      %shift_right_logical3A_273 = arith.constant 5 : i32
      %shift_right_logical3A_274 = arith.shrui %add3A_272, %shift_right_logical3A_273 : i32
      %rem3A_275 = arith.constant 32 : i32
      %rem3A_276 = arith.remsi %add3A_272, %rem3A_275 : i32
      %dma_start3A_277 = arith.constant 1 : i32
      %dma_start3A_278 = arith.constant 2 : i32
      %dma_start3A_279 = arith.constant 1360 : i32
      %dma_start3A_280 = tpu.memref_slice %arg10[%dma_start3A_279] : memref<8704xf32, #tpu.memory_space<vmem>> -> memref<128xf32, #tpu.memory_space<vmem>>
      %dma_start3A_281 = arith.constant 0 : i32
      %dma_start3A_282 = tpu.memref_slice %arg5[%shift_right_logical3A_274, %dma_start3A_277, %rem3A_276, %dma_start3A_278, %dma_start3A_281] : memref<200x8x32x8x128xf32, #tpu.memory_space<hbm>> -> memref<1x1x1x1x128xf32, #tpu.memory_space<hbm>>
      %dma_start3A_283 = tpu.memref_squeeze %dma_start3A_282 : memref<1x1x1x1x128xf32, #tpu.memory_space<hbm>> -> memref<128xf32, #tpu.memory_space<hbm>>
      %dma_start3A_284 = arith.constant 0 : i32
      %dma_start3A_285 = tpu.memref_slice %arg5[%shift_right_logical3A_274, %dma_start3A_277, %rem3A_276, %dma_start3A_278, %dma_start3A_284] : memref<200x8x32x8x128xf32, #tpu.memory_space<hbm>> -> memref<1x1x1x1x128xf32, #tpu.memory_space<hbm>>
      %dma_start3A_286 = tpu.memref_squeeze %dma_start3A_285 : memref<1x1x1x1x128xf32, #tpu.memory_space<hbm>> -> memref<128xf32, #tpu.memory_space<hbm>>
      %dma_start3A_287 = arith.constant 1360 : i32
      %dma_start3A_288 = tpu.memref_slice %arg10[%dma_start3A_287] : memref<8704xf32, #tpu.memory_space<vmem>> -> memref<128xf32, #tpu.memory_space<vmem>>
      tpu.enqueue_dma source(%dma_start3A_288 : memref<128xf32, #tpu.memory_space<vmem>>) target(%dma_start3A_286 : memref<128xf32, #tpu.memory_space<hbm>>) target_semaphore(%arg14 : memref<!tpu.dma_semaphore, #tpu.memory_space<semaphore_mem>>)
      %add3A_289 = arith.addi %mul3A_2, %add3A_57 : i32
      %shift_right_logical3A_290 = arith.constant 5 : i32
      %shift_right_logical3A_291 = arith.shrui %add3A_289, %shift_right_logical3A_290 : i32
      %rem3A_292 = arith.constant 32 : i32
      %rem3A_293 = arith.remsi %add3A_289, %rem3A_292 : i32
      %dma_start3A_294 = arith.constant 1 : i32
      %dma_start3A_295 = arith.constant 3 : i32
      %dma_start3A_296 = arith.constant 1496 : i32
      %dma_start3A_297 = tpu.memref_slice %arg10[%dma_start3A_296] : memref<8704xf32, #tpu.memory_space<vmem>> -> memref<128xf32, #tpu.memory_space<vmem>>
      %dma_start3A_298 = arith.constant 0 : i32
      %dma_start3A_299 = tpu.memref_slice %arg5[%shift_right_logical3A_291, %dma_start3A_294, %rem3A_293, %dma_start3A_295, %dma_start3A_298] : memref<200x8x32x8x128xf32, #tpu.memory_space<hbm>> -> memref<1x1x1x1x128xf32, #tpu.memory_space<hbm>>
      %dma_start3A_300 = tpu.memref_squeeze %dma_start3A_299 : memref<1x1x1x1x128xf32, #tpu.memory_space<hbm>> -> memref<128xf32, #tpu.memory_space<hbm>>
      %dma_start3A_301 = arith.constant 0 : i32
      %dma_start3A_302 = tpu.memref_slice %arg5[%shift_right_logical3A_291, %dma_start3A_294, %rem3A_293, %dma_start3A_295, %dma_start3A_301] : memref<200x8x32x8x128xf32, #tpu.memory_space<hbm>> -> memref<1x1x1x1x128xf32, #tpu.memory_space<hbm>>
      %dma_start3A_303 = tpu.memref_squeeze %dma_start3A_302 : memref<1x1x1x1x128xf32, #tpu.memory_space<hbm>> -> memref<128xf32, #tpu.memory_space<hbm>>
      %dma_start3A_304 = arith.constant 1496 : i32
      %dma_start3A_305 = tpu.memref_slice %arg10[%dma_start3A_304] : memref<8704xf32, #tpu.memory_space<vmem>> -> memref<128xf32, #tpu.memory_space<vmem>>
      tpu.enqueue_dma source(%dma_start3A_305 : memref<128xf32, #tpu.memory_space<vmem>>) target(%dma_start3A_303 : memref<128xf32, #tpu.memory_space<hbm>>) target_semaphore(%arg14 : memref<!tpu.dma_semaphore, #tpu.memory_space<semaphore_mem>>)
      %add3A_306 = arith.addi %mul3A_2, %add3A_57 : i32
      %shift_right_logical3A_307 = arith.constant 5 : i32
      %shift_right_logical3A_308 = arith.shrui %add3A_306, %shift_right_logical3A_307 : i32
      %rem3A_309 = arith.constant 32 : i32
      %rem3A_310 = arith.remsi %add3A_306, %rem3A_309 : i32
      %dma_start3A_311 = arith.constant 1 : i32
      %dma_start3A_312 = arith.constant 4 : i32
      %dma_start3A_313 = arith.constant 1632 : i32
      %dma_start3A_314 = tpu.memref_slice %arg10[%dma_start3A_313] : memref<8704xf32, #tpu.memory_space<vmem>> -> memref<128xf32, #tpu.memory_space<vmem>>
      %dma_start3A_315 = arith.constant 0 : i32
      %dma_start3A_316 = tpu.memref_slice %arg5[%shift_right_logical3A_308, %dma_start3A_311, %rem3A_310, %dma_start3A_312, %dma_start3A_315] : memref<200x8x32x8x128xf32, #tpu.memory_space<hbm>> -> memref<1x1x1x1x128xf32, #tpu.memory_space<hbm>>
      %dma_start3A_317 = tpu.memref_squeeze %dma_start3A_316 : memref<1x1x1x1x128xf32, #tpu.memory_space<hbm>> -> memref<128xf32, #tpu.memory_space<hbm>>
      %dma_start3A_318 = arith.constant 0 : i32
      %dma_start3A_319 = tpu.memref_slice %arg5[%shift_right_logical3A_308, %dma_start3A_311, %rem3A_310, %dma_start3A_312, %dma_start3A_318] : memref<200x8x32x8x128xf32, #tpu.memory_space<hbm>> -> memref<1x1x1x1x128xf32, #tpu.memory_space<hbm>>
      %dma_start3A_320 = tpu.memref_squeeze %dma_start3A_319 : memref<1x1x1x1x128xf32, #tpu.memory_space<hbm>> -> memref<128xf32, #tpu.memory_space<hbm>>
      %dma_start3A_321 = arith.constant 1632 : i32
      %dma_start3A_322 = tpu.memref_slice %arg10[%dma_start3A_321] : memref<8704xf32, #tpu.memory_space<vmem>> -> memref<128xf32, #tpu.memory_space<vmem>>
      tpu.enqueue_dma source(%dma_start3A_322 : memref<128xf32, #tpu.memory_space<vmem>>) target(%dma_start3A_320 : memref<128xf32, #tpu.memory_space<hbm>>) target_semaphore(%arg14 : memref<!tpu.dma_semaphore, #tpu.memory_space<semaphore_mem>>)
      %add3A_323 = arith.addi %mul3A_2, %add3A_57 : i32
      %shift_right_logical3A_324 = arith.constant 5 : i32
      %shift_right_logical3A_325 = arith.shrui %add3A_323, %shift_right_logical3A_324 : i32
      %rem3A_326 = arith.constant 32 : i32
      %rem3A_327 = arith.remsi %add3A_323, %rem3A_326 : i32
      %dma_start3A_328 = arith.constant 1 : i32
      %dma_start3A_329 = arith.constant 5 : i32
      %dma_start3A_330 = arith.constant 1768 : i32
      %dma_start3A_331 = tpu.memref_slice %arg10[%dma_start3A_330] : memref<8704xf32, #tpu.memory_space<vmem>> -> memref<128xf32, #tpu.memory_space<vmem>>
      %dma_start3A_332 = arith.constant 0 : i32
      %dma_start3A_333 = tpu.memref_slice %arg5[%shift_right_logical3A_325, %dma_start3A_328, %rem3A_327, %dma_start3A_329, %dma_start3A_332] : memref<200x8x32x8x128xf32, #tpu.memory_space<hbm>> -> memref<1x1x1x1x128xf32, #tpu.memory_space<hbm>>
      %dma_start3A_334 = tpu.memref_squeeze %dma_start3A_333 : memref<1x1x1x1x128xf32, #tpu.memory_space<hbm>> -> memref<128xf32, #tpu.memory_space<hbm>>
      %dma_start3A_335 = arith.constant 0 : i32
      %dma_start3A_336 = tpu.memref_slice %arg5[%shift_right_logical3A_325, %dma_start3A_328, %rem3A_327, %dma_start3A_329, %dma_start3A_335] : memref<200x8x32x8x128xf32, #tpu.memory_space<hbm>> -> memref<1x1x1x1x128xf32, #tpu.memory_space<hbm>>
      %dma_start3A_337 = tpu.memref_squeeze %dma_start3A_336 : memref<1x1x1x1x128xf32, #tpu.memory_space<hbm>> -> memref<128xf32, #tpu.memory_space<hbm>>
      %dma_start3A_338 = arith.constant 1768 : i32
      %dma_start3A_339 = tpu.memref_slice %arg10[%dma_start3A_338] : memref<8704xf32, #tpu.memory_space<vmem>> -> memref<128xf32, #tpu.memory_space<vmem>>
      tpu.enqueue_dma source(%dma_start3A_339 : memref<128xf32, #tpu.memory_space<vmem>>) target(%dma_start3A_337 : memref<128xf32, #tpu.memory_space<hbm>>) target_semaphore(%arg14 : memref<!tpu.dma_semaphore, #tpu.memory_space<semaphore_mem>>)
      %add3A_340 = arith.addi %mul3A_2, %add3A_57 : i32
      %shift_right_logical3A_341 = arith.constant 5 : i32
      %shift_right_logical3A_342 = arith.shrui %add3A_340, %shift_right_logical3A_341 : i32
      %rem3A_343 = arith.constant 32 : i32
      %rem3A_344 = arith.remsi %add3A_340, %rem3A_343 : i32
      %dma_start3A_345 = arith.constant 1 : i32
      %dma_start3A_346 = arith.constant 6 : i32
      %dma_start3A_347 = arith.constant 1904 : i32
      %dma_start3A_348 = tpu.memref_slice %arg10[%dma_start3A_347] : memref<8704xf32, #tpu.memory_space<vmem>> -> memref<128xf32, #tpu.memory_space<vmem>>
      %dma_start3A_349 = arith.constant 0 : i32
      %dma_start3A_350 = tpu.memref_slice %arg5[%shift_right_logical3A_342, %dma_start3A_345, %rem3A_344, %dma_start3A_346, %dma_start3A_349] : memref<200x8x32x8x128xf32, #tpu.memory_space<hbm>> -> memref<1x1x1x1x128xf32, #tpu.memory_space<hbm>>
      %dma_start3A_351 = tpu.memref_squeeze %dma_start3A_350 : memref<1x1x1x1x128xf32, #tpu.memory_space<hbm>> -> memref<128xf32, #tpu.memory_space<hbm>>
      %dma_start3A_352 = arith.constant 0 : i32
      %dma_start3A_353 = tpu.memref_slice %arg5[%shift_right_logical3A_342, %dma_start3A_345, %rem3A_344, %dma_start3A_346, %dma_start3A_352] : memref<200x8x32x8x128xf32, #tpu.memory_space<hbm>> -> memref<1x1x1x1x128xf32, #tpu.memory_space<hbm>>
      %dma_start3A_354 = tpu.memref_squeeze %dma_start3A_353 : memref<1x1x1x1x128xf32, #tpu.memory_space<hbm>> -> memref<128xf32, #tpu.memory_space<hbm>>
      %dma_start3A_355 = arith.constant 1904 : i32
      %dma_start3A_356 = tpu.memref_slice %arg10[%dma_start3A_355] : memref<8704xf32, #tpu.memory_space<vmem>> -> memref<128xf32, #tpu.memory_space<vmem>>
      tpu.enqueue_dma source(%dma_start3A_356 : memref<128xf32, #tpu.memory_space<vmem>>) target(%dma_start3A_354 : memref<128xf32, #tpu.memory_space<hbm>>) target_semaphore(%arg14 : memref<!tpu.dma_semaphore, #tpu.memory_space<semaphore_mem>>)
      %add3A_357 = arith.addi %mul3A_2, %add3A_57 : i32
      %shift_right_logical3A_358 = arith.constant 5 : i32
      %shift_right_logical3A_359 = arith.shrui %add3A_357, %shift_right_logical3A_358 : i32
      %rem3A_360 = arith.constant 32 : i32
      %rem3A_361 = arith.remsi %add3A_357, %rem3A_360 : i32
      %dma_start3A_362 = arith.constant 1 : i32
      %dma_start3A_363 = arith.constant 7 : i32
      %dma_start3A_364 = arith.constant 2040 : i32
      %dma_start3A_365 = tpu.memref_slice %arg10[%dma_start3A_364] : memref<8704xf32, #tpu.memory_space<vmem>> -> memref<128xf32, #tpu.memory_space<vmem>>
      %dma_start3A_366 = arith.constant 0 : i32
      %dma_start3A_367 = tpu.memref_slice %arg5[%shift_right_logical3A_359, %dma_start3A_362, %rem3A_361, %dma_start3A_363, %dma_start3A_366] : memref<200x8x32x8x128xf32, #tpu.memory_space<hbm>> -> memref<1x1x1x1x128xf32, #tpu.memory_space<hbm>>
      %dma_start3A_368 = tpu.memref_squeeze %dma_start3A_367 : memref<1x1x1x1x128xf32, #tpu.memory_space<hbm>> -> memref<128xf32, #tpu.memory_space<hbm>>
      %dma_start3A_369 = arith.constant 0 : i32
      %dma_start3A_370 = tpu.memref_slice %arg5[%shift_right_logical3A_359, %dma_start3A_362, %rem3A_361, %dma_start3A_363, %dma_start3A_369] : memref<200x8x32x8x128xf32, #tpu.memory_space<hbm>> -> memref<1x1x1x1x128xf32, #tpu.memory_space<hbm>>
      %dma_start3A_371 = tpu.memref_squeeze %dma_start3A_370 : memref<1x1x1x1x128xf32, #tpu.memory_space<hbm>> -> memref<128xf32, #tpu.memory_space<hbm>>
      %dma_start3A_372 = arith.constant 2040 : i32
      %dma_start3A_373 = tpu.memref_slice %arg10[%dma_start3A_372] : memref<8704xf32, #tpu.memory_space<vmem>> -> memref<128xf32, #tpu.memory_space<vmem>>
      tpu.enqueue_dma source(%dma_start3A_373 : memref<128xf32, #tpu.memory_space<vmem>>) target(%dma_start3A_371 : memref<128xf32, #tpu.memory_space<hbm>>) target_semaphore(%arg14 : memref<!tpu.dma_semaphore, #tpu.memory_space<semaphore_mem>>)
      %add3A_374 = arith.addi %mul3A_2, %add3A_57 : i32
      %shift_right_logical3A_375 = arith.constant 5 : i32
      %shift_right_logical3A_376 = arith.shrui %add3A_374, %shift_right_logical3A_375 : i32
      %rem3A_377 = arith.constant 32 : i32
      %rem3A_378 = arith.remsi %add3A_374, %rem3A_377 : i32
      %dma_start3A_379 = arith.constant 2 : i32
      %dma_start3A_380 = arith.constant 0 : i32
      %dma_start3A_381 = arith.constant 2176 : i32
      %dma_start3A_382 = tpu.memref_slice %arg10[%dma_start3A_381] : memref<8704xf32, #tpu.memory_space<vmem>> -> memref<128xf32, #tpu.memory_space<vmem>>
      %dma_start3A_383 = arith.constant 0 : i32
      %dma_start3A_384 = tpu.memref_slice %arg5[%shift_right_logical3A_376, %dma_start3A_379, %rem3A_378, %dma_start3A_380, %dma_start3A_383] : memref<200x8x32x8x128xf32, #tpu.memory_space<hbm>> -> memref<1x1x1x1x128xf32, #tpu.memory_space<hbm>>
      %dma_start3A_385 = tpu.memref_squeeze %dma_start3A_384 : memref<1x1x1x1x128xf32, #tpu.memory_space<hbm>> -> memref<128xf32, #tpu.memory_space<hbm>>
      %dma_start3A_386 = arith.constant 0 : i32
      %dma_start3A_387 = tpu.memref_slice %arg5[%shift_right_logical3A_376, %dma_start3A_379, %rem3A_378, %dma_start3A_380, %dma_start3A_386] : memref<200x8x32x8x128xf32, #tpu.memory_space<hbm>> -> memref<1x1x1x1x128xf32, #tpu.memory_space<hbm>>
      %dma_start3A_388 = tpu.memref_squeeze %dma_start3A_387 : memref<1x1x1x1x128xf32, #tpu.memory_space<hbm>> -> memref<128xf32, #tpu.memory_space<hbm>>
      %dma_start3A_389 = arith.constant 2176 : i32
      %dma_start3A_390 = tpu.memref_slice %arg10[%dma_start3A_389] : memref<8704xf32, #tpu.memory_space<vmem>> -> memref<128xf32, #tpu.memory_space<vmem>>
      tpu.enqueue_dma source(%dma_start3A_390 : memref<128xf32, #tpu.memory_space<vmem>>) target(%dma_start3A_388 : memref<128xf32, #tpu.memory_space<hbm>>) target_semaphore(%arg14 : memref<!tpu.dma_semaphore, #tpu.memory_space<semaphore_mem>>)
      %add3A_391 = arith.addi %mul3A_2, %add3A_57 : i32
      %shift_right_logical3A_392 = arith.constant 5 : i32
      %shift_right_logical3A_393 = arith.shrui %add3A_391, %shift_right_logical3A_392 : i32
      %rem3A_394 = arith.constant 32 : i32
      %rem3A_395 = arith.remsi %add3A_391, %rem3A_394 : i32
      %dma_start3A_396 = arith.constant 2 : i32
      %dma_start3A_397 = arith.constant 1 : i32
      %dma_start3A_398 = arith.constant 2312 : i32
      %dma_start3A_399 = tpu.memref_slice %arg10[%dma_start3A_398] : memref<8704xf32, #tpu.memory_space<vmem>> -> memref<128xf32, #tpu.memory_space<vmem>>
      %dma_start3A_400 = arith.constant 0 : i32
      %dma_start3A_401 = tpu.memref_slice %arg5[%shift_right_logical3A_393, %dma_start3A_396, %rem3A_395, %dma_start3A_397, %dma_start3A_400] : memref<200x8x32x8x128xf32, #tpu.memory_space<hbm>> -> memref<1x1x1x1x128xf32, #tpu.memory_space<hbm>>
      %dma_start3A_402 = tpu.memref_squeeze %dma_start3A_401 : memref<1x1x1x1x128xf32, #tpu.memory_space<hbm>> -> memref<128xf32, #tpu.memory_space<hbm>>
      %dma_start3A_403 = arith.constant 0 : i32
      %dma_start3A_404 = tpu.memref_slice %arg5[%shift_right_logical3A_393, %dma_start3A_396, %rem3A_395, %dma_start3A_397, %dma_start3A_403] : memref<200x8x32x8x128xf32, #tpu.memory_space<hbm>> -> memref<1x1x1x1x128xf32, #tpu.memory_space<hbm>>
      %dma_start3A_405 = tpu.memref_squeeze %dma_start3A_404 : memref<1x1x1x1x128xf32, #tpu.memory_space<hbm>> -> memref<128xf32, #tpu.memory_space<hbm>>
      %dma_start3A_406 = arith.constant 2312 : i32
      %dma_start3A_407 = tpu.memref_slice %arg10[%dma_start3A_406] : memref<8704xf32, #tpu.memory_space<vmem>> -> memref<128xf32, #tpu.memory_space<vmem>>
      tpu.enqueue_dma source(%dma_start3A_407 : memref<128xf32, #tpu.memory_space<vmem>>) target(%dma_start3A_405 : memref<128xf32, #tpu.memory_space<hbm>>) target_semaphore(%arg14 : memref<!tpu.dma_semaphore, #tpu.memory_space<semaphore_mem>>)
      %add3A_408 = arith.addi %mul3A_2, %add3A_57 : i32
      %shift_right_logical3A_409 = arith.constant 5 : i32
      %shift_right_logical3A_410 = arith.shrui %add3A_408, %shift_right_logical3A_409 : i32
      %rem3A_411 = arith.constant 32 : i32
      %rem3A_412 = arith.remsi %add3A_408, %rem3A_411 : i32
      %dma_start3A_413 = arith.constant 2 : i32
      %dma_start3A_414 = arith.constant 2 : i32
      %dma_start3A_415 = arith.constant 2448 : i32
      %dma_start3A_416 = tpu.memref_slice %arg10[%dma_start3A_415] : memref<8704xf32, #tpu.memory_space<vmem>> -> memref<128xf32, #tpu.memory_space<vmem>>
      %dma_start3A_417 = arith.constant 0 : i32
      %dma_start3A_418 = tpu.memref_slice %arg5[%shift_right_logical3A_410, %dma_start3A_413, %rem3A_412, %dma_start3A_414, %dma_start3A_417] : memref<200x8x32x8x128xf32, #tpu.memory_space<hbm>> -> memref<1x1x1x1x128xf32, #tpu.memory_space<hbm>>
      %dma_start3A_419 = tpu.memref_squeeze %dma_start3A_418 : memref<1x1x1x1x128xf32, #tpu.memory_space<hbm>> -> memref<128xf32, #tpu.memory_space<hbm>>
      %dma_start3A_420 = arith.constant 0 : i32
      %dma_start3A_421 = tpu.memref_slice %arg5[%shift_right_logical3A_410, %dma_start3A_413, %rem3A_412, %dma_start3A_414, %dma_start3A_420] : memref<200x8x32x8x128xf32, #tpu.memory_space<hbm>> -> memref<1x1x1x1x128xf32, #tpu.memory_space<hbm>>
      %dma_start3A_422 = tpu.memref_squeeze %dma_start3A_421 : memref<1x1x1x1x128xf32, #tpu.memory_space<hbm>> -> memref<128xf32, #tpu.memory_space<hbm>>
      %dma_start3A_423 = arith.constant 2448 : i32
      %dma_start3A_424 = tpu.memref_slice %arg10[%dma_start3A_423] : memref<8704xf32, #tpu.memory_space<vmem>> -> memref<128xf32, #tpu.memory_space<vmem>>
      tpu.enqueue_dma source(%dma_start3A_424 : memref<128xf32, #tpu.memory_space<vmem>>) target(%dma_start3A_422 : memref<128xf32, #tpu.memory_space<hbm>>) target_semaphore(%arg14 : memref<!tpu.dma_semaphore, #tpu.memory_space<semaphore_mem>>)
      %add3A_425 = arith.addi %mul3A_2, %add3A_57 : i32
      %shift_right_logical3A_426 = arith.constant 5 : i32
      %shift_right_logical3A_427 = arith.shrui %add3A_425, %shift_right_logical3A_426 : i32
      %rem3A_428 = arith.constant 32 : i32
      %rem3A_429 = arith.remsi %add3A_425, %rem3A_428 : i32
      %dma_start3A_430 = arith.constant 2 : i32
      %dma_start3A_431 = arith.constant 3 : i32
      %dma_start3A_432 = arith.constant 2584 : i32
      %dma_start3A_433 = tpu.memref_slice %arg10[%dma_start3A_432] : memref<8704xf32, #tpu.memory_space<vmem>> -> memref<128xf32, #tpu.memory_space<vmem>>
      %dma_start3A_434 = arith.constant 0 : i32
      %dma_start3A_435 = tpu.memref_slice %arg5[%shift_right_logical3A_427, %dma_start3A_430, %rem3A_429, %dma_start3A_431, %dma_start3A_434] : memref<200x8x32x8x128xf32, #tpu.memory_space<hbm>> -> memref<1x1x1x1x128xf32, #tpu.memory_space<hbm>>
      %dma_start3A_436 = tpu.memref_squeeze %dma_start3A_435 : memref<1x1x1x1x128xf32, #tpu.memory_space<hbm>> -> memref<128xf32, #tpu.memory_space<hbm>>
      %dma_start3A_437 = arith.constant 0 : i32
      %dma_start3A_438 = tpu.memref_slice %arg5[%shift_right_logical3A_427, %dma_start3A_430, %rem3A_429, %dma_start3A_431, %dma_start3A_437] : memref<200x8x32x8x128xf32, #tpu.memory_space<hbm>> -> memref<1x1x1x1x128xf32, #tpu.memory_space<hbm>>
      %dma_start3A_439 = tpu.memref_squeeze %dma_start3A_438 : memref<1x1x1x1x128xf32, #tpu.memory_space<hbm>> -> memref<128xf32, #tpu.memory_space<hbm>>
      %dma_start3A_440 = arith.constant 2584 : i32
      %dma_start3A_441 = tpu.memref_slice %arg10[%dma_start3A_440] : memref<8704xf32, #tpu.memory_space<vmem>> -> memref<128xf32, #tpu.memory_space<vmem>>
      tpu.enqueue_dma source(%dma_start3A_441 : memref<128xf32, #tpu.memory_space<vmem>>) target(%dma_start3A_439 : memref<128xf32, #tpu.memory_space<hbm>>) target_semaphore(%arg14 : memref<!tpu.dma_semaphore, #tpu.memory_space<semaphore_mem>>)
      %add3A_442 = arith.addi %mul3A_2, %add3A_57 : i32
      %shift_right_logical3A_443 = arith.constant 5 : i32
      %shift_right_logical3A_444 = arith.shrui %add3A_442, %shift_right_logical3A_443 : i32
      %rem3A_445 = arith.constant 32 : i32
      %rem3A_446 = arith.remsi %add3A_442, %rem3A_445 : i32
      %dma_start3A_447 = arith.constant 2 : i32
      %dma_start3A_448 = arith.constant 4 : i32
      %dma_start3A_449 = arith.constant 2720 : i32
      %dma_start3A_450 = tpu.memref_slice %arg10[%dma_start3A_449] : memref<8704xf32, #tpu.memory_space<vmem>> -> memref<128xf32, #tpu.memory_space<vmem>>
      %dma_start3A_451 = arith.constant 0 : i32
      %dma_start3A_452 = tpu.memref_slice %arg5[%shift_right_logical3A_444, %dma_start3A_447, %rem3A_446, %dma_start3A_448, %dma_start3A_451] : memref<200x8x32x8x128xf32, #tpu.memory_space<hbm>> -> memref<1x1x1x1x128xf32, #tpu.memory_space<hbm>>
      %dma_start3A_453 = tpu.memref_squeeze %dma_start3A_452 : memref<1x1x1x1x128xf32, #tpu.memory_space<hbm>> -> memref<128xf32, #tpu.memory_space<hbm>>
      %dma_start3A_454 = arith.constant 0 : i32
      %dma_start3A_455 = tpu.memref_slice %arg5[%shift_right_logical3A_444, %dma_start3A_447, %rem3A_446, %dma_start3A_448, %dma_start3A_454] : memref<200x8x32x8x128xf32, #tpu.memory_space<hbm>> -> memref<1x1x1x1x128xf32, #tpu.memory_space<hbm>>
      %dma_start3A_456 = tpu.memref_squeeze %dma_start3A_455 : memref<1x1x1x1x128xf32, #tpu.memory_space<hbm>> -> memref<128xf32, #tpu.memory_space<hbm>>
      %dma_start3A_457 = arith.constant 2720 : i32
      %dma_start3A_458 = tpu.memref_slice %arg10[%dma_start3A_457] : memref<8704xf32, #tpu.memory_space<vmem>> -> memref<128xf32, #tpu.memory_space<vmem>>
      tpu.enqueue_dma source(%dma_start3A_458 : memref<128xf32, #tpu.memory_space<vmem>>) target(%dma_start3A_456 : memref<128xf32, #tpu.memory_space<hbm>>) target_semaphore(%arg14 : memref<!tpu.dma_semaphore, #tpu.memory_space<semaphore_mem>>)
      %add3A_459 = arith.addi %mul3A_2, %add3A_57 : i32
      %shift_right_logical3A_460 = arith.constant 5 : i32
      %shift_right_logical3A_461 = arith.shrui %add3A_459, %shift_right_logical3A_460 : i32
      %rem3A_462 = arith.constant 32 : i32
      %rem3A_463 = arith.remsi %add3A_459, %rem3A_462 : i32
      %dma_start3A_464 = arith.constant 2 : i32
      %dma_start3A_465 = arith.constant 5 : i32
      %dma_start3A_466 = arith.constant 2856 : i32
      %dma_start3A_467 = tpu.memref_slice %arg10[%dma_start3A_466] : memref<8704xf32, #tpu.memory_space<vmem>> -> memref<128xf32, #tpu.memory_space<vmem>>
      %dma_start3A_468 = arith.constant 0 : i32
      %dma_start3A_469 = tpu.memref_slice %arg5[%shift_right_logical3A_461, %dma_start3A_464, %rem3A_463, %dma_start3A_465, %dma_start3A_468] : memref<200x8x32x8x128xf32, #tpu.memory_space<hbm>> -> memref<1x1x1x1x128xf32, #tpu.memory_space<hbm>>
      %dma_start3A_470 = tpu.memref_squeeze %dma_start3A_469 : memref<1x1x1x1x128xf32, #tpu.memory_space<hbm>> -> memref<128xf32, #tpu.memory_space<hbm>>
      %dma_start3A_471 = arith.constant 0 : i32
      %dma_start3A_472 = tpu.memref_slice %arg5[%shift_right_logical3A_461, %dma_start3A_464, %rem3A_463, %dma_start3A_465, %dma_start3A_471] : memref<200x8x32x8x128xf32, #tpu.memory_space<hbm>> -> memref<1x1x1x1x128xf32, #tpu.memory_space<hbm>>
      %dma_start3A_473 = tpu.memref_squeeze %dma_start3A_472 : memref<1x1x1x1x128xf32, #tpu.memory_space<hbm>> -> memref<128xf32, #tpu.memory_space<hbm>>
      %dma_start3A_474 = arith.constant 2856 : i32
      %dma_start3A_475 = tpu.memref_slice %arg10[%dma_start3A_474] : memref<8704xf32, #tpu.memory_space<vmem>> -> memref<128xf32, #tpu.memory_space<vmem>>
      tpu.enqueue_dma source(%dma_start3A_475 : memref<128xf32, #tpu.memory_space<vmem>>) target(%dma_start3A_473 : memref<128xf32, #tpu.memory_space<hbm>>) target_semaphore(%arg14 : memref<!tpu.dma_semaphore, #tpu.memory_space<semaphore_mem>>)
      %add3A_476 = arith.addi %mul3A_2, %add3A_57 : i32
      %shift_right_logical3A_477 = arith.constant 5 : i32
      %shift_right_logical3A_478 = arith.shrui %add3A_476, %shift_right_logical3A_477 : i32
      %rem3A_479 = arith.constant 32 : i32
      %rem3A_480 = arith.remsi %add3A_476, %rem3A_479 : i32
      %dma_start3A_481 = arith.constant 2 : i32
      %dma_start3A_482 = arith.constant 6 : i32
      %dma_start3A_483 = arith.constant 2992 : i32
      %dma_start3A_484 = tpu.memref_slice %arg10[%dma_start3A_483] : memref<8704xf32, #tpu.memory_space<vmem>> -> memref<128xf32, #tpu.memory_space<vmem>>
      %dma_start3A_485 = arith.constant 0 : i32
      %dma_start3A_486 = tpu.memref_slice %arg5[%shift_right_logical3A_478, %dma_start3A_481, %rem3A_480, %dma_start3A_482, %dma_start3A_485] : memref<200x8x32x8x128xf32, #tpu.memory_space<hbm>> -> memref<1x1x1x1x128xf32, #tpu.memory_space<hbm>>
      %dma_start3A_487 = tpu.memref_squeeze %dma_start3A_486 : memref<1x1x1x1x128xf32, #tpu.memory_space<hbm>> -> memref<128xf32, #tpu.memory_space<hbm>>
      %dma_start3A_488 = arith.constant 0 : i32
      %dma_start3A_489 = tpu.memref_slice %arg5[%shift_right_logical3A_478, %dma_start3A_481, %rem3A_480, %dma_start3A_482, %dma_start3A_488] : memref<200x8x32x8x128xf32, #tpu.memory_space<hbm>> -> memref<1x1x1x1x128xf32, #tpu.memory_space<hbm>>
      %dma_start3A_490 = tpu.memref_squeeze %dma_start3A_489 : memref<1x1x1x1x128xf32, #tpu.memory_space<hbm>> -> memref<128xf32, #tpu.memory_space<hbm>>
      %dma_start3A_491 = arith.constant 2992 : i32
      %dma_start3A_492 = tpu.memref_slice %arg10[%dma_start3A_491] : memref<8704xf32, #tpu.memory_space<vmem>> -> memref<128xf32, #tpu.memory_space<vmem>>
      tpu.enqueue_dma source(%dma_start3A_492 : memref<128xf32, #tpu.memory_space<vmem>>) target(%dma_start3A_490 : memref<128xf32, #tpu.memory_space<hbm>>) target_semaphore(%arg14 : memref<!tpu.dma_semaphore, #tpu.memory_space<semaphore_mem>>)
      %add3A_493 = arith.addi %mul3A_2, %add3A_57 : i32
      %shift_right_logical3A_494 = arith.constant 5 : i32
      %shift_right_logical3A_495 = arith.shrui %add3A_493, %shift_right_logical3A_494 : i32
      %rem3A_496 = arith.constant 32 : i32
      %rem3A_497 = arith.remsi %add3A_493, %rem3A_496 : i32
      %dma_start3A_498 = arith.constant 2 : i32
      %dma_start3A_499 = arith.constant 7 : i32
      %dma_start3A_500 = arith.constant 3128 : i32
      %dma_start3A_501 = tpu.memref_slice %arg10[%dma_start3A_500] : memref<8704xf32, #tpu.memory_space<vmem>> -> memref<128xf32, #tpu.memory_space<vmem>>
      %dma_start3A_502 = arith.constant 0 : i32
      %dma_start3A_503 = tpu.memref_slice %arg5[%shift_right_logical3A_495, %dma_start3A_498, %rem3A_497, %dma_start3A_499, %dma_start3A_502] : memref<200x8x32x8x128xf32, #tpu.memory_space<hbm>> -> memref<1x1x1x1x128xf32, #tpu.memory_space<hbm>>
      %dma_start3A_504 = tpu.memref_squeeze %dma_start3A_503 : memref<1x1x1x1x128xf32, #tpu.memory_space<hbm>> -> memref<128xf32, #tpu.memory_space<hbm>>
      %dma_start3A_505 = arith.constant 0 : i32
      %dma_start3A_506 = tpu.memref_slice %arg5[%shift_right_logical3A_495, %dma_start3A_498, %rem3A_497, %dma_start3A_499, %dma_start3A_505] : memref<200x8x32x8x128xf32, #tpu.memory_space<hbm>> -> memref<1x1x1x1x128xf32, #tpu.memory_space<hbm>>
      %dma_start3A_507 = tpu.memref_squeeze %dma_start3A_506 : memref<1x1x1x1x128xf32, #tpu.memory_space<hbm>> -> memref<128xf32, #tpu.memory_space<hbm>>
      %dma_start3A_508 = arith.constant 3128 : i32
      %dma_start3A_509 = tpu.memref_slice %arg10[%dma_start3A_508] : memref<8704xf32, #tpu.memory_space<vmem>> -> memref<128xf32, #tpu.memory_space<vmem>>
      tpu.enqueue_dma source(%dma_start3A_509 : memref<128xf32, #tpu.memory_space<vmem>>) target(%dma_start3A_507 : memref<128xf32, #tpu.memory_space<hbm>>) target_semaphore(%arg14 : memref<!tpu.dma_semaphore, #tpu.memory_space<semaphore_mem>>)
      %add3A_510 = arith.addi %mul3A_2, %add3A_57 : i32
      %shift_right_logical3A_511 = arith.constant 5 : i32
      %shift_right_logical3A_512 = arith.shrui %add3A_510, %shift_right_logical3A_511 : i32
      %rem3A_513 = arith.constant 32 : i32
      %rem3A_514 = arith.remsi %add3A_510, %rem3A_513 : i32
      %dma_start3A_515 = arith.constant 3 : i32
      %dma_start3A_516 = arith.constant 0 : i32
      %dma_start3A_517 = arith.constant 3264 : i32
      %dma_start3A_518 = tpu.memref_slice %arg10[%dma_start3A_517] : memref<8704xf32, #tpu.memory_space<vmem>> -> memref<128xf32, #tpu.memory_space<vmem>>
      %dma_start3A_519 = arith.constant 0 : i32
      %dma_start3A_520 = tpu.memref_slice %arg5[%shift_right_logical3A_512, %dma_start3A_515, %rem3A_514, %dma_start3A_516, %dma_start3A_519] : memref<200x8x32x8x128xf32, #tpu.memory_space<hbm>> -> memref<1x1x1x1x128xf32, #tpu.memory_space<hbm>>
      %dma_start3A_521 = tpu.memref_squeeze %dma_start3A_520 : memref<1x1x1x1x128xf32, #tpu.memory_space<hbm>> -> memref<128xf32, #tpu.memory_space<hbm>>
      %dma_start3A_522 = arith.constant 0 : i32
      %dma_start3A_523 = tpu.memref_slice %arg5[%shift_right_logical3A_512, %dma_start3A_515, %rem3A_514, %dma_start3A_516, %dma_start3A_522] : memref<200x8x32x8x128xf32, #tpu.memory_space<hbm>> -> memref<1x1x1x1x128xf32, #tpu.memory_space<hbm>>
      %dma_start3A_524 = tpu.memref_squeeze %dma_start3A_523 : memref<1x1x1x1x128xf32, #tpu.memory_space<hbm>> -> memref<128xf32, #tpu.memory_space<hbm>>
      %dma_start3A_525 = arith.constant 3264 : i32
      %dma_start3A_526 = tpu.memref_slice %arg10[%dma_start3A_525] : memref<8704xf32, #tpu.memory_space<vmem>> -> memref<128xf32, #tpu.memory_space<vmem>>
      tpu.enqueue_dma source(%dma_start3A_526 : memref<128xf32, #tpu.memory_space<vmem>>) target(%dma_start3A_524 : memref<128xf32, #tpu.memory_space<hbm>>) target_semaphore(%arg14 : memref<!tpu.dma_semaphore, #tpu.memory_space<semaphore_mem>>)
      %add3A_527 = arith.addi %mul3A_2, %add3A_57 : i32
      %shift_right_logical3A_528 = arith.constant 5 : i32
      %shift_right_logical3A_529 = arith.shrui %add3A_527, %shift_right_logical3A_528 : i32
      %rem3A_530 = arith.constant 32 : i32
      %rem3A_531 = arith.remsi %add3A_527, %rem3A_530 : i32
      %dma_start3A_532 = arith.constant 3 : i32
      %dma_start3A_533 = arith.constant 1 : i32
      %dma_start3A_534 = arith.constant 3400 : i32
      %dma_start3A_535 = tpu.memref_slice %arg10[%dma_start3A_534] : memref<8704xf32, #tpu.memory_space<vmem>> -> memref<128xf32, #tpu.memory_space<vmem>>
      %dma_start3A_536 = arith.constant 0 : i32
      %dma_start3A_537 = tpu.memref_slice %arg5[%shift_right_logical3A_529, %dma_start3A_532, %rem3A_531, %dma_start3A_533, %dma_start3A_536] : memref<200x8x32x8x128xf32, #tpu.memory_space<hbm>> -> memref<1x1x1x1x128xf32, #tpu.memory_space<hbm>>
      %dma_start3A_538 = tpu.memref_squeeze %dma_start3A_537 : memref<1x1x1x1x128xf32, #tpu.memory_space<hbm>> -> memref<128xf32, #tpu.memory_space<hbm>>
      %dma_start3A_539 = arith.constant 0 : i32
      %dma_start3A_540 = tpu.memref_slice %arg5[%shift_right_logical3A_529, %dma_start3A_532, %rem3A_531, %dma_start3A_533, %dma_start3A_539] : memref<200x8x32x8x128xf32, #tpu.memory_space<hbm>> -> memref<1x1x1x1x128xf32, #tpu.memory_space<hbm>>
      %dma_start3A_541 = tpu.memref_squeeze %dma_start3A_540 : memref<1x1x1x1x128xf32, #tpu.memory_space<hbm>> -> memref<128xf32, #tpu.memory_space<hbm>>
      %dma_start3A_542 = arith.constant 3400 : i32
      %dma_start3A_543 = tpu.memref_slice %arg10[%dma_start3A_542] : memref<8704xf32, #tpu.memory_space<vmem>> -> memref<128xf32, #tpu.memory_space<vmem>>
      tpu.enqueue_dma source(%dma_start3A_543 : memref<128xf32, #tpu.memory_space<vmem>>) target(%dma_start3A_541 : memref<128xf32, #tpu.memory_space<hbm>>) target_semaphore(%arg14 : memref<!tpu.dma_semaphore, #tpu.memory_space<semaphore_mem>>)
      %add3A_544 = arith.addi %mul3A_2, %add3A_57 : i32
      %shift_right_logical3A_545 = arith.constant 5 : i32
      %shift_right_logical3A_546 = arith.shrui %add3A_544, %shift_right_logical3A_545 : i32
      %rem3A_547 = arith.constant 32 : i32
      %rem3A_548 = arith.remsi %add3A_544, %rem3A_547 : i32
      %dma_start3A_549 = arith.constant 3 : i32
      %dma_start3A_550 = arith.constant 2 : i32
      %dma_start3A_551 = arith.constant 3536 : i32
      %dma_start3A_552 = tpu.memref_slice %arg10[%dma_start3A_551] : memref<8704xf32, #tpu.memory_space<vmem>> -> memref<128xf32, #tpu.memory_space<vmem>>
      %dma_start3A_553 = arith.constant 0 : i32
      %dma_start3A_554 = tpu.memref_slice %arg5[%shift_right_logical3A_546, %dma_start3A_549, %rem3A_548, %dma_start3A_550, %dma_start3A_553] : memref<200x8x32x8x128xf32, #tpu.memory_space<hbm>> -> memref<1x1x1x1x128xf32, #tpu.memory_space<hbm>>
      %dma_start3A_555 = tpu.memref_squeeze %dma_start3A_554 : memref<1x1x1x1x128xf32, #tpu.memory_space<hbm>> -> memref<128xf32, #tpu.memory_space<hbm>>
      %dma_start3A_556 = arith.constant 0 : i32
      %dma_start3A_557 = tpu.memref_slice %arg5[%shift_right_logical3A_546, %dma_start3A_549, %rem3A_548, %dma_start3A_550, %dma_start3A_556] : memref<200x8x32x8x128xf32, #tpu.memory_space<hbm>> -> memref<1x1x1x1x128xf32, #tpu.memory_space<hbm>>
      %dma_start3A_558 = tpu.memref_squeeze %dma_start3A_557 : memref<1x1x1x1x128xf32, #tpu.memory_space<hbm>> -> memref<128xf32, #tpu.memory_space<hbm>>
      %dma_start3A_559 = arith.constant 3536 : i32
      %dma_start3A_560 = tpu.memref_slice %arg10[%dma_start3A_559] : memref<8704xf32, #tpu.memory_space<vmem>> -> memref<128xf32, #tpu.memory_space<vmem>>
      tpu.enqueue_dma source(%dma_start3A_560 : memref<128xf32, #tpu.memory_space<vmem>>) target(%dma_start3A_558 : memref<128xf32, #tpu.memory_space<hbm>>) target_semaphore(%arg14 : memref<!tpu.dma_semaphore, #tpu.memory_space<semaphore_mem>>)
      %add3A_561 = arith.addi %mul3A_2, %add3A_57 : i32
      %shift_right_logical3A_562 = arith.constant 5 : i32
      %shift_right_logical3A_563 = arith.shrui %add3A_561, %shift_right_logical3A_562 : i32
      %rem3A_564 = arith.constant 32 : i32
      %rem3A_565 = arith.remsi %add3A_561, %rem3A_564 : i32
      %dma_start3A_566 = arith.constant 3 : i32
      %dma_start3A_567 = arith.constant 3 : i32
      %dma_start3A_568 = arith.constant 3672 : i32
      %dma_start3A_569 = tpu.memref_slice %arg10[%dma_start3A_568] : memref<8704xf32, #tpu.memory_space<vmem>> -> memref<128xf32, #tpu.memory_space<vmem>>
      %dma_start3A_570 = arith.constant 0 : i32
      %dma_start3A_571 = tpu.memref_slice %arg5[%shift_right_logical3A_563, %dma_start3A_566, %rem3A_565, %dma_start3A_567, %dma_start3A_570] : memref<200x8x32x8x128xf32, #tpu.memory_space<hbm>> -> memref<1x1x1x1x128xf32, #tpu.memory_space<hbm>>
      %dma_start3A_572 = tpu.memref_squeeze %dma_start3A_571 : memref<1x1x1x1x128xf32, #tpu.memory_space<hbm>> -> memref<128xf32, #tpu.memory_space<hbm>>
      %dma_start3A_573 = arith.constant 0 : i32
      %dma_start3A_574 = tpu.memref_slice %arg5[%shift_right_logical3A_563, %dma_start3A_566, %rem3A_565, %dma_start3A_567, %dma_start3A_573] : memref<200x8x32x8x128xf32, #tpu.memory_space<hbm>> -> memref<1x1x1x1x128xf32, #tpu.memory_space<hbm>>
      %dma_start3A_575 = tpu.memref_squeeze %dma_start3A_574 : memref<1x1x1x1x128xf32, #tpu.memory_space<hbm>> -> memref<128xf32, #tpu.memory_space<hbm>>
      %dma_start3A_576 = arith.constant 3672 : i32
      %dma_start3A_577 = tpu.memref_slice %arg10[%dma_start3A_576] : memref<8704xf32, #tpu.memory_space<vmem>> -> memref<128xf32, #tpu.memory_space<vmem>>
      tpu.enqueue_dma source(%dma_start3A_577 : memref<128xf32, #tpu.memory_space<vmem>>) target(%dma_start3A_575 : memref<128xf32, #tpu.memory_space<hbm>>) target_semaphore(%arg14 : memref<!tpu.dma_semaphore, #tpu.memory_space<semaphore_mem>>)
      %add3A_578 = arith.addi %mul3A_2, %add3A_57 : i32
      %shift_right_logical3A_579 = arith.constant 5 : i32
      %shift_right_logical3A_580 = arith.shrui %add3A_578, %shift_right_logical3A_579 : i32
      %rem3A_581 = arith.constant 32 : i32
      %rem3A_582 = arith.remsi %add3A_578, %rem3A_581 : i32
      %dma_start3A_583 = arith.constant 3 : i32
      %dma_start3A_584 = arith.constant 4 : i32
      %dma_start3A_585 = arith.constant 3808 : i32
      %dma_start3A_586 = tpu.memref_slice %arg10[%dma_start3A_585] : memref<8704xf32, #tpu.memory_space<vmem>> -> memref<128xf32, #tpu.memory_space<vmem>>
      %dma_start3A_587 = arith.constant 0 : i32
      %dma_start3A_588 = tpu.memref_slice %arg5[%shift_right_logical3A_580, %dma_start3A_583, %rem3A_582, %dma_start3A_584, %dma_start3A_587] : memref<200x8x32x8x128xf32, #tpu.memory_space<hbm>> -> memref<1x1x1x1x128xf32, #tpu.memory_space<hbm>>
      %dma_start3A_589 = tpu.memref_squeeze %dma_start3A_588 : memref<1x1x1x1x128xf32, #tpu.memory_space<hbm>> -> memref<128xf32, #tpu.memory_space<hbm>>
      %dma_start3A_590 = arith.constant 0 : i32
      %dma_start3A_591 = tpu.memref_slice %arg5[%shift_right_logical3A_580, %dma_start3A_583, %rem3A_582, %dma_start3A_584, %dma_start3A_590] : memref<200x8x32x8x128xf32, #tpu.memory_space<hbm>> -> memref<1x1x1x1x128xf32, #tpu.memory_space<hbm>>
      %dma_start3A_592 = tpu.memref_squeeze %dma_start3A_591 : memref<1x1x1x1x128xf32, #tpu.memory_space<hbm>> -> memref<128xf32, #tpu.memory_space<hbm>>
      %dma_start3A_593 = arith.constant 3808 : i32
      %dma_start3A_594 = tpu.memref_slice %arg10[%dma_start3A_593] : memref<8704xf32, #tpu.memory_space<vmem>> -> memref<128xf32, #tpu.memory_space<vmem>>
      tpu.enqueue_dma source(%dma_start3A_594 : memref<128xf32, #tpu.memory_space<vmem>>) target(%dma_start3A_592 : memref<128xf32, #tpu.memory_space<hbm>>) target_semaphore(%arg14 : memref<!tpu.dma_semaphore, #tpu.memory_space<semaphore_mem>>)
      %add3A_595 = arith.addi %mul3A_2, %add3A_57 : i32
      %shift_right_logical3A_596 = arith.constant 5 : i32
      %shift_right_logical3A_597 = arith.shrui %add3A_595, %shift_right_logical3A_596 : i32
      %rem3A_598 = arith.constant 32 : i32
      %rem3A_599 = arith.remsi %add3A_595, %rem3A_598 : i32
      %dma_start3A_600 = arith.constant 3 : i32
      %dma_start3A_601 = arith.constant 5 : i32
      %dma_start3A_602 = arith.constant 3944 : i32
      %dma_start3A_603 = tpu.memref_slice %arg10[%dma_start3A_602] : memref<8704xf32, #tpu.memory_space<vmem>> -> memref<128xf32, #tpu.memory_space<vmem>>
      %dma_start3A_604 = arith.constant 0 : i32
      %dma_start3A_605 = tpu.memref_slice %arg5[%shift_right_logical3A_597, %dma_start3A_600, %rem3A_599, %dma_start3A_601, %dma_start3A_604] : memref<200x8x32x8x128xf32, #tpu.memory_space<hbm>> -> memref<1x1x1x1x128xf32, #tpu.memory_space<hbm>>
      %dma_start3A_606 = tpu.memref_squeeze %dma_start3A_605 : memref<1x1x1x1x128xf32, #tpu.memory_space<hbm>> -> memref<128xf32, #tpu.memory_space<hbm>>
      %dma_start3A_607 = arith.constant 0 : i32
      %dma_start3A_608 = tpu.memref_slice %arg5[%shift_right_logical3A_597, %dma_start3A_600, %rem3A_599, %dma_start3A_601, %dma_start3A_607] : memref<200x8x32x8x128xf32, #tpu.memory_space<hbm>> -> memref<1x1x1x1x128xf32, #tpu.memory_space<hbm>>
      %dma_start3A_609 = tpu.memref_squeeze %dma_start3A_608 : memref<1x1x1x1x128xf32, #tpu.memory_space<hbm>> -> memref<128xf32, #tpu.memory_space<hbm>>
      %dma_start3A_610 = arith.constant 3944 : i32
      %dma_start3A_611 = tpu.memref_slice %arg10[%dma_start3A_610] : memref<8704xf32, #tpu.memory_space<vmem>> -> memref<128xf32, #tpu.memory_space<vmem>>
      tpu.enqueue_dma source(%dma_start3A_611 : memref<128xf32, #tpu.memory_space<vmem>>) target(%dma_start3A_609 : memref<128xf32, #tpu.memory_space<hbm>>) target_semaphore(%arg14 : memref<!tpu.dma_semaphore, #tpu.memory_space<semaphore_mem>>)
      %add3A_612 = arith.addi %mul3A_2, %add3A_57 : i32
      %shift_right_logical3A_613 = arith.constant 5 : i32
      %shift_right_logical3A_614 = arith.shrui %add3A_612, %shift_right_logical3A_613 : i32
      %rem3A_615 = arith.constant 32 : i32
      %rem3A_616 = arith.remsi %add3A_612, %rem3A_615 : i32
      %dma_start3A_617 = arith.constant 3 : i32
      %dma_start3A_618 = arith.constant 6 : i32
      %dma_start3A_619 = arith.constant 4080 : i32
      %dma_start3A_620 = tpu.memref_slice %arg10[%dma_start3A_619] : memref<8704xf32, #tpu.memory_space<vmem>> -> memref<128xf32, #tpu.memory_space<vmem>>
      %dma_start3A_621 = arith.constant 0 : i32
      %dma_start3A_622 = tpu.memref_slice %arg5[%shift_right_logical3A_614, %dma_start3A_617, %rem3A_616, %dma_start3A_618, %dma_start3A_621] : memref<200x8x32x8x128xf32, #tpu.memory_space<hbm>> -> memref<1x1x1x1x128xf32, #tpu.memory_space<hbm>>
      %dma_start3A_623 = tpu.memref_squeeze %dma_start3A_622 : memref<1x1x1x1x128xf32, #tpu.memory_space<hbm>> -> memref<128xf32, #tpu.memory_space<hbm>>
      %dma_start3A_624 = arith.constant 0 : i32
      %dma_start3A_625 = tpu.memref_slice %arg5[%shift_right_logical3A_614, %dma_start3A_617, %rem3A_616, %dma_start3A_618, %dma_start3A_624] : memref<200x8x32x8x128xf32, #tpu.memory_space<hbm>> -> memref<1x1x1x1x128xf32, #tpu.memory_space<hbm>>
      %dma_start3A_626 = tpu.memref_squeeze %dma_start3A_625 : memref<1x1x1x1x128xf32, #tpu.memory_space<hbm>> -> memref<128xf32, #tpu.memory_space<hbm>>
      %dma_start3A_627 = arith.constant 4080 : i32
      %dma_start3A_628 = tpu.memref_slice %arg10[%dma_start3A_627] : memref<8704xf32, #tpu.memory_space<vmem>> -> memref<128xf32, #tpu.memory_space<vmem>>
      tpu.enqueue_dma source(%dma_start3A_628 : memref<128xf32, #tpu.memory_space<vmem>>) target(%dma_start3A_626 : memref<128xf32, #tpu.memory_space<hbm>>) target_semaphore(%arg14 : memref<!tpu.dma_semaphore, #tpu.memory_space<semaphore_mem>>)
      %add3A_629 = arith.addi %mul3A_2, %add3A_57 : i32
      %shift_right_logical3A_630 = arith.constant 5 : i32
      %shift_right_logical3A_631 = arith.shrui %add3A_629, %shift_right_logical3A_630 : i32
      %rem3A_632 = arith.constant 32 : i32
      %rem3A_633 = arith.remsi %add3A_629, %rem3A_632 : i32
      %dma_start3A_634 = arith.constant 3 : i32
      %dma_start3A_635 = arith.constant 7 : i32
      %dma_start3A_636 = arith.constant 4216 : i32
      %dma_start3A_637 = tpu.memref_slice %arg10[%dma_start3A_636] : memref<8704xf32, #tpu.memory_space<vmem>> -> memref<128xf32, #tpu.memory_space<vmem>>
      %dma_start3A_638 = arith.constant 0 : i32
      %dma_start3A_639 = tpu.memref_slice %arg5[%shift_right_logical3A_631, %dma_start3A_634, %rem3A_633, %dma_start3A_635, %dma_start3A_638] : memref<200x8x32x8x128xf32, #tpu.memory_space<hbm>> -> memref<1x1x1x1x128xf32, #tpu.memory_space<hbm>>
      %dma_start3A_640 = tpu.memref_squeeze %dma_start3A_639 : memref<1x1x1x1x128xf32, #tpu.memory_space<hbm>> -> memref<128xf32, #tpu.memory_space<hbm>>
      %dma_start3A_641 = arith.constant 0 : i32
      %dma_start3A_642 = tpu.memref_slice %arg5[%shift_right_logical3A_631, %dma_start3A_634, %rem3A_633, %dma_start3A_635, %dma_start3A_641] : memref<200x8x32x8x128xf32, #tpu.memory_space<hbm>> -> memref<1x1x1x1x128xf32, #tpu.memory_space<hbm>>
      %dma_start3A_643 = tpu.memref_squeeze %dma_start3A_642 : memref<1x1x1x1x128xf32, #tpu.memory_space<hbm>> -> memref<128xf32, #tpu.memory_space<hbm>>
      %dma_start3A_644 = arith.constant 4216 : i32
      %dma_start3A_645 = tpu.memref_slice %arg10[%dma_start3A_644] : memref<8704xf32, #tpu.memory_space<vmem>> -> memref<128xf32, #tpu.memory_space<vmem>>
      tpu.enqueue_dma source(%dma_start3A_645 : memref<128xf32, #tpu.memory_space<vmem>>) target(%dma_start3A_643 : memref<128xf32, #tpu.memory_space<hbm>>) target_semaphore(%arg14 : memref<!tpu.dma_semaphore, #tpu.memory_space<semaphore_mem>>)
      %add3A_646 = arith.addi %mul3A_2, %add3A_57 : i32
      %shift_right_logical3A_647 = arith.constant 5 : i32
      %shift_right_logical3A_648 = arith.shrui %add3A_646, %shift_right_logical3A_647 : i32
      %rem3A_649 = arith.constant 32 : i32
      %rem3A_650 = arith.remsi %add3A_646, %rem3A_649 : i32
      %dma_start3A_651 = arith.constant 4 : i32
      %dma_start3A_652 = arith.constant 0 : i32
      %dma_start3A_653 = arith.constant 4352 : i32
      %dma_start3A_654 = tpu.memref_slice %arg10[%dma_start3A_653] : memref<8704xf32, #tpu.memory_space<vmem>> -> memref<128xf32, #tpu.memory_space<vmem>>
      %dma_start3A_655 = arith.constant 0 : i32
      %dma_start3A_656 = tpu.memref_slice %arg5[%shift_right_logical3A_648, %dma_start3A_651, %rem3A_650, %dma_start3A_652, %dma_start3A_655] : memref<200x8x32x8x128xf32, #tpu.memory_space<hbm>> -> memref<1x1x1x1x128xf32, #tpu.memory_space<hbm>>
      %dma_start3A_657 = tpu.memref_squeeze %dma_start3A_656 : memref<1x1x1x1x128xf32, #tpu.memory_space<hbm>> -> memref<128xf32, #tpu.memory_space<hbm>>
      %dma_start3A_658 = arith.constant 0 : i32
      %dma_start3A_659 = tpu.memref_slice %arg5[%shift_right_logical3A_648, %dma_start3A_651, %rem3A_650, %dma_start3A_652, %dma_start3A_658] : memref<200x8x32x8x128xf32, #tpu.memory_space<hbm>> -> memref<1x1x1x1x128xf32, #tpu.memory_space<hbm>>
      %dma_start3A_660 = tpu.memref_squeeze %dma_start3A_659 : memref<1x1x1x1x128xf32, #tpu.memory_space<hbm>> -> memref<128xf32, #tpu.memory_space<hbm>>
      %dma_start3A_661 = arith.constant 4352 : i32
      %dma_start3A_662 = tpu.memref_slice %arg10[%dma_start3A_661] : memref<8704xf32, #tpu.memory_space<vmem>> -> memref<128xf32, #tpu.memory_space<vmem>>
      tpu.enqueue_dma source(%dma_start3A_662 : memref<128xf32, #tpu.memory_space<vmem>>) target(%dma_start3A_660 : memref<128xf32, #tpu.memory_space<hbm>>) target_semaphore(%arg14 : memref<!tpu.dma_semaphore, #tpu.memory_space<semaphore_mem>>)
      %add3A_663 = arith.addi %mul3A_2, %add3A_57 : i32
      %shift_right_logical3A_664 = arith.constant 5 : i32
      %shift_right_logical3A_665 = arith.shrui %add3A_663, %shift_right_logical3A_664 : i32
      %rem3A_666 = arith.constant 32 : i32
      %rem3A_667 = arith.remsi %add3A_663, %rem3A_666 : i32
      %dma_start3A_668 = arith.constant 4 : i32
      %dma_start3A_669 = arith.constant 1 : i32
      %dma_start3A_670 = arith.constant 4488 : i32
      %dma_start3A_671 = tpu.memref_slice %arg10[%dma_start3A_670] : memref<8704xf32, #tpu.memory_space<vmem>> -> memref<128xf32, #tpu.memory_space<vmem>>
      %dma_start3A_672 = arith.constant 0 : i32
      %dma_start3A_673 = tpu.memref_slice %arg5[%shift_right_logical3A_665, %dma_start3A_668, %rem3A_667, %dma_start3A_669, %dma_start3A_672] : memref<200x8x32x8x128xf32, #tpu.memory_space<hbm>> -> memref<1x1x1x1x128xf32, #tpu.memory_space<hbm>>
      %dma_start3A_674 = tpu.memref_squeeze %dma_start3A_673 : memref<1x1x1x1x128xf32, #tpu.memory_space<hbm>> -> memref<128xf32, #tpu.memory_space<hbm>>
      %dma_start3A_675 = arith.constant 0 : i32
      %dma_start3A_676 = tpu.memref_slice %arg5[%shift_right_logical3A_665, %dma_start3A_668, %rem3A_667, %dma_start3A_669, %dma_start3A_675] : memref<200x8x32x8x128xf32, #tpu.memory_space<hbm>> -> memref<1x1x1x1x128xf32, #tpu.memory_space<hbm>>
      %dma_start3A_677 = tpu.memref_squeeze %dma_start3A_676 : memref<1x1x1x1x128xf32, #tpu.memory_space<hbm>> -> memref<128xf32, #tpu.memory_space<hbm>>
      %dma_start3A_678 = arith.constant 4488 : i32
      %dma_start3A_679 = tpu.memref_slice %arg10[%dma_start3A_678] : memref<8704xf32, #tpu.memory_space<vmem>> -> memref<128xf32, #tpu.memory_space<vmem>>
      tpu.enqueue_dma source(%dma_start3A_679 : memref<128xf32, #tpu.memory_space<vmem>>) target(%dma_start3A_677 : memref<128xf32, #tpu.memory_space<hbm>>) target_semaphore(%arg14 : memref<!tpu.dma_semaphore, #tpu.memory_space<semaphore_mem>>)
      %add3A_680 = arith.addi %mul3A_2, %add3A_57 : i32
      %shift_right_logical3A_681 = arith.constant 5 : i32
      %shift_right_logical3A_682 = arith.shrui %add3A_680, %shift_right_logical3A_681 : i32
      %rem3A_683 = arith.constant 32 : i32
      %rem3A_684 = arith.remsi %add3A_680, %rem3A_683 : i32
      %dma_start3A_685 = arith.constant 4 : i32
      %dma_start3A_686 = arith.constant 2 : i32
      %dma_start3A_687 = arith.constant 4624 : i32
      %dma_start3A_688 = tpu.memref_slice %arg10[%dma_start3A_687] : memref<8704xf32, #tpu.memory_space<vmem>> -> memref<128xf32, #tpu.memory_space<vmem>>
      %dma_start3A_689 = arith.constant 0 : i32
      %dma_start3A_690 = tpu.memref_slice %arg5[%shift_right_logical3A_682, %dma_start3A_685, %rem3A_684, %dma_start3A_686, %dma_start3A_689] : memref<200x8x32x8x128xf32, #tpu.memory_space<hbm>> -> memref<1x1x1x1x128xf32, #tpu.memory_space<hbm>>
      %dma_start3A_691 = tpu.memref_squeeze %dma_start3A_690 : memref<1x1x1x1x128xf32, #tpu.memory_space<hbm>> -> memref<128xf32, #tpu.memory_space<hbm>>
      %dma_start3A_692 = arith.constant 0 : i32
      %dma_start3A_693 = tpu.memref_slice %arg5[%shift_right_logical3A_682, %dma_start3A_685, %rem3A_684, %dma_start3A_686, %dma_start3A_692] : memref<200x8x32x8x128xf32, #tpu.memory_space<hbm>> -> memref<1x1x1x1x128xf32, #tpu.memory_space<hbm>>
      %dma_start3A_694 = tpu.memref_squeeze %dma_start3A_693 : memref<1x1x1x1x128xf32, #tpu.memory_space<hbm>> -> memref<128xf32, #tpu.memory_space<hbm>>
      %dma_start3A_695 = arith.constant 4624 : i32
      %dma_start3A_696 = tpu.memref_slice %arg10[%dma_start3A_695] : memref<8704xf32, #tpu.memory_space<vmem>> -> memref<128xf32, #tpu.memory_space<vmem>>
      tpu.enqueue_dma source(%dma_start3A_696 : memref<128xf32, #tpu.memory_space<vmem>>) target(%dma_start3A_694 : memref<128xf32, #tpu.memory_space<hbm>>) target_semaphore(%arg14 : memref<!tpu.dma_semaphore, #tpu.memory_space<semaphore_mem>>)
      %add3A_697 = arith.addi %mul3A_2, %add3A_57 : i32
      %shift_right_logical3A_698 = arith.constant 5 : i32
      %shift_right_logical3A_699 = arith.shrui %add3A_697, %shift_right_logical3A_698 : i32
      %rem3A_700 = arith.constant 32 : i32
      %rem3A_701 = arith.remsi %add3A_697, %rem3A_700 : i32
      %dma_start3A_702 = arith.constant 4 : i32
      %dma_start3A_703 = arith.constant 3 : i32
      %dma_start3A_704 = arith.constant 4760 : i32
      %dma_start3A_705 = tpu.memref_slice %arg10[%dma_start3A_704] : memref<8704xf32, #tpu.memory_space<vmem>> -> memref<128xf32, #tpu.memory_space<vmem>>
      %dma_start3A_706 = arith.constant 0 : i32
      %dma_start3A_707 = tpu.memref_slice %arg5[%shift_right_logical3A_699, %dma_start3A_702, %rem3A_701, %dma_start3A_703, %dma_start3A_706] : memref<200x8x32x8x128xf32, #tpu.memory_space<hbm>> -> memref<1x1x1x1x128xf32, #tpu.memory_space<hbm>>
      %dma_start3A_708 = tpu.memref_squeeze %dma_start3A_707 : memref<1x1x1x1x128xf32, #tpu.memory_space<hbm>> -> memref<128xf32, #tpu.memory_space<hbm>>
      %dma_start3A_709 = arith.constant 0 : i32
      %dma_start3A_710 = tpu.memref_slice %arg5[%shift_right_logical3A_699, %dma_start3A_702, %rem3A_701, %dma_start3A_703, %dma_start3A_709] : memref<200x8x32x8x128xf32, #tpu.memory_space<hbm>> -> memref<1x1x1x1x128xf32, #tpu.memory_space<hbm>>
      %dma_start3A_711 = tpu.memref_squeeze %dma_start3A_710 : memref<1x1x1x1x128xf32, #tpu.memory_space<hbm>> -> memref<128xf32, #tpu.memory_space<hbm>>
      %dma_start3A_712 = arith.constant 4760 : i32
      %dma_start3A_713 = tpu.memref_slice %arg10[%dma_start3A_712] : memref<8704xf32, #tpu.memory_space<vmem>> -> memref<128xf32, #tpu.memory_space<vmem>>
      tpu.enqueue_dma source(%dma_start3A_713 : memref<128xf32, #tpu.memory_space<vmem>>) target(%dma_start3A_711 : memref<128xf32, #tpu.memory_space<hbm>>) target_semaphore(%arg14 : memref<!tpu.dma_semaphore, #tpu.memory_space<semaphore_mem>>)
      %add3A_714 = arith.addi %mul3A_2, %add3A_57 : i32
      %shift_right_logical3A_715 = arith.constant 5 : i32
      %shift_right_logical3A_716 = arith.shrui %add3A_714, %shift_right_logical3A_715 : i32
      %rem3A_717 = arith.constant 32 : i32
      %rem3A_718 = arith.remsi %add3A_714, %rem3A_717 : i32
      %dma_start3A_719 = arith.constant 4 : i32
      %dma_start3A_720 = arith.constant 4 : i32
      %dma_start3A_721 = arith.constant 4896 : i32
      %dma_start3A_722 = tpu.memref_slice %arg10[%dma_start3A_721] : memref<8704xf32, #tpu.memory_space<vmem>> -> memref<128xf32, #tpu.memory_space<vmem>>
      %dma_start3A_723 = arith.constant 0 : i32
      %dma_start3A_724 = tpu.memref_slice %arg5[%shift_right_logical3A_716, %dma_start3A_719, %rem3A_718, %dma_start3A_720, %dma_start3A_723] : memref<200x8x32x8x128xf32, #tpu.memory_space<hbm>> -> memref<1x1x1x1x128xf32, #tpu.memory_space<hbm>>
      %dma_start3A_725 = tpu.memref_squeeze %dma_start3A_724 : memref<1x1x1x1x128xf32, #tpu.memory_space<hbm>> -> memref<128xf32, #tpu.memory_space<hbm>>
      %dma_start3A_726 = arith.constant 0 : i32
      %dma_start3A_727 = tpu.memref_slice %arg5[%shift_right_logical3A_716, %dma_start3A_719, %rem3A_718, %dma_start3A_720, %dma_start3A_726] : memref<200x8x32x8x128xf32, #tpu.memory_space<hbm>> -> memref<1x1x1x1x128xf32, #tpu.memory_space<hbm>>
      %dma_start3A_728 = tpu.memref_squeeze %dma_start3A_727 : memref<1x1x1x1x128xf32, #tpu.memory_space<hbm>> -> memref<128xf32, #tpu.memory_space<hbm>>
      %dma_start3A_729 = arith.constant 4896 : i32
      %dma_start3A_730 = tpu.memref_slice %arg10[%dma_start3A_729] : memref<8704xf32, #tpu.memory_space<vmem>> -> memref<128xf32, #tpu.memory_space<vmem>>
      tpu.enqueue_dma source(%dma_start3A_730 : memref<128xf32, #tpu.memory_space<vmem>>) target(%dma_start3A_728 : memref<128xf32, #tpu.memory_space<hbm>>) target_semaphore(%arg14 : memref<!tpu.dma_semaphore, #tpu.memory_space<semaphore_mem>>)
      %add3A_731 = arith.addi %mul3A_2, %add3A_57 : i32
      %shift_right_logical3A_732 = arith.constant 5 : i32
      %shift_right_logical3A_733 = arith.shrui %add3A_731, %shift_right_logical3A_732 : i32
      %rem3A_734 = arith.constant 32 : i32
      %rem3A_735 = arith.remsi %add3A_731, %rem3A_734 : i32
      %dma_start3A_736 = arith.constant 4 : i32
      %dma_start3A_737 = arith.constant 5 : i32
      %dma_start3A_738 = arith.constant 5032 : i32
      %dma_start3A_739 = tpu.memref_slice %arg10[%dma_start3A_738] : memref<8704xf32, #tpu.memory_space<vmem>> -> memref<128xf32, #tpu.memory_space<vmem>>
      %dma_start3A_740 = arith.constant 0 : i32
      %dma_start3A_741 = tpu.memref_slice %arg5[%shift_right_logical3A_733, %dma_start3A_736, %rem3A_735, %dma_start3A_737, %dma_start3A_740] : memref<200x8x32x8x128xf32, #tpu.memory_space<hbm>> -> memref<1x1x1x1x128xf32, #tpu.memory_space<hbm>>
      %dma_start3A_742 = tpu.memref_squeeze %dma_start3A_741 : memref<1x1x1x1x128xf32, #tpu.memory_space<hbm>> -> memref<128xf32, #tpu.memory_space<hbm>>
      %dma_start3A_743 = arith.constant 0 : i32
      %dma_start3A_744 = tpu.memref_slice %arg5[%shift_right_logical3A_733, %dma_start3A_736, %rem3A_735, %dma_start3A_737, %dma_start3A_743] : memref<200x8x32x8x128xf32, #tpu.memory_space<hbm>> -> memref<1x1x1x1x128xf32, #tpu.memory_space<hbm>>
      %dma_start3A_745 = tpu.memref_squeeze %dma_start3A_744 : memref<1x1x1x1x128xf32, #tpu.memory_space<hbm>> -> memref<128xf32, #tpu.memory_space<hbm>>
      %dma_start3A_746 = arith.constant 5032 : i32
      %dma_start3A_747 = tpu.memref_slice %arg10[%dma_start3A_746] : memref<8704xf32, #tpu.memory_space<vmem>> -> memref<128xf32, #tpu.memory_space<vmem>>
      tpu.enqueue_dma source(%dma_start3A_747 : memref<128xf32, #tpu.memory_space<vmem>>) target(%dma_start3A_745 : memref<128xf32, #tpu.memory_space<hbm>>) target_semaphore(%arg14 : memref<!tpu.dma_semaphore, #tpu.memory_space<semaphore_mem>>)
      %add3A_748 = arith.addi %mul3A_2, %add3A_57 : i32
      %shift_right_logical3A_749 = arith.constant 5 : i32
      %shift_right_logical3A_750 = arith.shrui %add3A_748, %shift_right_logical3A_749 : i32
      %rem3A_751 = arith.constant 32 : i32
      %rem3A_752 = arith.remsi %add3A_748, %rem3A_751 : i32
      %dma_start3A_753 = arith.constant 4 : i32
      %dma_start3A_754 = arith.constant 6 : i32
      %dma_start3A_755 = arith.constant 5168 : i32
      %dma_start3A_756 = tpu.memref_slice %arg10[%dma_start3A_755] : memref<8704xf32, #tpu.memory_space<vmem>> -> memref<128xf32, #tpu.memory_space<vmem>>
      %dma_start3A_757 = arith.constant 0 : i32
      %dma_start3A_758 = tpu.memref_slice %arg5[%shift_right_logical3A_750, %dma_start3A_753, %rem3A_752, %dma_start3A_754, %dma_start3A_757] : memref<200x8x32x8x128xf32, #tpu.memory_space<hbm>> -> memref<1x1x1x1x128xf32, #tpu.memory_space<hbm>>
      %dma_start3A_759 = tpu.memref_squeeze %dma_start3A_758 : memref<1x1x1x1x128xf32, #tpu.memory_space<hbm>> -> memref<128xf32, #tpu.memory_space<hbm>>
      %dma_start3A_760 = arith.constant 0 : i32
      %dma_start3A_761 = tpu.memref_slice %arg5[%shift_right_logical3A_750, %dma_start3A_753, %rem3A_752, %dma_start3A_754, %dma_start3A_760] : memref<200x8x32x8x128xf32, #tpu.memory_space<hbm>> -> memref<1x1x1x1x128xf32, #tpu.memory_space<hbm>>
      %dma_start3A_762 = tpu.memref_squeeze %dma_start3A_761 : memref<1x1x1x1x128xf32, #tpu.memory_space<hbm>> -> memref<128xf32, #tpu.memory_space<hbm>>
      %dma_start3A_763 = arith.constant 5168 : i32
      %dma_start3A_764 = tpu.memref_slice %arg10[%dma_start3A_763] : memref<8704xf32, #tpu.memory_space<vmem>> -> memref<128xf32, #tpu.memory_space<vmem>>
      tpu.enqueue_dma source(%dma_start3A_764 : memref<128xf32, #tpu.memory_space<vmem>>) target(%dma_start3A_762 : memref<128xf32, #tpu.memory_space<hbm>>) target_semaphore(%arg14 : memref<!tpu.dma_semaphore, #tpu.memory_space<semaphore_mem>>)
      %add3A_765 = arith.addi %mul3A_2, %add3A_57 : i32
      %shift_right_logical3A_766 = arith.constant 5 : i32
      %shift_right_logical3A_767 = arith.shrui %add3A_765, %shift_right_logical3A_766 : i32
      %rem3A_768 = arith.constant 32 : i32
      %rem3A_769 = arith.remsi %add3A_765, %rem3A_768 : i32
      %dma_start3A_770 = arith.constant 4 : i32
      %dma_start3A_771 = arith.constant 7 : i32
      %dma_start3A_772 = arith.constant 5304 : i32
      %dma_start3A_773 = tpu.memref_slice %arg10[%dma_start3A_772] : memref<8704xf32, #tpu.memory_space<vmem>> -> memref<128xf32, #tpu.memory_space<vmem>>
      %dma_start3A_774 = arith.constant 0 : i32
      %dma_start3A_775 = tpu.memref_slice %arg5[%shift_right_logical3A_767, %dma_start3A_770, %rem3A_769, %dma_start3A_771, %dma_start3A_774] : memref<200x8x32x8x128xf32, #tpu.memory_space<hbm>> -> memref<1x1x1x1x128xf32, #tpu.memory_space<hbm>>
      %dma_start3A_776 = tpu.memref_squeeze %dma_start3A_775 : memref<1x1x1x1x128xf32, #tpu.memory_space<hbm>> -> memref<128xf32, #tpu.memory_space<hbm>>
      %dma_start3A_777 = arith.constant 0 : i32
      %dma_start3A_778 = tpu.memref_slice %arg5[%shift_right_logical3A_767, %dma_start3A_770, %rem3A_769, %dma_start3A_771, %dma_start3A_777] : memref<200x8x32x8x128xf32, #tpu.memory_space<hbm>> -> memref<1x1x1x1x128xf32, #tpu.memory_space<hbm>>
      %dma_start3A_779 = tpu.memref_squeeze %dma_start3A_778 : memref<1x1x1x1x128xf32, #tpu.memory_space<hbm>> -> memref<128xf32, #tpu.memory_space<hbm>>
      %dma_start3A_780 = arith.constant 5304 : i32
      %dma_start3A_781 = tpu.memref_slice %arg10[%dma_start3A_780] : memref<8704xf32, #tpu.memory_space<vmem>> -> memref<128xf32, #tpu.memory_space<vmem>>
      tpu.enqueue_dma source(%dma_start3A_781 : memref<128xf32, #tpu.memory_space<vmem>>) target(%dma_start3A_779 : memref<128xf32, #tpu.memory_space<hbm>>) target_semaphore(%arg14 : memref<!tpu.dma_semaphore, #tpu.memory_space<semaphore_mem>>)
      %add3A_782 = arith.addi %mul3A_2, %add3A_57 : i32
      %shift_right_logical3A_783 = arith.constant 5 : i32
      %shift_right_logical3A_784 = arith.shrui %add3A_782, %shift_right_logical3A_783 : i32
      %rem3A_785 = arith.constant 32 : i32
      %rem3A_786 = arith.remsi %add3A_782, %rem3A_785 : i32
      %dma_start3A_787 = arith.constant 5 : i32
      %dma_start3A_788 = arith.constant 0 : i32
      %dma_start3A_789 = arith.constant 5440 : i32
      %dma_start3A_790 = tpu.memref_slice %arg10[%dma_start3A_789] : memref<8704xf32, #tpu.memory_space<vmem>> -> memref<128xf32, #tpu.memory_space<vmem>>
      %dma_start3A_791 = arith.constant 0 : i32
      %dma_start3A_792 = tpu.memref_slice %arg5[%shift_right_logical3A_784, %dma_start3A_787, %rem3A_786, %dma_start3A_788, %dma_start3A_791] : memref<200x8x32x8x128xf32, #tpu.memory_space<hbm>> -> memref<1x1x1x1x128xf32, #tpu.memory_space<hbm>>
      %dma_start3A_793 = tpu.memref_squeeze %dma_start3A_792 : memref<1x1x1x1x128xf32, #tpu.memory_space<hbm>> -> memref<128xf32, #tpu.memory_space<hbm>>
      %dma_start3A_794 = arith.constant 0 : i32
      %dma_start3A_795 = tpu.memref_slice %arg5[%shift_right_logical3A_784, %dma_start3A_787, %rem3A_786, %dma_start3A_788, %dma_start3A_794] : memref<200x8x32x8x128xf32, #tpu.memory_space<hbm>> -> memref<1x1x1x1x128xf32, #tpu.memory_space<hbm>>
      %dma_start3A_796 = tpu.memref_squeeze %dma_start3A_795 : memref<1x1x1x1x128xf32, #tpu.memory_space<hbm>> -> memref<128xf32, #tpu.memory_space<hbm>>
      %dma_start3A_797 = arith.constant 5440 : i32
      %dma_start3A_798 = tpu.memref_slice %arg10[%dma_start3A_797] : memref<8704xf32, #tpu.memory_space<vmem>> -> memref<128xf32, #tpu.memory_space<vmem>>
      tpu.enqueue_dma source(%dma_start3A_798 : memref<128xf32, #tpu.memory_space<vmem>>) target(%dma_start3A_796 : memref<128xf32, #tpu.memory_space<hbm>>) target_semaphore(%arg14 : memref<!tpu.dma_semaphore, #tpu.memory_space<semaphore_mem>>)
      %add3A_799 = arith.addi %mul3A_2, %add3A_57 : i32
      %shift_right_logical3A_800 = arith.constant 5 : i32
      %shift_right_logical3A_801 = arith.shrui %add3A_799, %shift_right_logical3A_800 : i32
      %rem3A_802 = arith.constant 32 : i32
      %rem3A_803 = arith.remsi %add3A_799, %rem3A_802 : i32
      %dma_start3A_804 = arith.constant 5 : i32
      %dma_start3A_805 = arith.constant 1 : i32
      %dma_start3A_806 = arith.constant 5576 : i32
      %dma_start3A_807 = tpu.memref_slice %arg10[%dma_start3A_806] : memref<8704xf32, #tpu.memory_space<vmem>> -> memref<128xf32, #tpu.memory_space<vmem>>
      %dma_start3A_808 = arith.constant 0 : i32
      %dma_start3A_809 = tpu.memref_slice %arg5[%shift_right_logical3A_801, %dma_start3A_804, %rem3A_803, %dma_start3A_805, %dma_start3A_808] : memref<200x8x32x8x128xf32, #tpu.memory_space<hbm>> -> memref<1x1x1x1x128xf32, #tpu.memory_space<hbm>>
      %dma_start3A_810 = tpu.memref_squeeze %dma_start3A_809 : memref<1x1x1x1x128xf32, #tpu.memory_space<hbm>> -> memref<128xf32, #tpu.memory_space<hbm>>
      %dma_start3A_811 = arith.constant 0 : i32
      %dma_start3A_812 = tpu.memref_slice %arg5[%shift_right_logical3A_801, %dma_start3A_804, %rem3A_803, %dma_start3A_805, %dma_start3A_811] : memref<200x8x32x8x128xf32, #tpu.memory_space<hbm>> -> memref<1x1x1x1x128xf32, #tpu.memory_space<hbm>>
      %dma_start3A_813 = tpu.memref_squeeze %dma_start3A_812 : memref<1x1x1x1x128xf32, #tpu.memory_space<hbm>> -> memref<128xf32, #tpu.memory_space<hbm>>
      %dma_start3A_814 = arith.constant 5576 : i32
      %dma_start3A_815 = tpu.memref_slice %arg10[%dma_start3A_814] : memref<8704xf32, #tpu.memory_space<vmem>> -> memref<128xf32, #tpu.memory_space<vmem>>
      tpu.enqueue_dma source(%dma_start3A_815 : memref<128xf32, #tpu.memory_space<vmem>>) target(%dma_start3A_813 : memref<128xf32, #tpu.memory_space<hbm>>) target_semaphore(%arg14 : memref<!tpu.dma_semaphore, #tpu.memory_space<semaphore_mem>>)
      %add3A_816 = arith.addi %mul3A_2, %add3A_57 : i32
      %shift_right_logical3A_817 = arith.constant 5 : i32
      %shift_right_logical3A_818 = arith.shrui %add3A_816, %shift_right_logical3A_817 : i32
      %rem3A_819 = arith.constant 32 : i32
      %rem3A_820 = arith.remsi %add3A_816, %rem3A_819 : i32
      %dma_start3A_821 = arith.constant 5 : i32
      %dma_start3A_822 = arith.constant 2 : i32
      %dma_start3A_823 = arith.constant 5712 : i32
      %dma_start3A_824 = tpu.memref_slice %arg10[%dma_start3A_823] : memref<8704xf32, #tpu.memory_space<vmem>> -> memref<128xf32, #tpu.memory_space<vmem>>
      %dma_start3A_825 = arith.constant 0 : i32
      %dma_start3A_826 = tpu.memref_slice %arg5[%shift_right_logical3A_818, %dma_start3A_821, %rem3A_820, %dma_start3A_822, %dma_start3A_825] : memref<200x8x32x8x128xf32, #tpu.memory_space<hbm>> -> memref<1x1x1x1x128xf32, #tpu.memory_space<hbm>>
      %dma_start3A_827 = tpu.memref_squeeze %dma_start3A_826 : memref<1x1x1x1x128xf32, #tpu.memory_space<hbm>> -> memref<128xf32, #tpu.memory_space<hbm>>
      %dma_start3A_828 = arith.constant 0 : i32
      %dma_start3A_829 = tpu.memref_slice %arg5[%shift_right_logical3A_818, %dma_start3A_821, %rem3A_820, %dma_start3A_822, %dma_start3A_828] : memref<200x8x32x8x128xf32, #tpu.memory_space<hbm>> -> memref<1x1x1x1x128xf32, #tpu.memory_space<hbm>>
      %dma_start3A_830 = tpu.memref_squeeze %dma_start3A_829 : memref<1x1x1x1x128xf32, #tpu.memory_space<hbm>> -> memref<128xf32, #tpu.memory_space<hbm>>
      %dma_start3A_831 = arith.constant 5712 : i32
      %dma_start3A_832 = tpu.memref_slice %arg10[%dma_start3A_831] : memref<8704xf32, #tpu.memory_space<vmem>> -> memref<128xf32, #tpu.memory_space<vmem>>
      tpu.enqueue_dma source(%dma_start3A_832 : memref<128xf32, #tpu.memory_space<vmem>>) target(%dma_start3A_830 : memref<128xf32, #tpu.memory_space<hbm>>) target_semaphore(%arg14 : memref<!tpu.dma_semaphore, #tpu.memory_space<semaphore_mem>>)
      %add3A_833 = arith.addi %mul3A_2, %add3A_57 : i32
      %shift_right_logical3A_834 = arith.constant 5 : i32
      %shift_right_logical3A_835 = arith.shrui %add3A_833, %shift_right_logical3A_834 : i32
      %rem3A_836 = arith.constant 32 : i32
      %rem3A_837 = arith.remsi %add3A_833, %rem3A_836 : i32
      %dma_start3A_838 = arith.constant 5 : i32
      %dma_start3A_839 = arith.constant 3 : i32
      %dma_start3A_840 = arith.constant 5848 : i32
      %dma_start3A_841 = tpu.memref_slice %arg10[%dma_start3A_840] : memref<8704xf32, #tpu.memory_space<vmem>> -> memref<128xf32, #tpu.memory_space<vmem>>
      %dma_start3A_842 = arith.constant 0 : i32
      %dma_start3A_843 = tpu.memref_slice %arg5[%shift_right_logical3A_835, %dma_start3A_838, %rem3A_837, %dma_start3A_839, %dma_start3A_842] : memref<200x8x32x8x128xf32, #tpu.memory_space<hbm>> -> memref<1x1x1x1x128xf32, #tpu.memory_space<hbm>>
      %dma_start3A_844 = tpu.memref_squeeze %dma_start3A_843 : memref<1x1x1x1x128xf32, #tpu.memory_space<hbm>> -> memref<128xf32, #tpu.memory_space<hbm>>
      %dma_start3A_845 = arith.constant 0 : i32
      %dma_start3A_846 = tpu.memref_slice %arg5[%shift_right_logical3A_835, %dma_start3A_838, %rem3A_837, %dma_start3A_839, %dma_start3A_845] : memref<200x8x32x8x128xf32, #tpu.memory_space<hbm>> -> memref<1x1x1x1x128xf32, #tpu.memory_space<hbm>>
      %dma_start3A_847 = tpu.memref_squeeze %dma_start3A_846 : memref<1x1x1x1x128xf32, #tpu.memory_space<hbm>> -> memref<128xf32, #tpu.memory_space<hbm>>
      %dma_start3A_848 = arith.constant 5848 : i32
      %dma_start3A_849 = tpu.memref_slice %arg10[%dma_start3A_848] : memref<8704xf32, #tpu.memory_space<vmem>> -> memref<128xf32, #tpu.memory_space<vmem>>
      tpu.enqueue_dma source(%dma_start3A_849 : memref<128xf32, #tpu.memory_space<vmem>>) target(%dma_start3A_847 : memref<128xf32, #tpu.memory_space<hbm>>) target_semaphore(%arg14 : memref<!tpu.dma_semaphore, #tpu.memory_space<semaphore_mem>>)
      %add3A_850 = arith.addi %mul3A_2, %add3A_57 : i32
      %shift_right_logical3A_851 = arith.constant 5 : i32
      %shift_right_logical3A_852 = arith.shrui %add3A_850, %shift_right_logical3A_851 : i32
      %rem3A_853 = arith.constant 32 : i32
      %rem3A_854 = arith.remsi %add3A_850, %rem3A_853 : i32
      %dma_start3A_855 = arith.constant 5 : i32
      %dma_start3A_856 = arith.constant 4 : i32
      %dma_start3A_857 = arith.constant 5984 : i32
      %dma_start3A_858 = tpu.memref_slice %arg10[%dma_start3A_857] : memref<8704xf32, #tpu.memory_space<vmem>> -> memref<128xf32, #tpu.memory_space<vmem>>
      %dma_start3A_859 = arith.constant 0 : i32
      %dma_start3A_860 = tpu.memref_slice %arg5[%shift_right_logical3A_852, %dma_start3A_855, %rem3A_854, %dma_start3A_856, %dma_start3A_859] : memref<200x8x32x8x128xf32, #tpu.memory_space<hbm>> -> memref<1x1x1x1x128xf32, #tpu.memory_space<hbm>>
      %dma_start3A_861 = tpu.memref_squeeze %dma_start3A_860 : memref<1x1x1x1x128xf32, #tpu.memory_space<hbm>> -> memref<128xf32, #tpu.memory_space<hbm>>
      %dma_start3A_862 = arith.constant 0 : i32
      %dma_start3A_863 = tpu.memref_slice %arg5[%shift_right_logical3A_852, %dma_start3A_855, %rem3A_854, %dma_start3A_856, %dma_start3A_862] : memref<200x8x32x8x128xf32, #tpu.memory_space<hbm>> -> memref<1x1x1x1x128xf32, #tpu.memory_space<hbm>>
      %dma_start3A_864 = tpu.memref_squeeze %dma_start3A_863 : memref<1x1x1x1x128xf32, #tpu.memory_space<hbm>> -> memref<128xf32, #tpu.memory_space<hbm>>
      %dma_start3A_865 = arith.constant 5984 : i32
      %dma_start3A_866 = tpu.memref_slice %arg10[%dma_start3A_865] : memref<8704xf32, #tpu.memory_space<vmem>> -> memref<128xf32, #tpu.memory_space<vmem>>
      tpu.enqueue_dma source(%dma_start3A_866 : memref<128xf32, #tpu.memory_space<vmem>>) target(%dma_start3A_864 : memref<128xf32, #tpu.memory_space<hbm>>) target_semaphore(%arg14 : memref<!tpu.dma_semaphore, #tpu.memory_space<semaphore_mem>>)
      %add3A_867 = arith.addi %mul3A_2, %add3A_57 : i32
      %shift_right_logical3A_868 = arith.constant 5 : i32
      %shift_right_logical3A_869 = arith.shrui %add3A_867, %shift_right_logical3A_868 : i32
      %rem3A_870 = arith.constant 32 : i32
      %rem3A_871 = arith.remsi %add3A_867, %rem3A_870 : i32
      %dma_start3A_872 = arith.constant 5 : i32
      %dma_start3A_873 = arith.constant 5 : i32
      %dma_start3A_874 = arith.constant 6120 : i32
      %dma_start3A_875 = tpu.memref_slice %arg10[%dma_start3A_874] : memref<8704xf32, #tpu.memory_space<vmem>> -> memref<128xf32, #tpu.memory_space<vmem>>
      %dma_start3A_876 = arith.constant 0 : i32
      %dma_start3A_877 = tpu.memref_slice %arg5[%shift_right_logical3A_869, %dma_start3A_872, %rem3A_871, %dma_start3A_873, %dma_start3A_876] : memref<200x8x32x8x128xf32, #tpu.memory_space<hbm>> -> memref<1x1x1x1x128xf32, #tpu.memory_space<hbm>>
      %dma_start3A_878 = tpu.memref_squeeze %dma_start3A_877 : memref<1x1x1x1x128xf32, #tpu.memory_space<hbm>> -> memref<128xf32, #tpu.memory_space<hbm>>
      %dma_start3A_879 = arith.constant 0 : i32
      %dma_start3A_880 = tpu.memref_slice %arg5[%shift_right_logical3A_869, %dma_start3A_872, %rem3A_871, %dma_start3A_873, %dma_start3A_879] : memref<200x8x32x8x128xf32, #tpu.memory_space<hbm>> -> memref<1x1x1x1x128xf32, #tpu.memory_space<hbm>>
      %dma_start3A_881 = tpu.memref_squeeze %dma_start3A_880 : memref<1x1x1x1x128xf32, #tpu.memory_space<hbm>> -> memref<128xf32, #tpu.memory_space<hbm>>
      %dma_start3A_882 = arith.constant 6120 : i32
      %dma_start3A_883 = tpu.memref_slice %arg10[%dma_start3A_882] : memref<8704xf32, #tpu.memory_space<vmem>> -> memref<128xf32, #tpu.memory_space<vmem>>
      tpu.enqueue_dma source(%dma_start3A_883 : memref<128xf32, #tpu.memory_space<vmem>>) target(%dma_start3A_881 : memref<128xf32, #tpu.memory_space<hbm>>) target_semaphore(%arg14 : memref<!tpu.dma_semaphore, #tpu.memory_space<semaphore_mem>>)
      %add3A_884 = arith.addi %mul3A_2, %add3A_57 : i32
      %shift_right_logical3A_885 = arith.constant 5 : i32
      %shift_right_logical3A_886 = arith.shrui %add3A_884, %shift_right_logical3A_885 : i32
      %rem3A_887 = arith.constant 32 : i32
      %rem3A_888 = arith.remsi %add3A_884, %rem3A_887 : i32
      %dma_start3A_889 = arith.constant 5 : i32
      %dma_start3A_890 = arith.constant 6 : i32
      %dma_start3A_891 = arith.constant 6256 : i32
      %dma_start3A_892 = tpu.memref_slice %arg10[%dma_start3A_891] : memref<8704xf32, #tpu.memory_space<vmem>> -> memref<128xf32, #tpu.memory_space<vmem>>
      %dma_start3A_893 = arith.constant 0 : i32
      %dma_start3A_894 = tpu.memref_slice %arg5[%shift_right_logical3A_886, %dma_start3A_889, %rem3A_888, %dma_start3A_890, %dma_start3A_893] : memref<200x8x32x8x128xf32, #tpu.memory_space<hbm>> -> memref<1x1x1x1x128xf32, #tpu.memory_space<hbm>>
      %dma_start3A_895 = tpu.memref_squeeze %dma_start3A_894 : memref<1x1x1x1x128xf32, #tpu.memory_space<hbm>> -> memref<128xf32, #tpu.memory_space<hbm>>
      %dma_start3A_896 = arith.constant 0 : i32
      %dma_start3A_897 = tpu.memref_slice %arg5[%shift_right_logical3A_886, %dma_start3A_889, %rem3A_888, %dma_start3A_890, %dma_start3A_896] : memref<200x8x32x8x128xf32, #tpu.memory_space<hbm>> -> memref<1x1x1x1x128xf32, #tpu.memory_space<hbm>>
      %dma_start3A_898 = tpu.memref_squeeze %dma_start3A_897 : memref<1x1x1x1x128xf32, #tpu.memory_space<hbm>> -> memref<128xf32, #tpu.memory_space<hbm>>
      %dma_start3A_899 = arith.constant 6256 : i32
      %dma_start3A_900 = tpu.memref_slice %arg10[%dma_start3A_899] : memref<8704xf32, #tpu.memory_space<vmem>> -> memref<128xf32, #tpu.memory_space<vmem>>
      tpu.enqueue_dma source(%dma_start3A_900 : memref<128xf32, #tpu.memory_space<vmem>>) target(%dma_start3A_898 : memref<128xf32, #tpu.memory_space<hbm>>) target_semaphore(%arg14 : memref<!tpu.dma_semaphore, #tpu.memory_space<semaphore_mem>>)
      %add3A_901 = arith.addi %mul3A_2, %add3A_57 : i32
      %shift_right_logical3A_902 = arith.constant 5 : i32
      %shift_right_logical3A_903 = arith.shrui %add3A_901, %shift_right_logical3A_902 : i32
      %rem3A_904 = arith.constant 32 : i32
      %rem3A_905 = arith.remsi %add3A_901, %rem3A_904 : i32
      %dma_start3A_906 = arith.constant 5 : i32
      %dma_start3A_907 = arith.constant 7 : i32
      %dma_start3A_908 = arith.constant 6392 : i32
      %dma_start3A_909 = tpu.memref_slice %arg10[%dma_start3A_908] : memref<8704xf32, #tpu.memory_space<vmem>> -> memref<128xf32, #tpu.memory_space<vmem>>
      %dma_start3A_910 = arith.constant 0 : i32
      %dma_start3A_911 = tpu.memref_slice %arg5[%shift_right_logical3A_903, %dma_start3A_906, %rem3A_905, %dma_start3A_907, %dma_start3A_910] : memref<200x8x32x8x128xf32, #tpu.memory_space<hbm>> -> memref<1x1x1x1x128xf32, #tpu.memory_space<hbm>>
      %dma_start3A_912 = tpu.memref_squeeze %dma_start3A_911 : memref<1x1x1x1x128xf32, #tpu.memory_space<hbm>> -> memref<128xf32, #tpu.memory_space<hbm>>
      %dma_start3A_913 = arith.constant 0 : i32
      %dma_start3A_914 = tpu.memref_slice %arg5[%shift_right_logical3A_903, %dma_start3A_906, %rem3A_905, %dma_start3A_907, %dma_start3A_913] : memref<200x8x32x8x128xf32, #tpu.memory_space<hbm>> -> memref<1x1x1x1x128xf32, #tpu.memory_space<hbm>>
      %dma_start3A_915 = tpu.memref_squeeze %dma_start3A_914 : memref<1x1x1x1x128xf32, #tpu.memory_space<hbm>> -> memref<128xf32, #tpu.memory_space<hbm>>
      %dma_start3A_916 = arith.constant 6392 : i32
      %dma_start3A_917 = tpu.memref_slice %arg10[%dma_start3A_916] : memref<8704xf32, #tpu.memory_space<vmem>> -> memref<128xf32, #tpu.memory_space<vmem>>
      tpu.enqueue_dma source(%dma_start3A_917 : memref<128xf32, #tpu.memory_space<vmem>>) target(%dma_start3A_915 : memref<128xf32, #tpu.memory_space<hbm>>) target_semaphore(%arg14 : memref<!tpu.dma_semaphore, #tpu.memory_space<semaphore_mem>>)
      %add3A_918 = arith.addi %mul3A_2, %add3A_57 : i32
      %shift_right_logical3A_919 = arith.constant 5 : i32
      %shift_right_logical3A_920 = arith.shrui %add3A_918, %shift_right_logical3A_919 : i32
      %rem3A_921 = arith.constant 32 : i32
      %rem3A_922 = arith.remsi %add3A_918, %rem3A_921 : i32
      %dma_start3A_923 = arith.constant 6 : i32
      %dma_start3A_924 = arith.constant 0 : i32
      %dma_start3A_925 = arith.constant 6528 : i32
      %dma_start3A_926 = tpu.memref_slice %arg10[%dma_start3A_925] : memref<8704xf32, #tpu.memory_space<vmem>> -> memref<128xf32, #tpu.memory_space<vmem>>
      %dma_start3A_927 = arith.constant 0 : i32
      %dma_start3A_928 = tpu.memref_slice %arg5[%shift_right_logical3A_920, %dma_start3A_923, %rem3A_922, %dma_start3A_924, %dma_start3A_927] : memref<200x8x32x8x128xf32, #tpu.memory_space<hbm>> -> memref<1x1x1x1x128xf32, #tpu.memory_space<hbm>>
      %dma_start3A_929 = tpu.memref_squeeze %dma_start3A_928 : memref<1x1x1x1x128xf32, #tpu.memory_space<hbm>> -> memref<128xf32, #tpu.memory_space<hbm>>
      %dma_start3A_930 = arith.constant 0 : i32
      %dma_start3A_931 = tpu.memref_slice %arg5[%shift_right_logical3A_920, %dma_start3A_923, %rem3A_922, %dma_start3A_924, %dma_start3A_930] : memref<200x8x32x8x128xf32, #tpu.memory_space<hbm>> -> memref<1x1x1x1x128xf32, #tpu.memory_space<hbm>>
      %dma_start3A_932 = tpu.memref_squeeze %dma_start3A_931 : memref<1x1x1x1x128xf32, #tpu.memory_space<hbm>> -> memref<128xf32, #tpu.memory_space<hbm>>
      %dma_start3A_933 = arith.constant 6528 : i32
      %dma_start3A_934 = tpu.memref_slice %arg10[%dma_start3A_933] : memref<8704xf32, #tpu.memory_space<vmem>> -> memref<128xf32, #tpu.memory_space<vmem>>
      tpu.enqueue_dma source(%dma_start3A_934 : memref<128xf32, #tpu.memory_space<vmem>>) target(%dma_start3A_932 : memref<128xf32, #tpu.memory_space<hbm>>) target_semaphore(%arg14 : memref<!tpu.dma_semaphore, #tpu.memory_space<semaphore_mem>>)
      %add3A_935 = arith.addi %mul3A_2, %add3A_57 : i32
      %shift_right_logical3A_936 = arith.constant 5 : i32
      %shift_right_logical3A_937 = arith.shrui %add3A_935, %shift_right_logical3A_936 : i32
      %rem3A_938 = arith.constant 32 : i32
      %rem3A_939 = arith.remsi %add3A_935, %rem3A_938 : i32
      %dma_start3A_940 = arith.constant 6 : i32
      %dma_start3A_941 = arith.constant 1 : i32
      %dma_start3A_942 = arith.constant 6664 : i32
      %dma_start3A_943 = tpu.memref_slice %arg10[%dma_start3A_942] : memref<8704xf32, #tpu.memory_space<vmem>> -> memref<128xf32, #tpu.memory_space<vmem>>
      %dma_start3A_944 = arith.constant 0 : i32
      %dma_start3A_945 = tpu.memref_slice %arg5[%shift_right_logical3A_937, %dma_start3A_940, %rem3A_939, %dma_start3A_941, %dma_start3A_944] : memref<200x8x32x8x128xf32, #tpu.memory_space<hbm>> -> memref<1x1x1x1x128xf32, #tpu.memory_space<hbm>>
      %dma_start3A_946 = tpu.memref_squeeze %dma_start3A_945 : memref<1x1x1x1x128xf32, #tpu.memory_space<hbm>> -> memref<128xf32, #tpu.memory_space<hbm>>
      %dma_start3A_947 = arith.constant 0 : i32
      %dma_start3A_948 = tpu.memref_slice %arg5[%shift_right_logical3A_937, %dma_start3A_940, %rem3A_939, %dma_start3A_941, %dma_start3A_947] : memref<200x8x32x8x128xf32, #tpu.memory_space<hbm>> -> memref<1x1x1x1x128xf32, #tpu.memory_space<hbm>>
      %dma_start3A_949 = tpu.memref_squeeze %dma_start3A_948 : memref<1x1x1x1x128xf32, #tpu.memory_space<hbm>> -> memref<128xf32, #tpu.memory_space<hbm>>
      %dma_start3A_950 = arith.constant 6664 : i32
      %dma_start3A_951 = tpu.memref_slice %arg10[%dma_start3A_950] : memref<8704xf32, #tpu.memory_space<vmem>> -> memref<128xf32, #tpu.memory_space<vmem>>
      tpu.enqueue_dma source(%dma_start3A_951 : memref<128xf32, #tpu.memory_space<vmem>>) target(%dma_start3A_949 : memref<128xf32, #tpu.memory_space<hbm>>) target_semaphore(%arg14 : memref<!tpu.dma_semaphore, #tpu.memory_space<semaphore_mem>>)
      %add3A_952 = arith.addi %mul3A_2, %add3A_57 : i32
      %shift_right_logical3A_953 = arith.constant 5 : i32
      %shift_right_logical3A_954 = arith.shrui %add3A_952, %shift_right_logical3A_953 : i32
      %rem3A_955 = arith.constant 32 : i32
      %rem3A_956 = arith.remsi %add3A_952, %rem3A_955 : i32
      %dma_start3A_957 = arith.constant 6 : i32
      %dma_start3A_958 = arith.constant 2 : i32
      %dma_start3A_959 = arith.constant 6800 : i32
      %dma_start3A_960 = tpu.memref_slice %arg10[%dma_start3A_959] : memref<8704xf32, #tpu.memory_space<vmem>> -> memref<128xf32, #tpu.memory_space<vmem>>
      %dma_start3A_961 = arith.constant 0 : i32
      %dma_start3A_962 = tpu.memref_slice %arg5[%shift_right_logical3A_954, %dma_start3A_957, %rem3A_956, %dma_start3A_958, %dma_start3A_961] : memref<200x8x32x8x128xf32, #tpu.memory_space<hbm>> -> memref<1x1x1x1x128xf32, #tpu.memory_space<hbm>>
      %dma_start3A_963 = tpu.memref_squeeze %dma_start3A_962 : memref<1x1x1x1x128xf32, #tpu.memory_space<hbm>> -> memref<128xf32, #tpu.memory_space<hbm>>
      %dma_start3A_964 = arith.constant 0 : i32
      %dma_start3A_965 = tpu.memref_slice %arg5[%shift_right_logical3A_954, %dma_start3A_957, %rem3A_956, %dma_start3A_958, %dma_start3A_964] : memref<200x8x32x8x128xf32, #tpu.memory_space<hbm>> -> memref<1x1x1x1x128xf32, #tpu.memory_space<hbm>>
      %dma_start3A_966 = tpu.memref_squeeze %dma_start3A_965 : memref<1x1x1x1x128xf32, #tpu.memory_space<hbm>> -> memref<128xf32, #tpu.memory_space<hbm>>
      %dma_start3A_967 = arith.constant 6800 : i32
      %dma_start3A_968 = tpu.memref_slice %arg10[%dma_start3A_967] : memref<8704xf32, #tpu.memory_space<vmem>> -> memref<128xf32, #tpu.memory_space<vmem>>
      tpu.enqueue_dma source(%dma_start3A_968 : memref<128xf32, #tpu.memory_space<vmem>>) target(%dma_start3A_966 : memref<128xf32, #tpu.memory_space<hbm>>) target_semaphore(%arg14 : memref<!tpu.dma_semaphore, #tpu.memory_space<semaphore_mem>>)
      %add3A_969 = arith.addi %mul3A_2, %add3A_57 : i32
      %shift_right_logical3A_970 = arith.constant 5 : i32
      %shift_right_logical3A_971 = arith.shrui %add3A_969, %shift_right_logical3A_970 : i32
      %rem3A_972 = arith.constant 32 : i32
      %rem3A_973 = arith.remsi %add3A_969, %rem3A_972 : i32
      %dma_start3A_974 = arith.constant 6 : i32
      %dma_start3A_975 = arith.constant 3 : i32
      %dma_start3A_976 = arith.constant 6936 : i32
      %dma_start3A_977 = tpu.memref_slice %arg10[%dma_start3A_976] : memref<8704xf32, #tpu.memory_space<vmem>> -> memref<128xf32, #tpu.memory_space<vmem>>
      %dma_start3A_978 = arith.constant 0 : i32
      %dma_start3A_979 = tpu.memref_slice %arg5[%shift_right_logical3A_971, %dma_start3A_974, %rem3A_973, %dma_start3A_975, %dma_start3A_978] : memref<200x8x32x8x128xf32, #tpu.memory_space<hbm>> -> memref<1x1x1x1x128xf32, #tpu.memory_space<hbm>>
      %dma_start3A_980 = tpu.memref_squeeze %dma_start3A_979 : memref<1x1x1x1x128xf32, #tpu.memory_space<hbm>> -> memref<128xf32, #tpu.memory_space<hbm>>
      %dma_start3A_981 = arith.constant 0 : i32
      %dma_start3A_982 = tpu.memref_slice %arg5[%shift_right_logical3A_971, %dma_start3A_974, %rem3A_973, %dma_start3A_975, %dma_start3A_981] : memref<200x8x32x8x128xf32, #tpu.memory_space<hbm>> -> memref<1x1x1x1x128xf32, #tpu.memory_space<hbm>>
      %dma_start3A_983 = tpu.memref_squeeze %dma_start3A_982 : memref<1x1x1x1x128xf32, #tpu.memory_space<hbm>> -> memref<128xf32, #tpu.memory_space<hbm>>
      %dma_start3A_984 = arith.constant 6936 : i32
      %dma_start3A_985 = tpu.memref_slice %arg10[%dma_start3A_984] : memref<8704xf32, #tpu.memory_space<vmem>> -> memref<128xf32, #tpu.memory_space<vmem>>
      tpu.enqueue_dma source(%dma_start3A_985 : memref<128xf32, #tpu.memory_space<vmem>>) target(%dma_start3A_983 : memref<128xf32, #tpu.memory_space<hbm>>) target_semaphore(%arg14 : memref<!tpu.dma_semaphore, #tpu.memory_space<semaphore_mem>>)
      %add3A_986 = arith.addi %mul3A_2, %add3A_57 : i32
      %shift_right_logical3A_987 = arith.constant 5 : i32
      %shift_right_logical3A_988 = arith.shrui %add3A_986, %shift_right_logical3A_987 : i32
      %rem3A_989 = arith.constant 32 : i32
      %rem3A_990 = arith.remsi %add3A_986, %rem3A_989 : i32
      %dma_start3A_991 = arith.constant 6 : i32
      %dma_start3A_992 = arith.constant 4 : i32
      %dma_start3A_993 = arith.constant 7072 : i32
      %dma_start3A_994 = tpu.memref_slice %arg10[%dma_start3A_993] : memref<8704xf32, #tpu.memory_space<vmem>> -> memref<128xf32, #tpu.memory_space<vmem>>
      %dma_start3A_995 = arith.constant 0 : i32
      %dma_start3A_996 = tpu.memref_slice %arg5[%shift_right_logical3A_988, %dma_start3A_991, %rem3A_990, %dma_start3A_992, %dma_start3A_995] : memref<200x8x32x8x128xf32, #tpu.memory_space<hbm>> -> memref<1x1x1x1x128xf32, #tpu.memory_space<hbm>>
      %dma_start3A_997 = tpu.memref_squeeze %dma_start3A_996 : memref<1x1x1x1x128xf32, #tpu.memory_space<hbm>> -> memref<128xf32, #tpu.memory_space<hbm>>
      %dma_start3A_998 = arith.constant 0 : i32
      %dma_start3A_999 = tpu.memref_slice %arg5[%shift_right_logical3A_988, %dma_start3A_991, %rem3A_990, %dma_start3A_992, %dma_start3A_998] : memref<200x8x32x8x128xf32, #tpu.memory_space<hbm>> -> memref<1x1x1x1x128xf32, #tpu.memory_space<hbm>>
      %dma_start3A_1000 = tpu.memref_squeeze %dma_start3A_999 : memref<1x1x1x1x128xf32, #tpu.memory_space<hbm>> -> memref<128xf32, #tpu.memory_space<hbm>>
      %dma_start3A_1001 = arith.constant 7072 : i32
      %dma_start3A_1002 = tpu.memref_slice %arg10[%dma_start3A_1001] : memref<8704xf32, #tpu.memory_space<vmem>> -> memref<128xf32, #tpu.memory_space<vmem>>
      tpu.enqueue_dma source(%dma_start3A_1002 : memref<128xf32, #tpu.memory_space<vmem>>) target(%dma_start3A_1000 : memref<128xf32, #tpu.memory_space<hbm>>) target_semaphore(%arg14 : memref<!tpu.dma_semaphore, #tpu.memory_space<semaphore_mem>>)
      %add3A_1003 = arith.addi %mul3A_2, %add3A_57 : i32
      %shift_right_logical3A_1004 = arith.constant 5 : i32
      %shift_right_logical3A_1005 = arith.shrui %add3A_1003, %shift_right_logical3A_1004 : i32
      %rem3A_1006 = arith.constant 32 : i32
      %rem3A_1007 = arith.remsi %add3A_1003, %rem3A_1006 : i32
      %dma_start3A_1008 = arith.constant 6 : i32
      %dma_start3A_1009 = arith.constant 5 : i32
      %dma_start3A_1010 = arith.constant 7208 : i32
      %dma_start3A_1011 = tpu.memref_slice %arg10[%dma_start3A_1010] : memref<8704xf32, #tpu.memory_space<vmem>> -> memref<128xf32, #tpu.memory_space<vmem>>
      %dma_start3A_1012 = arith.constant 0 : i32
      %dma_start3A_1013 = tpu.memref_slice %arg5[%shift_right_logical3A_1005, %dma_start3A_1008, %rem3A_1007, %dma_start3A_1009, %dma_start3A_1012] : memref<200x8x32x8x128xf32, #tpu.memory_space<hbm>> -> memref<1x1x1x1x128xf32, #tpu.memory_space<hbm>>
      %dma_start3A_1014 = tpu.memref_squeeze %dma_start3A_1013 : memref<1x1x1x1x128xf32, #tpu.memory_space<hbm>> -> memref<128xf32, #tpu.memory_space<hbm>>
      %dma_start3A_1015 = arith.constant 0 : i32
      %dma_start3A_1016 = tpu.memref_slice %arg5[%shift_right_logical3A_1005, %dma_start3A_1008, %rem3A_1007, %dma_start3A_1009, %dma_start3A_1015] : memref<200x8x32x8x128xf32, #tpu.memory_space<hbm>> -> memref<1x1x1x1x128xf32, #tpu.memory_space<hbm>>
      %dma_start3A_1017 = tpu.memref_squeeze %dma_start3A_1016 : memref<1x1x1x1x128xf32, #tpu.memory_space<hbm>> -> memref<128xf32, #tpu.memory_space<hbm>>
      %dma_start3A_1018 = arith.constant 7208 : i32
      %dma_start3A_1019 = tpu.memref_slice %arg10[%dma_start3A_1018] : memref<8704xf32, #tpu.memory_space<vmem>> -> memref<128xf32, #tpu.memory_space<vmem>>
      tpu.enqueue_dma source(%dma_start3A_1019 : memref<128xf32, #tpu.memory_space<vmem>>) target(%dma_start3A_1017 : memref<128xf32, #tpu.memory_space<hbm>>) target_semaphore(%arg14 : memref<!tpu.dma_semaphore, #tpu.memory_space<semaphore_mem>>)
      %add3A_1020 = arith.addi %mul3A_2, %add3A_57 : i32
      %shift_right_logical3A_1021 = arith.constant 5 : i32
      %shift_right_logical3A_1022 = arith.shrui %add3A_1020, %shift_right_logical3A_1021 : i32
      %rem3A_1023 = arith.constant 32 : i32
      %rem3A_1024 = arith.remsi %add3A_1020, %rem3A_1023 : i32
      %dma_start3A_1025 = arith.constant 6 : i32
      %dma_start3A_1026 = arith.constant 6 : i32
      %dma_start3A_1027 = arith.constant 7344 : i32
      %dma_start3A_1028 = tpu.memref_slice %arg10[%dma_start3A_1027] : memref<8704xf32, #tpu.memory_space<vmem>> -> memref<128xf32, #tpu.memory_space<vmem>>
      %dma_start3A_1029 = arith.constant 0 : i32
      %dma_start3A_1030 = tpu.memref_slice %arg5[%shift_right_logical3A_1022, %dma_start3A_1025, %rem3A_1024, %dma_start3A_1026, %dma_start3A_1029] : memref<200x8x32x8x128xf32, #tpu.memory_space<hbm>> -> memref<1x1x1x1x128xf32, #tpu.memory_space<hbm>>
      %dma_start3A_1031 = tpu.memref_squeeze %dma_start3A_1030 : memref<1x1x1x1x128xf32, #tpu.memory_space<hbm>> -> memref<128xf32, #tpu.memory_space<hbm>>
      %dma_start3A_1032 = arith.constant 0 : i32
      %dma_start3A_1033 = tpu.memref_slice %arg5[%shift_right_logical3A_1022, %dma_start3A_1025, %rem3A_1024, %dma_start3A_1026, %dma_start3A_1032] : memref<200x8x32x8x128xf32, #tpu.memory_space<hbm>> -> memref<1x1x1x1x128xf32, #tpu.memory_space<hbm>>
      %dma_start3A_1034 = tpu.memref_squeeze %dma_start3A_1033 : memref<1x1x1x1x128xf32, #tpu.memory_space<hbm>> -> memref<128xf32, #tpu.memory_space<hbm>>
      %dma_start3A_1035 = arith.constant 7344 : i32
      %dma_start3A_1036 = tpu.memref_slice %arg10[%dma_start3A_1035] : memref<8704xf32, #tpu.memory_space<vmem>> -> memref<128xf32, #tpu.memory_space<vmem>>
      tpu.enqueue_dma source(%dma_start3A_1036 : memref<128xf32, #tpu.memory_space<vmem>>) target(%dma_start3A_1034 : memref<128xf32, #tpu.memory_space<hbm>>) target_semaphore(%arg14 : memref<!tpu.dma_semaphore, #tpu.memory_space<semaphore_mem>>)
      %add3A_1037 = arith.addi %mul3A_2, %add3A_57 : i32
      %shift_right_logical3A_1038 = arith.constant 5 : i32
      %shift_right_logical3A_1039 = arith.shrui %add3A_1037, %shift_right_logical3A_1038 : i32
      %rem3A_1040 = arith.constant 32 : i32
      %rem3A_1041 = arith.remsi %add3A_1037, %rem3A_1040 : i32
      %dma_start3A_1042 = arith.constant 6 : i32
      %dma_start3A_1043 = arith.constant 7 : i32
      %dma_start3A_1044 = arith.constant 7480 : i32
      %dma_start3A_1045 = tpu.memref_slice %arg10[%dma_start3A_1044] : memref<8704xf32, #tpu.memory_space<vmem>> -> memref<128xf32, #tpu.memory_space<vmem>>
      %dma_start3A_1046 = arith.constant 0 : i32
      %dma_start3A_1047 = tpu.memref_slice %arg5[%shift_right_logical3A_1039, %dma_start3A_1042, %rem3A_1041, %dma_start3A_1043, %dma_start3A_1046] : memref<200x8x32x8x128xf32, #tpu.memory_space<hbm>> -> memref<1x1x1x1x128xf32, #tpu.memory_space<hbm>>
      %dma_start3A_1048 = tpu.memref_squeeze %dma_start3A_1047 : memref<1x1x1x1x128xf32, #tpu.memory_space<hbm>> -> memref<128xf32, #tpu.memory_space<hbm>>
      %dma_start3A_1049 = arith.constant 0 : i32
      %dma_start3A_1050 = tpu.memref_slice %arg5[%shift_right_logical3A_1039, %dma_start3A_1042, %rem3A_1041, %dma_start3A_1043, %dma_start3A_1049] : memref<200x8x32x8x128xf32, #tpu.memory_space<hbm>> -> memref<1x1x1x1x128xf32, #tpu.memory_space<hbm>>
      %dma_start3A_1051 = tpu.memref_squeeze %dma_start3A_1050 : memref<1x1x1x1x128xf32, #tpu.memory_space<hbm>> -> memref<128xf32, #tpu.memory_space<hbm>>
      %dma_start3A_1052 = arith.constant 7480 : i32
      %dma_start3A_1053 = tpu.memref_slice %arg10[%dma_start3A_1052] : memref<8704xf32, #tpu.memory_space<vmem>> -> memref<128xf32, #tpu.memory_space<vmem>>
      tpu.enqueue_dma source(%dma_start3A_1053 : memref<128xf32, #tpu.memory_space<vmem>>) target(%dma_start3A_1051 : memref<128xf32, #tpu.memory_space<hbm>>) target_semaphore(%arg14 : memref<!tpu.dma_semaphore, #tpu.memory_space<semaphore_mem>>)
      %add3A_1054 = arith.addi %mul3A_2, %add3A_57 : i32
      %shift_right_logical3A_1055 = arith.constant 5 : i32
      %shift_right_logical3A_1056 = arith.shrui %add3A_1054, %shift_right_logical3A_1055 : i32
      %rem3A_1057 = arith.constant 32 : i32
      %rem3A_1058 = arith.remsi %add3A_1054, %rem3A_1057 : i32
      %dma_start3A_1059 = arith.constant 7 : i32
      %dma_start3A_1060 = arith.constant 0 : i32
      %dma_start3A_1061 = arith.constant 7616 : i32
      %dma_start3A_1062 = tpu.memref_slice %arg10[%dma_start3A_1061] : memref<8704xf32, #tpu.memory_space<vmem>> -> memref<128xf32, #tpu.memory_space<vmem>>
      %dma_start3A_1063 = arith.constant 0 : i32
      %dma_start3A_1064 = tpu.memref_slice %arg5[%shift_right_logical3A_1056, %dma_start3A_1059, %rem3A_1058, %dma_start3A_1060, %dma_start3A_1063] : memref<200x8x32x8x128xf32, #tpu.memory_space<hbm>> -> memref<1x1x1x1x128xf32, #tpu.memory_space<hbm>>
      %dma_start3A_1065 = tpu.memref_squeeze %dma_start3A_1064 : memref<1x1x1x1x128xf32, #tpu.memory_space<hbm>> -> memref<128xf32, #tpu.memory_space<hbm>>
      %dma_start3A_1066 = arith.constant 0 : i32
      %dma_start3A_1067 = tpu.memref_slice %arg5[%shift_right_logical3A_1056, %dma_start3A_1059, %rem3A_1058, %dma_start3A_1060, %dma_start3A_1066] : memref<200x8x32x8x128xf32, #tpu.memory_space<hbm>> -> memref<1x1x1x1x128xf32, #tpu.memory_space<hbm>>
      %dma_start3A_1068 = tpu.memref_squeeze %dma_start3A_1067 : memref<1x1x1x1x128xf32, #tpu.memory_space<hbm>> -> memref<128xf32, #tpu.memory_space<hbm>>
      %dma_start3A_1069 = arith.constant 7616 : i32
      %dma_start3A_1070 = tpu.memref_slice %arg10[%dma_start3A_1069] : memref<8704xf32, #tpu.memory_space<vmem>> -> memref<128xf32, #tpu.memory_space<vmem>>
      tpu.enqueue_dma source(%dma_start3A_1070 : memref<128xf32, #tpu.memory_space<vmem>>) target(%dma_start3A_1068 : memref<128xf32, #tpu.memory_space<hbm>>) target_semaphore(%arg14 : memref<!tpu.dma_semaphore, #tpu.memory_space<semaphore_mem>>)
      %add3A_1071 = arith.addi %mul3A_2, %add3A_57 : i32
      %shift_right_logical3A_1072 = arith.constant 5 : i32
      %shift_right_logical3A_1073 = arith.shrui %add3A_1071, %shift_right_logical3A_1072 : i32
      %rem3A_1074 = arith.constant 32 : i32
      %rem3A_1075 = arith.remsi %add3A_1071, %rem3A_1074 : i32
      %dma_start3A_1076 = arith.constant 7 : i32
      %dma_start3A_1077 = arith.constant 1 : i32
      %dma_start3A_1078 = arith.constant 7752 : i32
      %dma_start3A_1079 = tpu.memref_slice %arg10[%dma_start3A_1078] : memref<8704xf32, #tpu.memory_space<vmem>> -> memref<128xf32, #tpu.memory_space<vmem>>
      %dma_start3A_1080 = arith.constant 0 : i32
      %dma_start3A_1081 = tpu.memref_slice %arg5[%shift_right_logical3A_1073, %dma_start3A_1076, %rem3A_1075, %dma_start3A_1077, %dma_start3A_1080] : memref<200x8x32x8x128xf32, #tpu.memory_space<hbm>> -> memref<1x1x1x1x128xf32, #tpu.memory_space<hbm>>
      %dma_start3A_1082 = tpu.memref_squeeze %dma_start3A_1081 : memref<1x1x1x1x128xf32, #tpu.memory_space<hbm>> -> memref<128xf32, #tpu.memory_space<hbm>>
      %dma_start3A_1083 = arith.constant 0 : i32
      %dma_start3A_1084 = tpu.memref_slice %arg5[%shift_right_logical3A_1073, %dma_start3A_1076, %rem3A_1075, %dma_start3A_1077, %dma_start3A_1083] : memref<200x8x32x8x128xf32, #tpu.memory_space<hbm>> -> memref<1x1x1x1x128xf32, #tpu.memory_space<hbm>>
      %dma_start3A_1085 = tpu.memref_squeeze %dma_start3A_1084 : memref<1x1x1x1x128xf32, #tpu.memory_space<hbm>> -> memref<128xf32, #tpu.memory_space<hbm>>
      %dma_start3A_1086 = arith.constant 7752 : i32
      %dma_start3A_1087 = tpu.memref_slice %arg10[%dma_start3A_1086] : memref<8704xf32, #tpu.memory_space<vmem>> -> memref<128xf32, #tpu.memory_space<vmem>>
      tpu.enqueue_dma source(%dma_start3A_1087 : memref<128xf32, #tpu.memory_space<vmem>>) target(%dma_start3A_1085 : memref<128xf32, #tpu.memory_space<hbm>>) target_semaphore(%arg14 : memref<!tpu.dma_semaphore, #tpu.memory_space<semaphore_mem>>)
      %add3A_1088 = arith.addi %mul3A_2, %add3A_57 : i32
      %shift_right_logical3A_1089 = arith.constant 5 : i32
      %shift_right_logical3A_1090 = arith.shrui %add3A_1088, %shift_right_logical3A_1089 : i32
      %rem3A_1091 = arith.constant 32 : i32
      %rem3A_1092 = arith.remsi %add3A_1088, %rem3A_1091 : i32
      %dma_start3A_1093 = arith.constant 7 : i32
      %dma_start3A_1094 = arith.constant 2 : i32
      %dma_start3A_1095 = arith.constant 7888 : i32
      %dma_start3A_1096 = tpu.memref_slice %arg10[%dma_start3A_1095] : memref<8704xf32, #tpu.memory_space<vmem>> -> memref<128xf32, #tpu.memory_space<vmem>>
      %dma_start3A_1097 = arith.constant 0 : i32
      %dma_start3A_1098 = tpu.memref_slice %arg5[%shift_right_logical3A_1090, %dma_start3A_1093, %rem3A_1092, %dma_start3A_1094, %dma_start3A_1097] : memref<200x8x32x8x128xf32, #tpu.memory_space<hbm>> -> memref<1x1x1x1x128xf32, #tpu.memory_space<hbm>>
      %dma_start3A_1099 = tpu.memref_squeeze %dma_start3A_1098 : memref<1x1x1x1x128xf32, #tpu.memory_space<hbm>> -> memref<128xf32, #tpu.memory_space<hbm>>
      %dma_start3A_1100 = arith.constant 0 : i32
      %dma_start3A_1101 = tpu.memref_slice %arg5[%shift_right_logical3A_1090, %dma_start3A_1093, %rem3A_1092, %dma_start3A_1094, %dma_start3A_1100] : memref<200x8x32x8x128xf32, #tpu.memory_space<hbm>> -> memref<1x1x1x1x128xf32, #tpu.memory_space<hbm>>
      %dma_start3A_1102 = tpu.memref_squeeze %dma_start3A_1101 : memref<1x1x1x1x128xf32, #tpu.memory_space<hbm>> -> memref<128xf32, #tpu.memory_space<hbm>>
      %dma_start3A_1103 = arith.constant 7888 : i32
      %dma_start3A_1104 = tpu.memref_slice %arg10[%dma_start3A_1103] : memref<8704xf32, #tpu.memory_space<vmem>> -> memref<128xf32, #tpu.memory_space<vmem>>
      tpu.enqueue_dma source(%dma_start3A_1104 : memref<128xf32, #tpu.memory_space<vmem>>) target(%dma_start3A_1102 : memref<128xf32, #tpu.memory_space<hbm>>) target_semaphore(%arg14 : memref<!tpu.dma_semaphore, #tpu.memory_space<semaphore_mem>>)
      %add3A_1105 = arith.addi %mul3A_2, %add3A_57 : i32
      %shift_right_logical3A_1106 = arith.constant 5 : i32
      %shift_right_logical3A_1107 = arith.shrui %add3A_1105, %shift_right_logical3A_1106 : i32
      %rem3A_1108 = arith.constant 32 : i32
      %rem3A_1109 = arith.remsi %add3A_1105, %rem3A_1108 : i32
      %dma_start3A_1110 = arith.constant 7 : i32
      %dma_start3A_1111 = arith.constant 3 : i32
      %dma_start3A_1112 = arith.constant 8024 : i32
      %dma_start3A_1113 = tpu.memref_slice %arg10[%dma_start3A_1112] : memref<8704xf32, #tpu.memory_space<vmem>> -> memref<128xf32, #tpu.memory_space<vmem>>
      %dma_start3A_1114 = arith.constant 0 : i32
      %dma_start3A_1115 = tpu.memref_slice %arg5[%shift_right_logical3A_1107, %dma_start3A_1110, %rem3A_1109, %dma_start3A_1111, %dma_start3A_1114] : memref<200x8x32x8x128xf32, #tpu.memory_space<hbm>> -> memref<1x1x1x1x128xf32, #tpu.memory_space<hbm>>
      %dma_start3A_1116 = tpu.memref_squeeze %dma_start3A_1115 : memref<1x1x1x1x128xf32, #tpu.memory_space<hbm>> -> memref<128xf32, #tpu.memory_space<hbm>>
      %dma_start3A_1117 = arith.constant 0 : i32
      %dma_start3A_1118 = tpu.memref_slice %arg5[%shift_right_logical3A_1107, %dma_start3A_1110, %rem3A_1109, %dma_start3A_1111, %dma_start3A_1117] : memref<200x8x32x8x128xf32, #tpu.memory_space<hbm>> -> memref<1x1x1x1x128xf32, #tpu.memory_space<hbm>>
      %dma_start3A_1119 = tpu.memref_squeeze %dma_start3A_1118 : memref<1x1x1x1x128xf32, #tpu.memory_space<hbm>> -> memref<128xf32, #tpu.memory_space<hbm>>
      %dma_start3A_1120 = arith.constant 8024 : i32
      %dma_start3A_1121 = tpu.memref_slice %arg10[%dma_start3A_1120] : memref<8704xf32, #tpu.memory_space<vmem>> -> memref<128xf32, #tpu.memory_space<vmem>>
      tpu.enqueue_dma source(%dma_start3A_1121 : memref<128xf32, #tpu.memory_space<vmem>>) target(%dma_start3A_1119 : memref<128xf32, #tpu.memory_space<hbm>>) target_semaphore(%arg14 : memref<!tpu.dma_semaphore, #tpu.memory_space<semaphore_mem>>)
      %add3A_1122 = arith.addi %mul3A_2, %add3A_57 : i32
      %shift_right_logical3A_1123 = arith.constant 5 : i32
      %shift_right_logical3A_1124 = arith.shrui %add3A_1122, %shift_right_logical3A_1123 : i32
      %rem3A_1125 = arith.constant 32 : i32
      %rem3A_1126 = arith.remsi %add3A_1122, %rem3A_1125 : i32
      %dma_start3A_1127 = arith.constant 7 : i32
      %dma_start3A_1128 = arith.constant 4 : i32
      %dma_start3A_1129 = arith.constant 8160 : i32
      %dma_start3A_1130 = tpu.memref_slice %arg10[%dma_start3A_1129] : memref<8704xf32, #tpu.memory_space<vmem>> -> memref<128xf32, #tpu.memory_space<vmem>>
      %dma_start3A_1131 = arith.constant 0 : i32
      %dma_start3A_1132 = tpu.memref_slice %arg5[%shift_right_logical3A_1124, %dma_start3A_1127, %rem3A_1126, %dma_start3A_1128, %dma_start3A_1131] : memref<200x8x32x8x128xf32, #tpu.memory_space<hbm>> -> memref<1x1x1x1x128xf32, #tpu.memory_space<hbm>>
      %dma_start3A_1133 = tpu.memref_squeeze %dma_start3A_1132 : memref<1x1x1x1x128xf32, #tpu.memory_space<hbm>> -> memref<128xf32, #tpu.memory_space<hbm>>
      %dma_start3A_1134 = arith.constant 0 : i32
      %dma_start3A_1135 = tpu.memref_slice %arg5[%shift_right_logical3A_1124, %dma_start3A_1127, %rem3A_1126, %dma_start3A_1128, %dma_start3A_1134] : memref<200x8x32x8x128xf32, #tpu.memory_space<hbm>> -> memref<1x1x1x1x128xf32, #tpu.memory_space<hbm>>
      %dma_start3A_1136 = tpu.memref_squeeze %dma_start3A_1135 : memref<1x1x1x1x128xf32, #tpu.memory_space<hbm>> -> memref<128xf32, #tpu.memory_space<hbm>>
      %dma_start3A_1137 = arith.constant 8160 : i32
      %dma_start3A_1138 = tpu.memref_slice %arg10[%dma_start3A_1137] : memref<8704xf32, #tpu.memory_space<vmem>> -> memref<128xf32, #tpu.memory_space<vmem>>
      tpu.enqueue_dma source(%dma_start3A_1138 : memref<128xf32, #tpu.memory_space<vmem>>) target(%dma_start3A_1136 : memref<128xf32, #tpu.memory_space<hbm>>) target_semaphore(%arg14 : memref<!tpu.dma_semaphore, #tpu.memory_space<semaphore_mem>>)
      %add3A_1139 = arith.addi %mul3A_2, %add3A_57 : i32
      %shift_right_logical3A_1140 = arith.constant 5 : i32
      %shift_right_logical3A_1141 = arith.shrui %add3A_1139, %shift_right_logical3A_1140 : i32
      %rem3A_1142 = arith.constant 32 : i32
      %rem3A_1143 = arith.remsi %add3A_1139, %rem3A_1142 : i32
      %dma_start3A_1144 = arith.constant 7 : i32
      %dma_start3A_1145 = arith.constant 5 : i32
      %dma_start3A_1146 = arith.constant 8296 : i32
      %dma_start3A_1147 = tpu.memref_slice %arg10[%dma_start3A_1146] : memref<8704xf32, #tpu.memory_space<vmem>> -> memref<128xf32, #tpu.memory_space<vmem>>
      %dma_start3A_1148 = arith.constant 0 : i32
      %dma_start3A_1149 = tpu.memref_slice %arg5[%shift_right_logical3A_1141, %dma_start3A_1144, %rem3A_1143, %dma_start3A_1145, %dma_start3A_1148] : memref<200x8x32x8x128xf32, #tpu.memory_space<hbm>> -> memref<1x1x1x1x128xf32, #tpu.memory_space<hbm>>
      %dma_start3A_1150 = tpu.memref_squeeze %dma_start3A_1149 : memref<1x1x1x1x128xf32, #tpu.memory_space<hbm>> -> memref<128xf32, #tpu.memory_space<hbm>>
      %dma_start3A_1151 = arith.constant 0 : i32
      %dma_start3A_1152 = tpu.memref_slice %arg5[%shift_right_logical3A_1141, %dma_start3A_1144, %rem3A_1143, %dma_start3A_1145, %dma_start3A_1151] : memref<200x8x32x8x128xf32, #tpu.memory_space<hbm>> -> memref<1x1x1x1x128xf32, #tpu.memory_space<hbm>>
      %dma_start3A_1153 = tpu.memref_squeeze %dma_start3A_1152 : memref<1x1x1x1x128xf32, #tpu.memory_space<hbm>> -> memref<128xf32, #tpu.memory_space<hbm>>
      %dma_start3A_1154 = arith.constant 8296 : i32
      %dma_start3A_1155 = tpu.memref_slice %arg10[%dma_start3A_1154] : memref<8704xf32, #tpu.memory_space<vmem>> -> memref<128xf32, #tpu.memory_space<vmem>>
      tpu.enqueue_dma source(%dma_start3A_1155 : memref<128xf32, #tpu.memory_space<vmem>>) target(%dma_start3A_1153 : memref<128xf32, #tpu.memory_space<hbm>>) target_semaphore(%arg14 : memref<!tpu.dma_semaphore, #tpu.memory_space<semaphore_mem>>)
      %add3A_1156 = arith.addi %mul3A_2, %add3A_57 : i32
      %shift_right_logical3A_1157 = arith.constant 5 : i32
      %shift_right_logical3A_1158 = arith.shrui %add3A_1156, %shift_right_logical3A_1157 : i32
      %rem3A_1159 = arith.constant 32 : i32
      %rem3A_1160 = arith.remsi %add3A_1156, %rem3A_1159 : i32
      %dma_start3A_1161 = arith.constant 7 : i32
      %dma_start3A_1162 = arith.constant 6 : i32
      %dma_start3A_1163 = arith.constant 8432 : i32
      %dma_start3A_1164 = tpu.memref_slice %arg10[%dma_start3A_1163] : memref<8704xf32, #tpu.memory_space<vmem>> -> memref<128xf32, #tpu.memory_space<vmem>>
      %dma_start3A_1165 = arith.constant 0 : i32
      %dma_start3A_1166 = tpu.memref_slice %arg5[%shift_right_logical3A_1158, %dma_start3A_1161, %rem3A_1160, %dma_start3A_1162, %dma_start3A_1165] : memref<200x8x32x8x128xf32, #tpu.memory_space<hbm>> -> memref<1x1x1x1x128xf32, #tpu.memory_space<hbm>>
      %dma_start3A_1167 = tpu.memref_squeeze %dma_start3A_1166 : memref<1x1x1x1x128xf32, #tpu.memory_space<hbm>> -> memref<128xf32, #tpu.memory_space<hbm>>
      %dma_start3A_1168 = arith.constant 0 : i32
      %dma_start3A_1169 = tpu.memref_slice %arg5[%shift_right_logical3A_1158, %dma_start3A_1161, %rem3A_1160, %dma_start3A_1162, %dma_start3A_1168] : memref<200x8x32x8x128xf32, #tpu.memory_space<hbm>> -> memref<1x1x1x1x128xf32, #tpu.memory_space<hbm>>
      %dma_start3A_1170 = tpu.memref_squeeze %dma_start3A_1169 : memref<1x1x1x1x128xf32, #tpu.memory_space<hbm>> -> memref<128xf32, #tpu.memory_space<hbm>>
      %dma_start3A_1171 = arith.constant 8432 : i32
      %dma_start3A_1172 = tpu.memref_slice %arg10[%dma_start3A_1171] : memref<8704xf32, #tpu.memory_space<vmem>> -> memref<128xf32, #tpu.memory_space<vmem>>
      tpu.enqueue_dma source(%dma_start3A_1172 : memref<128xf32, #tpu.memory_space<vmem>>) target(%dma_start3A_1170 : memref<128xf32, #tpu.memory_space<hbm>>) target_semaphore(%arg14 : memref<!tpu.dma_semaphore, #tpu.memory_space<semaphore_mem>>)
      %add3A_1173 = arith.addi %mul3A_2, %add3A_57 : i32
      %shift_right_logical3A_1174 = arith.constant 5 : i32
      %shift_right_logical3A_1175 = arith.shrui %add3A_1173, %shift_right_logical3A_1174 : i32
      %rem3A_1176 = arith.constant 32 : i32
      %rem3A_1177 = arith.remsi %add3A_1173, %rem3A_1176 : i32
      %dma_start3A_1178 = arith.constant 7 : i32
      %dma_start3A_1179 = arith.constant 7 : i32
      %dma_start3A_1180 = arith.constant 8568 : i32
      %dma_start3A_1181 = tpu.memref_slice %arg10[%dma_start3A_1180] : memref<8704xf32, #tpu.memory_space<vmem>> -> memref<128xf32, #tpu.memory_space<vmem>>
      %dma_start3A_1182 = arith.constant 0 : i32
      %dma_start3A_1183 = tpu.memref_slice %arg5[%shift_right_logical3A_1175, %dma_start3A_1178, %rem3A_1177, %dma_start3A_1179, %dma_start3A_1182] : memref<200x8x32x8x128xf32, #tpu.memory_space<hbm>> -> memref<1x1x1x1x128xf32, #tpu.memory_space<hbm>>
      %dma_start3A_1184 = tpu.memref_squeeze %dma_start3A_1183 : memref<1x1x1x1x128xf32, #tpu.memory_space<hbm>> -> memref<128xf32, #tpu.memory_space<hbm>>
      %dma_start3A_1185 = arith.constant 0 : i32
      %dma_start3A_1186 = tpu.memref_slice %arg5[%shift_right_logical3A_1175, %dma_start3A_1178, %rem3A_1177, %dma_start3A_1179, %dma_start3A_1185] : memref<200x8x32x8x128xf32, #tpu.memory_space<hbm>> -> memref<1x1x1x1x128xf32, #tpu.memory_space<hbm>>
      %dma_start3A_1187 = tpu.memref_squeeze %dma_start3A_1186 : memref<1x1x1x1x128xf32, #tpu.memory_space<hbm>> -> memref<128xf32, #tpu.memory_space<hbm>>
      %dma_start3A_1188 = arith.constant 8568 : i32
      %dma_start3A_1189 = tpu.memref_slice %arg10[%dma_start3A_1188] : memref<8704xf32, #tpu.memory_space<vmem>> -> memref<128xf32, #tpu.memory_space<vmem>>
      tpu.enqueue_dma source(%dma_start3A_1189 : memref<128xf32, #tpu.memory_space<vmem>>) target(%dma_start3A_1187 : memref<128xf32, #tpu.memory_space<hbm>>) target_semaphore(%arg14 : memref<!tpu.dma_semaphore, #tpu.memory_space<semaphore_mem>>)
      %mul3A_1190 = arith.constant 2 : i32
      %mul3A_1191 = arith.muli %mul3A_1190, %scan3A_53 : i32
      %add3A_1192 = arith.constant 1 : i32
      %add3A_1193 = arith.addi %mul3A_1191, %add3A_1192 : i32
      %add3A_1194 = arith.constant 1 : i32
      %add3A_1195 = arith.addi %add3A_1193, %add3A_1194 : i32
      %lt3A_1196 = arith.constant 200 : i32
      %lt3A_1197 = arith.cmpi slt, %add3A_1195, %lt3A_1196 : i32
      %convert_element_type3A_1198 = arith.extui %lt3A_1197 : i1 to i32
      %cond3A_1199 = arith.constant 0 : i32
      %cond3A_1200 = arith.cmpi ne, %convert_element_type3A_1198, %cond3A_1199 : i32
      scf.if %cond3A_1200 {
        %add3A_2333 = arith.constant 1 : i32
        %add3A_2334 = arith.addi %add3A_1193, %add3A_2333 : i32
        %dma_start3A_2335 = arith.constant 0 : i32
        %dma_start3A_2336 = tpu.memref_slice %arg6[%add3A_2334, %dma_start3A_2335] : memref<200x128xi32, #tpu.memory_space<vmem>> -> memref<1x128xi32, #tpu.memory_space<vmem>>
        %dma_start3A_2337 = tpu.memref_squeeze %dma_start3A_2336 : memref<1x128xi32, #tpu.memory_space<vmem>> -> memref<128xi32, #tpu.memory_space<vmem>>
        %dma_start3A_2338 = arith.constant 0 : i32
        %dma_start3A_2339 = arith.constant 0 : i32
        %dma_start3A_2340 = tpu.memref_slice %arg4[%dma_start3A_2338, %dma_start3A_2339] : memref<1000000x128xf32, #tpu.memory_space<hbm>> -> memref<1000000x128xf32, #tpu.memory_space<hbm>>
        tpu.enqueue_indirect_dma source(%dma_start3A_2340 : memref<1000000x128xf32, #tpu.memory_space<hbm>>) target(%arg7 : memref<128x128xf32, #tpu.memory_space<vmem>>) offsets(%dma_start3A_2337 : memref<128xi32, #tpu.memory_space<vmem>>) semaphore(%arg12 : memref<!tpu.dma_semaphore, #tpu.memory_space<semaphore_mem>>)
      } else {
      }
      %dma_wait3A_1201 = arith.constant 0 : i32
      %dma_wait3A_1202 = tpu.memref_slice %arg6[%add3A_1193, %dma_wait3A_1201] : memref<200x128xi32, #tpu.memory_space<vmem>> -> memref<1x128xi32, #tpu.memory_space<vmem>>
      %dma_wait3A_1203 = tpu.memref_squeeze %dma_wait3A_1202 : memref<1x128xi32, #tpu.memory_space<vmem>> -> memref<128xi32, #tpu.memory_space<vmem>>
      %dma_wait3A_1204 = arith.constant 0 : i32
      %dma_wait3A_1205 = arith.constant 0 : i32
      %dma_wait3A_1206 = tpu.memref_slice %arg4[%dma_wait3A_1204, %dma_wait3A_1205] : memref<1000000x128xf32, #tpu.memory_space<hbm>> -> memref<1000000x128xf32, #tpu.memory_space<hbm>>
      tpu.wait_indirect_dma semaphore(%arg13 : memref<!tpu.dma_semaphore, #tpu.memory_space<semaphore_mem>>) src(%dma_wait3A_1206 : memref<1000000x128xf32, #tpu.memory_space<hbm>>) dst(%arg8 : memref<128x128xf32, #tpu.memory_space<vmem>>)
      %ge3A_1207 = arith.constant 2 : i32
      %ge3A_1208 = arith.cmpi sge, %add3A_1193, %ge3A_1207 : i32
      %convert_element_type3A_1209 = arith.extui %ge3A_1208 : i1 to i32
      %cond3A_1210 = arith.constant 0 : i32
      %cond3A_1211 = arith.cmpi ne, %convert_element_type3A_1209, %cond3A_1210 : i32
      scf.if %cond3A_1211 {
        %dma_wait3A_2333 = arith.constant 0 : i32
        %dma_wait3A_2334 = tpu.memref_slice %arg11[%dma_wait3A_2333] : memref<8704xf32, #tpu.memory_space<vmem>> -> memref<8192xf32, #tpu.memory_space<vmem>>
        %dma_wait3A_2335 = arith.constant 0 : i32
        %dma_wait3A_2336 = tpu.memref_slice %arg3[%dma_wait3A_2335] : memref<12800xf32, #tpu.memory_space<hbm>> -> memref<8192xf32, #tpu.memory_space<hbm>>
        %dma_wait3A_2337 = arith.constant 0 : i32
        %dma_wait3A_2338 = tpu.memref_slice %arg11[%dma_wait3A_2337] : memref<8704xf32, #tpu.memory_space<vmem>> -> memref<8192xf32, #tpu.memory_space<vmem>>
        %dma_wait3A_2339 = arith.constant 0 : i32
        %dma_wait3A_2340 = tpu.memref_slice %arg3[%dma_wait3A_2339] : memref<12800xf32, #tpu.memory_space<hbm>> -> memref<8192xf32, #tpu.memory_space<hbm>>
        tpu.wait_dma2 semaphore(%arg15 : memref<!tpu.dma_semaphore, #tpu.memory_space<semaphore_mem>>) src(%dma_wait3A_2340 : memref<8192xf32, #tpu.memory_space<hbm>>) dst(%dma_wait3A_2338 : memref<8192xf32, #tpu.memory_space<vmem>>)
      } else {
      }
      %add3A_1212 = arith.addi %mul3A_2, %add3A_1193 : i32
      %shift_right_logical3A_1213 = arith.constant 5 : i32
      %shift_right_logical3A_1214 = arith.shrui %add3A_1212, %shift_right_logical3A_1213 : i32
      %mul3A_1215 = arith.constant 64 : i32
      %mul3A_1216 = arith.muli %shift_right_logical3A_1214, %mul3A_1215 : i32
      %add3A_1217 = arith.constant 0 : i32
      %add3A_1218 = arith.addi %mul3A_1216, %add3A_1217 : i32
      %get3A_1219 = arith.index_cast %add3A_1218 : i32 to index
      %get3A_1220 = tpu.vector_load %arg9[%get3A_1219] {strides = array<i32>} : memref<12800xf32, #tpu.memory_space<vmem>>, vector<16xf32>,
      %mul3A_1221 = arith.constant 64 : i32
      %mul3A_1222 = arith.muli %shift_right_logical3A_1214, %mul3A_1221 : i32
      %add3A_1223 = arith.constant 16 : i32
      %add3A_1224 = arith.addi %mul3A_1222, %add3A_1223 : i32
      %get3A_1225 = arith.index_cast %add3A_1224 : i32 to index
      %get3A_1226 = tpu.vector_load %arg9[%get3A_1225] {strides = array<i32>} : memref<12800xf32, #tpu.memory_space<vmem>>, vector<16xf32>,
      %mul3A_1227 = arith.constant 64 : i32
      %mul3A_1228 = arith.muli %shift_right_logical3A_1214, %mul3A_1227 : i32
      %add3A_1229 = arith.constant 32 : i32
      %add3A_1230 = arith.addi %mul3A_1228, %add3A_1229 : i32
      %get3A_1231 = arith.index_cast %add3A_1230 : i32 to index
      %get3A_1232 = tpu.vector_load %arg9[%get3A_1231] {strides = array<i32>} : memref<12800xf32, #tpu.memory_space<vmem>>, vector<16xf32>,
      %mul3A_1233 = arith.constant 64 : i32
      %mul3A_1234 = arith.muli %shift_right_logical3A_1214, %mul3A_1233 : i32
      %add3A_1235 = arith.constant 48 : i32
      %add3A_1236 = arith.addi %mul3A_1234, %add3A_1235 : i32
      %get3A_1237 = arith.index_cast %add3A_1236 : i32 to index
      %get3A_1238 = tpu.vector_load %arg9[%get3A_1237] {strides = array<i32>} : memref<12800xf32, #tpu.memory_space<vmem>>, vector<16xf32>,
      %scan3A_1239 = arith.constant 0 : i32
      %scan3A_1240 = arith.constant 0 : i32
      %scan3A_1241 = arith.constant 128 : i32
      %scan3A_1242 = arith.addi %scan3A_1240, %scan3A_1241 : i32
      %scan3A_1243 = arith.constant 8 : i32
      scf.for %scan3A_2333 = %scan3A_1240 to %scan3A_1242 step %scan3A_1243  : i32 {
        %broadcast_in_dim3A = arith.constant 0 : i32
        %broadcast_in_dim3A_2334 = vector.broadcast %broadcast_in_dim3A : i32 to vector<16xi32>
        %add3A_2335 = vector.broadcast %scan3A_2333 : i32 to vector<16xi32>
        %add3A_2336 = arith.addi %broadcast_in_dim3A_2334, %add3A_2335 : vector<16xi32>
        %get3A_2337 = arith.index_cast %scan3A_2333 : i32 to index
        %get3A_2338 = arith.constant 0 : index
        %get3A_2339 = tpu.vector_load %arg8[%get3A_2337, %get3A_2338] {strides = array<i32>} : memref<128x128xf32, #tpu.memory_space<vmem>>, vector<16xf32>,
        %add3A_2340 = arith.addi %mul3A_8, %add3A_2336 : vector<16xi32>
        %mul3A_2341 = arith.constant 8.000000e+00 : f32
        %mul3A_2342 = vector.broadcast %mul3A_2341 : f32 to vector<16xf32>
        %mul3A_2343 = arith.mulf %get3A_2339, %mul3A_2342 : vector<16xf32>
        %add3A_2344 = arith.addf %mul3A_2343, %get3A_1220 : vector<16xf32>
        tpu.vector_store_idx %arg11[%add3A_2340], %add3A_2344 : memref<8704xf32, #tpu.memory_space<vmem>>[vector<16xi32>], vector<16xf32>,
        %get3A_2345 = arith.index_cast %scan3A_2333 : i32 to index
        %get3A_2346 = arith.constant 16 : index
        %get3A_2347 = tpu.vector_load %arg8[%get3A_2345, %get3A_2346] {strides = array<i32>} : memref<128x128xf32, #tpu.memory_space<vmem>>, vector<16xf32>,
        %add3A_2348 = arith.addi %mul3A_14, %add3A_2336 : vector<16xi32>
        %mul3A_2349 = arith.constant 8.000000e+00 : f32
        %mul3A_2350 = vector.broadcast %mul3A_2349 : f32 to vector<16xf32>
        %mul3A_2351 = arith.mulf %get3A_2347, %mul3A_2350 : vector<16xf32>
        %add3A_2352 = arith.addf %mul3A_2351, %get3A_1226 : vector<16xf32>
        tpu.vector_store_idx %arg11[%add3A_2348], %add3A_2352 : memref<8704xf32, #tpu.memory_space<vmem>>[vector<16xi32>], vector<16xf32>,
        %get3A_2353 = arith.index_cast %scan3A_2333 : i32 to index
        %get3A_2354 = arith.constant 32 : index
        %get3A_2355 = tpu.vector_load %arg8[%get3A_2353, %get3A_2354] {strides = array<i32>} : memref<128x128xf32, #tpu.memory_space<vmem>>, vector<16xf32>,
        %add3A_2356 = arith.addi %mul3A_20, %add3A_2336 : vector<16xi32>
        %mul3A_2357 = arith.constant 8.000000e+00 : f32
        %mul3A_2358 = vector.broadcast %mul3A_2357 : f32 to vector<16xf32>
        %mul3A_2359 = arith.mulf %get3A_2355, %mul3A_2358 : vector<16xf32>
        %add3A_2360 = arith.addf %mul3A_2359, %get3A_1232 : vector<16xf32>
        tpu.vector_store_idx %arg11[%add3A_2356], %add3A_2360 : memref<8704xf32, #tpu.memory_space<vmem>>[vector<16xi32>], vector<16xf32>,
        %get3A_2361 = arith.index_cast %scan3A_2333 : i32 to index
        %get3A_2362 = arith.constant 48 : index
        %get3A_2363 = tpu.vector_load %arg8[%get3A_2361, %get3A_2362] {strides = array<i32>} : memref<128x128xf32, #tpu.memory_space<vmem>>, vector<16xf32>,
        %add3A_2364 = arith.addi %mul3A_26, %add3A_2336 : vector<16xi32>
        %mul3A_2365 = arith.constant 8.000000e+00 : f32
        %mul3A_2366 = vector.broadcast %mul3A_2365 : f32 to vector<16xf32>
        %mul3A_2367 = arith.mulf %get3A_2363, %mul3A_2366 : vector<16xf32>
        %add3A_2368 = arith.addf %mul3A_2367, %get3A_1238 : vector<16xf32>
        tpu.vector_store_idx %arg11[%add3A_2364], %add3A_2368 : memref<8704xf32, #tpu.memory_space<vmem>>[vector<16xi32>], vector<16xf32>,
        %scan3A_2369 = arith.constant 1 : i32
        %scan3A_2370 = arith.addi %scan3A_2333, %scan3A_2369 : i32
        %broadcast_in_dim3A_2371 = arith.constant 0 : i32
        %broadcast_in_dim3A_2372 = vector.broadcast %broadcast_in_dim3A_2371 : i32 to vector<16xi32>
        %add3A_2373 = vector.broadcast %scan3A_2370 : i32 to vector<16xi32>
        %add3A_2374 = arith.addi %broadcast_in_dim3A_2372, %add3A_2373 : vector<16xi32>
        %get3A_2375 = arith.index_cast %scan3A_2370 : i32 to index
        %get3A_2376 = arith.constant 0 : index
        %get3A_2377 = tpu.vector_load %arg8[%get3A_2375, %get3A_2376] {strides = array<i32>} : memref<128x128xf32, #tpu.memory_space<vmem>>, vector<16xf32>,
        %add3A_2378 = arith.addi %mul3A_8, %add3A_2374 : vector<16xi32>
        %mul3A_2379 = arith.constant 8.000000e+00 : f32
        %mul3A_2380 = vector.broadcast %mul3A_2379 : f32 to vector<16xf32>
        %mul3A_2381 = arith.mulf %get3A_2377, %mul3A_2380 : vector<16xf32>
        %add3A_2382 = arith.addf %mul3A_2381, %get3A_1220 : vector<16xf32>
        tpu.vector_store_idx %arg11[%add3A_2378], %add3A_2382 : memref<8704xf32, #tpu.memory_space<vmem>>[vector<16xi32>], vector<16xf32>,
        %get3A_2383 = arith.index_cast %scan3A_2370 : i32 to index
        %get3A_2384 = arith.constant 16 : index
        %get3A_2385 = tpu.vector_load %arg8[%get3A_2383, %get3A_2384] {strides = array<i32>} : memref<128x128xf32, #tpu.memory_space<vmem>>, vector<16xf32>,
        %add3A_2386 = arith.addi %mul3A_14, %add3A_2374 : vector<16xi32>
        %mul3A_2387 = arith.constant 8.000000e+00 : f32
        %mul3A_2388 = vector.broadcast %mul3A_2387 : f32 to vector<16xf32>
        %mul3A_2389 = arith.mulf %get3A_2385, %mul3A_2388 : vector<16xf32>
        %add3A_2390 = arith.addf %mul3A_2389, %get3A_1226 : vector<16xf32>
        tpu.vector_store_idx %arg11[%add3A_2386], %add3A_2390 : memref<8704xf32, #tpu.memory_space<vmem>>[vector<16xi32>], vector<16xf32>,
        %get3A_2391 = arith.index_cast %scan3A_2370 : i32 to index
        %get3A_2392 = arith.constant 32 : index
        %get3A_2393 = tpu.vector_load %arg8[%get3A_2391, %get3A_2392] {strides = array<i32>} : memref<128x128xf32, #tpu.memory_space<vmem>>, vector<16xf32>,
        %add3A_2394 = arith.addi %mul3A_20, %add3A_2374 : vector<16xi32>
        %mul3A_2395 = arith.constant 8.000000e+00 : f32
        %mul3A_2396 = vector.broadcast %mul3A_2395 : f32 to vector<16xf32>
        %mul3A_2397 = arith.mulf %get3A_2393, %mul3A_2396 : vector<16xf32>
        %add3A_2398 = arith.addf %mul3A_2397, %get3A_1232 : vector<16xf32>
        tpu.vector_store_idx %arg11[%add3A_2394], %add3A_2398 : memref<8704xf32, #tpu.memory_space<vmem>>[vector<16xi32>], vector<16xf32>,
        %get3A_2399 = arith.index_cast %scan3A_2370 : i32 to index
        %get3A_2400 = arith.constant 48 : index
        %get3A_2401 = tpu.vector_load %arg8[%get3A_2399, %get3A_2400] {strides = array<i32>} : memref<128x128xf32, #tpu.memory_space<vmem>>, vector<16xf32>,
        %add3A_2402 = arith.addi %mul3A_26, %add3A_2374 : vector<16xi32>
        %mul3A_2403 = arith.constant 8.000000e+00 : f32
        %mul3A_2404 = vector.broadcast %mul3A_2403 : f32 to vector<16xf32>
        %mul3A_2405 = arith.mulf %get3A_2401, %mul3A_2404 : vector<16xf32>
        %add3A_2406 = arith.addf %mul3A_2405, %get3A_1238 : vector<16xf32>
        tpu.vector_store_idx %arg11[%add3A_2402], %add3A_2406 : memref<8704xf32, #tpu.memory_space<vmem>>[vector<16xi32>], vector<16xf32>,
        %scan3A_2407 = arith.constant 2 : i32
        %scan3A_2408 = arith.addi %scan3A_2333, %scan3A_2407 : i32
        %broadcast_in_dim3A_2409 = arith.constant 0 : i32
        %broadcast_in_dim3A_2410 = vector.broadcast %broadcast_in_dim3A_2409 : i32 to vector<16xi32>
        %add3A_2411 = vector.broadcast %scan3A_2408 : i32 to vector<16xi32>
        %add3A_2412 = arith.addi %broadcast_in_dim3A_2410, %add3A_2411 : vector<16xi32>
        %get3A_2413 = arith.index_cast %scan3A_2408 : i32 to index
        %get3A_2414 = arith.constant 0 : index
        %get3A_2415 = tpu.vector_load %arg8[%get3A_2413, %get3A_2414] {strides = array<i32>} : memref<128x128xf32, #tpu.memory_space<vmem>>, vector<16xf32>,
        %add3A_2416 = arith.addi %mul3A_8, %add3A_2412 : vector<16xi32>
        %mul3A_2417 = arith.constant 8.000000e+00 : f32
        %mul3A_2418 = vector.broadcast %mul3A_2417 : f32 to vector<16xf32>
        %mul3A_2419 = arith.mulf %get3A_2415, %mul3A_2418 : vector<16xf32>
        %add3A_2420 = arith.addf %mul3A_2419, %get3A_1220 : vector<16xf32>
        tpu.vector_store_idx %arg11[%add3A_2416], %add3A_2420 : memref<8704xf32, #tpu.memory_space<vmem>>[vector<16xi32>], vector<16xf32>,
        %get3A_2421 = arith.index_cast %scan3A_2408 : i32 to index
        %get3A_2422 = arith.constant 16 : index
        %get3A_2423 = tpu.vector_load %arg8[%get3A_2421, %get3A_2422] {strides = array<i32>} : memref<128x128xf32, #tpu.memory_space<vmem>>, vector<16xf32>,
        %add3A_2424 = arith.addi %mul3A_14, %add3A_2412 : vector<16xi32>
        %mul3A_2425 = arith.constant 8.000000e+00 : f32
        %mul3A_2426 = vector.broadcast %mul3A_2425 : f32 to vector<16xf32>
        %mul3A_2427 = arith.mulf %get3A_2423, %mul3A_2426 : vector<16xf32>
        %add3A_2428 = arith.addf %mul3A_2427, %get3A_1226 : vector<16xf32>
        tpu.vector_store_idx %arg11[%add3A_2424], %add3A_2428 : memref<8704xf32, #tpu.memory_space<vmem>>[vector<16xi32>], vector<16xf32>,
        %get3A_2429 = arith.index_cast %scan3A_2408 : i32 to index
        %get3A_2430 = arith.constant 32 : index
        %get3A_2431 = tpu.vector_load %arg8[%get3A_2429, %get3A_2430] {strides = array<i32>} : memref<128x128xf32, #tpu.memory_space<vmem>>, vector<16xf32>,
        %add3A_2432 = arith.addi %mul3A_20, %add3A_2412 : vector<16xi32>
        %mul3A_2433 = arith.constant 8.000000e+00 : f32
        %mul3A_2434 = vector.broadcast %mul3A_2433 : f32 to vector<16xf32>
        %mul3A_2435 = arith.mulf %get3A_2431, %mul3A_2434 : vector<16xf32>
        %add3A_2436 = arith.addf %mul3A_2435, %get3A_1232 : vector<16xf32>
        tpu.vector_store_idx %arg11[%add3A_2432], %add3A_2436 : memref<8704xf32, #tpu.memory_space<vmem>>[vector<16xi32>], vector<16xf32>,
        %get3A_2437 = arith.index_cast %scan3A_2408 : i32 to index
        %get3A_2438 = arith.constant 48 : index
        %get3A_2439 = tpu.vector_load %arg8[%get3A_2437, %get3A_2438] {strides = array<i32>} : memref<128x128xf32, #tpu.memory_space<vmem>>, vector<16xf32>,
        %add3A_2440 = arith.addi %mul3A_26, %add3A_2412 : vector<16xi32>
        %mul3A_2441 = arith.constant 8.000000e+00 : f32
        %mul3A_2442 = vector.broadcast %mul3A_2441 : f32 to vector<16xf32>
        %mul3A_2443 = arith.mulf %get3A_2439, %mul3A_2442 : vector<16xf32>
        %add3A_2444 = arith.addf %mul3A_2443, %get3A_1238 : vector<16xf32>
        tpu.vector_store_idx %arg11[%add3A_2440], %add3A_2444 : memref<8704xf32, #tpu.memory_space<vmem>>[vector<16xi32>], vector<16xf32>,
        %scan3A_2445 = arith.constant 3 : i32
        %scan3A_2446 = arith.addi %scan3A_2333, %scan3A_2445 : i32
        %broadcast_in_dim3A_2447 = arith.constant 0 : i32
        %broadcast_in_dim3A_2448 = vector.broadcast %broadcast_in_dim3A_2447 : i32 to vector<16xi32>
        %add3A_2449 = vector.broadcast %scan3A_2446 : i32 to vector<16xi32>
        %add3A_2450 = arith.addi %broadcast_in_dim3A_2448, %add3A_2449 : vector<16xi32>
        %get3A_2451 = arith.index_cast %scan3A_2446 : i32 to index
        %get3A_2452 = arith.constant 0 : index
        %get3A_2453 = tpu.vector_load %arg8[%get3A_2451, %get3A_2452] {strides = array<i32>} : memref<128x128xf32, #tpu.memory_space<vmem>>, vector<16xf32>,
        %add3A_2454 = arith.addi %mul3A_8, %add3A_2450 : vector<16xi32>
        %mul3A_2455 = arith.constant 8.000000e+00 : f32
        %mul3A_2456 = vector.broadcast %mul3A_2455 : f32 to vector<16xf32>
        %mul3A_2457 = arith.mulf %get3A_2453, %mul3A_2456 : vector<16xf32>
        %add3A_2458 = arith.addf %mul3A_2457, %get3A_1220 : vector<16xf32>
        tpu.vector_store_idx %arg11[%add3A_2454], %add3A_2458 : memref<8704xf32, #tpu.memory_space<vmem>>[vector<16xi32>], vector<16xf32>,
        %get3A_2459 = arith.index_cast %scan3A_2446 : i32 to index
        %get3A_2460 = arith.constant 16 : index
        %get3A_2461 = tpu.vector_load %arg8[%get3A_2459, %get3A_2460] {strides = array<i32>} : memref<128x128xf32, #tpu.memory_space<vmem>>, vector<16xf32>,
        %add3A_2462 = arith.addi %mul3A_14, %add3A_2450 : vector<16xi32>
        %mul3A_2463 = arith.constant 8.000000e+00 : f32
        %mul3A_2464 = vector.broadcast %mul3A_2463 : f32 to vector<16xf32>
        %mul3A_2465 = arith.mulf %get3A_2461, %mul3A_2464 : vector<16xf32>
        %add3A_2466 = arith.addf %mul3A_2465, %get3A_1226 : vector<16xf32>
        tpu.vector_store_idx %arg11[%add3A_2462], %add3A_2466 : memref<8704xf32, #tpu.memory_space<vmem>>[vector<16xi32>], vector<16xf32>,
        %get3A_2467 = arith.index_cast %scan3A_2446 : i32 to index
        %get3A_2468 = arith.constant 32 : index
        %get3A_2469 = tpu.vector_load %arg8[%get3A_2467, %get3A_2468] {strides = array<i32>} : memref<128x128xf32, #tpu.memory_space<vmem>>, vector<16xf32>,
        %add3A_2470 = arith.addi %mul3A_20, %add3A_2450 : vector<16xi32>
        %mul3A_2471 = arith.constant 8.000000e+00 : f32
        %mul3A_2472 = vector.broadcast %mul3A_2471 : f32 to vector<16xf32>
        %mul3A_2473 = arith.mulf %get3A_2469, %mul3A_2472 : vector<16xf32>
        %add3A_2474 = arith.addf %mul3A_2473, %get3A_1232 : vector<16xf32>
        tpu.vector_store_idx %arg11[%add3A_2470], %add3A_2474 : memref<8704xf32, #tpu.memory_space<vmem>>[vector<16xi32>], vector<16xf32>,
        %get3A_2475 = arith.index_cast %scan3A_2446 : i32 to index
        %get3A_2476 = arith.constant 48 : index
        %get3A_2477 = tpu.vector_load %arg8[%get3A_2475, %get3A_2476] {strides = array<i32>} : memref<128x128xf32, #tpu.memory_space<vmem>>, vector<16xf32>,
        %add3A_2478 = arith.addi %mul3A_26, %add3A_2450 : vector<16xi32>
        %mul3A_2479 = arith.constant 8.000000e+00 : f32
        %mul3A_2480 = vector.broadcast %mul3A_2479 : f32 to vector<16xf32>
        %mul3A_2481 = arith.mulf %get3A_2477, %mul3A_2480 : vector<16xf32>
        %add3A_2482 = arith.addf %mul3A_2481, %get3A_1238 : vector<16xf32>
        tpu.vector_store_idx %arg11[%add3A_2478], %add3A_2482 : memref<8704xf32, #tpu.memory_space<vmem>>[vector<16xi32>], vector<16xf32>,
        %scan3A_2483 = arith.constant 4 : i32
        %scan3A_2484 = arith.addi %scan3A_2333, %scan3A_2483 : i32
        %broadcast_in_dim3A_2485 = arith.constant 0 : i32
        %broadcast_in_dim3A_2486 = vector.broadcast %broadcast_in_dim3A_2485 : i32 to vector<16xi32>
        %add3A_2487 = vector.broadcast %scan3A_2484 : i32 to vector<16xi32>
        %add3A_2488 = arith.addi %broadcast_in_dim3A_2486, %add3A_2487 : vector<16xi32>
        %get3A_2489 = arith.index_cast %scan3A_2484 : i32 to index
        %get3A_2490 = arith.constant 0 : index
        %get3A_2491 = tpu.vector_load %arg8[%get3A_2489, %get3A_2490] {strides = array<i32>} : memref<128x128xf32, #tpu.memory_space<vmem>>, vector<16xf32>,
        %add3A_2492 = arith.addi %mul3A_8, %add3A_2488 : vector<16xi32>
        %mul3A_2493 = arith.constant 8.000000e+00 : f32
        %mul3A_2494 = vector.broadcast %mul3A_2493 : f32 to vector<16xf32>
        %mul3A_2495 = arith.mulf %get3A_2491, %mul3A_2494 : vector<16xf32>
        %add3A_2496 = arith.addf %mul3A_2495, %get3A_1220 : vector<16xf32>
        tpu.vector_store_idx %arg11[%add3A_2492], %add3A_2496 : memref<8704xf32, #tpu.memory_space<vmem>>[vector<16xi32>], vector<16xf32>,
        %get3A_2497 = arith.index_cast %scan3A_2484 : i32 to index
        %get3A_2498 = arith.constant 16 : index
        %get3A_2499 = tpu.vector_load %arg8[%get3A_2497, %get3A_2498] {strides = array<i32>} : memref<128x128xf32, #tpu.memory_space<vmem>>, vector<16xf32>,
        %add3A_2500 = arith.addi %mul3A_14, %add3A_2488 : vector<16xi32>
        %mul3A_2501 = arith.constant 8.000000e+00 : f32
        %mul3A_2502 = vector.broadcast %mul3A_2501 : f32 to vector<16xf32>
        %mul3A_2503 = arith.mulf %get3A_2499, %mul3A_2502 : vector<16xf32>
        %add3A_2504 = arith.addf %mul3A_2503, %get3A_1226 : vector<16xf32>
        tpu.vector_store_idx %arg11[%add3A_2500], %add3A_2504 : memref<8704xf32, #tpu.memory_space<vmem>>[vector<16xi32>], vector<16xf32>,
        %get3A_2505 = arith.index_cast %scan3A_2484 : i32 to index
        %get3A_2506 = arith.constant 32 : index
        %get3A_2507 = tpu.vector_load %arg8[%get3A_2505, %get3A_2506] {strides = array<i32>} : memref<128x128xf32, #tpu.memory_space<vmem>>, vector<16xf32>,
        %add3A_2508 = arith.addi %mul3A_20, %add3A_2488 : vector<16xi32>
        %mul3A_2509 = arith.constant 8.000000e+00 : f32
        %mul3A_2510 = vector.broadcast %mul3A_2509 : f32 to vector<16xf32>
        %mul3A_2511 = arith.mulf %get3A_2507, %mul3A_2510 : vector<16xf32>
        %add3A_2512 = arith.addf %mul3A_2511, %get3A_1232 : vector<16xf32>
        tpu.vector_store_idx %arg11[%add3A_2508], %add3A_2512 : memref<8704xf32, #tpu.memory_space<vmem>>[vector<16xi32>], vector<16xf32>,
        %get3A_2513 = arith.index_cast %scan3A_2484 : i32 to index
        %get3A_2514 = arith.constant 48 : index
        %get3A_2515 = tpu.vector_load %arg8[%get3A_2513, %get3A_2514] {strides = array<i32>} : memref<128x128xf32, #tpu.memory_space<vmem>>, vector<16xf32>,
        %add3A_2516 = arith.addi %mul3A_26, %add3A_2488 : vector<16xi32>
        %mul3A_2517 = arith.constant 8.000000e+00 : f32
        %mul3A_2518 = vector.broadcast %mul3A_2517 : f32 to vector<16xf32>
        %mul3A_2519 = arith.mulf %get3A_2515, %mul3A_2518 : vector<16xf32>
        %add3A_2520 = arith.addf %mul3A_2519, %get3A_1238 : vector<16xf32>
        tpu.vector_store_idx %arg11[%add3A_2516], %add3A_2520 : memref<8704xf32, #tpu.memory_space<vmem>>[vector<16xi32>], vector<16xf32>,
        %scan3A_2521 = arith.constant 5 : i32
        %scan3A_2522 = arith.addi %scan3A_2333, %scan3A_2521 : i32
        %broadcast_in_dim3A_2523 = arith.constant 0 : i32
        %broadcast_in_dim3A_2524 = vector.broadcast %broadcast_in_dim3A_2523 : i32 to vector<16xi32>
        %add3A_2525 = vector.broadcast %scan3A_2522 : i32 to vector<16xi32>
        %add3A_2526 = arith.addi %broadcast_in_dim3A_2524, %add3A_2525 : vector<16xi32>
        %get3A_2527 = arith.index_cast %scan3A_2522 : i32 to index
        %get3A_2528 = arith.constant 0 : index
        %get3A_2529 = tpu.vector_load %arg8[%get3A_2527, %get3A_2528] {strides = array<i32>} : memref<128x128xf32, #tpu.memory_space<vmem>>, vector<16xf32>,
        %add3A_2530 = arith.addi %mul3A_8, %add3A_2526 : vector<16xi32>
        %mul3A_2531 = arith.constant 8.000000e+00 : f32
        %mul3A_2532 = vector.broadcast %mul3A_2531 : f32 to vector<16xf32>
        %mul3A_2533 = arith.mulf %get3A_2529, %mul3A_2532 : vector<16xf32>
        %add3A_2534 = arith.addf %mul3A_2533, %get3A_1220 : vector<16xf32>
        tpu.vector_store_idx %arg11[%add3A_2530], %add3A_2534 : memref<8704xf32, #tpu.memory_space<vmem>>[vector<16xi32>], vector<16xf32>,
        %get3A_2535 = arith.index_cast %scan3A_2522 : i32 to index
        %get3A_2536 = arith.constant 16 : index
        %get3A_2537 = tpu.vector_load %arg8[%get3A_2535, %get3A_2536] {strides = array<i32>} : memref<128x128xf32, #tpu.memory_space<vmem>>, vector<16xf32>,
        %add3A_2538 = arith.addi %mul3A_14, %add3A_2526 : vector<16xi32>
        %mul3A_2539 = arith.constant 8.000000e+00 : f32
        %mul3A_2540 = vector.broadcast %mul3A_2539 : f32 to vector<16xf32>
        %mul3A_2541 = arith.mulf %get3A_2537, %mul3A_2540 : vector<16xf32>
        %add3A_2542 = arith.addf %mul3A_2541, %get3A_1226 : vector<16xf32>
        tpu.vector_store_idx %arg11[%add3A_2538], %add3A_2542 : memref<8704xf32, #tpu.memory_space<vmem>>[vector<16xi32>], vector<16xf32>,
        %get3A_2543 = arith.index_cast %scan3A_2522 : i32 to index
        %get3A_2544 = arith.constant 32 : index
        %get3A_2545 = tpu.vector_load %arg8[%get3A_2543, %get3A_2544] {strides = array<i32>} : memref<128x128xf32, #tpu.memory_space<vmem>>, vector<16xf32>,
        %add3A_2546 = arith.addi %mul3A_20, %add3A_2526 : vector<16xi32>
        %mul3A_2547 = arith.constant 8.000000e+00 : f32
        %mul3A_2548 = vector.broadcast %mul3A_2547 : f32 to vector<16xf32>
        %mul3A_2549 = arith.mulf %get3A_2545, %mul3A_2548 : vector<16xf32>
        %add3A_2550 = arith.addf %mul3A_2549, %get3A_1232 : vector<16xf32>
        tpu.vector_store_idx %arg11[%add3A_2546], %add3A_2550 : memref<8704xf32, #tpu.memory_space<vmem>>[vector<16xi32>], vector<16xf32>,
        %get3A_2551 = arith.index_cast %scan3A_2522 : i32 to index
        %get3A_2552 = arith.constant 48 : index
        %get3A_2553 = tpu.vector_load %arg8[%get3A_2551, %get3A_2552] {strides = array<i32>} : memref<128x128xf32, #tpu.memory_space<vmem>>, vector<16xf32>,
        %add3A_2554 = arith.addi %mul3A_26, %add3A_2526 : vector<16xi32>
        %mul3A_2555 = arith.constant 8.000000e+00 : f32
        %mul3A_2556 = vector.broadcast %mul3A_2555 : f32 to vector<16xf32>
        %mul3A_2557 = arith.mulf %get3A_2553, %mul3A_2556 : vector<16xf32>
        %add3A_2558 = arith.addf %mul3A_2557, %get3A_1238 : vector<16xf32>
        tpu.vector_store_idx %arg11[%add3A_2554], %add3A_2558 : memref<8704xf32, #tpu.memory_space<vmem>>[vector<16xi32>], vector<16xf32>,
        %scan3A_2559 = arith.constant 6 : i32
        %scan3A_2560 = arith.addi %scan3A_2333, %scan3A_2559 : i32
        %broadcast_in_dim3A_2561 = arith.constant 0 : i32
        %broadcast_in_dim3A_2562 = vector.broadcast %broadcast_in_dim3A_2561 : i32 to vector<16xi32>
        %add3A_2563 = vector.broadcast %scan3A_2560 : i32 to vector<16xi32>
        %add3A_2564 = arith.addi %broadcast_in_dim3A_2562, %add3A_2563 : vector<16xi32>
        %get3A_2565 = arith.index_cast %scan3A_2560 : i32 to index
        %get3A_2566 = arith.constant 0 : index
        %get3A_2567 = tpu.vector_load %arg8[%get3A_2565, %get3A_2566] {strides = array<i32>} : memref<128x128xf32, #tpu.memory_space<vmem>>, vector<16xf32>,
        %add3A_2568 = arith.addi %mul3A_8, %add3A_2564 : vector<16xi32>
        %mul3A_2569 = arith.constant 8.000000e+00 : f32
        %mul3A_2570 = vector.broadcast %mul3A_2569 : f32 to vector<16xf32>
        %mul3A_2571 = arith.mulf %get3A_2567, %mul3A_2570 : vector<16xf32>
        %add3A_2572 = arith.addf %mul3A_2571, %get3A_1220 : vector<16xf32>
        tpu.vector_store_idx %arg11[%add3A_2568], %add3A_2572 : memref<8704xf32, #tpu.memory_space<vmem>>[vector<16xi32>], vector<16xf32>,
        %get3A_2573 = arith.index_cast %scan3A_2560 : i32 to index
        %get3A_2574 = arith.constant 16 : index
        %get3A_2575 = tpu.vector_load %arg8[%get3A_2573, %get3A_2574] {strides = array<i32>} : memref<128x128xf32, #tpu.memory_space<vmem>>, vector<16xf32>,
        %add3A_2576 = arith.addi %mul3A_14, %add3A_2564 : vector<16xi32>
        %mul3A_2577 = arith.constant 8.000000e+00 : f32
        %mul3A_2578 = vector.broadcast %mul3A_2577 : f32 to vector<16xf32>
        %mul3A_2579 = arith.mulf %get3A_2575, %mul3A_2578 : vector<16xf32>
        %add3A_2580 = arith.addf %mul3A_2579, %get3A_1226 : vector<16xf32>
        tpu.vector_store_idx %arg11[%add3A_2576], %add3A_2580 : memref<8704xf32, #tpu.memory_space<vmem>>[vector<16xi32>], vector<16xf32>,
        %get3A_2581 = arith.index_cast %scan3A_2560 : i32 to index
        %get3A_2582 = arith.constant 32 : index
        %get3A_2583 = tpu.vector_load %arg8[%get3A_2581, %get3A_2582] {strides = array<i32>} : memref<128x128xf32, #tpu.memory_space<vmem>>, vector<16xf32>,
        %add3A_2584 = arith.addi %mul3A_20, %add3A_2564 : vector<16xi32>
        %mul3A_2585 = arith.constant 8.000000e+00 : f32
        %mul3A_2586 = vector.broadcast %mul3A_2585 : f32 to vector<16xf32>
        %mul3A_2587 = arith.mulf %get3A_2583, %mul3A_2586 : vector<16xf32>
        %add3A_2588 = arith.addf %mul3A_2587, %get3A_1232 : vector<16xf32>
        tpu.vector_store_idx %arg11[%add3A_2584], %add3A_2588 : memref<8704xf32, #tpu.memory_space<vmem>>[vector<16xi32>], vector<16xf32>,
        %get3A_2589 = arith.index_cast %scan3A_2560 : i32 to index
        %get3A_2590 = arith.constant 48 : index
        %get3A_2591 = tpu.vector_load %arg8[%get3A_2589, %get3A_2590] {strides = array<i32>} : memref<128x128xf32, #tpu.memory_space<vmem>>, vector<16xf32>,
        %add3A_2592 = arith.addi %mul3A_26, %add3A_2564 : vector<16xi32>
        %mul3A_2593 = arith.constant 8.000000e+00 : f32
        %mul3A_2594 = vector.broadcast %mul3A_2593 : f32 to vector<16xf32>
        %mul3A_2595 = arith.mulf %get3A_2591, %mul3A_2594 : vector<16xf32>
        %add3A_2596 = arith.addf %mul3A_2595, %get3A_1238 : vector<16xf32>
        tpu.vector_store_idx %arg11[%add3A_2592], %add3A_2596 : memref<8704xf32, #tpu.memory_space<vmem>>[vector<16xi32>], vector<16xf32>,
        %scan3A_2597 = arith.constant 7 : i32
        %scan3A_2598 = arith.addi %scan3A_2333, %scan3A_2597 : i32
        %broadcast_in_dim3A_2599 = arith.constant 0 : i32
        %broadcast_in_dim3A_2600 = vector.broadcast %broadcast_in_dim3A_2599 : i32 to vector<16xi32>
        %add3A_2601 = vector.broadcast %scan3A_2598 : i32 to vector<16xi32>
        %add3A_2602 = arith.addi %broadcast_in_dim3A_2600, %add3A_2601 : vector<16xi32>
        %get3A_2603 = arith.index_cast %scan3A_2598 : i32 to index
        %get3A_2604 = arith.constant 0 : index
        %get3A_2605 = tpu.vector_load %arg8[%get3A_2603, %get3A_2604] {strides = array<i32>} : memref<128x128xf32, #tpu.memory_space<vmem>>, vector<16xf32>,
        %add3A_2606 = arith.addi %mul3A_8, %add3A_2602 : vector<16xi32>
        %mul3A_2607 = arith.constant 8.000000e+00 : f32
        %mul3A_2608 = vector.broadcast %mul3A_2607 : f32 to vector<16xf32>
        %mul3A_2609 = arith.mulf %get3A_2605, %mul3A_2608 : vector<16xf32>
        %add3A_2610 = arith.addf %mul3A_2609, %get3A_1220 : vector<16xf32>
        tpu.vector_store_idx %arg11[%add3A_2606], %add3A_2610 : memref<8704xf32, #tpu.memory_space<vmem>>[vector<16xi32>], vector<16xf32>,
        %get3A_2611 = arith.index_cast %scan3A_2598 : i32 to index
        %get3A_2612 = arith.constant 16 : index
        %get3A_2613 = tpu.vector_load %arg8[%get3A_2611, %get3A_2612] {strides = array<i32>} : memref<128x128xf32, #tpu.memory_space<vmem>>, vector<16xf32>,
        %add3A_2614 = arith.addi %mul3A_14, %add3A_2602 : vector<16xi32>
        %mul3A_2615 = arith.constant 8.000000e+00 : f32
        %mul3A_2616 = vector.broadcast %mul3A_2615 : f32 to vector<16xf32>
        %mul3A_2617 = arith.mulf %get3A_2613, %mul3A_2616 : vector<16xf32>
        %add3A_2618 = arith.addf %mul3A_2617, %get3A_1226 : vector<16xf32>
        tpu.vector_store_idx %arg11[%add3A_2614], %add3A_2618 : memref<8704xf32, #tpu.memory_space<vmem>>[vector<16xi32>], vector<16xf32>,
        %get3A_2619 = arith.index_cast %scan3A_2598 : i32 to index
        %get3A_2620 = arith.constant 32 : index
        %get3A_2621 = tpu.vector_load %arg8[%get3A_2619, %get3A_2620] {strides = array<i32>} : memref<128x128xf32, #tpu.memory_space<vmem>>, vector<16xf32>,
        %add3A_2622 = arith.addi %mul3A_20, %add3A_2602 : vector<16xi32>
        %mul3A_2623 = arith.constant 8.000000e+00 : f32
        %mul3A_2624 = vector.broadcast %mul3A_2623 : f32 to vector<16xf32>
        %mul3A_2625 = arith.mulf %get3A_2621, %mul3A_2624 : vector<16xf32>
        %add3A_2626 = arith.addf %mul3A_2625, %get3A_1232 : vector<16xf32>
        tpu.vector_store_idx %arg11[%add3A_2622], %add3A_2626 : memref<8704xf32, #tpu.memory_space<vmem>>[vector<16xi32>], vector<16xf32>,
        %get3A_2627 = arith.index_cast %scan3A_2598 : i32 to index
        %get3A_2628 = arith.constant 48 : index
        %get3A_2629 = tpu.vector_load %arg8[%get3A_2627, %get3A_2628] {strides = array<i32>} : memref<128x128xf32, #tpu.memory_space<vmem>>, vector<16xf32>,
        %add3A_2630 = arith.addi %mul3A_26, %add3A_2602 : vector<16xi32>
        %mul3A_2631 = arith.constant 8.000000e+00 : f32
        %mul3A_2632 = vector.broadcast %mul3A_2631 : f32 to vector<16xf32>
        %mul3A_2633 = arith.mulf %get3A_2629, %mul3A_2632 : vector<16xf32>
        %add3A_2634 = arith.addf %mul3A_2633, %get3A_1238 : vector<16xf32>
        tpu.vector_store_idx %arg11[%add3A_2630], %add3A_2634 : memref<8704xf32, #tpu.memory_space<vmem>>[vector<16xi32>], vector<16xf32>,
      }
      %scan3A_1244 = arith.constant 128 : i32
      %add3A_1245 = arith.addi %mul3A_2, %add3A_1193 : i32
      %shift_right_logical3A_1246 = arith.constant 5 : i32
      %shift_right_logical3A_1247 = arith.shrui %add3A_1245, %shift_right_logical3A_1246 : i32
      %rem3A_1248 = arith.constant 32 : i32
      %rem3A_1249 = arith.remsi %add3A_1245, %rem3A_1248 : i32
      %dma_start3A_1250 = arith.constant 0 : i32
      %dma_start3A_1251 = arith.constant 0 : i32
      %dma_start3A_1252 = arith.constant 0 : i32
      %dma_start3A_1253 = tpu.memref_slice %arg11[%dma_start3A_1252] : memref<8704xf32, #tpu.memory_space<vmem>> -> memref<128xf32, #tpu.memory_space<vmem>>
      %dma_start3A_1254 = arith.constant 0 : i32
      %dma_start3A_1255 = tpu.memref_slice %arg5[%shift_right_logical3A_1247, %dma_start3A_1250, %rem3A_1249, %dma_start3A_1251, %dma_start3A_1254] : memref<200x8x32x8x128xf32, #tpu.memory_space<hbm>> -> memref<1x1x1x1x128xf32, #tpu.memory_space<hbm>>
      %dma_start3A_1256 = tpu.memref_squeeze %dma_start3A_1255 : memref<1x1x1x1x128xf32, #tpu.memory_space<hbm>> -> memref<128xf32, #tpu.memory_space<hbm>>
      %dma_start3A_1257 = arith.constant 0 : i32
      %dma_start3A_1258 = tpu.memref_slice %arg5[%shift_right_logical3A_1247, %dma_start3A_1250, %rem3A_1249, %dma_start3A_1251, %dma_start3A_1257] : memref<200x8x32x8x128xf32, #tpu.memory_space<hbm>> -> memref<1x1x1x1x128xf32, #tpu.memory_space<hbm>>
      %dma_start3A_1259 = tpu.memref_squeeze %dma_start3A_1258 : memref<1x1x1x1x128xf32, #tpu.memory_space<hbm>> -> memref<128xf32, #tpu.memory_space<hbm>>
      %dma_start3A_1260 = arith.constant 0 : i32
      %dma_start3A_1261 = tpu.memref_slice %arg11[%dma_start3A_1260] : memref<8704xf32, #tpu.memory_space<vmem>> -> memref<128xf32, #tpu.memory_space<vmem>>
      tpu.enqueue_dma source(%dma_start3A_1261 : memref<128xf32, #tpu.memory_space<vmem>>) target(%dma_start3A_1259 : memref<128xf32, #tpu.memory_space<hbm>>) target_semaphore(%arg15 : memref<!tpu.dma_semaphore, #tpu.memory_space<semaphore_mem>>)
      %add3A_1262 = arith.addi %mul3A_2, %add3A_1193 : i32
      %shift_right_logical3A_1263 = arith.constant 5 : i32
      %shift_right_logical3A_1264 = arith.shrui %add3A_1262, %shift_right_logical3A_1263 : i32
      %rem3A_1265 = arith.constant 32 : i32
      %rem3A_1266 = arith.remsi %add3A_1262, %rem3A_1265 : i32
      %dma_start3A_1267 = arith.constant 0 : i32
      %dma_start3A_1268 = arith.constant 1 : i32
      %dma_start3A_1269 = arith.constant 136 : i32
      %dma_start3A_1270 = tpu.memref_slice %arg11[%dma_start3A_1269] : memref<8704xf32, #tpu.memory_space<vmem>> -> memref<128xf32, #tpu.memory_space<vmem>>
      %dma_start3A_1271 = arith.constant 0 : i32
      %dma_start3A_1272 = tpu.memref_slice %arg5[%shift_right_logical3A_1264, %dma_start3A_1267, %rem3A_1266, %dma_start3A_1268, %dma_start3A_1271] : memref<200x8x32x8x128xf32, #tpu.memory_space<hbm>> -> memref<1x1x1x1x128xf32, #tpu.memory_space<hbm>>
      %dma_start3A_1273 = tpu.memref_squeeze %dma_start3A_1272 : memref<1x1x1x1x128xf32, #tpu.memory_space<hbm>> -> memref<128xf32, #tpu.memory_space<hbm>>
      %dma_start3A_1274 = arith.constant 0 : i32
      %dma_start3A_1275 = tpu.memref_slice %arg5[%shift_right_logical3A_1264, %dma_start3A_1267, %rem3A_1266, %dma_start3A_1268, %dma_start3A_1274] : memref<200x8x32x8x128xf32, #tpu.memory_space<hbm>> -> memref<1x1x1x1x128xf32, #tpu.memory_space<hbm>>
      %dma_start3A_1276 = tpu.memref_squeeze %dma_start3A_1275 : memref<1x1x1x1x128xf32, #tpu.memory_space<hbm>> -> memref<128xf32, #tpu.memory_space<hbm>>
      %dma_start3A_1277 = arith.constant 136 : i32
      %dma_start3A_1278 = tpu.memref_slice %arg11[%dma_start3A_1277] : memref<8704xf32, #tpu.memory_space<vmem>> -> memref<128xf32, #tpu.memory_space<vmem>>
      tpu.enqueue_dma source(%dma_start3A_1278 : memref<128xf32, #tpu.memory_space<vmem>>) target(%dma_start3A_1276 : memref<128xf32, #tpu.memory_space<hbm>>) target_semaphore(%arg15 : memref<!tpu.dma_semaphore, #tpu.memory_space<semaphore_mem>>)
      %add3A_1279 = arith.addi %mul3A_2, %add3A_1193 : i32
      %shift_right_logical3A_1280 = arith.constant 5 : i32
      %shift_right_logical3A_1281 = arith.shrui %add3A_1279, %shift_right_logical3A_1280 : i32
      %rem3A_1282 = arith.constant 32 : i32
      %rem3A_1283 = arith.remsi %add3A_1279, %rem3A_1282 : i32
      %dma_start3A_1284 = arith.constant 0 : i32
      %dma_start3A_1285 = arith.constant 2 : i32
      %dma_start3A_1286 = arith.constant 272 : i32
      %dma_start3A_1287 = tpu.memref_slice %arg11[%dma_start3A_1286] : memref<8704xf32, #tpu.memory_space<vmem>> -> memref<128xf32, #tpu.memory_space<vmem>>
      %dma_start3A_1288 = arith.constant 0 : i32
      %dma_start3A_1289 = tpu.memref_slice %arg5[%shift_right_logical3A_1281, %dma_start3A_1284, %rem3A_1283, %dma_start3A_1285, %dma_start3A_1288] : memref<200x8x32x8x128xf32, #tpu.memory_space<hbm>> -> memref<1x1x1x1x128xf32, #tpu.memory_space<hbm>>
      %dma_start3A_1290 = tpu.memref_squeeze %dma_start3A_1289 : memref<1x1x1x1x128xf32, #tpu.memory_space<hbm>> -> memref<128xf32, #tpu.memory_space<hbm>>
      %dma_start3A_1291 = arith.constant 0 : i32
      %dma_start3A_1292 = tpu.memref_slice %arg5[%shift_right_logical3A_1281, %dma_start3A_1284, %rem3A_1283, %dma_start3A_1285, %dma_start3A_1291] : memref<200x8x32x8x128xf32, #tpu.memory_space<hbm>> -> memref<1x1x1x1x128xf32, #tpu.memory_space<hbm>>
      %dma_start3A_1293 = tpu.memref_squeeze %dma_start3A_1292 : memref<1x1x1x1x128xf32, #tpu.memory_space<hbm>> -> memref<128xf32, #tpu.memory_space<hbm>>
      %dma_start3A_1294 = arith.constant 272 : i32
      %dma_start3A_1295 = tpu.memref_slice %arg11[%dma_start3A_1294] : memref<8704xf32, #tpu.memory_space<vmem>> -> memref<128xf32, #tpu.memory_space<vmem>>
      tpu.enqueue_dma source(%dma_start3A_1295 : memref<128xf32, #tpu.memory_space<vmem>>) target(%dma_start3A_1293 : memref<128xf32, #tpu.memory_space<hbm>>) target_semaphore(%arg15 : memref<!tpu.dma_semaphore, #tpu.memory_space<semaphore_mem>>)
      %add3A_1296 = arith.addi %mul3A_2, %add3A_1193 : i32
      %shift_right_logical3A_1297 = arith.constant 5 : i32
      %shift_right_logical3A_1298 = arith.shrui %add3A_1296, %shift_right_logical3A_1297 : i32
      %rem3A_1299 = arith.constant 32 : i32
      %rem3A_1300 = arith.remsi %add3A_1296, %rem3A_1299 : i32
      %dma_start3A_1301 = arith.constant 0 : i32
      %dma_start3A_1302 = arith.constant 3 : i32
      %dma_start3A_1303 = arith.constant 408 : i32
      %dma_start3A_1304 = tpu.memref_slice %arg11[%dma_start3A_1303] : memref<8704xf32, #tpu.memory_space<vmem>> -> memref<128xf32, #tpu.memory_space<vmem>>
      %dma_start3A_1305 = arith.constant 0 : i32
      %dma_start3A_1306 = tpu.memref_slice %arg5[%shift_right_logical3A_1298, %dma_start3A_1301, %rem3A_1300, %dma_start3A_1302, %dma_start3A_1305] : memref<200x8x32x8x128xf32, #tpu.memory_space<hbm>> -> memref<1x1x1x1x128xf32, #tpu.memory_space<hbm>>
      %dma_start3A_1307 = tpu.memref_squeeze %dma_start3A_1306 : memref<1x1x1x1x128xf32, #tpu.memory_space<hbm>> -> memref<128xf32, #tpu.memory_space<hbm>>
      %dma_start3A_1308 = arith.constant 0 : i32
      %dma_start3A_1309 = tpu.memref_slice %arg5[%shift_right_logical3A_1298, %dma_start3A_1301, %rem3A_1300, %dma_start3A_1302, %dma_start3A_1308] : memref<200x8x32x8x128xf32, #tpu.memory_space<hbm>> -> memref<1x1x1x1x128xf32, #tpu.memory_space<hbm>>
      %dma_start3A_1310 = tpu.memref_squeeze %dma_start3A_1309 : memref<1x1x1x1x128xf32, #tpu.memory_space<hbm>> -> memref<128xf32, #tpu.memory_space<hbm>>
      %dma_start3A_1311 = arith.constant 408 : i32
      %dma_start3A_1312 = tpu.memref_slice %arg11[%dma_start3A_1311] : memref<8704xf32, #tpu.memory_space<vmem>> -> memref<128xf32, #tpu.memory_space<vmem>>
      tpu.enqueue_dma source(%dma_start3A_1312 : memref<128xf32, #tpu.memory_space<vmem>>) target(%dma_start3A_1310 : memref<128xf32, #tpu.memory_space<hbm>>) target_semaphore(%arg15 : memref<!tpu.dma_semaphore, #tpu.memory_space<semaphore_mem>>)
      %add3A_1313 = arith.addi %mul3A_2, %add3A_1193 : i32
      %shift_right_logical3A_1314 = arith.constant 5 : i32
      %shift_right_logical3A_1315 = arith.shrui %add3A_1313, %shift_right_logical3A_1314 : i32
      %rem3A_1316 = arith.constant 32 : i32
      %rem3A_1317 = arith.remsi %add3A_1313, %rem3A_1316 : i32
      %dma_start3A_1318 = arith.constant 0 : i32
      %dma_start3A_1319 = arith.constant 4 : i32
      %dma_start3A_1320 = arith.constant 544 : i32
      %dma_start3A_1321 = tpu.memref_slice %arg11[%dma_start3A_1320] : memref<8704xf32, #tpu.memory_space<vmem>> -> memref<128xf32, #tpu.memory_space<vmem>>
      %dma_start3A_1322 = arith.constant 0 : i32
      %dma_start3A_1323 = tpu.memref_slice %arg5[%shift_right_logical3A_1315, %dma_start3A_1318, %rem3A_1317, %dma_start3A_1319, %dma_start3A_1322] : memref<200x8x32x8x128xf32, #tpu.memory_space<hbm>> -> memref<1x1x1x1x128xf32, #tpu.memory_space<hbm>>
      %dma_start3A_1324 = tpu.memref_squeeze %dma_start3A_1323 : memref<1x1x1x1x128xf32, #tpu.memory_space<hbm>> -> memref<128xf32, #tpu.memory_space<hbm>>
      %dma_start3A_1325 = arith.constant 0 : i32
      %dma_start3A_1326 = tpu.memref_slice %arg5[%shift_right_logical3A_1315, %dma_start3A_1318, %rem3A_1317, %dma_start3A_1319, %dma_start3A_1325] : memref<200x8x32x8x128xf32, #tpu.memory_space<hbm>> -> memref<1x1x1x1x128xf32, #tpu.memory_space<hbm>>
      %dma_start3A_1327 = tpu.memref_squeeze %dma_start3A_1326 : memref<1x1x1x1x128xf32, #tpu.memory_space<hbm>> -> memref<128xf32, #tpu.memory_space<hbm>>
      %dma_start3A_1328 = arith.constant 544 : i32
      %dma_start3A_1329 = tpu.memref_slice %arg11[%dma_start3A_1328] : memref<8704xf32, #tpu.memory_space<vmem>> -> memref<128xf32, #tpu.memory_space<vmem>>
      tpu.enqueue_dma source(%dma_start3A_1329 : memref<128xf32, #tpu.memory_space<vmem>>) target(%dma_start3A_1327 : memref<128xf32, #tpu.memory_space<hbm>>) target_semaphore(%arg15 : memref<!tpu.dma_semaphore, #tpu.memory_space<semaphore_mem>>)
      %add3A_1330 = arith.addi %mul3A_2, %add3A_1193 : i32
      %shift_right_logical3A_1331 = arith.constant 5 : i32
      %shift_right_logical3A_1332 = arith.shrui %add3A_1330, %shift_right_logical3A_1331 : i32
      %rem3A_1333 = arith.constant 32 : i32
      %rem3A_1334 = arith.remsi %add3A_1330, %rem3A_1333 : i32
      %dma_start3A_1335 = arith.constant 0 : i32
      %dma_start3A_1336 = arith.constant 5 : i32
      %dma_start3A_1337 = arith.constant 680 : i32
      %dma_start3A_1338 = tpu.memref_slice %arg11[%dma_start3A_1337] : memref<8704xf32, #tpu.memory_space<vmem>> -> memref<128xf32, #tpu.memory_space<vmem>>
      %dma_start3A_1339 = arith.constant 0 : i32
      %dma_start3A_1340 = tpu.memref_slice %arg5[%shift_right_logical3A_1332, %dma_start3A_1335, %rem3A_1334, %dma_start3A_1336, %dma_start3A_1339] : memref<200x8x32x8x128xf32, #tpu.memory_space<hbm>> -> memref<1x1x1x1x128xf32, #tpu.memory_space<hbm>>
      %dma_start3A_1341 = tpu.memref_squeeze %dma_start3A_1340 : memref<1x1x1x1x128xf32, #tpu.memory_space<hbm>> -> memref<128xf32, #tpu.memory_space<hbm>>
      %dma_start3A_1342 = arith.constant 0 : i32
      %dma_start3A_1343 = tpu.memref_slice %arg5[%shift_right_logical3A_1332, %dma_start3A_1335, %rem3A_1334, %dma_start3A_1336, %dma_start3A_1342] : memref<200x8x32x8x128xf32, #tpu.memory_space<hbm>> -> memref<1x1x1x1x128xf32, #tpu.memory_space<hbm>>
      %dma_start3A_1344 = tpu.memref_squeeze %dma_start3A_1343 : memref<1x1x1x1x128xf32, #tpu.memory_space<hbm>> -> memref<128xf32, #tpu.memory_space<hbm>>
      %dma_start3A_1345 = arith.constant 680 : i32
      %dma_start3A_1346 = tpu.memref_slice %arg11[%dma_start3A_1345] : memref<8704xf32, #tpu.memory_space<vmem>> -> memref<128xf32, #tpu.memory_space<vmem>>
      tpu.enqueue_dma source(%dma_start3A_1346 : memref<128xf32, #tpu.memory_space<vmem>>) target(%dma_start3A_1344 : memref<128xf32, #tpu.memory_space<hbm>>) target_semaphore(%arg15 : memref<!tpu.dma_semaphore, #tpu.memory_space<semaphore_mem>>)
      %add3A_1347 = arith.addi %mul3A_2, %add3A_1193 : i32
      %shift_right_logical3A_1348 = arith.constant 5 : i32
      %shift_right_logical3A_1349 = arith.shrui %add3A_1347, %shift_right_logical3A_1348 : i32
      %rem3A_1350 = arith.constant 32 : i32
      %rem3A_1351 = arith.remsi %add3A_1347, %rem3A_1350 : i32
      %dma_start3A_1352 = arith.constant 0 : i32
      %dma_start3A_1353 = arith.constant 6 : i32
      %dma_start3A_1354 = arith.constant 816 : i32
      %dma_start3A_1355 = tpu.memref_slice %arg11[%dma_start3A_1354] : memref<8704xf32, #tpu.memory_space<vmem>> -> memref<128xf32, #tpu.memory_space<vmem>>
      %dma_start3A_1356 = arith.constant 0 : i32
      %dma_start3A_1357 = tpu.memref_slice %arg5[%shift_right_logical3A_1349, %dma_start3A_1352, %rem3A_1351, %dma_start3A_1353, %dma_start3A_1356] : memref<200x8x32x8x128xf32, #tpu.memory_space<hbm>> -> memref<1x1x1x1x128xf32, #tpu.memory_space<hbm>>
      %dma_start3A_1358 = tpu.memref_squeeze %dma_start3A_1357 : memref<1x1x1x1x128xf32, #tpu.memory_space<hbm>> -> memref<128xf32, #tpu.memory_space<hbm>>
      %dma_start3A_1359 = arith.constant 0 : i32
      %dma_start3A_1360 = tpu.memref_slice %arg5[%shift_right_logical3A_1349, %dma_start3A_1352, %rem3A_1351, %dma_start3A_1353, %dma_start3A_1359] : memref<200x8x32x8x128xf32, #tpu.memory_space<hbm>> -> memref<1x1x1x1x128xf32, #tpu.memory_space<hbm>>
      %dma_start3A_1361 = tpu.memref_squeeze %dma_start3A_1360 : memref<1x1x1x1x128xf32, #tpu.memory_space<hbm>> -> memref<128xf32, #tpu.memory_space<hbm>>
      %dma_start3A_1362 = arith.constant 816 : i32
      %dma_start3A_1363 = tpu.memref_slice %arg11[%dma_start3A_1362] : memref<8704xf32, #tpu.memory_space<vmem>> -> memref<128xf32, #tpu.memory_space<vmem>>
      tpu.enqueue_dma source(%dma_start3A_1363 : memref<128xf32, #tpu.memory_space<vmem>>) target(%dma_start3A_1361 : memref<128xf32, #tpu.memory_space<hbm>>) target_semaphore(%arg15 : memref<!tpu.dma_semaphore, #tpu.memory_space<semaphore_mem>>)
      %add3A_1364 = arith.addi %mul3A_2, %add3A_1193 : i32
      %shift_right_logical3A_1365 = arith.constant 5 : i32
      %shift_right_logical3A_1366 = arith.shrui %add3A_1364, %shift_right_logical3A_1365 : i32
      %rem3A_1367 = arith.constant 32 : i32
      %rem3A_1368 = arith.remsi %add3A_1364, %rem3A_1367 : i32
      %dma_start3A_1369 = arith.constant 0 : i32
      %dma_start3A_1370 = arith.constant 7 : i32
      %dma_start3A_1371 = arith.constant 952 : i32
      %dma_start3A_1372 = tpu.memref_slice %arg11[%dma_start3A_1371] : memref<8704xf32, #tpu.memory_space<vmem>> -> memref<128xf32, #tpu.memory_space<vmem>>
      %dma_start3A_1373 = arith.constant 0 : i32
      %dma_start3A_1374 = tpu.memref_slice %arg5[%shift_right_logical3A_1366, %dma_start3A_1369, %rem3A_1368, %dma_start3A_1370, %dma_start3A_1373] : memref<200x8x32x8x128xf32, #tpu.memory_space<hbm>> -> memref<1x1x1x1x128xf32, #tpu.memory_space<hbm>>
      %dma_start3A_1375 = tpu.memref_squeeze %dma_start3A_1374 : memref<1x1x1x1x128xf32, #tpu.memory_space<hbm>> -> memref<128xf32, #tpu.memory_space<hbm>>
      %dma_start3A_1376 = arith.constant 0 : i32
      %dma_start3A_1377 = tpu.memref_slice %arg5[%shift_right_logical3A_1366, %dma_start3A_1369, %rem3A_1368, %dma_start3A_1370, %dma_start3A_1376] : memref<200x8x32x8x128xf32, #tpu.memory_space<hbm>> -> memref<1x1x1x1x128xf32, #tpu.memory_space<hbm>>
      %dma_start3A_1378 = tpu.memref_squeeze %dma_start3A_1377 : memref<1x1x1x1x128xf32, #tpu.memory_space<hbm>> -> memref<128xf32, #tpu.memory_space<hbm>>
      %dma_start3A_1379 = arith.constant 952 : i32
      %dma_start3A_1380 = tpu.memref_slice %arg11[%dma_start3A_1379] : memref<8704xf32, #tpu.memory_space<vmem>> -> memref<128xf32, #tpu.memory_space<vmem>>
      tpu.enqueue_dma source(%dma_start3A_1380 : memref<128xf32, #tpu.memory_space<vmem>>) target(%dma_start3A_1378 : memref<128xf32, #tpu.memory_space<hbm>>) target_semaphore(%arg15 : memref<!tpu.dma_semaphore, #tpu.memory_space<semaphore_mem>>)
      %add3A_1381 = arith.addi %mul3A_2, %add3A_1193 : i32
      %shift_right_logical3A_1382 = arith.constant 5 : i32
      %shift_right_logical3A_1383 = arith.shrui %add3A_1381, %shift_right_logical3A_1382 : i32
      %rem3A_1384 = arith.constant 32 : i32
      %rem3A_1385 = arith.remsi %add3A_1381, %rem3A_1384 : i32
      %dma_start3A_1386 = arith.constant 1 : i32
      %dma_start3A_1387 = arith.constant 0 : i32
      %dma_start3A_1388 = arith.constant 1088 : i32
      %dma_start3A_1389 = tpu.memref_slice %arg11[%dma_start3A_1388] : memref<8704xf32, #tpu.memory_space<vmem>> -> memref<128xf32, #tpu.memory_space<vmem>>
      %dma_start3A_1390 = arith.constant 0 : i32
      %dma_start3A_1391 = tpu.memref_slice %arg5[%shift_right_logical3A_1383, %dma_start3A_1386, %rem3A_1385, %dma_start3A_1387, %dma_start3A_1390] : memref<200x8x32x8x128xf32, #tpu.memory_space<hbm>> -> memref<1x1x1x1x128xf32, #tpu.memory_space<hbm>>
      %dma_start3A_1392 = tpu.memref_squeeze %dma_start3A_1391 : memref<1x1x1x1x128xf32, #tpu.memory_space<hbm>> -> memref<128xf32, #tpu.memory_space<hbm>>
      %dma_start3A_1393 = arith.constant 0 : i32
      %dma_start3A_1394 = tpu.memref_slice %arg5[%shift_right_logical3A_1383, %dma_start3A_1386, %rem3A_1385, %dma_start3A_1387, %dma_start3A_1393] : memref<200x8x32x8x128xf32, #tpu.memory_space<hbm>> -> memref<1x1x1x1x128xf32, #tpu.memory_space<hbm>>
      %dma_start3A_1395 = tpu.memref_squeeze %dma_start3A_1394 : memref<1x1x1x1x128xf32, #tpu.memory_space<hbm>> -> memref<128xf32, #tpu.memory_space<hbm>>
      %dma_start3A_1396 = arith.constant 1088 : i32
      %dma_start3A_1397 = tpu.memref_slice %arg11[%dma_start3A_1396] : memref<8704xf32, #tpu.memory_space<vmem>> -> memref<128xf32, #tpu.memory_space<vmem>>
      tpu.enqueue_dma source(%dma_start3A_1397 : memref<128xf32, #tpu.memory_space<vmem>>) target(%dma_start3A_1395 : memref<128xf32, #tpu.memory_space<hbm>>) target_semaphore(%arg15 : memref<!tpu.dma_semaphore, #tpu.memory_space<semaphore_mem>>)
      %add3A_1398 = arith.addi %mul3A_2, %add3A_1193 : i32
      %shift_right_logical3A_1399 = arith.constant 5 : i32
      %shift_right_logical3A_1400 = arith.shrui %add3A_1398, %shift_right_logical3A_1399 : i32
      %rem3A_1401 = arith.constant 32 : i32
      %rem3A_1402 = arith.remsi %add3A_1398, %rem3A_1401 : i32
      %dma_start3A_1403 = arith.constant 1 : i32
      %dma_start3A_1404 = arith.constant 1 : i32
      %dma_start3A_1405 = arith.constant 1224 : i32
      %dma_start3A_1406 = tpu.memref_slice %arg11[%dma_start3A_1405] : memref<8704xf32, #tpu.memory_space<vmem>> -> memref<128xf32, #tpu.memory_space<vmem>>
      %dma_start3A_1407 = arith.constant 0 : i32
      %dma_start3A_1408 = tpu.memref_slice %arg5[%shift_right_logical3A_1400, %dma_start3A_1403, %rem3A_1402, %dma_start3A_1404, %dma_start3A_1407] : memref<200x8x32x8x128xf32, #tpu.memory_space<hbm>> -> memref<1x1x1x1x128xf32, #tpu.memory_space<hbm>>
      %dma_start3A_1409 = tpu.memref_squeeze %dma_start3A_1408 : memref<1x1x1x1x128xf32, #tpu.memory_space<hbm>> -> memref<128xf32, #tpu.memory_space<hbm>>
      %dma_start3A_1410 = arith.constant 0 : i32
      %dma_start3A_1411 = tpu.memref_slice %arg5[%shift_right_logical3A_1400, %dma_start3A_1403, %rem3A_1402, %dma_start3A_1404, %dma_start3A_1410] : memref<200x8x32x8x128xf32, #tpu.memory_space<hbm>> -> memref<1x1x1x1x128xf32, #tpu.memory_space<hbm>>
      %dma_start3A_1412 = tpu.memref_squeeze %dma_start3A_1411 : memref<1x1x1x1x128xf32, #tpu.memory_space<hbm>> -> memref<128xf32, #tpu.memory_space<hbm>>
      %dma_start3A_1413 = arith.constant 1224 : i32
      %dma_start3A_1414 = tpu.memref_slice %arg11[%dma_start3A_1413] : memref<8704xf32, #tpu.memory_space<vmem>> -> memref<128xf32, #tpu.memory_space<vmem>>
      tpu.enqueue_dma source(%dma_start3A_1414 : memref<128xf32, #tpu.memory_space<vmem>>) target(%dma_start3A_1412 : memref<128xf32, #tpu.memory_space<hbm>>) target_semaphore(%arg15 : memref<!tpu.dma_semaphore, #tpu.memory_space<semaphore_mem>>)
      %add3A_1415 = arith.addi %mul3A_2, %add3A_1193 : i32
      %shift_right_logical3A_1416 = arith.constant 5 : i32
      %shift_right_logical3A_1417 = arith.shrui %add3A_1415, %shift_right_logical3A_1416 : i32
      %rem3A_1418 = arith.constant 32 : i32
      %rem3A_1419 = arith.remsi %add3A_1415, %rem3A_1418 : i32
      %dma_start3A_1420 = arith.constant 1 : i32
      %dma_start3A_1421 = arith.constant 2 : i32
      %dma_start3A_1422 = arith.constant 1360 : i32
      %dma_start3A_1423 = tpu.memref_slice %arg11[%dma_start3A_1422] : memref<8704xf32, #tpu.memory_space<vmem>> -> memref<128xf32, #tpu.memory_space<vmem>>
      %dma_start3A_1424 = arith.constant 0 : i32
      %dma_start3A_1425 = tpu.memref_slice %arg5[%shift_right_logical3A_1417, %dma_start3A_1420, %rem3A_1419, %dma_start3A_1421, %dma_start3A_1424] : memref<200x8x32x8x128xf32, #tpu.memory_space<hbm>> -> memref<1x1x1x1x128xf32, #tpu.memory_space<hbm>>
      %dma_start3A_1426 = tpu.memref_squeeze %dma_start3A_1425 : memref<1x1x1x1x128xf32, #tpu.memory_space<hbm>> -> memref<128xf32, #tpu.memory_space<hbm>>
      %dma_start3A_1427 = arith.constant 0 : i32
      %dma_start3A_1428 = tpu.memref_slice %arg5[%shift_right_logical3A_1417, %dma_start3A_1420, %rem3A_1419, %dma_start3A_1421, %dma_start3A_1427] : memref<200x8x32x8x128xf32, #tpu.memory_space<hbm>> -> memref<1x1x1x1x128xf32, #tpu.memory_space<hbm>>
      %dma_start3A_1429 = tpu.memref_squeeze %dma_start3A_1428 : memref<1x1x1x1x128xf32, #tpu.memory_space<hbm>> -> memref<128xf32, #tpu.memory_space<hbm>>
      %dma_start3A_1430 = arith.constant 1360 : i32
      %dma_start3A_1431 = tpu.memref_slice %arg11[%dma_start3A_1430] : memref<8704xf32, #tpu.memory_space<vmem>> -> memref<128xf32, #tpu.memory_space<vmem>>
      tpu.enqueue_dma source(%dma_start3A_1431 : memref<128xf32, #tpu.memory_space<vmem>>) target(%dma_start3A_1429 : memref<128xf32, #tpu.memory_space<hbm>>) target_semaphore(%arg15 : memref<!tpu.dma_semaphore, #tpu.memory_space<semaphore_mem>>)
      %add3A_1432 = arith.addi %mul3A_2, %add3A_1193 : i32
      %shift_right_logical3A_1433 = arith.constant 5 : i32
      %shift_right_logical3A_1434 = arith.shrui %add3A_1432, %shift_right_logical3A_1433 : i32
      %rem3A_1435 = arith.constant 32 : i32
      %rem3A_1436 = arith.remsi %add3A_1432, %rem3A_1435 : i32
      %dma_start3A_1437 = arith.constant 1 : i32
      %dma_start3A_1438 = arith.constant 3 : i32
      %dma_start3A_1439 = arith.constant 1496 : i32
      %dma_start3A_1440 = tpu.memref_slice %arg11[%dma_start3A_1439] : memref<8704xf32, #tpu.memory_space<vmem>> -> memref<128xf32, #tpu.memory_space<vmem>>
      %dma_start3A_1441 = arith.constant 0 : i32
      %dma_start3A_1442 = tpu.memref_slice %arg5[%shift_right_logical3A_1434, %dma_start3A_1437, %rem3A_1436, %dma_start3A_1438, %dma_start3A_1441] : memref<200x8x32x8x128xf32, #tpu.memory_space<hbm>> -> memref<1x1x1x1x128xf32, #tpu.memory_space<hbm>>
      %dma_start3A_1443 = tpu.memref_squeeze %dma_start3A_1442 : memref<1x1x1x1x128xf32, #tpu.memory_space<hbm>> -> memref<128xf32, #tpu.memory_space<hbm>>
      %dma_start3A_1444 = arith.constant 0 : i32
      %dma_start3A_1445 = tpu.memref_slice %arg5[%shift_right_logical3A_1434, %dma_start3A_1437, %rem3A_1436, %dma_start3A_1438, %dma_start3A_1444] : memref<200x8x32x8x128xf32, #tpu.memory_space<hbm>> -> memref<1x1x1x1x128xf32, #tpu.memory_space<hbm>>
      %dma_start3A_1446 = tpu.memref_squeeze %dma_start3A_1445 : memref<1x1x1x1x128xf32, #tpu.memory_space<hbm>> -> memref<128xf32, #tpu.memory_space<hbm>>
      %dma_start3A_1447 = arith.constant 1496 : i32
      %dma_start3A_1448 = tpu.memref_slice %arg11[%dma_start3A_1447] : memref<8704xf32, #tpu.memory_space<vmem>> -> memref<128xf32, #tpu.memory_space<vmem>>
      tpu.enqueue_dma source(%dma_start3A_1448 : memref<128xf32, #tpu.memory_space<vmem>>) target(%dma_start3A_1446 : memref<128xf32, #tpu.memory_space<hbm>>) target_semaphore(%arg15 : memref<!tpu.dma_semaphore, #tpu.memory_space<semaphore_mem>>)
      %add3A_1449 = arith.addi %mul3A_2, %add3A_1193 : i32
      %shift_right_logical3A_1450 = arith.constant 5 : i32
      %shift_right_logical3A_1451 = arith.shrui %add3A_1449, %shift_right_logical3A_1450 : i32
      %rem3A_1452 = arith.constant 32 : i32
      %rem3A_1453 = arith.remsi %add3A_1449, %rem3A_1452 : i32
      %dma_start3A_1454 = arith.constant 1 : i32
      %dma_start3A_1455 = arith.constant 4 : i32
      %dma_start3A_1456 = arith.constant 1632 : i32
      %dma_start3A_1457 = tpu.memref_slice %arg11[%dma_start3A_1456] : memref<8704xf32, #tpu.memory_space<vmem>> -> memref<128xf32, #tpu.memory_space<vmem>>
      %dma_start3A_1458 = arith.constant 0 : i32
      %dma_start3A_1459 = tpu.memref_slice %arg5[%shift_right_logical3A_1451, %dma_start3A_1454, %rem3A_1453, %dma_start3A_1455, %dma_start3A_1458] : memref<200x8x32x8x128xf32, #tpu.memory_space<hbm>> -> memref<1x1x1x1x128xf32, #tpu.memory_space<hbm>>
      %dma_start3A_1460 = tpu.memref_squeeze %dma_start3A_1459 : memref<1x1x1x1x128xf32, #tpu.memory_space<hbm>> -> memref<128xf32, #tpu.memory_space<hbm>>
      %dma_start3A_1461 = arith.constant 0 : i32
      %dma_start3A_1462 = tpu.memref_slice %arg5[%shift_right_logical3A_1451, %dma_start3A_1454, %rem3A_1453, %dma_start3A_1455, %dma_start3A_1461] : memref<200x8x32x8x128xf32, #tpu.memory_space<hbm>> -> memref<1x1x1x1x128xf32, #tpu.memory_space<hbm>>
      %dma_start3A_1463 = tpu.memref_squeeze %dma_start3A_1462 : memref<1x1x1x1x128xf32, #tpu.memory_space<hbm>> -> memref<128xf32, #tpu.memory_space<hbm>>
      %dma_start3A_1464 = arith.constant 1632 : i32
      %dma_start3A_1465 = tpu.memref_slice %arg11[%dma_start3A_1464] : memref<8704xf32, #tpu.memory_space<vmem>> -> memref<128xf32, #tpu.memory_space<vmem>>
      tpu.enqueue_dma source(%dma_start3A_1465 : memref<128xf32, #tpu.memory_space<vmem>>) target(%dma_start3A_1463 : memref<128xf32, #tpu.memory_space<hbm>>) target_semaphore(%arg15 : memref<!tpu.dma_semaphore, #tpu.memory_space<semaphore_mem>>)
      %add3A_1466 = arith.addi %mul3A_2, %add3A_1193 : i32
      %shift_right_logical3A_1467 = arith.constant 5 : i32
      %shift_right_logical3A_1468 = arith.shrui %add3A_1466, %shift_right_logical3A_1467 : i32
      %rem3A_1469 = arith.constant 32 : i32
      %rem3A_1470 = arith.remsi %add3A_1466, %rem3A_1469 : i32
      %dma_start3A_1471 = arith.constant 1 : i32
      %dma_start3A_1472 = arith.constant 5 : i32
      %dma_start3A_1473 = arith.constant 1768 : i32
      %dma_start3A_1474 = tpu.memref_slice %arg11[%dma_start3A_1473] : memref<8704xf32, #tpu.memory_space<vmem>> -> memref<128xf32, #tpu.memory_space<vmem>>
      %dma_start3A_1475 = arith.constant 0 : i32
      %dma_start3A_1476 = tpu.memref_slice %arg5[%shift_right_logical3A_1468, %dma_start3A_1471, %rem3A_1470, %dma_start3A_1472, %dma_start3A_1475] : memref<200x8x32x8x128xf32, #tpu.memory_space<hbm>> -> memref<1x1x1x1x128xf32, #tpu.memory_space<hbm>>
      %dma_start3A_1477 = tpu.memref_squeeze %dma_start3A_1476 : memref<1x1x1x1x128xf32, #tpu.memory_space<hbm>> -> memref<128xf32, #tpu.memory_space<hbm>>
      %dma_start3A_1478 = arith.constant 0 : i32
      %dma_start3A_1479 = tpu.memref_slice %arg5[%shift_right_logical3A_1468, %dma_start3A_1471, %rem3A_1470, %dma_start3A_1472, %dma_start3A_1478] : memref<200x8x32x8x128xf32, #tpu.memory_space<hbm>> -> memref<1x1x1x1x128xf32, #tpu.memory_space<hbm>>
      %dma_start3A_1480 = tpu.memref_squeeze %dma_start3A_1479 : memref<1x1x1x1x128xf32, #tpu.memory_space<hbm>> -> memref<128xf32, #tpu.memory_space<hbm>>
      %dma_start3A_1481 = arith.constant 1768 : i32
      %dma_start3A_1482 = tpu.memref_slice %arg11[%dma_start3A_1481] : memref<8704xf32, #tpu.memory_space<vmem>> -> memref<128xf32, #tpu.memory_space<vmem>>
      tpu.enqueue_dma source(%dma_start3A_1482 : memref<128xf32, #tpu.memory_space<vmem>>) target(%dma_start3A_1480 : memref<128xf32, #tpu.memory_space<hbm>>) target_semaphore(%arg15 : memref<!tpu.dma_semaphore, #tpu.memory_space<semaphore_mem>>)
      %add3A_1483 = arith.addi %mul3A_2, %add3A_1193 : i32
      %shift_right_logical3A_1484 = arith.constant 5 : i32
      %shift_right_logical3A_1485 = arith.shrui %add3A_1483, %shift_right_logical3A_1484 : i32
      %rem3A_1486 = arith.constant 32 : i32
      %rem3A_1487 = arith.remsi %add3A_1483, %rem3A_1486 : i32
      %dma_start3A_1488 = arith.constant 1 : i32
      %dma_start3A_1489 = arith.constant 6 : i32
      %dma_start3A_1490 = arith.constant 1904 : i32
      %dma_start3A_1491 = tpu.memref_slice %arg11[%dma_start3A_1490] : memref<8704xf32, #tpu.memory_space<vmem>> -> memref<128xf32, #tpu.memory_space<vmem>>
      %dma_start3A_1492 = arith.constant 0 : i32
      %dma_start3A_1493 = tpu.memref_slice %arg5[%shift_right_logical3A_1485, %dma_start3A_1488, %rem3A_1487, %dma_start3A_1489, %dma_start3A_1492] : memref<200x8x32x8x128xf32, #tpu.memory_space<hbm>> -> memref<1x1x1x1x128xf32, #tpu.memory_space<hbm>>
      %dma_start3A_1494 = tpu.memref_squeeze %dma_start3A_1493 : memref<1x1x1x1x128xf32, #tpu.memory_space<hbm>> -> memref<128xf32, #tpu.memory_space<hbm>>
      %dma_start3A_1495 = arith.constant 0 : i32
      %dma_start3A_1496 = tpu.memref_slice %arg5[%shift_right_logical3A_1485, %dma_start3A_1488, %rem3A_1487, %dma_start3A_1489, %dma_start3A_1495] : memref<200x8x32x8x128xf32, #tpu.memory_space<hbm>> -> memref<1x1x1x1x128xf32, #tpu.memory_space<hbm>>
      %dma_start3A_1497 = tpu.memref_squeeze %dma_start3A_1496 : memref<1x1x1x1x128xf32, #tpu.memory_space<hbm>> -> memref<128xf32, #tpu.memory_space<hbm>>
      %dma_start3A_1498 = arith.constant 1904 : i32
      %dma_start3A_1499 = tpu.memref_slice %arg11[%dma_start3A_1498] : memref<8704xf32, #tpu.memory_space<vmem>> -> memref<128xf32, #tpu.memory_space<vmem>>
      tpu.enqueue_dma source(%dma_start3A_1499 : memref<128xf32, #tpu.memory_space<vmem>>) target(%dma_start3A_1497 : memref<128xf32, #tpu.memory_space<hbm>>) target_semaphore(%arg15 : memref<!tpu.dma_semaphore, #tpu.memory_space<semaphore_mem>>)
      %add3A_1500 = arith.addi %mul3A_2, %add3A_1193 : i32
      %shift_right_logical3A_1501 = arith.constant 5 : i32
      %shift_right_logical3A_1502 = arith.shrui %add3A_1500, %shift_right_logical3A_1501 : i32
      %rem3A_1503 = arith.constant 32 : i32
      %rem3A_1504 = arith.remsi %add3A_1500, %rem3A_1503 : i32
      %dma_start3A_1505 = arith.constant 1 : i32
      %dma_start3A_1506 = arith.constant 7 : i32
      %dma_start3A_1507 = arith.constant 2040 : i32
      %dma_start3A_1508 = tpu.memref_slice %arg11[%dma_start3A_1507] : memref<8704xf32, #tpu.memory_space<vmem>> -> memref<128xf32, #tpu.memory_space<vmem>>
      %dma_start3A_1509 = arith.constant 0 : i32
      %dma_start3A_1510 = tpu.memref_slice %arg5[%shift_right_logical3A_1502, %dma_start3A_1505, %rem3A_1504, %dma_start3A_1506, %dma_start3A_1509] : memref<200x8x32x8x128xf32, #tpu.memory_space<hbm>> -> memref<1x1x1x1x128xf32, #tpu.memory_space<hbm>>
      %dma_start3A_1511 = tpu.memref_squeeze %dma_start3A_1510 : memref<1x1x1x1x128xf32, #tpu.memory_space<hbm>> -> memref<128xf32, #tpu.memory_space<hbm>>
      %dma_start3A_1512 = arith.constant 0 : i32
      %dma_start3A_1513 = tpu.memref_slice %arg5[%shift_right_logical3A_1502, %dma_start3A_1505, %rem3A_1504, %dma_start3A_1506, %dma_start3A_1512] : memref<200x8x32x8x128xf32, #tpu.memory_space<hbm>> -> memref<1x1x1x1x128xf32, #tpu.memory_space<hbm>>
      %dma_start3A_1514 = tpu.memref_squeeze %dma_start3A_1513 : memref<1x1x1x1x128xf32, #tpu.memory_space<hbm>> -> memref<128xf32, #tpu.memory_space<hbm>>
      %dma_start3A_1515 = arith.constant 2040 : i32
      %dma_start3A_1516 = tpu.memref_slice %arg11[%dma_start3A_1515] : memref<8704xf32, #tpu.memory_space<vmem>> -> memref<128xf32, #tpu.memory_space<vmem>>
      tpu.enqueue_dma source(%dma_start3A_1516 : memref<128xf32, #tpu.memory_space<vmem>>) target(%dma_start3A_1514 : memref<128xf32, #tpu.memory_space<hbm>>) target_semaphore(%arg15 : memref<!tpu.dma_semaphore, #tpu.memory_space<semaphore_mem>>)
      %add3A_1517 = arith.addi %mul3A_2, %add3A_1193 : i32
      %shift_right_logical3A_1518 = arith.constant 5 : i32
      %shift_right_logical3A_1519 = arith.shrui %add3A_1517, %shift_right_logical3A_1518 : i32
      %rem3A_1520 = arith.constant 32 : i32
      %rem3A_1521 = arith.remsi %add3A_1517, %rem3A_1520 : i32
      %dma_start3A_1522 = arith.constant 2 : i32
      %dma_start3A_1523 = arith.constant 0 : i32
      %dma_start3A_1524 = arith.constant 2176 : i32
      %dma_start3A_1525 = tpu.memref_slice %arg11[%dma_start3A_1524] : memref<8704xf32, #tpu.memory_space<vmem>> -> memref<128xf32, #tpu.memory_space<vmem>>
      %dma_start3A_1526 = arith.constant 0 : i32
      %dma_start3A_1527 = tpu.memref_slice %arg5[%shift_right_logical3A_1519, %dma_start3A_1522, %rem3A_1521, %dma_start3A_1523, %dma_start3A_1526] : memref<200x8x32x8x128xf32, #tpu.memory_space<hbm>> -> memref<1x1x1x1x128xf32, #tpu.memory_space<hbm>>
      %dma_start3A_1528 = tpu.memref_squeeze %dma_start3A_1527 : memref<1x1x1x1x128xf32, #tpu.memory_space<hbm>> -> memref<128xf32, #tpu.memory_space<hbm>>
      %dma_start3A_1529 = arith.constant 0 : i32
      %dma_start3A_1530 = tpu.memref_slice %arg5[%shift_right_logical3A_1519, %dma_start3A_1522, %rem3A_1521, %dma_start3A_1523, %dma_start3A_1529] : memref<200x8x32x8x128xf32, #tpu.memory_space<hbm>> -> memref<1x1x1x1x128xf32, #tpu.memory_space<hbm>>
      %dma_start3A_1531 = tpu.memref_squeeze %dma_start3A_1530 : memref<1x1x1x1x128xf32, #tpu.memory_space<hbm>> -> memref<128xf32, #tpu.memory_space<hbm>>
      %dma_start3A_1532 = arith.constant 2176 : i32
      %dma_start3A_1533 = tpu.memref_slice %arg11[%dma_start3A_1532] : memref<8704xf32, #tpu.memory_space<vmem>> -> memref<128xf32, #tpu.memory_space<vmem>>
      tpu.enqueue_dma source(%dma_start3A_1533 : memref<128xf32, #tpu.memory_space<vmem>>) target(%dma_start3A_1531 : memref<128xf32, #tpu.memory_space<hbm>>) target_semaphore(%arg15 : memref<!tpu.dma_semaphore, #tpu.memory_space<semaphore_mem>>)
      %add3A_1534 = arith.addi %mul3A_2, %add3A_1193 : i32
      %shift_right_logical3A_1535 = arith.constant 5 : i32
      %shift_right_logical3A_1536 = arith.shrui %add3A_1534, %shift_right_logical3A_1535 : i32
      %rem3A_1537 = arith.constant 32 : i32
      %rem3A_1538 = arith.remsi %add3A_1534, %rem3A_1537 : i32
      %dma_start3A_1539 = arith.constant 2 : i32
      %dma_start3A_1540 = arith.constant 1 : i32
      %dma_start3A_1541 = arith.constant 2312 : i32
      %dma_start3A_1542 = tpu.memref_slice %arg11[%dma_start3A_1541] : memref<8704xf32, #tpu.memory_space<vmem>> -> memref<128xf32, #tpu.memory_space<vmem>>
      %dma_start3A_1543 = arith.constant 0 : i32
      %dma_start3A_1544 = tpu.memref_slice %arg5[%shift_right_logical3A_1536, %dma_start3A_1539, %rem3A_1538, %dma_start3A_1540, %dma_start3A_1543] : memref<200x8x32x8x128xf32, #tpu.memory_space<hbm>> -> memref<1x1x1x1x128xf32, #tpu.memory_space<hbm>>
      %dma_start3A_1545 = tpu.memref_squeeze %dma_start3A_1544 : memref<1x1x1x1x128xf32, #tpu.memory_space<hbm>> -> memref<128xf32, #tpu.memory_space<hbm>>
      %dma_start3A_1546 = arith.constant 0 : i32
      %dma_start3A_1547 = tpu.memref_slice %arg5[%shift_right_logical3A_1536, %dma_start3A_1539, %rem3A_1538, %dma_start3A_1540, %dma_start3A_1546] : memref<200x8x32x8x128xf32, #tpu.memory_space<hbm>> -> memref<1x1x1x1x128xf32, #tpu.memory_space<hbm>>
      %dma_start3A_1548 = tpu.memref_squeeze %dma_start3A_1547 : memref<1x1x1x1x128xf32, #tpu.memory_space<hbm>> -> memref<128xf32, #tpu.memory_space<hbm>>
      %dma_start3A_1549 = arith.constant 2312 : i32
      %dma_start3A_1550 = tpu.memref_slice %arg11[%dma_start3A_1549] : memref<8704xf32, #tpu.memory_space<vmem>> -> memref<128xf32, #tpu.memory_space<vmem>>
      tpu.enqueue_dma source(%dma_start3A_1550 : memref<128xf32, #tpu.memory_space<vmem>>) target(%dma_start3A_1548 : memref<128xf32, #tpu.memory_space<hbm>>) target_semaphore(%arg15 : memref<!tpu.dma_semaphore, #tpu.memory_space<semaphore_mem>>)
      %add3A_1551 = arith.addi %mul3A_2, %add3A_1193 : i32
      %shift_right_logical3A_1552 = arith.constant 5 : i32
      %shift_right_logical3A_1553 = arith.shrui %add3A_1551, %shift_right_logical3A_1552 : i32
      %rem3A_1554 = arith.constant 32 : i32
      %rem3A_1555 = arith.remsi %add3A_1551, %rem3A_1554 : i32
      %dma_start3A_1556 = arith.constant 2 : i32
      %dma_start3A_1557 = arith.constant 2 : i32
      %dma_start3A_1558 = arith.constant 2448 : i32
      %dma_start3A_1559 = tpu.memref_slice %arg11[%dma_start3A_1558] : memref<8704xf32, #tpu.memory_space<vmem>> -> memref<128xf32, #tpu.memory_space<vmem>>
      %dma_start3A_1560 = arith.constant 0 : i32
      %dma_start3A_1561 = tpu.memref_slice %arg5[%shift_right_logical3A_1553, %dma_start3A_1556, %rem3A_1555, %dma_start3A_1557, %dma_start3A_1560] : memref<200x8x32x8x128xf32, #tpu.memory_space<hbm>> -> memref<1x1x1x1x128xf32, #tpu.memory_space<hbm>>
      %dma_start3A_1562 = tpu.memref_squeeze %dma_start3A_1561 : memref<1x1x1x1x128xf32, #tpu.memory_space<hbm>> -> memref<128xf32, #tpu.memory_space<hbm>>
      %dma_start3A_1563 = arith.constant 0 : i32
      %dma_start3A_1564 = tpu.memref_slice %arg5[%shift_right_logical3A_1553, %dma_start3A_1556, %rem3A_1555, %dma_start3A_1557, %dma_start3A_1563] : memref<200x8x32x8x128xf32, #tpu.memory_space<hbm>> -> memref<1x1x1x1x128xf32, #tpu.memory_space<hbm>>
      %dma_start3A_1565 = tpu.memref_squeeze %dma_start3A_1564 : memref<1x1x1x1x128xf32, #tpu.memory_space<hbm>> -> memref<128xf32, #tpu.memory_space<hbm>>
      %dma_start3A_1566 = arith.constant 2448 : i32
      %dma_start3A_1567 = tpu.memref_slice %arg11[%dma_start3A_1566] : memref<8704xf32, #tpu.memory_space<vmem>> -> memref<128xf32, #tpu.memory_space<vmem>>
      tpu.enqueue_dma source(%dma_start3A_1567 : memref<128xf32, #tpu.memory_space<vmem>>) target(%dma_start3A_1565 : memref<128xf32, #tpu.memory_space<hbm>>) target_semaphore(%arg15 : memref<!tpu.dma_semaphore, #tpu.memory_space<semaphore_mem>>)
      %add3A_1568 = arith.addi %mul3A_2, %add3A_1193 : i32
      %shift_right_logical3A_1569 = arith.constant 5 : i32
      %shift_right_logical3A_1570 = arith.shrui %add3A_1568, %shift_right_logical3A_1569 : i32
      %rem3A_1571 = arith.constant 32 : i32
      %rem3A_1572 = arith.remsi %add3A_1568, %rem3A_1571 : i32
      %dma_start3A_1573 = arith.constant 2 : i32
      %dma_start3A_1574 = arith.constant 3 : i32
      %dma_start3A_1575 = arith.constant 2584 : i32
      %dma_start3A_1576 = tpu.memref_slice %arg11[%dma_start3A_1575] : memref<8704xf32, #tpu.memory_space<vmem>> -> memref<128xf32, #tpu.memory_space<vmem>>
      %dma_start3A_1577 = arith.constant 0 : i32
      %dma_start3A_1578 = tpu.memref_slice %arg5[%shift_right_logical3A_1570, %dma_start3A_1573, %rem3A_1572, %dma_start3A_1574, %dma_start3A_1577] : memref<200x8x32x8x128xf32, #tpu.memory_space<hbm>> -> memref<1x1x1x1x128xf32, #tpu.memory_space<hbm>>
      %dma_start3A_1579 = tpu.memref_squeeze %dma_start3A_1578 : memref<1x1x1x1x128xf32, #tpu.memory_space<hbm>> -> memref<128xf32, #tpu.memory_space<hbm>>
      %dma_start3A_1580 = arith.constant 0 : i32
      %dma_start3A_1581 = tpu.memref_slice %arg5[%shift_right_logical3A_1570, %dma_start3A_1573, %rem3A_1572, %dma_start3A_1574, %dma_start3A_1580] : memref<200x8x32x8x128xf32, #tpu.memory_space<hbm>> -> memref<1x1x1x1x128xf32, #tpu.memory_space<hbm>>
      %dma_start3A_1582 = tpu.memref_squeeze %dma_start3A_1581 : memref<1x1x1x1x128xf32, #tpu.memory_space<hbm>> -> memref<128xf32, #tpu.memory_space<hbm>>
      %dma_start3A_1583 = arith.constant 2584 : i32
      %dma_start3A_1584 = tpu.memref_slice %arg11[%dma_start3A_1583] : memref<8704xf32, #tpu.memory_space<vmem>> -> memref<128xf32, #tpu.memory_space<vmem>>
      tpu.enqueue_dma source(%dma_start3A_1584 : memref<128xf32, #tpu.memory_space<vmem>>) target(%dma_start3A_1582 : memref<128xf32, #tpu.memory_space<hbm>>) target_semaphore(%arg15 : memref<!tpu.dma_semaphore, #tpu.memory_space<semaphore_mem>>)
      %add3A_1585 = arith.addi %mul3A_2, %add3A_1193 : i32
      %shift_right_logical3A_1586 = arith.constant 5 : i32
      %shift_right_logical3A_1587 = arith.shrui %add3A_1585, %shift_right_logical3A_1586 : i32
      %rem3A_1588 = arith.constant 32 : i32
      %rem3A_1589 = arith.remsi %add3A_1585, %rem3A_1588 : i32
      %dma_start3A_1590 = arith.constant 2 : i32
      %dma_start3A_1591 = arith.constant 4 : i32
      %dma_start3A_1592 = arith.constant 2720 : i32
      %dma_start3A_1593 = tpu.memref_slice %arg11[%dma_start3A_1592] : memref<8704xf32, #tpu.memory_space<vmem>> -> memref<128xf32, #tpu.memory_space<vmem>>
      %dma_start3A_1594 = arith.constant 0 : i32
      %dma_start3A_1595 = tpu.memref_slice %arg5[%shift_right_logical3A_1587, %dma_start3A_1590, %rem3A_1589, %dma_start3A_1591, %dma_start3A_1594] : memref<200x8x32x8x128xf32, #tpu.memory_space<hbm>> -> memref<1x1x1x1x128xf32, #tpu.memory_space<hbm>>
      %dma_start3A_1596 = tpu.memref_squeeze %dma_start3A_1595 : memref<1x1x1x1x128xf32, #tpu.memory_space<hbm>> -> memref<128xf32, #tpu.memory_space<hbm>>
      %dma_start3A_1597 = arith.constant 0 : i32
      %dma_start3A_1598 = tpu.memref_slice %arg5[%shift_right_logical3A_1587, %dma_start3A_1590, %rem3A_1589, %dma_start3A_1591, %dma_start3A_1597] : memref<200x8x32x8x128xf32, #tpu.memory_space<hbm>> -> memref<1x1x1x1x128xf32, #tpu.memory_space<hbm>>
      %dma_start3A_1599 = tpu.memref_squeeze %dma_start3A_1598 : memref<1x1x1x1x128xf32, #tpu.memory_space<hbm>> -> memref<128xf32, #tpu.memory_space<hbm>>
      %dma_start3A_1600 = arith.constant 2720 : i32
      %dma_start3A_1601 = tpu.memref_slice %arg11[%dma_start3A_1600] : memref<8704xf32, #tpu.memory_space<vmem>> -> memref<128xf32, #tpu.memory_space<vmem>>
      tpu.enqueue_dma source(%dma_start3A_1601 : memref<128xf32, #tpu.memory_space<vmem>>) target(%dma_start3A_1599 : memref<128xf32, #tpu.memory_space<hbm>>) target_semaphore(%arg15 : memref<!tpu.dma_semaphore, #tpu.memory_space<semaphore_mem>>)
      %add3A_1602 = arith.addi %mul3A_2, %add3A_1193 : i32
      %shift_right_logical3A_1603 = arith.constant 5 : i32
      %shift_right_logical3A_1604 = arith.shrui %add3A_1602, %shift_right_logical3A_1603 : i32
      %rem3A_1605 = arith.constant 32 : i32
      %rem3A_1606 = arith.remsi %add3A_1602, %rem3A_1605 : i32
      %dma_start3A_1607 = arith.constant 2 : i32
      %dma_start3A_1608 = arith.constant 5 : i32
      %dma_start3A_1609 = arith.constant 2856 : i32
      %dma_start3A_1610 = tpu.memref_slice %arg11[%dma_start3A_1609] : memref<8704xf32, #tpu.memory_space<vmem>> -> memref<128xf32, #tpu.memory_space<vmem>>
      %dma_start3A_1611 = arith.constant 0 : i32
      %dma_start3A_1612 = tpu.memref_slice %arg5[%shift_right_logical3A_1604, %dma_start3A_1607, %rem3A_1606, %dma_start3A_1608, %dma_start3A_1611] : memref<200x8x32x8x128xf32, #tpu.memory_space<hbm>> -> memref<1x1x1x1x128xf32, #tpu.memory_space<hbm>>
      %dma_start3A_1613 = tpu.memref_squeeze %dma_start3A_1612 : memref<1x1x1x1x128xf32, #tpu.memory_space<hbm>> -> memref<128xf32, #tpu.memory_space<hbm>>
      %dma_start3A_1614 = arith.constant 0 : i32
      %dma_start3A_1615 = tpu.memref_slice %arg5[%shift_right_logical3A_1604, %dma_start3A_1607, %rem3A_1606, %dma_start3A_1608, %dma_start3A_1614] : memref<200x8x32x8x128xf32, #tpu.memory_space<hbm>> -> memref<1x1x1x1x128xf32, #tpu.memory_space<hbm>>
      %dma_start3A_1616 = tpu.memref_squeeze %dma_start3A_1615 : memref<1x1x1x1x128xf32, #tpu.memory_space<hbm>> -> memref<128xf32, #tpu.memory_space<hbm>>
      %dma_start3A_1617 = arith.constant 2856 : i32
      %dma_start3A_1618 = tpu.memref_slice %arg11[%dma_start3A_1617] : memref<8704xf32, #tpu.memory_space<vmem>> -> memref<128xf32, #tpu.memory_space<vmem>>
      tpu.enqueue_dma source(%dma_start3A_1618 : memref<128xf32, #tpu.memory_space<vmem>>) target(%dma_start3A_1616 : memref<128xf32, #tpu.memory_space<hbm>>) target_semaphore(%arg15 : memref<!tpu.dma_semaphore, #tpu.memory_space<semaphore_mem>>)
      %add3A_1619 = arith.addi %mul3A_2, %add3A_1193 : i32
      %shift_right_logical3A_1620 = arith.constant 5 : i32
      %shift_right_logical3A_1621 = arith.shrui %add3A_1619, %shift_right_logical3A_1620 : i32
      %rem3A_1622 = arith.constant 32 : i32
      %rem3A_1623 = arith.remsi %add3A_1619, %rem3A_1622 : i32
      %dma_start3A_1624 = arith.constant 2 : i32
      %dma_start3A_1625 = arith.constant 6 : i32
      %dma_start3A_1626 = arith.constant 2992 : i32
      %dma_start3A_1627 = tpu.memref_slice %arg11[%dma_start3A_1626] : memref<8704xf32, #tpu.memory_space<vmem>> -> memref<128xf32, #tpu.memory_space<vmem>>
      %dma_start3A_1628 = arith.constant 0 : i32
      %dma_start3A_1629 = tpu.memref_slice %arg5[%shift_right_logical3A_1621, %dma_start3A_1624, %rem3A_1623, %dma_start3A_1625, %dma_start3A_1628] : memref<200x8x32x8x128xf32, #tpu.memory_space<hbm>> -> memref<1x1x1x1x128xf32, #tpu.memory_space<hbm>>
      %dma_start3A_1630 = tpu.memref_squeeze %dma_start3A_1629 : memref<1x1x1x1x128xf32, #tpu.memory_space<hbm>> -> memref<128xf32, #tpu.memory_space<hbm>>
      %dma_start3A_1631 = arith.constant 0 : i32
      %dma_start3A_1632 = tpu.memref_slice %arg5[%shift_right_logical3A_1621, %dma_start3A_1624, %rem3A_1623, %dma_start3A_1625, %dma_start3A_1631] : memref<200x8x32x8x128xf32, #tpu.memory_space<hbm>> -> memref<1x1x1x1x128xf32, #tpu.memory_space<hbm>>
      %dma_start3A_1633 = tpu.memref_squeeze %dma_start3A_1632 : memref<1x1x1x1x128xf32, #tpu.memory_space<hbm>> -> memref<128xf32, #tpu.memory_space<hbm>>
      %dma_start3A_1634 = arith.constant 2992 : i32
      %dma_start3A_1635 = tpu.memref_slice %arg11[%dma_start3A_1634] : memref<8704xf32, #tpu.memory_space<vmem>> -> memref<128xf32, #tpu.memory_space<vmem>>
      tpu.enqueue_dma source(%dma_start3A_1635 : memref<128xf32, #tpu.memory_space<vmem>>) target(%dma_start3A_1633 : memref<128xf32, #tpu.memory_space<hbm>>) target_semaphore(%arg15 : memref<!tpu.dma_semaphore, #tpu.memory_space<semaphore_mem>>)
      %add3A_1636 = arith.addi %mul3A_2, %add3A_1193 : i32
      %shift_right_logical3A_1637 = arith.constant 5 : i32
      %shift_right_logical3A_1638 = arith.shrui %add3A_1636, %shift_right_logical3A_1637 : i32
      %rem3A_1639 = arith.constant 32 : i32
      %rem3A_1640 = arith.remsi %add3A_1636, %rem3A_1639 : i32
      %dma_start3A_1641 = arith.constant 2 : i32
      %dma_start3A_1642 = arith.constant 7 : i32
      %dma_start3A_1643 = arith.constant 3128 : i32
      %dma_start3A_1644 = tpu.memref_slice %arg11[%dma_start3A_1643] : memref<8704xf32, #tpu.memory_space<vmem>> -> memref<128xf32, #tpu.memory_space<vmem>>
      %dma_start3A_1645 = arith.constant 0 : i32
      %dma_start3A_1646 = tpu.memref_slice %arg5[%shift_right_logical3A_1638, %dma_start3A_1641, %rem3A_1640, %dma_start3A_1642, %dma_start3A_1645] : memref<200x8x32x8x128xf32, #tpu.memory_space<hbm>> -> memref<1x1x1x1x128xf32, #tpu.memory_space<hbm>>
      %dma_start3A_1647 = tpu.memref_squeeze %dma_start3A_1646 : memref<1x1x1x1x128xf32, #tpu.memory_space<hbm>> -> memref<128xf32, #tpu.memory_space<hbm>>
      %dma_start3A_1648 = arith.constant 0 : i32
      %dma_start3A_1649 = tpu.memref_slice %arg5[%shift_right_logical3A_1638, %dma_start3A_1641, %rem3A_1640, %dma_start3A_1642, %dma_start3A_1648] : memref<200x8x32x8x128xf32, #tpu.memory_space<hbm>> -> memref<1x1x1x1x128xf32, #tpu.memory_space<hbm>>
      %dma_start3A_1650 = tpu.memref_squeeze %dma_start3A_1649 : memref<1x1x1x1x128xf32, #tpu.memory_space<hbm>> -> memref<128xf32, #tpu.memory_space<hbm>>
      %dma_start3A_1651 = arith.constant 3128 : i32
      %dma_start3A_1652 = tpu.memref_slice %arg11[%dma_start3A_1651] : memref<8704xf32, #tpu.memory_space<vmem>> -> memref<128xf32, #tpu.memory_space<vmem>>
      tpu.enqueue_dma source(%dma_start3A_1652 : memref<128xf32, #tpu.memory_space<vmem>>) target(%dma_start3A_1650 : memref<128xf32, #tpu.memory_space<hbm>>) target_semaphore(%arg15 : memref<!tpu.dma_semaphore, #tpu.memory_space<semaphore_mem>>)
      %add3A_1653 = arith.addi %mul3A_2, %add3A_1193 : i32
      %shift_right_logical3A_1654 = arith.constant 5 : i32
      %shift_right_logical3A_1655 = arith.shrui %add3A_1653, %shift_right_logical3A_1654 : i32
      %rem3A_1656 = arith.constant 32 : i32
      %rem3A_1657 = arith.remsi %add3A_1653, %rem3A_1656 : i32
      %dma_start3A_1658 = arith.constant 3 : i32
      %dma_start3A_1659 = arith.constant 0 : i32
      %dma_start3A_1660 = arith.constant 3264 : i32
      %dma_start3A_1661 = tpu.memref_slice %arg11[%dma_start3A_1660] : memref<8704xf32, #tpu.memory_space<vmem>> -> memref<128xf32, #tpu.memory_space<vmem>>
      %dma_start3A_1662 = arith.constant 0 : i32
      %dma_start3A_1663 = tpu.memref_slice %arg5[%shift_right_logical3A_1655, %dma_start3A_1658, %rem3A_1657, %dma_start3A_1659, %dma_start3A_1662] : memref<200x8x32x8x128xf32, #tpu.memory_space<hbm>> -> memref<1x1x1x1x128xf32, #tpu.memory_space<hbm>>
      %dma_start3A_1664 = tpu.memref_squeeze %dma_start3A_1663 : memref<1x1x1x1x128xf32, #tpu.memory_space<hbm>> -> memref<128xf32, #tpu.memory_space<hbm>>
      %dma_start3A_1665 = arith.constant 0 : i32
      %dma_start3A_1666 = tpu.memref_slice %arg5[%shift_right_logical3A_1655, %dma_start3A_1658, %rem3A_1657, %dma_start3A_1659, %dma_start3A_1665] : memref<200x8x32x8x128xf32, #tpu.memory_space<hbm>> -> memref<1x1x1x1x128xf32, #tpu.memory_space<hbm>>
      %dma_start3A_1667 = tpu.memref_squeeze %dma_start3A_1666 : memref<1x1x1x1x128xf32, #tpu.memory_space<hbm>> -> memref<128xf32, #tpu.memory_space<hbm>>
      %dma_start3A_1668 = arith.constant 3264 : i32
      %dma_start3A_1669 = tpu.memref_slice %arg11[%dma_start3A_1668] : memref<8704xf32, #tpu.memory_space<vmem>> -> memref<128xf32, #tpu.memory_space<vmem>>
      tpu.enqueue_dma source(%dma_start3A_1669 : memref<128xf32, #tpu.memory_space<vmem>>) target(%dma_start3A_1667 : memref<128xf32, #tpu.memory_space<hbm>>) target_semaphore(%arg15 : memref<!tpu.dma_semaphore, #tpu.memory_space<semaphore_mem>>)
      %add3A_1670 = arith.addi %mul3A_2, %add3A_1193 : i32
      %shift_right_logical3A_1671 = arith.constant 5 : i32
      %shift_right_logical3A_1672 = arith.shrui %add3A_1670, %shift_right_logical3A_1671 : i32
      %rem3A_1673 = arith.constant 32 : i32
      %rem3A_1674 = arith.remsi %add3A_1670, %rem3A_1673 : i32
      %dma_start3A_1675 = arith.constant 3 : i32
      %dma_start3A_1676 = arith.constant 1 : i32
      %dma_start3A_1677 = arith.constant 3400 : i32
      %dma_start3A_1678 = tpu.memref_slice %arg11[%dma_start3A_1677] : memref<8704xf32, #tpu.memory_space<vmem>> -> memref<128xf32, #tpu.memory_space<vmem>>
      %dma_start3A_1679 = arith.constant 0 : i32
      %dma_start3A_1680 = tpu.memref_slice %arg5[%shift_right_logical3A_1672, %dma_start3A_1675, %rem3A_1674, %dma_start3A_1676, %dma_start3A_1679] : memref<200x8x32x8x128xf32, #tpu.memory_space<hbm>> -> memref<1x1x1x1x128xf32, #tpu.memory_space<hbm>>
      %dma_start3A_1681 = tpu.memref_squeeze %dma_start3A_1680 : memref<1x1x1x1x128xf32, #tpu.memory_space<hbm>> -> memref<128xf32, #tpu.memory_space<hbm>>
      %dma_start3A_1682 = arith.constant 0 : i32
      %dma_start3A_1683 = tpu.memref_slice %arg5[%shift_right_logical3A_1672, %dma_start3A_1675, %rem3A_1674, %dma_start3A_1676, %dma_start3A_1682] : memref<200x8x32x8x128xf32, #tpu.memory_space<hbm>> -> memref<1x1x1x1x128xf32, #tpu.memory_space<hbm>>
      %dma_start3A_1684 = tpu.memref_squeeze %dma_start3A_1683 : memref<1x1x1x1x128xf32, #tpu.memory_space<hbm>> -> memref<128xf32, #tpu.memory_space<hbm>>
      %dma_start3A_1685 = arith.constant 3400 : i32
      %dma_start3A_1686 = tpu.memref_slice %arg11[%dma_start3A_1685] : memref<8704xf32, #tpu.memory_space<vmem>> -> memref<128xf32, #tpu.memory_space<vmem>>
      tpu.enqueue_dma source(%dma_start3A_1686 : memref<128xf32, #tpu.memory_space<vmem>>) target(%dma_start3A_1684 : memref<128xf32, #tpu.memory_space<hbm>>) target_semaphore(%arg15 : memref<!tpu.dma_semaphore, #tpu.memory_space<semaphore_mem>>)
      %add3A_1687 = arith.addi %mul3A_2, %add3A_1193 : i32
      %shift_right_logical3A_1688 = arith.constant 5 : i32
      %shift_right_logical3A_1689 = arith.shrui %add3A_1687, %shift_right_logical3A_1688 : i32
      %rem3A_1690 = arith.constant 32 : i32
      %rem3A_1691 = arith.remsi %add3A_1687, %rem3A_1690 : i32
      %dma_start3A_1692 = arith.constant 3 : i32
      %dma_start3A_1693 = arith.constant 2 : i32
      %dma_start3A_1694 = arith.constant 3536 : i32
      %dma_start3A_1695 = tpu.memref_slice %arg11[%dma_start3A_1694] : memref<8704xf32, #tpu.memory_space<vmem>> -> memref<128xf32, #tpu.memory_space<vmem>>
      %dma_start3A_1696 = arith.constant 0 : i32
      %dma_start3A_1697 = tpu.memref_slice %arg5[%shift_right_logical3A_1689, %dma_start3A_1692, %rem3A_1691, %dma_start3A_1693, %dma_start3A_1696] : memref<200x8x32x8x128xf32, #tpu.memory_space<hbm>> -> memref<1x1x1x1x128xf32, #tpu.memory_space<hbm>>
      %dma_start3A_1698 = tpu.memref_squeeze %dma_start3A_1697 : memref<1x1x1x1x128xf32, #tpu.memory_space<hbm>> -> memref<128xf32, #tpu.memory_space<hbm>>
      %dma_start3A_1699 = arith.constant 0 : i32
      %dma_start3A_1700 = tpu.memref_slice %arg5[%shift_right_logical3A_1689, %dma_start3A_1692, %rem3A_1691, %dma_start3A_1693, %dma_start3A_1699] : memref<200x8x32x8x128xf32, #tpu.memory_space<hbm>> -> memref<1x1x1x1x128xf32, #tpu.memory_space<hbm>>
      %dma_start3A_1701 = tpu.memref_squeeze %dma_start3A_1700 : memref<1x1x1x1x128xf32, #tpu.memory_space<hbm>> -> memref<128xf32, #tpu.memory_space<hbm>>
      %dma_start3A_1702 = arith.constant 3536 : i32
      %dma_start3A_1703 = tpu.memref_slice %arg11[%dma_start3A_1702] : memref<8704xf32, #tpu.memory_space<vmem>> -> memref<128xf32, #tpu.memory_space<vmem>>
      tpu.enqueue_dma source(%dma_start3A_1703 : memref<128xf32, #tpu.memory_space<vmem>>) target(%dma_start3A_1701 : memref<128xf32, #tpu.memory_space<hbm>>) target_semaphore(%arg15 : memref<!tpu.dma_semaphore, #tpu.memory_space<semaphore_mem>>)
      %add3A_1704 = arith.addi %mul3A_2, %add3A_1193 : i32
      %shift_right_logical3A_1705 = arith.constant 5 : i32
      %shift_right_logical3A_1706 = arith.shrui %add3A_1704, %shift_right_logical3A_1705 : i32
      %rem3A_1707 = arith.constant 32 : i32
      %rem3A_1708 = arith.remsi %add3A_1704, %rem3A_1707 : i32
      %dma_start3A_1709 = arith.constant 3 : i32
      %dma_start3A_1710 = arith.constant 3 : i32
      %dma_start3A_1711 = arith.constant 3672 : i32
      %dma_start3A_1712 = tpu.memref_slice %arg11[%dma_start3A_1711] : memref<8704xf32, #tpu.memory_space<vmem>> -> memref<128xf32, #tpu.memory_space<vmem>>
      %dma_start3A_1713 = arith.constant 0 : i32
      %dma_start3A_1714 = tpu.memref_slice %arg5[%shift_right_logical3A_1706, %dma_start3A_1709, %rem3A_1708, %dma_start3A_1710, %dma_start3A_1713] : memref<200x8x32x8x128xf32, #tpu.memory_space<hbm>> -> memref<1x1x1x1x128xf32, #tpu.memory_space<hbm>>
      %dma_start3A_1715 = tpu.memref_squeeze %dma_start3A_1714 : memref<1x1x1x1x128xf32, #tpu.memory_space<hbm>> -> memref<128xf32, #tpu.memory_space<hbm>>
      %dma_start3A_1716 = arith.constant 0 : i32
      %dma_start3A_1717 = tpu.memref_slice %arg5[%shift_right_logical3A_1706, %dma_start3A_1709, %rem3A_1708, %dma_start3A_1710, %dma_start3A_1716] : memref<200x8x32x8x128xf32, #tpu.memory_space<hbm>> -> memref<1x1x1x1x128xf32, #tpu.memory_space<hbm>>
      %dma_start3A_1718 = tpu.memref_squeeze %dma_start3A_1717 : memref<1x1x1x1x128xf32, #tpu.memory_space<hbm>> -> memref<128xf32, #tpu.memory_space<hbm>>
      %dma_start3A_1719 = arith.constant 3672 : i32
      %dma_start3A_1720 = tpu.memref_slice %arg11[%dma_start3A_1719] : memref<8704xf32, #tpu.memory_space<vmem>> -> memref<128xf32, #tpu.memory_space<vmem>>
      tpu.enqueue_dma source(%dma_start3A_1720 : memref<128xf32, #tpu.memory_space<vmem>>) target(%dma_start3A_1718 : memref<128xf32, #tpu.memory_space<hbm>>) target_semaphore(%arg15 : memref<!tpu.dma_semaphore, #tpu.memory_space<semaphore_mem>>)
      %add3A_1721 = arith.addi %mul3A_2, %add3A_1193 : i32
      %shift_right_logical3A_1722 = arith.constant 5 : i32
      %shift_right_logical3A_1723 = arith.shrui %add3A_1721, %shift_right_logical3A_1722 : i32
      %rem3A_1724 = arith.constant 32 : i32
      %rem3A_1725 = arith.remsi %add3A_1721, %rem3A_1724 : i32
      %dma_start3A_1726 = arith.constant 3 : i32
      %dma_start3A_1727 = arith.constant 4 : i32
      %dma_start3A_1728 = arith.constant 3808 : i32
      %dma_start3A_1729 = tpu.memref_slice %arg11[%dma_start3A_1728] : memref<8704xf32, #tpu.memory_space<vmem>> -> memref<128xf32, #tpu.memory_space<vmem>>
      %dma_start3A_1730 = arith.constant 0 : i32
      %dma_start3A_1731 = tpu.memref_slice %arg5[%shift_right_logical3A_1723, %dma_start3A_1726, %rem3A_1725, %dma_start3A_1727, %dma_start3A_1730] : memref<200x8x32x8x128xf32, #tpu.memory_space<hbm>> -> memref<1x1x1x1x128xf32, #tpu.memory_space<hbm>>
      %dma_start3A_1732 = tpu.memref_squeeze %dma_start3A_1731 : memref<1x1x1x1x128xf32, #tpu.memory_space<hbm>> -> memref<128xf32, #tpu.memory_space<hbm>>
      %dma_start3A_1733 = arith.constant 0 : i32
      %dma_start3A_1734 = tpu.memref_slice %arg5[%shift_right_logical3A_1723, %dma_start3A_1726, %rem3A_1725, %dma_start3A_1727, %dma_start3A_1733] : memref<200x8x32x8x128xf32, #tpu.memory_space<hbm>> -> memref<1x1x1x1x128xf32, #tpu.memory_space<hbm>>
      %dma_start3A_1735 = tpu.memref_squeeze %dma_start3A_1734 : memref<1x1x1x1x128xf32, #tpu.memory_space<hbm>> -> memref<128xf32, #tpu.memory_space<hbm>>
      %dma_start3A_1736 = arith.constant 3808 : i32
      %dma_start3A_1737 = tpu.memref_slice %arg11[%dma_start3A_1736] : memref<8704xf32, #tpu.memory_space<vmem>> -> memref<128xf32, #tpu.memory_space<vmem>>
      tpu.enqueue_dma source(%dma_start3A_1737 : memref<128xf32, #tpu.memory_space<vmem>>) target(%dma_start3A_1735 : memref<128xf32, #tpu.memory_space<hbm>>) target_semaphore(%arg15 : memref<!tpu.dma_semaphore, #tpu.memory_space<semaphore_mem>>)
      %add3A_1738 = arith.addi %mul3A_2, %add3A_1193 : i32
      %shift_right_logical3A_1739 = arith.constant 5 : i32
      %shift_right_logical3A_1740 = arith.shrui %add3A_1738, %shift_right_logical3A_1739 : i32
      %rem3A_1741 = arith.constant 32 : i32
      %rem3A_1742 = arith.remsi %add3A_1738, %rem3A_1741 : i32
      %dma_start3A_1743 = arith.constant 3 : i32
      %dma_start3A_1744 = arith.constant 5 : i32
      %dma_start3A_1745 = arith.constant 3944 : i32
      %dma_start3A_1746 = tpu.memref_slice %arg11[%dma_start3A_1745] : memref<8704xf32, #tpu.memory_space<vmem>> -> memref<128xf32, #tpu.memory_space<vmem>>
      %dma_start3A_1747 = arith.constant 0 : i32
      %dma_start3A_1748 = tpu.memref_slice %arg5[%shift_right_logical3A_1740, %dma_start3A_1743, %rem3A_1742, %dma_start3A_1744, %dma_start3A_1747] : memref<200x8x32x8x128xf32, #tpu.memory_space<hbm>> -> memref<1x1x1x1x128xf32, #tpu.memory_space<hbm>>
      %dma_start3A_1749 = tpu.memref_squeeze %dma_start3A_1748 : memref<1x1x1x1x128xf32, #tpu.memory_space<hbm>> -> memref<128xf32, #tpu.memory_space<hbm>>
      %dma_start3A_1750 = arith.constant 0 : i32
      %dma_start3A_1751 = tpu.memref_slice %arg5[%shift_right_logical3A_1740, %dma_start3A_1743, %rem3A_1742, %dma_start3A_1744, %dma_start3A_1750] : memref<200x8x32x8x128xf32, #tpu.memory_space<hbm>> -> memref<1x1x1x1x128xf32, #tpu.memory_space<hbm>>
      %dma_start3A_1752 = tpu.memref_squeeze %dma_start3A_1751 : memref<1x1x1x1x128xf32, #tpu.memory_space<hbm>> -> memref<128xf32, #tpu.memory_space<hbm>>
      %dma_start3A_1753 = arith.constant 3944 : i32
      %dma_start3A_1754 = tpu.memref_slice %arg11[%dma_start3A_1753] : memref<8704xf32, #tpu.memory_space<vmem>> -> memref<128xf32, #tpu.memory_space<vmem>>
      tpu.enqueue_dma source(%dma_start3A_1754 : memref<128xf32, #tpu.memory_space<vmem>>) target(%dma_start3A_1752 : memref<128xf32, #tpu.memory_space<hbm>>) target_semaphore(%arg15 : memref<!tpu.dma_semaphore, #tpu.memory_space<semaphore_mem>>)
      %add3A_1755 = arith.addi %mul3A_2, %add3A_1193 : i32
      %shift_right_logical3A_1756 = arith.constant 5 : i32
      %shift_right_logical3A_1757 = arith.shrui %add3A_1755, %shift_right_logical3A_1756 : i32
      %rem3A_1758 = arith.constant 32 : i32
      %rem3A_1759 = arith.remsi %add3A_1755, %rem3A_1758 : i32
      %dma_start3A_1760 = arith.constant 3 : i32
      %dma_start3A_1761 = arith.constant 6 : i32
      %dma_start3A_1762 = arith.constant 4080 : i32
      %dma_start3A_1763 = tpu.memref_slice %arg11[%dma_start3A_1762] : memref<8704xf32, #tpu.memory_space<vmem>> -> memref<128xf32, #tpu.memory_space<vmem>>
      %dma_start3A_1764 = arith.constant 0 : i32
      %dma_start3A_1765 = tpu.memref_slice %arg5[%shift_right_logical3A_1757, %dma_start3A_1760, %rem3A_1759, %dma_start3A_1761, %dma_start3A_1764] : memref<200x8x32x8x128xf32, #tpu.memory_space<hbm>> -> memref<1x1x1x1x128xf32, #tpu.memory_space<hbm>>
      %dma_start3A_1766 = tpu.memref_squeeze %dma_start3A_1765 : memref<1x1x1x1x128xf32, #tpu.memory_space<hbm>> -> memref<128xf32, #tpu.memory_space<hbm>>
      %dma_start3A_1767 = arith.constant 0 : i32
      %dma_start3A_1768 = tpu.memref_slice %arg5[%shift_right_logical3A_1757, %dma_start3A_1760, %rem3A_1759, %dma_start3A_1761, %dma_start3A_1767] : memref<200x8x32x8x128xf32, #tpu.memory_space<hbm>> -> memref<1x1x1x1x128xf32, #tpu.memory_space<hbm>>
      %dma_start3A_1769 = tpu.memref_squeeze %dma_start3A_1768 : memref<1x1x1x1x128xf32, #tpu.memory_space<hbm>> -> memref<128xf32, #tpu.memory_space<hbm>>
      %dma_start3A_1770 = arith.constant 4080 : i32
      %dma_start3A_1771 = tpu.memref_slice %arg11[%dma_start3A_1770] : memref<8704xf32, #tpu.memory_space<vmem>> -> memref<128xf32, #tpu.memory_space<vmem>>
      tpu.enqueue_dma source(%dma_start3A_1771 : memref<128xf32, #tpu.memory_space<vmem>>) target(%dma_start3A_1769 : memref<128xf32, #tpu.memory_space<hbm>>) target_semaphore(%arg15 : memref<!tpu.dma_semaphore, #tpu.memory_space<semaphore_mem>>)
      %add3A_1772 = arith.addi %mul3A_2, %add3A_1193 : i32
      %shift_right_logical3A_1773 = arith.constant 5 : i32
      %shift_right_logical3A_1774 = arith.shrui %add3A_1772, %shift_right_logical3A_1773 : i32
      %rem3A_1775 = arith.constant 32 : i32
      %rem3A_1776 = arith.remsi %add3A_1772, %rem3A_1775 : i32
      %dma_start3A_1777 = arith.constant 3 : i32
      %dma_start3A_1778 = arith.constant 7 : i32
      %dma_start3A_1779 = arith.constant 4216 : i32
      %dma_start3A_1780 = tpu.memref_slice %arg11[%dma_start3A_1779] : memref<8704xf32, #tpu.memory_space<vmem>> -> memref<128xf32, #tpu.memory_space<vmem>>
      %dma_start3A_1781 = arith.constant 0 : i32
      %dma_start3A_1782 = tpu.memref_slice %arg5[%shift_right_logical3A_1774, %dma_start3A_1777, %rem3A_1776, %dma_start3A_1778, %dma_start3A_1781] : memref<200x8x32x8x128xf32, #tpu.memory_space<hbm>> -> memref<1x1x1x1x128xf32, #tpu.memory_space<hbm>>
      %dma_start3A_1783 = tpu.memref_squeeze %dma_start3A_1782 : memref<1x1x1x1x128xf32, #tpu.memory_space<hbm>> -> memref<128xf32, #tpu.memory_space<hbm>>
      %dma_start3A_1784 = arith.constant 0 : i32
      %dma_start3A_1785 = tpu.memref_slice %arg5[%shift_right_logical3A_1774, %dma_start3A_1777, %rem3A_1776, %dma_start3A_1778, %dma_start3A_1784] : memref<200x8x32x8x128xf32, #tpu.memory_space<hbm>> -> memref<1x1x1x1x128xf32, #tpu.memory_space<hbm>>
      %dma_start3A_1786 = tpu.memref_squeeze %dma_start3A_1785 : memref<1x1x1x1x128xf32, #tpu.memory_space<hbm>> -> memref<128xf32, #tpu.memory_space<hbm>>
      %dma_start3A_1787 = arith.constant 4216 : i32
      %dma_start3A_1788 = tpu.memref_slice %arg11[%dma_start3A_1787] : memref<8704xf32, #tpu.memory_space<vmem>> -> memref<128xf32, #tpu.memory_space<vmem>>
      tpu.enqueue_dma source(%dma_start3A_1788 : memref<128xf32, #tpu.memory_space<vmem>>) target(%dma_start3A_1786 : memref<128xf32, #tpu.memory_space<hbm>>) target_semaphore(%arg15 : memref<!tpu.dma_semaphore, #tpu.memory_space<semaphore_mem>>)
      %add3A_1789 = arith.addi %mul3A_2, %add3A_1193 : i32
      %shift_right_logical3A_1790 = arith.constant 5 : i32
      %shift_right_logical3A_1791 = arith.shrui %add3A_1789, %shift_right_logical3A_1790 : i32
      %rem3A_1792 = arith.constant 32 : i32
      %rem3A_1793 = arith.remsi %add3A_1789, %rem3A_1792 : i32
      %dma_start3A_1794 = arith.constant 4 : i32
      %dma_start3A_1795 = arith.constant 0 : i32
      %dma_start3A_1796 = arith.constant 4352 : i32
      %dma_start3A_1797 = tpu.memref_slice %arg11[%dma_start3A_1796] : memref<8704xf32, #tpu.memory_space<vmem>> -> memref<128xf32, #tpu.memory_space<vmem>>
      %dma_start3A_1798 = arith.constant 0 : i32
      %dma_start3A_1799 = tpu.memref_slice %arg5[%shift_right_logical3A_1791, %dma_start3A_1794, %rem3A_1793, %dma_start3A_1795, %dma_start3A_1798] : memref<200x8x32x8x128xf32, #tpu.memory_space<hbm>> -> memref<1x1x1x1x128xf32, #tpu.memory_space<hbm>>
      %dma_start3A_1800 = tpu.memref_squeeze %dma_start3A_1799 : memref<1x1x1x1x128xf32, #tpu.memory_space<hbm>> -> memref<128xf32, #tpu.memory_space<hbm>>
      %dma_start3A_1801 = arith.constant 0 : i32
      %dma_start3A_1802 = tpu.memref_slice %arg5[%shift_right_logical3A_1791, %dma_start3A_1794, %rem3A_1793, %dma_start3A_1795, %dma_start3A_1801] : memref<200x8x32x8x128xf32, #tpu.memory_space<hbm>> -> memref<1x1x1x1x128xf32, #tpu.memory_space<hbm>>
      %dma_start3A_1803 = tpu.memref_squeeze %dma_start3A_1802 : memref<1x1x1x1x128xf32, #tpu.memory_space<hbm>> -> memref<128xf32, #tpu.memory_space<hbm>>
      %dma_start3A_1804 = arith.constant 4352 : i32
      %dma_start3A_1805 = tpu.memref_slice %arg11[%dma_start3A_1804] : memref<8704xf32, #tpu.memory_space<vmem>> -> memref<128xf32, #tpu.memory_space<vmem>>
      tpu.enqueue_dma source(%dma_start3A_1805 : memref<128xf32, #tpu.memory_space<vmem>>) target(%dma_start3A_1803 : memref<128xf32, #tpu.memory_space<hbm>>) target_semaphore(%arg15 : memref<!tpu.dma_semaphore, #tpu.memory_space<semaphore_mem>>)
      %add3A_1806 = arith.addi %mul3A_2, %add3A_1193 : i32
      %shift_right_logical3A_1807 = arith.constant 5 : i32
      %shift_right_logical3A_1808 = arith.shrui %add3A_1806, %shift_right_logical3A_1807 : i32
      %rem3A_1809 = arith.constant 32 : i32
      %rem3A_1810 = arith.remsi %add3A_1806, %rem3A_1809 : i32
      %dma_start3A_1811 = arith.constant 4 : i32
      %dma_start3A_1812 = arith.constant 1 : i32
      %dma_start3A_1813 = arith.constant 4488 : i32
      %dma_start3A_1814 = tpu.memref_slice %arg11[%dma_start3A_1813] : memref<8704xf32, #tpu.memory_space<vmem>> -> memref<128xf32, #tpu.memory_space<vmem>>
      %dma_start3A_1815 = arith.constant 0 : i32
      %dma_start3A_1816 = tpu.memref_slice %arg5[%shift_right_logical3A_1808, %dma_start3A_1811, %rem3A_1810, %dma_start3A_1812, %dma_start3A_1815] : memref<200x8x32x8x128xf32, #tpu.memory_space<hbm>> -> memref<1x1x1x1x128xf32, #tpu.memory_space<hbm>>
      %dma_start3A_1817 = tpu.memref_squeeze %dma_start3A_1816 : memref<1x1x1x1x128xf32, #tpu.memory_space<hbm>> -> memref<128xf32, #tpu.memory_space<hbm>>
      %dma_start3A_1818 = arith.constant 0 : i32
      %dma_start3A_1819 = tpu.memref_slice %arg5[%shift_right_logical3A_1808, %dma_start3A_1811, %rem3A_1810, %dma_start3A_1812, %dma_start3A_1818] : memref<200x8x32x8x128xf32, #tpu.memory_space<hbm>> -> memref<1x1x1x1x128xf32, #tpu.memory_space<hbm>>
      %dma_start3A_1820 = tpu.memref_squeeze %dma_start3A_1819 : memref<1x1x1x1x128xf32, #tpu.memory_space<hbm>> -> memref<128xf32, #tpu.memory_space<hbm>>
      %dma_start3A_1821 = arith.constant 4488 : i32
      %dma_start3A_1822 = tpu.memref_slice %arg11[%dma_start3A_1821] : memref<8704xf32, #tpu.memory_space<vmem>> -> memref<128xf32, #tpu.memory_space<vmem>>
      tpu.enqueue_dma source(%dma_start3A_1822 : memref<128xf32, #tpu.memory_space<vmem>>) target(%dma_start3A_1820 : memref<128xf32, #tpu.memory_space<hbm>>) target_semaphore(%arg15 : memref<!tpu.dma_semaphore, #tpu.memory_space<semaphore_mem>>)
      %add3A_1823 = arith.addi %mul3A_2, %add3A_1193 : i32
      %shift_right_logical3A_1824 = arith.constant 5 : i32
      %shift_right_logical3A_1825 = arith.shrui %add3A_1823, %shift_right_logical3A_1824 : i32
      %rem3A_1826 = arith.constant 32 : i32
      %rem3A_1827 = arith.remsi %add3A_1823, %rem3A_1826 : i32
      %dma_start3A_1828 = arith.constant 4 : i32
      %dma_start3A_1829 = arith.constant 2 : i32
      %dma_start3A_1830 = arith.constant 4624 : i32
      %dma_start3A_1831 = tpu.memref_slice %arg11[%dma_start3A_1830] : memref<8704xf32, #tpu.memory_space<vmem>> -> memref<128xf32, #tpu.memory_space<vmem>>
      %dma_start3A_1832 = arith.constant 0 : i32
      %dma_start3A_1833 = tpu.memref_slice %arg5[%shift_right_logical3A_1825, %dma_start3A_1828, %rem3A_1827, %dma_start3A_1829, %dma_start3A_1832] : memref<200x8x32x8x128xf32, #tpu.memory_space<hbm>> -> memref<1x1x1x1x128xf32, #tpu.memory_space<hbm>>
      %dma_start3A_1834 = tpu.memref_squeeze %dma_start3A_1833 : memref<1x1x1x1x128xf32, #tpu.memory_space<hbm>> -> memref<128xf32, #tpu.memory_space<hbm>>
      %dma_start3A_1835 = arith.constant 0 : i32
      %dma_start3A_1836 = tpu.memref_slice %arg5[%shift_right_logical3A_1825, %dma_start3A_1828, %rem3A_1827, %dma_start3A_1829, %dma_start3A_1835] : memref<200x8x32x8x128xf32, #tpu.memory_space<hbm>> -> memref<1x1x1x1x128xf32, #tpu.memory_space<hbm>>
      %dma_start3A_1837 = tpu.memref_squeeze %dma_start3A_1836 : memref<1x1x1x1x128xf32, #tpu.memory_space<hbm>> -> memref<128xf32, #tpu.memory_space<hbm>>
      %dma_start3A_1838 = arith.constant 4624 : i32
      %dma_start3A_1839 = tpu.memref_slice %arg11[%dma_start3A_1838] : memref<8704xf32, #tpu.memory_space<vmem>> -> memref<128xf32, #tpu.memory_space<vmem>>
      tpu.enqueue_dma source(%dma_start3A_1839 : memref<128xf32, #tpu.memory_space<vmem>>) target(%dma_start3A_1837 : memref<128xf32, #tpu.memory_space<hbm>>) target_semaphore(%arg15 : memref<!tpu.dma_semaphore, #tpu.memory_space<semaphore_mem>>)
      %add3A_1840 = arith.addi %mul3A_2, %add3A_1193 : i32
      %shift_right_logical3A_1841 = arith.constant 5 : i32
      %shift_right_logical3A_1842 = arith.shrui %add3A_1840, %shift_right_logical3A_1841 : i32
      %rem3A_1843 = arith.constant 32 : i32
      %rem3A_1844 = arith.remsi %add3A_1840, %rem3A_1843 : i32
      %dma_start3A_1845 = arith.constant 4 : i32
      %dma_start3A_1846 = arith.constant 3 : i32
      %dma_start3A_1847 = arith.constant 4760 : i32
      %dma_start3A_1848 = tpu.memref_slice %arg11[%dma_start3A_1847] : memref<8704xf32, #tpu.memory_space<vmem>> -> memref<128xf32, #tpu.memory_space<vmem>>
      %dma_start3A_1849 = arith.constant 0 : i32
      %dma_start3A_1850 = tpu.memref_slice %arg5[%shift_right_logical3A_1842, %dma_start3A_1845, %rem3A_1844, %dma_start3A_1846, %dma_start3A_1849] : memref<200x8x32x8x128xf32, #tpu.memory_space<hbm>> -> memref<1x1x1x1x128xf32, #tpu.memory_space<hbm>>
      %dma_start3A_1851 = tpu.memref_squeeze %dma_start3A_1850 : memref<1x1x1x1x128xf32, #tpu.memory_space<hbm>> -> memref<128xf32, #tpu.memory_space<hbm>>
      %dma_start3A_1852 = arith.constant 0 : i32
      %dma_start3A_1853 = tpu.memref_slice %arg5[%shift_right_logical3A_1842, %dma_start3A_1845, %rem3A_1844, %dma_start3A_1846, %dma_start3A_1852] : memref<200x8x32x8x128xf32, #tpu.memory_space<hbm>> -> memref<1x1x1x1x128xf32, #tpu.memory_space<hbm>>
      %dma_start3A_1854 = tpu.memref_squeeze %dma_start3A_1853 : memref<1x1x1x1x128xf32, #tpu.memory_space<hbm>> -> memref<128xf32, #tpu.memory_space<hbm>>
      %dma_start3A_1855 = arith.constant 4760 : i32
      %dma_start3A_1856 = tpu.memref_slice %arg11[%dma_start3A_1855] : memref<8704xf32, #tpu.memory_space<vmem>> -> memref<128xf32, #tpu.memory_space<vmem>>
      tpu.enqueue_dma source(%dma_start3A_1856 : memref<128xf32, #tpu.memory_space<vmem>>) target(%dma_start3A_1854 : memref<128xf32, #tpu.memory_space<hbm>>) target_semaphore(%arg15 : memref<!tpu.dma_semaphore, #tpu.memory_space<semaphore_mem>>)
      %add3A_1857 = arith.addi %mul3A_2, %add3A_1193 : i32
      %shift_right_logical3A_1858 = arith.constant 5 : i32
      %shift_right_logical3A_1859 = arith.shrui %add3A_1857, %shift_right_logical3A_1858 : i32
      %rem3A_1860 = arith.constant 32 : i32
      %rem3A_1861 = arith.remsi %add3A_1857, %rem3A_1860 : i32
      %dma_start3A_1862 = arith.constant 4 : i32
      %dma_start3A_1863 = arith.constant 4 : i32
      %dma_start3A_1864 = arith.constant 4896 : i32
      %dma_start3A_1865 = tpu.memref_slice %arg11[%dma_start3A_1864] : memref<8704xf32, #tpu.memory_space<vmem>> -> memref<128xf32, #tpu.memory_space<vmem>>
      %dma_start3A_1866 = arith.constant 0 : i32
      %dma_start3A_1867 = tpu.memref_slice %arg5[%shift_right_logical3A_1859, %dma_start3A_1862, %rem3A_1861, %dma_start3A_1863, %dma_start3A_1866] : memref<200x8x32x8x128xf32, #tpu.memory_space<hbm>> -> memref<1x1x1x1x128xf32, #tpu.memory_space<hbm>>
      %dma_start3A_1868 = tpu.memref_squeeze %dma_start3A_1867 : memref<1x1x1x1x128xf32, #tpu.memory_space<hbm>> -> memref<128xf32, #tpu.memory_space<hbm>>
      %dma_start3A_1869 = arith.constant 0 : i32
      %dma_start3A_1870 = tpu.memref_slice %arg5[%shift_right_logical3A_1859, %dma_start3A_1862, %rem3A_1861, %dma_start3A_1863, %dma_start3A_1869] : memref<200x8x32x8x128xf32, #tpu.memory_space<hbm>> -> memref<1x1x1x1x128xf32, #tpu.memory_space<hbm>>
      %dma_start3A_1871 = tpu.memref_squeeze %dma_start3A_1870 : memref<1x1x1x1x128xf32, #tpu.memory_space<hbm>> -> memref<128xf32, #tpu.memory_space<hbm>>
      %dma_start3A_1872 = arith.constant 4896 : i32
      %dma_start3A_1873 = tpu.memref_slice %arg11[%dma_start3A_1872] : memref<8704xf32, #tpu.memory_space<vmem>> -> memref<128xf32, #tpu.memory_space<vmem>>
      tpu.enqueue_dma source(%dma_start3A_1873 : memref<128xf32, #tpu.memory_space<vmem>>) target(%dma_start3A_1871 : memref<128xf32, #tpu.memory_space<hbm>>) target_semaphore(%arg15 : memref<!tpu.dma_semaphore, #tpu.memory_space<semaphore_mem>>)
      %add3A_1874 = arith.addi %mul3A_2, %add3A_1193 : i32
      %shift_right_logical3A_1875 = arith.constant 5 : i32
      %shift_right_logical3A_1876 = arith.shrui %add3A_1874, %shift_right_logical3A_1875 : i32
      %rem3A_1877 = arith.constant 32 : i32
      %rem3A_1878 = arith.remsi %add3A_1874, %rem3A_1877 : i32
      %dma_start3A_1879 = arith.constant 4 : i32
      %dma_start3A_1880 = arith.constant 5 : i32
      %dma_start3A_1881 = arith.constant 5032 : i32
      %dma_start3A_1882 = tpu.memref_slice %arg11[%dma_start3A_1881] : memref<8704xf32, #tpu.memory_space<vmem>> -> memref<128xf32, #tpu.memory_space<vmem>>
      %dma_start3A_1883 = arith.constant 0 : i32
      %dma_start3A_1884 = tpu.memref_slice %arg5[%shift_right_logical3A_1876, %dma_start3A_1879, %rem3A_1878, %dma_start3A_1880, %dma_start3A_1883] : memref<200x8x32x8x128xf32, #tpu.memory_space<hbm>> -> memref<1x1x1x1x128xf32, #tpu.memory_space<hbm>>
      %dma_start3A_1885 = tpu.memref_squeeze %dma_start3A_1884 : memref<1x1x1x1x128xf32, #tpu.memory_space<hbm>> -> memref<128xf32, #tpu.memory_space<hbm>>
      %dma_start3A_1886 = arith.constant 0 : i32
      %dma_start3A_1887 = tpu.memref_slice %arg5[%shift_right_logical3A_1876, %dma_start3A_1879, %rem3A_1878, %dma_start3A_1880, %dma_start3A_1886] : memref<200x8x32x8x128xf32, #tpu.memory_space<hbm>> -> memref<1x1x1x1x128xf32, #tpu.memory_space<hbm>>
      %dma_start3A_1888 = tpu.memref_squeeze %dma_start3A_1887 : memref<1x1x1x1x128xf32, #tpu.memory_space<hbm>> -> memref<128xf32, #tpu.memory_space<hbm>>
      %dma_start3A_1889 = arith.constant 5032 : i32
      %dma_start3A_1890 = tpu.memref_slice %arg11[%dma_start3A_1889] : memref<8704xf32, #tpu.memory_space<vmem>> -> memref<128xf32, #tpu.memory_space<vmem>>
      tpu.enqueue_dma source(%dma_start3A_1890 : memref<128xf32, #tpu.memory_space<vmem>>) target(%dma_start3A_1888 : memref<128xf32, #tpu.memory_space<hbm>>) target_semaphore(%arg15 : memref<!tpu.dma_semaphore, #tpu.memory_space<semaphore_mem>>)
      %add3A_1891 = arith.addi %mul3A_2, %add3A_1193 : i32
      %shift_right_logical3A_1892 = arith.constant 5 : i32
      %shift_right_logical3A_1893 = arith.shrui %add3A_1891, %shift_right_logical3A_1892 : i32
      %rem3A_1894 = arith.constant 32 : i32
      %rem3A_1895 = arith.remsi %add3A_1891, %rem3A_1894 : i32
      %dma_start3A_1896 = arith.constant 4 : i32
      %dma_start3A_1897 = arith.constant 6 : i32
      %dma_start3A_1898 = arith.constant 5168 : i32
      %dma_start3A_1899 = tpu.memref_slice %arg11[%dma_start3A_1898] : memref<8704xf32, #tpu.memory_space<vmem>> -> memref<128xf32, #tpu.memory_space<vmem>>
      %dma_start3A_1900 = arith.constant 0 : i32
      %dma_start3A_1901 = tpu.memref_slice %arg5[%shift_right_logical3A_1893, %dma_start3A_1896, %rem3A_1895, %dma_start3A_1897, %dma_start3A_1900] : memref<200x8x32x8x128xf32, #tpu.memory_space<hbm>> -> memref<1x1x1x1x128xf32, #tpu.memory_space<hbm>>
      %dma_start3A_1902 = tpu.memref_squeeze %dma_start3A_1901 : memref<1x1x1x1x128xf32, #tpu.memory_space<hbm>> -> memref<128xf32, #tpu.memory_space<hbm>>
      %dma_start3A_1903 = arith.constant 0 : i32
      %dma_start3A_1904 = tpu.memref_slice %arg5[%shift_right_logical3A_1893, %dma_start3A_1896, %rem3A_1895, %dma_start3A_1897, %dma_start3A_1903] : memref<200x8x32x8x128xf32, #tpu.memory_space<hbm>> -> memref<1x1x1x1x128xf32, #tpu.memory_space<hbm>>
      %dma_start3A_1905 = tpu.memref_squeeze %dma_start3A_1904 : memref<1x1x1x1x128xf32, #tpu.memory_space<hbm>> -> memref<128xf32, #tpu.memory_space<hbm>>
      %dma_start3A_1906 = arith.constant 5168 : i32
      %dma_start3A_1907 = tpu.memref_slice %arg11[%dma_start3A_1906] : memref<8704xf32, #tpu.memory_space<vmem>> -> memref<128xf32, #tpu.memory_space<vmem>>
      tpu.enqueue_dma source(%dma_start3A_1907 : memref<128xf32, #tpu.memory_space<vmem>>) target(%dma_start3A_1905 : memref<128xf32, #tpu.memory_space<hbm>>) target_semaphore(%arg15 : memref<!tpu.dma_semaphore, #tpu.memory_space<semaphore_mem>>)
      %add3A_1908 = arith.addi %mul3A_2, %add3A_1193 : i32
      %shift_right_logical3A_1909 = arith.constant 5 : i32
      %shift_right_logical3A_1910 = arith.shrui %add3A_1908, %shift_right_logical3A_1909 : i32
      %rem3A_1911 = arith.constant 32 : i32
      %rem3A_1912 = arith.remsi %add3A_1908, %rem3A_1911 : i32
      %dma_start3A_1913 = arith.constant 4 : i32
      %dma_start3A_1914 = arith.constant 7 : i32
      %dma_start3A_1915 = arith.constant 5304 : i32
      %dma_start3A_1916 = tpu.memref_slice %arg11[%dma_start3A_1915] : memref<8704xf32, #tpu.memory_space<vmem>> -> memref<128xf32, #tpu.memory_space<vmem>>
      %dma_start3A_1917 = arith.constant 0 : i32
      %dma_start3A_1918 = tpu.memref_slice %arg5[%shift_right_logical3A_1910, %dma_start3A_1913, %rem3A_1912, %dma_start3A_1914, %dma_start3A_1917] : memref<200x8x32x8x128xf32, #tpu.memory_space<hbm>> -> memref<1x1x1x1x128xf32, #tpu.memory_space<hbm>>
      %dma_start3A_1919 = tpu.memref_squeeze %dma_start3A_1918 : memref<1x1x1x1x128xf32, #tpu.memory_space<hbm>> -> memref<128xf32, #tpu.memory_space<hbm>>
      %dma_start3A_1920 = arith.constant 0 : i32
      %dma_start3A_1921 = tpu.memref_slice %arg5[%shift_right_logical3A_1910, %dma_start3A_1913, %rem3A_1912, %dma_start3A_1914, %dma_start3A_1920] : memref<200x8x32x8x128xf32, #tpu.memory_space<hbm>> -> memref<1x1x1x1x128xf32, #tpu.memory_space<hbm>>
      %dma_start3A_1922 = tpu.memref_squeeze %dma_start3A_1921 : memref<1x1x1x1x128xf32, #tpu.memory_space<hbm>> -> memref<128xf32, #tpu.memory_space<hbm>>
      %dma_start3A_1923 = arith.constant 5304 : i32
      %dma_start3A_1924 = tpu.memref_slice %arg11[%dma_start3A_1923] : memref<8704xf32, #tpu.memory_space<vmem>> -> memref<128xf32, #tpu.memory_space<vmem>>
      tpu.enqueue_dma source(%dma_start3A_1924 : memref<128xf32, #tpu.memory_space<vmem>>) target(%dma_start3A_1922 : memref<128xf32, #tpu.memory_space<hbm>>) target_semaphore(%arg15 : memref<!tpu.dma_semaphore, #tpu.memory_space<semaphore_mem>>)
      %add3A_1925 = arith.addi %mul3A_2, %add3A_1193 : i32
      %shift_right_logical3A_1926 = arith.constant 5 : i32
      %shift_right_logical3A_1927 = arith.shrui %add3A_1925, %shift_right_logical3A_1926 : i32
      %rem3A_1928 = arith.constant 32 : i32
      %rem3A_1929 = arith.remsi %add3A_1925, %rem3A_1928 : i32
      %dma_start3A_1930 = arith.constant 5 : i32
      %dma_start3A_1931 = arith.constant 0 : i32
      %dma_start3A_1932 = arith.constant 5440 : i32
      %dma_start3A_1933 = tpu.memref_slice %arg11[%dma_start3A_1932] : memref<8704xf32, #tpu.memory_space<vmem>> -> memref<128xf32, #tpu.memory_space<vmem>>
      %dma_start3A_1934 = arith.constant 0 : i32
      %dma_start3A_1935 = tpu.memref_slice %arg5[%shift_right_logical3A_1927, %dma_start3A_1930, %rem3A_1929, %dma_start3A_1931, %dma_start3A_1934] : memref<200x8x32x8x128xf32, #tpu.memory_space<hbm>> -> memref<1x1x1x1x128xf32, #tpu.memory_space<hbm>>
      %dma_start3A_1936 = tpu.memref_squeeze %dma_start3A_1935 : memref<1x1x1x1x128xf32, #tpu.memory_space<hbm>> -> memref<128xf32, #tpu.memory_space<hbm>>
      %dma_start3A_1937 = arith.constant 0 : i32
      %dma_start3A_1938 = tpu.memref_slice %arg5[%shift_right_logical3A_1927, %dma_start3A_1930, %rem3A_1929, %dma_start3A_1931, %dma_start3A_1937] : memref<200x8x32x8x128xf32, #tpu.memory_space<hbm>> -> memref<1x1x1x1x128xf32, #tpu.memory_space<hbm>>
      %dma_start3A_1939 = tpu.memref_squeeze %dma_start3A_1938 : memref<1x1x1x1x128xf32, #tpu.memory_space<hbm>> -> memref<128xf32, #tpu.memory_space<hbm>>
      %dma_start3A_1940 = arith.constant 5440 : i32
      %dma_start3A_1941 = tpu.memref_slice %arg11[%dma_start3A_1940] : memref<8704xf32, #tpu.memory_space<vmem>> -> memref<128xf32, #tpu.memory_space<vmem>>
      tpu.enqueue_dma source(%dma_start3A_1941 : memref<128xf32, #tpu.memory_space<vmem>>) target(%dma_start3A_1939 : memref<128xf32, #tpu.memory_space<hbm>>) target_semaphore(%arg15 : memref<!tpu.dma_semaphore, #tpu.memory_space<semaphore_mem>>)
      %add3A_1942 = arith.addi %mul3A_2, %add3A_1193 : i32
      %shift_right_logical3A_1943 = arith.constant 5 : i32
      %shift_right_logical3A_1944 = arith.shrui %add3A_1942, %shift_right_logical3A_1943 : i32
      %rem3A_1945 = arith.constant 32 : i32
      %rem3A_1946 = arith.remsi %add3A_1942, %rem3A_1945 : i32
      %dma_start3A_1947 = arith.constant 5 : i32
      %dma_start3A_1948 = arith.constant 1 : i32
      %dma_start3A_1949 = arith.constant 5576 : i32
      %dma_start3A_1950 = tpu.memref_slice %arg11[%dma_start3A_1949] : memref<8704xf32, #tpu.memory_space<vmem>> -> memref<128xf32, #tpu.memory_space<vmem>>
      %dma_start3A_1951 = arith.constant 0 : i32
      %dma_start3A_1952 = tpu.memref_slice %arg5[%shift_right_logical3A_1944, %dma_start3A_1947, %rem3A_1946, %dma_start3A_1948, %dma_start3A_1951] : memref<200x8x32x8x128xf32, #tpu.memory_space<hbm>> -> memref<1x1x1x1x128xf32, #tpu.memory_space<hbm>>
      %dma_start3A_1953 = tpu.memref_squeeze %dma_start3A_1952 : memref<1x1x1x1x128xf32, #tpu.memory_space<hbm>> -> memref<128xf32, #tpu.memory_space<hbm>>
      %dma_start3A_1954 = arith.constant 0 : i32
      %dma_start3A_1955 = tpu.memref_slice %arg5[%shift_right_logical3A_1944, %dma_start3A_1947, %rem3A_1946, %dma_start3A_1948, %dma_start3A_1954] : memref<200x8x32x8x128xf32, #tpu.memory_space<hbm>> -> memref<1x1x1x1x128xf32, #tpu.memory_space<hbm>>
      %dma_start3A_1956 = tpu.memref_squeeze %dma_start3A_1955 : memref<1x1x1x1x128xf32, #tpu.memory_space<hbm>> -> memref<128xf32, #tpu.memory_space<hbm>>
      %dma_start3A_1957 = arith.constant 5576 : i32
      %dma_start3A_1958 = tpu.memref_slice %arg11[%dma_start3A_1957] : memref<8704xf32, #tpu.memory_space<vmem>> -> memref<128xf32, #tpu.memory_space<vmem>>
      tpu.enqueue_dma source(%dma_start3A_1958 : memref<128xf32, #tpu.memory_space<vmem>>) target(%dma_start3A_1956 : memref<128xf32, #tpu.memory_space<hbm>>) target_semaphore(%arg15 : memref<!tpu.dma_semaphore, #tpu.memory_space<semaphore_mem>>)
      %add3A_1959 = arith.addi %mul3A_2, %add3A_1193 : i32
      %shift_right_logical3A_1960 = arith.constant 5 : i32
      %shift_right_logical3A_1961 = arith.shrui %add3A_1959, %shift_right_logical3A_1960 : i32
      %rem3A_1962 = arith.constant 32 : i32
      %rem3A_1963 = arith.remsi %add3A_1959, %rem3A_1962 : i32
      %dma_start3A_1964 = arith.constant 5 : i32
      %dma_start3A_1965 = arith.constant 2 : i32
      %dma_start3A_1966 = arith.constant 5712 : i32
      %dma_start3A_1967 = tpu.memref_slice %arg11[%dma_start3A_1966] : memref<8704xf32, #tpu.memory_space<vmem>> -> memref<128xf32, #tpu.memory_space<vmem>>
      %dma_start3A_1968 = arith.constant 0 : i32
      %dma_start3A_1969 = tpu.memref_slice %arg5[%shift_right_logical3A_1961, %dma_start3A_1964, %rem3A_1963, %dma_start3A_1965, %dma_start3A_1968] : memref<200x8x32x8x128xf32, #tpu.memory_space<hbm>> -> memref<1x1x1x1x128xf32, #tpu.memory_space<hbm>>
      %dma_start3A_1970 = tpu.memref_squeeze %dma_start3A_1969 : memref<1x1x1x1x128xf32, #tpu.memory_space<hbm>> -> memref<128xf32, #tpu.memory_space<hbm>>
      %dma_start3A_1971 = arith.constant 0 : i32
      %dma_start3A_1972 = tpu.memref_slice %arg5[%shift_right_logical3A_1961, %dma_start3A_1964, %rem3A_1963, %dma_start3A_1965, %dma_start3A_1971] : memref<200x8x32x8x128xf32, #tpu.memory_space<hbm>> -> memref<1x1x1x1x128xf32, #tpu.memory_space<hbm>>
      %dma_start3A_1973 = tpu.memref_squeeze %dma_start3A_1972 : memref<1x1x1x1x128xf32, #tpu.memory_space<hbm>> -> memref<128xf32, #tpu.memory_space<hbm>>
      %dma_start3A_1974 = arith.constant 5712 : i32
      %dma_start3A_1975 = tpu.memref_slice %arg11[%dma_start3A_1974] : memref<8704xf32, #tpu.memory_space<vmem>> -> memref<128xf32, #tpu.memory_space<vmem>>
      tpu.enqueue_dma source(%dma_start3A_1975 : memref<128xf32, #tpu.memory_space<vmem>>) target(%dma_start3A_1973 : memref<128xf32, #tpu.memory_space<hbm>>) target_semaphore(%arg15 : memref<!tpu.dma_semaphore, #tpu.memory_space<semaphore_mem>>)
      %add3A_1976 = arith.addi %mul3A_2, %add3A_1193 : i32
      %shift_right_logical3A_1977 = arith.constant 5 : i32
      %shift_right_logical3A_1978 = arith.shrui %add3A_1976, %shift_right_logical3A_1977 : i32
      %rem3A_1979 = arith.constant 32 : i32
      %rem3A_1980 = arith.remsi %add3A_1976, %rem3A_1979 : i32
      %dma_start3A_1981 = arith.constant 5 : i32
      %dma_start3A_1982 = arith.constant 3 : i32
      %dma_start3A_1983 = arith.constant 5848 : i32
      %dma_start3A_1984 = tpu.memref_slice %arg11[%dma_start3A_1983] : memref<8704xf32, #tpu.memory_space<vmem>> -> memref<128xf32, #tpu.memory_space<vmem>>
      %dma_start3A_1985 = arith.constant 0 : i32
      %dma_start3A_1986 = tpu.memref_slice %arg5[%shift_right_logical3A_1978, %dma_start3A_1981, %rem3A_1980, %dma_start3A_1982, %dma_start3A_1985] : memref<200x8x32x8x128xf32, #tpu.memory_space<hbm>> -> memref<1x1x1x1x128xf32, #tpu.memory_space<hbm>>
      %dma_start3A_1987 = tpu.memref_squeeze %dma_start3A_1986 : memref<1x1x1x1x128xf32, #tpu.memory_space<hbm>> -> memref<128xf32, #tpu.memory_space<hbm>>
      %dma_start3A_1988 = arith.constant 0 : i32
      %dma_start3A_1989 = tpu.memref_slice %arg5[%shift_right_logical3A_1978, %dma_start3A_1981, %rem3A_1980, %dma_start3A_1982, %dma_start3A_1988] : memref<200x8x32x8x128xf32, #tpu.memory_space<hbm>> -> memref<1x1x1x1x128xf32, #tpu.memory_space<hbm>>
      %dma_start3A_1990 = tpu.memref_squeeze %dma_start3A_1989 : memref<1x1x1x1x128xf32, #tpu.memory_space<hbm>> -> memref<128xf32, #tpu.memory_space<hbm>>
      %dma_start3A_1991 = arith.constant 5848 : i32
      %dma_start3A_1992 = tpu.memref_slice %arg11[%dma_start3A_1991] : memref<8704xf32, #tpu.memory_space<vmem>> -> memref<128xf32, #tpu.memory_space<vmem>>
      tpu.enqueue_dma source(%dma_start3A_1992 : memref<128xf32, #tpu.memory_space<vmem>>) target(%dma_start3A_1990 : memref<128xf32, #tpu.memory_space<hbm>>) target_semaphore(%arg15 : memref<!tpu.dma_semaphore, #tpu.memory_space<semaphore_mem>>)
      %add3A_1993 = arith.addi %mul3A_2, %add3A_1193 : i32
      %shift_right_logical3A_1994 = arith.constant 5 : i32
      %shift_right_logical3A_1995 = arith.shrui %add3A_1993, %shift_right_logical3A_1994 : i32
      %rem3A_1996 = arith.constant 32 : i32
      %rem3A_1997 = arith.remsi %add3A_1993, %rem3A_1996 : i32
      %dma_start3A_1998 = arith.constant 5 : i32
      %dma_start3A_1999 = arith.constant 4 : i32
      %dma_start3A_2000 = arith.constant 5984 : i32
      %dma_start3A_2001 = tpu.memref_slice %arg11[%dma_start3A_2000] : memref<8704xf32, #tpu.memory_space<vmem>> -> memref<128xf32, #tpu.memory_space<vmem>>
      %dma_start3A_2002 = arith.constant 0 : i32
      %dma_start3A_2003 = tpu.memref_slice %arg5[%shift_right_logical3A_1995, %dma_start3A_1998, %rem3A_1997, %dma_start3A_1999, %dma_start3A_2002] : memref<200x8x32x8x128xf32, #tpu.memory_space<hbm>> -> memref<1x1x1x1x128xf32, #tpu.memory_space<hbm>>
      %dma_start3A_2004 = tpu.memref_squeeze %dma_start3A_2003 : memref<1x1x1x1x128xf32, #tpu.memory_space<hbm>> -> memref<128xf32, #tpu.memory_space<hbm>>
      %dma_start3A_2005 = arith.constant 0 : i32
      %dma_start3A_2006 = tpu.memref_slice %arg5[%shift_right_logical3A_1995, %dma_start3A_1998, %rem3A_1997, %dma_start3A_1999, %dma_start3A_2005] : memref<200x8x32x8x128xf32, #tpu.memory_space<hbm>> -> memref<1x1x1x1x128xf32, #tpu.memory_space<hbm>>
      %dma_start3A_2007 = tpu.memref_squeeze %dma_start3A_2006 : memref<1x1x1x1x128xf32, #tpu.memory_space<hbm>> -> memref<128xf32, #tpu.memory_space<hbm>>
      %dma_start3A_2008 = arith.constant 5984 : i32
      %dma_start3A_2009 = tpu.memref_slice %arg11[%dma_start3A_2008] : memref<8704xf32, #tpu.memory_space<vmem>> -> memref<128xf32, #tpu.memory_space<vmem>>
      tpu.enqueue_dma source(%dma_start3A_2009 : memref<128xf32, #tpu.memory_space<vmem>>) target(%dma_start3A_2007 : memref<128xf32, #tpu.memory_space<hbm>>) target_semaphore(%arg15 : memref<!tpu.dma_semaphore, #tpu.memory_space<semaphore_mem>>)
      %add3A_2010 = arith.addi %mul3A_2, %add3A_1193 : i32
      %shift_right_logical3A_2011 = arith.constant 5 : i32
      %shift_right_logical3A_2012 = arith.shrui %add3A_2010, %shift_right_logical3A_2011 : i32
      %rem3A_2013 = arith.constant 32 : i32
      %rem3A_2014 = arith.remsi %add3A_2010, %rem3A_2013 : i32
      %dma_start3A_2015 = arith.constant 5 : i32
      %dma_start3A_2016 = arith.constant 5 : i32
      %dma_start3A_2017 = arith.constant 6120 : i32
      %dma_start3A_2018 = tpu.memref_slice %arg11[%dma_start3A_2017] : memref<8704xf32, #tpu.memory_space<vmem>> -> memref<128xf32, #tpu.memory_space<vmem>>
      %dma_start3A_2019 = arith.constant 0 : i32
      %dma_start3A_2020 = tpu.memref_slice %arg5[%shift_right_logical3A_2012, %dma_start3A_2015, %rem3A_2014, %dma_start3A_2016, %dma_start3A_2019] : memref<200x8x32x8x128xf32, #tpu.memory_space<hbm>> -> memref<1x1x1x1x128xf32, #tpu.memory_space<hbm>>
      %dma_start3A_2021 = tpu.memref_squeeze %dma_start3A_2020 : memref<1x1x1x1x128xf32, #tpu.memory_space<hbm>> -> memref<128xf32, #tpu.memory_space<hbm>>
      %dma_start3A_2022 = arith.constant 0 : i32
      %dma_start3A_2023 = tpu.memref_slice %arg5[%shift_right_logical3A_2012, %dma_start3A_2015, %rem3A_2014, %dma_start3A_2016, %dma_start3A_2022] : memref<200x8x32x8x128xf32, #tpu.memory_space<hbm>> -> memref<1x1x1x1x128xf32, #tpu.memory_space<hbm>>
      %dma_start3A_2024 = tpu.memref_squeeze %dma_start3A_2023 : memref<1x1x1x1x128xf32, #tpu.memory_space<hbm>> -> memref<128xf32, #tpu.memory_space<hbm>>
      %dma_start3A_2025 = arith.constant 6120 : i32
      %dma_start3A_2026 = tpu.memref_slice %arg11[%dma_start3A_2025] : memref<8704xf32, #tpu.memory_space<vmem>> -> memref<128xf32, #tpu.memory_space<vmem>>
      tpu.enqueue_dma source(%dma_start3A_2026 : memref<128xf32, #tpu.memory_space<vmem>>) target(%dma_start3A_2024 : memref<128xf32, #tpu.memory_space<hbm>>) target_semaphore(%arg15 : memref<!tpu.dma_semaphore, #tpu.memory_space<semaphore_mem>>)
      %add3A_2027 = arith.addi %mul3A_2, %add3A_1193 : i32
      %shift_right_logical3A_2028 = arith.constant 5 : i32
      %shift_right_logical3A_2029 = arith.shrui %add3A_2027, %shift_right_logical3A_2028 : i32
      %rem3A_2030 = arith.constant 32 : i32
      %rem3A_2031 = arith.remsi %add3A_2027, %rem3A_2030 : i32
      %dma_start3A_2032 = arith.constant 5 : i32
      %dma_start3A_2033 = arith.constant 6 : i32
      %dma_start3A_2034 = arith.constant 6256 : i32
      %dma_start3A_2035 = tpu.memref_slice %arg11[%dma_start3A_2034] : memref<8704xf32, #tpu.memory_space<vmem>> -> memref<128xf32, #tpu.memory_space<vmem>>
      %dma_start3A_2036 = arith.constant 0 : i32
      %dma_start3A_2037 = tpu.memref_slice %arg5[%shift_right_logical3A_2029, %dma_start3A_2032, %rem3A_2031, %dma_start3A_2033, %dma_start3A_2036] : memref<200x8x32x8x128xf32, #tpu.memory_space<hbm>> -> memref<1x1x1x1x128xf32, #tpu.memory_space<hbm>>
      %dma_start3A_2038 = tpu.memref_squeeze %dma_start3A_2037 : memref<1x1x1x1x128xf32, #tpu.memory_space<hbm>> -> memref<128xf32, #tpu.memory_space<hbm>>
      %dma_start3A_2039 = arith.constant 0 : i32
      %dma_start3A_2040 = tpu.memref_slice %arg5[%shift_right_logical3A_2029, %dma_start3A_2032, %rem3A_2031, %dma_start3A_2033, %dma_start3A_2039] : memref<200x8x32x8x128xf32, #tpu.memory_space<hbm>> -> memref<1x1x1x1x128xf32, #tpu.memory_space<hbm>>
      %dma_start3A_2041 = tpu.memref_squeeze %dma_start3A_2040 : memref<1x1x1x1x128xf32, #tpu.memory_space<hbm>> -> memref<128xf32, #tpu.memory_space<hbm>>
      %dma_start3A_2042 = arith.constant 6256 : i32
      %dma_start3A_2043 = tpu.memref_slice %arg11[%dma_start3A_2042] : memref<8704xf32, #tpu.memory_space<vmem>> -> memref<128xf32, #tpu.memory_space<vmem>>
      tpu.enqueue_dma source(%dma_start3A_2043 : memref<128xf32, #tpu.memory_space<vmem>>) target(%dma_start3A_2041 : memref<128xf32, #tpu.memory_space<hbm>>) target_semaphore(%arg15 : memref<!tpu.dma_semaphore, #tpu.memory_space<semaphore_mem>>)
      %add3A_2044 = arith.addi %mul3A_2, %add3A_1193 : i32
      %shift_right_logical3A_2045 = arith.constant 5 : i32
      %shift_right_logical3A_2046 = arith.shrui %add3A_2044, %shift_right_logical3A_2045 : i32
      %rem3A_2047 = arith.constant 32 : i32
      %rem3A_2048 = arith.remsi %add3A_2044, %rem3A_2047 : i32
      %dma_start3A_2049 = arith.constant 5 : i32
      %dma_start3A_2050 = arith.constant 7 : i32
      %dma_start3A_2051 = arith.constant 6392 : i32
      %dma_start3A_2052 = tpu.memref_slice %arg11[%dma_start3A_2051] : memref<8704xf32, #tpu.memory_space<vmem>> -> memref<128xf32, #tpu.memory_space<vmem>>
      %dma_start3A_2053 = arith.constant 0 : i32
      %dma_start3A_2054 = tpu.memref_slice %arg5[%shift_right_logical3A_2046, %dma_start3A_2049, %rem3A_2048, %dma_start3A_2050, %dma_start3A_2053] : memref<200x8x32x8x128xf32, #tpu.memory_space<hbm>> -> memref<1x1x1x1x128xf32, #tpu.memory_space<hbm>>
      %dma_start3A_2055 = tpu.memref_squeeze %dma_start3A_2054 : memref<1x1x1x1x128xf32, #tpu.memory_space<hbm>> -> memref<128xf32, #tpu.memory_space<hbm>>
      %dma_start3A_2056 = arith.constant 0 : i32
      %dma_start3A_2057 = tpu.memref_slice %arg5[%shift_right_logical3A_2046, %dma_start3A_2049, %rem3A_2048, %dma_start3A_2050, %dma_start3A_2056] : memref<200x8x32x8x128xf32, #tpu.memory_space<hbm>> -> memref<1x1x1x1x128xf32, #tpu.memory_space<hbm>>
      %dma_start3A_2058 = tpu.memref_squeeze %dma_start3A_2057 : memref<1x1x1x1x128xf32, #tpu.memory_space<hbm>> -> memref<128xf32, #tpu.memory_space<hbm>>
      %dma_start3A_2059 = arith.constant 6392 : i32
      %dma_start3A_2060 = tpu.memref_slice %arg11[%dma_start3A_2059] : memref<8704xf32, #tpu.memory_space<vmem>> -> memref<128xf32, #tpu.memory_space<vmem>>
      tpu.enqueue_dma source(%dma_start3A_2060 : memref<128xf32, #tpu.memory_space<vmem>>) target(%dma_start3A_2058 : memref<128xf32, #tpu.memory_space<hbm>>) target_semaphore(%arg15 : memref<!tpu.dma_semaphore, #tpu.memory_space<semaphore_mem>>)
      %add3A_2061 = arith.addi %mul3A_2, %add3A_1193 : i32
      %shift_right_logical3A_2062 = arith.constant 5 : i32
      %shift_right_logical3A_2063 = arith.shrui %add3A_2061, %shift_right_logical3A_2062 : i32
      %rem3A_2064 = arith.constant 32 : i32
      %rem3A_2065 = arith.remsi %add3A_2061, %rem3A_2064 : i32
      %dma_start3A_2066 = arith.constant 6 : i32
      %dma_start3A_2067 = arith.constant 0 : i32
      %dma_start3A_2068 = arith.constant 6528 : i32
      %dma_start3A_2069 = tpu.memref_slice %arg11[%dma_start3A_2068] : memref<8704xf32, #tpu.memory_space<vmem>> -> memref<128xf32, #tpu.memory_space<vmem>>
      %dma_start3A_2070 = arith.constant 0 : i32
      %dma_start3A_2071 = tpu.memref_slice %arg5[%shift_right_logical3A_2063, %dma_start3A_2066, %rem3A_2065, %dma_start3A_2067, %dma_start3A_2070] : memref<200x8x32x8x128xf32, #tpu.memory_space<hbm>> -> memref<1x1x1x1x128xf32, #tpu.memory_space<hbm>>
      %dma_start3A_2072 = tpu.memref_squeeze %dma_start3A_2071 : memref<1x1x1x1x128xf32, #tpu.memory_space<hbm>> -> memref<128xf32, #tpu.memory_space<hbm>>
      %dma_start3A_2073 = arith.constant 0 : i32
      %dma_start3A_2074 = tpu.memref_slice %arg5[%shift_right_logical3A_2063, %dma_start3A_2066, %rem3A_2065, %dma_start3A_2067, %dma_start3A_2073] : memref<200x8x32x8x128xf32, #tpu.memory_space<hbm>> -> memref<1x1x1x1x128xf32, #tpu.memory_space<hbm>>
      %dma_start3A_2075 = tpu.memref_squeeze %dma_start3A_2074 : memref<1x1x1x1x128xf32, #tpu.memory_space<hbm>> -> memref<128xf32, #tpu.memory_space<hbm>>
      %dma_start3A_2076 = arith.constant 6528 : i32
      %dma_start3A_2077 = tpu.memref_slice %arg11[%dma_start3A_2076] : memref<8704xf32, #tpu.memory_space<vmem>> -> memref<128xf32, #tpu.memory_space<vmem>>
      tpu.enqueue_dma source(%dma_start3A_2077 : memref<128xf32, #tpu.memory_space<vmem>>) target(%dma_start3A_2075 : memref<128xf32, #tpu.memory_space<hbm>>) target_semaphore(%arg15 : memref<!tpu.dma_semaphore, #tpu.memory_space<semaphore_mem>>)
      %add3A_2078 = arith.addi %mul3A_2, %add3A_1193 : i32
      %shift_right_logical3A_2079 = arith.constant 5 : i32
      %shift_right_logical3A_2080 = arith.shrui %add3A_2078, %shift_right_logical3A_2079 : i32
      %rem3A_2081 = arith.constant 32 : i32
      %rem3A_2082 = arith.remsi %add3A_2078, %rem3A_2081 : i32
      %dma_start3A_2083 = arith.constant 6 : i32
      %dma_start3A_2084 = arith.constant 1 : i32
      %dma_start3A_2085 = arith.constant 6664 : i32
      %dma_start3A_2086 = tpu.memref_slice %arg11[%dma_start3A_2085] : memref<8704xf32, #tpu.memory_space<vmem>> -> memref<128xf32, #tpu.memory_space<vmem>>
      %dma_start3A_2087 = arith.constant 0 : i32
      %dma_start3A_2088 = tpu.memref_slice %arg5[%shift_right_logical3A_2080, %dma_start3A_2083, %rem3A_2082, %dma_start3A_2084, %dma_start3A_2087] : memref<200x8x32x8x128xf32, #tpu.memory_space<hbm>> -> memref<1x1x1x1x128xf32, #tpu.memory_space<hbm>>
      %dma_start3A_2089 = tpu.memref_squeeze %dma_start3A_2088 : memref<1x1x1x1x128xf32, #tpu.memory_space<hbm>> -> memref<128xf32, #tpu.memory_space<hbm>>
      %dma_start3A_2090 = arith.constant 0 : i32
      %dma_start3A_2091 = tpu.memref_slice %arg5[%shift_right_logical3A_2080, %dma_start3A_2083, %rem3A_2082, %dma_start3A_2084, %dma_start3A_2090] : memref<200x8x32x8x128xf32, #tpu.memory_space<hbm>> -> memref<1x1x1x1x128xf32, #tpu.memory_space<hbm>>
      %dma_start3A_2092 = tpu.memref_squeeze %dma_start3A_2091 : memref<1x1x1x1x128xf32, #tpu.memory_space<hbm>> -> memref<128xf32, #tpu.memory_space<hbm>>
      %dma_start3A_2093 = arith.constant 6664 : i32
      %dma_start3A_2094 = tpu.memref_slice %arg11[%dma_start3A_2093] : memref<8704xf32, #tpu.memory_space<vmem>> -> memref<128xf32, #tpu.memory_space<vmem>>
      tpu.enqueue_dma source(%dma_start3A_2094 : memref<128xf32, #tpu.memory_space<vmem>>) target(%dma_start3A_2092 : memref<128xf32, #tpu.memory_space<hbm>>) target_semaphore(%arg15 : memref<!tpu.dma_semaphore, #tpu.memory_space<semaphore_mem>>)
      %add3A_2095 = arith.addi %mul3A_2, %add3A_1193 : i32
      %shift_right_logical3A_2096 = arith.constant 5 : i32
      %shift_right_logical3A_2097 = arith.shrui %add3A_2095, %shift_right_logical3A_2096 : i32
      %rem3A_2098 = arith.constant 32 : i32
      %rem3A_2099 = arith.remsi %add3A_2095, %rem3A_2098 : i32
      %dma_start3A_2100 = arith.constant 6 : i32
      %dma_start3A_2101 = arith.constant 2 : i32
      %dma_start3A_2102 = arith.constant 6800 : i32
      %dma_start3A_2103 = tpu.memref_slice %arg11[%dma_start3A_2102] : memref<8704xf32, #tpu.memory_space<vmem>> -> memref<128xf32, #tpu.memory_space<vmem>>
      %dma_start3A_2104 = arith.constant 0 : i32
      %dma_start3A_2105 = tpu.memref_slice %arg5[%shift_right_logical3A_2097, %dma_start3A_2100, %rem3A_2099, %dma_start3A_2101, %dma_start3A_2104] : memref<200x8x32x8x128xf32, #tpu.memory_space<hbm>> -> memref<1x1x1x1x128xf32, #tpu.memory_space<hbm>>
      %dma_start3A_2106 = tpu.memref_squeeze %dma_start3A_2105 : memref<1x1x1x1x128xf32, #tpu.memory_space<hbm>> -> memref<128xf32, #tpu.memory_space<hbm>>
      %dma_start3A_2107 = arith.constant 0 : i32
      %dma_start3A_2108 = tpu.memref_slice %arg5[%shift_right_logical3A_2097, %dma_start3A_2100, %rem3A_2099, %dma_start3A_2101, %dma_start3A_2107] : memref<200x8x32x8x128xf32, #tpu.memory_space<hbm>> -> memref<1x1x1x1x128xf32, #tpu.memory_space<hbm>>
      %dma_start3A_2109 = tpu.memref_squeeze %dma_start3A_2108 : memref<1x1x1x1x128xf32, #tpu.memory_space<hbm>> -> memref<128xf32, #tpu.memory_space<hbm>>
      %dma_start3A_2110 = arith.constant 6800 : i32
      %dma_start3A_2111 = tpu.memref_slice %arg11[%dma_start3A_2110] : memref<8704xf32, #tpu.memory_space<vmem>> -> memref<128xf32, #tpu.memory_space<vmem>>
      tpu.enqueue_dma source(%dma_start3A_2111 : memref<128xf32, #tpu.memory_space<vmem>>) target(%dma_start3A_2109 : memref<128xf32, #tpu.memory_space<hbm>>) target_semaphore(%arg15 : memref<!tpu.dma_semaphore, #tpu.memory_space<semaphore_mem>>)
      %add3A_2112 = arith.addi %mul3A_2, %add3A_1193 : i32
      %shift_right_logical3A_2113 = arith.constant 5 : i32
      %shift_right_logical3A_2114 = arith.shrui %add3A_2112, %shift_right_logical3A_2113 : i32
      %rem3A_2115 = arith.constant 32 : i32
      %rem3A_2116 = arith.remsi %add3A_2112, %rem3A_2115 : i32
      %dma_start3A_2117 = arith.constant 6 : i32
      %dma_start3A_2118 = arith.constant 3 : i32
      %dma_start3A_2119 = arith.constant 6936 : i32
      %dma_start3A_2120 = tpu.memref_slice %arg11[%dma_start3A_2119] : memref<8704xf32, #tpu.memory_space<vmem>> -> memref<128xf32, #tpu.memory_space<vmem>>
      %dma_start3A_2121 = arith.constant 0 : i32
      %dma_start3A_2122 = tpu.memref_slice %arg5[%shift_right_logical3A_2114, %dma_start3A_2117, %rem3A_2116, %dma_start3A_2118, %dma_start3A_2121] : memref<200x8x32x8x128xf32, #tpu.memory_space<hbm>> -> memref<1x1x1x1x128xf32, #tpu.memory_space<hbm>>
      %dma_start3A_2123 = tpu.memref_squeeze %dma_start3A_2122 : memref<1x1x1x1x128xf32, #tpu.memory_space<hbm>> -> memref<128xf32, #tpu.memory_space<hbm>>
      %dma_start3A_2124 = arith.constant 0 : i32
      %dma_start3A_2125 = tpu.memref_slice %arg5[%shift_right_logical3A_2114, %dma_start3A_2117, %rem3A_2116, %dma_start3A_2118, %dma_start3A_2124] : memref<200x8x32x8x128xf32, #tpu.memory_space<hbm>> -> memref<1x1x1x1x128xf32, #tpu.memory_space<hbm>>
      %dma_start3A_2126 = tpu.memref_squeeze %dma_start3A_2125 : memref<1x1x1x1x128xf32, #tpu.memory_space<hbm>> -> memref<128xf32, #tpu.memory_space<hbm>>
      %dma_start3A_2127 = arith.constant 6936 : i32
      %dma_start3A_2128 = tpu.memref_slice %arg11[%dma_start3A_2127] : memref<8704xf32, #tpu.memory_space<vmem>> -> memref<128xf32, #tpu.memory_space<vmem>>
      tpu.enqueue_dma source(%dma_start3A_2128 : memref<128xf32, #tpu.memory_space<vmem>>) target(%dma_start3A_2126 : memref<128xf32, #tpu.memory_space<hbm>>) target_semaphore(%arg15 : memref<!tpu.dma_semaphore, #tpu.memory_space<semaphore_mem>>)
      %add3A_2129 = arith.addi %mul3A_2, %add3A_1193 : i32
      %shift_right_logical3A_2130 = arith.constant 5 : i32
      %shift_right_logical3A_2131 = arith.shrui %add3A_2129, %shift_right_logical3A_2130 : i32
      %rem3A_2132 = arith.constant 32 : i32
      %rem3A_2133 = arith.remsi %add3A_2129, %rem3A_2132 : i32
      %dma_start3A_2134 = arith.constant 6 : i32
      %dma_start3A_2135 = arith.constant 4 : i32
      %dma_start3A_2136 = arith.constant 7072 : i32
      %dma_start3A_2137 = tpu.memref_slice %arg11[%dma_start3A_2136] : memref<8704xf32, #tpu.memory_space<vmem>> -> memref<128xf32, #tpu.memory_space<vmem>>
      %dma_start3A_2138 = arith.constant 0 : i32
      %dma_start3A_2139 = tpu.memref_slice %arg5[%shift_right_logical3A_2131, %dma_start3A_2134, %rem3A_2133, %dma_start3A_2135, %dma_start3A_2138] : memref<200x8x32x8x128xf32, #tpu.memory_space<hbm>> -> memref<1x1x1x1x128xf32, #tpu.memory_space<hbm>>
      %dma_start3A_2140 = tpu.memref_squeeze %dma_start3A_2139 : memref<1x1x1x1x128xf32, #tpu.memory_space<hbm>> -> memref<128xf32, #tpu.memory_space<hbm>>
      %dma_start3A_2141 = arith.constant 0 : i32
      %dma_start3A_2142 = tpu.memref_slice %arg5[%shift_right_logical3A_2131, %dma_start3A_2134, %rem3A_2133, %dma_start3A_2135, %dma_start3A_2141] : memref<200x8x32x8x128xf32, #tpu.memory_space<hbm>> -> memref<1x1x1x1x128xf32, #tpu.memory_space<hbm>>
      %dma_start3A_2143 = tpu.memref_squeeze %dma_start3A_2142 : memref<1x1x1x1x128xf32, #tpu.memory_space<hbm>> -> memref<128xf32, #tpu.memory_space<hbm>>
      %dma_start3A_2144 = arith.constant 7072 : i32
      %dma_start3A_2145 = tpu.memref_slice %arg11[%dma_start3A_2144] : memref<8704xf32, #tpu.memory_space<vmem>> -> memref<128xf32, #tpu.memory_space<vmem>>
      tpu.enqueue_dma source(%dma_start3A_2145 : memref<128xf32, #tpu.memory_space<vmem>>) target(%dma_start3A_2143 : memref<128xf32, #tpu.memory_space<hbm>>) target_semaphore(%arg15 : memref<!tpu.dma_semaphore, #tpu.memory_space<semaphore_mem>>)
      %add3A_2146 = arith.addi %mul3A_2, %add3A_1193 : i32
      %shift_right_logical3A_2147 = arith.constant 5 : i32
      %shift_right_logical3A_2148 = arith.shrui %add3A_2146, %shift_right_logical3A_2147 : i32
      %rem3A_2149 = arith.constant 32 : i32
      %rem3A_2150 = arith.remsi %add3A_2146, %rem3A_2149 : i32
      %dma_start3A_2151 = arith.constant 6 : i32
      %dma_start3A_2152 = arith.constant 5 : i32
      %dma_start3A_2153 = arith.constant 7208 : i32
      %dma_start3A_2154 = tpu.memref_slice %arg11[%dma_start3A_2153] : memref<8704xf32, #tpu.memory_space<vmem>> -> memref<128xf32, #tpu.memory_space<vmem>>
      %dma_start3A_2155 = arith.constant 0 : i32
      %dma_start3A_2156 = tpu.memref_slice %arg5[%shift_right_logical3A_2148, %dma_start3A_2151, %rem3A_2150, %dma_start3A_2152, %dma_start3A_2155] : memref<200x8x32x8x128xf32, #tpu.memory_space<hbm>> -> memref<1x1x1x1x128xf32, #tpu.memory_space<hbm>>
      %dma_start3A_2157 = tpu.memref_squeeze %dma_start3A_2156 : memref<1x1x1x1x128xf32, #tpu.memory_space<hbm>> -> memref<128xf32, #tpu.memory_space<hbm>>
      %dma_start3A_2158 = arith.constant 0 : i32
      %dma_start3A_2159 = tpu.memref_slice %arg5[%shift_right_logical3A_2148, %dma_start3A_2151, %rem3A_2150, %dma_start3A_2152, %dma_start3A_2158] : memref<200x8x32x8x128xf32, #tpu.memory_space<hbm>> -> memref<1x1x1x1x128xf32, #tpu.memory_space<hbm>>
      %dma_start3A_2160 = tpu.memref_squeeze %dma_start3A_2159 : memref<1x1x1x1x128xf32, #tpu.memory_space<hbm>> -> memref<128xf32, #tpu.memory_space<hbm>>
      %dma_start3A_2161 = arith.constant 7208 : i32
      %dma_start3A_2162 = tpu.memref_slice %arg11[%dma_start3A_2161] : memref<8704xf32, #tpu.memory_space<vmem>> -> memref<128xf32, #tpu.memory_space<vmem>>
      tpu.enqueue_dma source(%dma_start3A_2162 : memref<128xf32, #tpu.memory_space<vmem>>) target(%dma_start3A_2160 : memref<128xf32, #tpu.memory_space<hbm>>) target_semaphore(%arg15 : memref<!tpu.dma_semaphore, #tpu.memory_space<semaphore_mem>>)
      %add3A_2163 = arith.addi %mul3A_2, %add3A_1193 : i32
      %shift_right_logical3A_2164 = arith.constant 5 : i32
      %shift_right_logical3A_2165 = arith.shrui %add3A_2163, %shift_right_logical3A_2164 : i32
      %rem3A_2166 = arith.constant 32 : i32
      %rem3A_2167 = arith.remsi %add3A_2163, %rem3A_2166 : i32
      %dma_start3A_2168 = arith.constant 6 : i32
      %dma_start3A_2169 = arith.constant 6 : i32
      %dma_start3A_2170 = arith.constant 7344 : i32
      %dma_start3A_2171 = tpu.memref_slice %arg11[%dma_start3A_2170] : memref<8704xf32, #tpu.memory_space<vmem>> -> memref<128xf32, #tpu.memory_space<vmem>>
      %dma_start3A_2172 = arith.constant 0 : i32
      %dma_start3A_2173 = tpu.memref_slice %arg5[%shift_right_logical3A_2165, %dma_start3A_2168, %rem3A_2167, %dma_start3A_2169, %dma_start3A_2172] : memref<200x8x32x8x128xf32, #tpu.memory_space<hbm>> -> memref<1x1x1x1x128xf32, #tpu.memory_space<hbm>>
      %dma_start3A_2174 = tpu.memref_squeeze %dma_start3A_2173 : memref<1x1x1x1x128xf32, #tpu.memory_space<hbm>> -> memref<128xf32, #tpu.memory_space<hbm>>
      %dma_start3A_2175 = arith.constant 0 : i32
      %dma_start3A_2176 = tpu.memref_slice %arg5[%shift_right_logical3A_2165, %dma_start3A_2168, %rem3A_2167, %dma_start3A_2169, %dma_start3A_2175] : memref<200x8x32x8x128xf32, #tpu.memory_space<hbm>> -> memref<1x1x1x1x128xf32, #tpu.memory_space<hbm>>
      %dma_start3A_2177 = tpu.memref_squeeze %dma_start3A_2176 : memref<1x1x1x1x128xf32, #tpu.memory_space<hbm>> -> memref<128xf32, #tpu.memory_space<hbm>>
      %dma_start3A_2178 = arith.constant 7344 : i32
      %dma_start3A_2179 = tpu.memref_slice %arg11[%dma_start3A_2178] : memref<8704xf32, #tpu.memory_space<vmem>> -> memref<128xf32, #tpu.memory_space<vmem>>
      tpu.enqueue_dma source(%dma_start3A_2179 : memref<128xf32, #tpu.memory_space<vmem>>) target(%dma_start3A_2177 : memref<128xf32, #tpu.memory_space<hbm>>) target_semaphore(%arg15 : memref<!tpu.dma_semaphore, #tpu.memory_space<semaphore_mem>>)
      %add3A_2180 = arith.addi %mul3A_2, %add3A_1193 : i32
      %shift_right_logical3A_2181 = arith.constant 5 : i32
      %shift_right_logical3A_2182 = arith.shrui %add3A_2180, %shift_right_logical3A_2181 : i32
      %rem3A_2183 = arith.constant 32 : i32
      %rem3A_2184 = arith.remsi %add3A_2180, %rem3A_2183 : i32
      %dma_start3A_2185 = arith.constant 6 : i32
      %dma_start3A_2186 = arith.constant 7 : i32
      %dma_start3A_2187 = arith.constant 7480 : i32
      %dma_start3A_2188 = tpu.memref_slice %arg11[%dma_start3A_2187] : memref<8704xf32, #tpu.memory_space<vmem>> -> memref<128xf32, #tpu.memory_space<vmem>>
      %dma_start3A_2189 = arith.constant 0 : i32
      %dma_start3A_2190 = tpu.memref_slice %arg5[%shift_right_logical3A_2182, %dma_start3A_2185, %rem3A_2184, %dma_start3A_2186, %dma_start3A_2189] : memref<200x8x32x8x128xf32, #tpu.memory_space<hbm>> -> memref<1x1x1x1x128xf32, #tpu.memory_space<hbm>>
      %dma_start3A_2191 = tpu.memref_squeeze %dma_start3A_2190 : memref<1x1x1x1x128xf32, #tpu.memory_space<hbm>> -> memref<128xf32, #tpu.memory_space<hbm>>
      %dma_start3A_2192 = arith.constant 0 : i32
      %dma_start3A_2193 = tpu.memref_slice %arg5[%shift_right_logical3A_2182, %dma_start3A_2185, %rem3A_2184, %dma_start3A_2186, %dma_start3A_2192] : memref<200x8x32x8x128xf32, #tpu.memory_space<hbm>> -> memref<1x1x1x1x128xf32, #tpu.memory_space<hbm>>
      %dma_start3A_2194 = tpu.memref_squeeze %dma_start3A_2193 : memref<1x1x1x1x128xf32, #tpu.memory_space<hbm>> -> memref<128xf32, #tpu.memory_space<hbm>>
      %dma_start3A_2195 = arith.constant 7480 : i32
      %dma_start3A_2196 = tpu.memref_slice %arg11[%dma_start3A_2195] : memref<8704xf32, #tpu.memory_space<vmem>> -> memref<128xf32, #tpu.memory_space<vmem>>
      tpu.enqueue_dma source(%dma_start3A_2196 : memref<128xf32, #tpu.memory_space<vmem>>) target(%dma_start3A_2194 : memref<128xf32, #tpu.memory_space<hbm>>) target_semaphore(%arg15 : memref<!tpu.dma_semaphore, #tpu.memory_space<semaphore_mem>>)
      %add3A_2197 = arith.addi %mul3A_2, %add3A_1193 : i32
      %shift_right_logical3A_2198 = arith.constant 5 : i32
      %shift_right_logical3A_2199 = arith.shrui %add3A_2197, %shift_right_logical3A_2198 : i32
      %rem3A_2200 = arith.constant 32 : i32
      %rem3A_2201 = arith.remsi %add3A_2197, %rem3A_2200 : i32
      %dma_start3A_2202 = arith.constant 7 : i32
      %dma_start3A_2203 = arith.constant 0 : i32
      %dma_start3A_2204 = arith.constant 7616 : i32
      %dma_start3A_2205 = tpu.memref_slice %arg11[%dma_start3A_2204] : memref<8704xf32, #tpu.memory_space<vmem>> -> memref<128xf32, #tpu.memory_space<vmem>>
      %dma_start3A_2206 = arith.constant 0 : i32
      %dma_start3A_2207 = tpu.memref_slice %arg5[%shift_right_logical3A_2199, %dma_start3A_2202, %rem3A_2201, %dma_start3A_2203, %dma_start3A_2206] : memref<200x8x32x8x128xf32, #tpu.memory_space<hbm>> -> memref<1x1x1x1x128xf32, #tpu.memory_space<hbm>>
      %dma_start3A_2208 = tpu.memref_squeeze %dma_start3A_2207 : memref<1x1x1x1x128xf32, #tpu.memory_space<hbm>> -> memref<128xf32, #tpu.memory_space<hbm>>
      %dma_start3A_2209 = arith.constant 0 : i32
      %dma_start3A_2210 = tpu.memref_slice %arg5[%shift_right_logical3A_2199, %dma_start3A_2202, %rem3A_2201, %dma_start3A_2203, %dma_start3A_2209] : memref<200x8x32x8x128xf32, #tpu.memory_space<hbm>> -> memref<1x1x1x1x128xf32, #tpu.memory_space<hbm>>
      %dma_start3A_2211 = tpu.memref_squeeze %dma_start3A_2210 : memref<1x1x1x1x128xf32, #tpu.memory_space<hbm>> -> memref<128xf32, #tpu.memory_space<hbm>>
      %dma_start3A_2212 = arith.constant 7616 : i32
      %dma_start3A_2213 = tpu.memref_slice %arg11[%dma_start3A_2212] : memref<8704xf32, #tpu.memory_space<vmem>> -> memref<128xf32, #tpu.memory_space<vmem>>
      tpu.enqueue_dma source(%dma_start3A_2213 : memref<128xf32, #tpu.memory_space<vmem>>) target(%dma_start3A_2211 : memref<128xf32, #tpu.memory_space<hbm>>) target_semaphore(%arg15 : memref<!tpu.dma_semaphore, #tpu.memory_space<semaphore_mem>>)
      %add3A_2214 = arith.addi %mul3A_2, %add3A_1193 : i32
      %shift_right_logical3A_2215 = arith.constant 5 : i32
      %shift_right_logical3A_2216 = arith.shrui %add3A_2214, %shift_right_logical3A_2215 : i32
      %rem3A_2217 = arith.constant 32 : i32
      %rem3A_2218 = arith.remsi %add3A_2214, %rem3A_2217 : i32
      %dma_start3A_2219 = arith.constant 7 : i32
      %dma_start3A_2220 = arith.constant 1 : i32
      %dma_start3A_2221 = arith.constant 7752 : i32
      %dma_start3A_2222 = tpu.memref_slice %arg11[%dma_start3A_2221] : memref<8704xf32, #tpu.memory_space<vmem>> -> memref<128xf32, #tpu.memory_space<vmem>>
      %dma_start3A_2223 = arith.constant 0 : i32
      %dma_start3A_2224 = tpu.memref_slice %arg5[%shift_right_logical3A_2216, %dma_start3A_2219, %rem3A_2218, %dma_start3A_2220, %dma_start3A_2223] : memref<200x8x32x8x128xf32, #tpu.memory_space<hbm>> -> memref<1x1x1x1x128xf32, #tpu.memory_space<hbm>>
      %dma_start3A_2225 = tpu.memref_squeeze %dma_start3A_2224 : memref<1x1x1x1x128xf32, #tpu.memory_space<hbm>> -> memref<128xf32, #tpu.memory_space<hbm>>
      %dma_start3A_2226 = arith.constant 0 : i32
      %dma_start3A_2227 = tpu.memref_slice %arg5[%shift_right_logical3A_2216, %dma_start3A_2219, %rem3A_2218, %dma_start3A_2220, %dma_start3A_2226] : memref<200x8x32x8x128xf32, #tpu.memory_space<hbm>> -> memref<1x1x1x1x128xf32, #tpu.memory_space<hbm>>
      %dma_start3A_2228 = tpu.memref_squeeze %dma_start3A_2227 : memref<1x1x1x1x128xf32, #tpu.memory_space<hbm>> -> memref<128xf32, #tpu.memory_space<hbm>>
      %dma_start3A_2229 = arith.constant 7752 : i32
      %dma_start3A_2230 = tpu.memref_slice %arg11[%dma_start3A_2229] : memref<8704xf32, #tpu.memory_space<vmem>> -> memref<128xf32, #tpu.memory_space<vmem>>
      tpu.enqueue_dma source(%dma_start3A_2230 : memref<128xf32, #tpu.memory_space<vmem>>) target(%dma_start3A_2228 : memref<128xf32, #tpu.memory_space<hbm>>) target_semaphore(%arg15 : memref<!tpu.dma_semaphore, #tpu.memory_space<semaphore_mem>>)
      %add3A_2231 = arith.addi %mul3A_2, %add3A_1193 : i32
      %shift_right_logical3A_2232 = arith.constant 5 : i32
      %shift_right_logical3A_2233 = arith.shrui %add3A_2231, %shift_right_logical3A_2232 : i32
      %rem3A_2234 = arith.constant 32 : i32
      %rem3A_2235 = arith.remsi %add3A_2231, %rem3A_2234 : i32
      %dma_start3A_2236 = arith.constant 7 : i32
      %dma_start3A_2237 = arith.constant 2 : i32
      %dma_start3A_2238 = arith.constant 7888 : i32
      %dma_start3A_2239 = tpu.memref_slice %arg11[%dma_start3A_2238] : memref<8704xf32, #tpu.memory_space<vmem>> -> memref<128xf32, #tpu.memory_space<vmem>>
      %dma_start3A_2240 = arith.constant 0 : i32
      %dma_start3A_2241 = tpu.memref_slice %arg5[%shift_right_logical3A_2233, %dma_start3A_2236, %rem3A_2235, %dma_start3A_2237, %dma_start3A_2240] : memref<200x8x32x8x128xf32, #tpu.memory_space<hbm>> -> memref<1x1x1x1x128xf32, #tpu.memory_space<hbm>>
      %dma_start3A_2242 = tpu.memref_squeeze %dma_start3A_2241 : memref<1x1x1x1x128xf32, #tpu.memory_space<hbm>> -> memref<128xf32, #tpu.memory_space<hbm>>
      %dma_start3A_2243 = arith.constant 0 : i32
      %dma_start3A_2244 = tpu.memref_slice %arg5[%shift_right_logical3A_2233, %dma_start3A_2236, %rem3A_2235, %dma_start3A_2237, %dma_start3A_2243] : memref<200x8x32x8x128xf32, #tpu.memory_space<hbm>> -> memref<1x1x1x1x128xf32, #tpu.memory_space<hbm>>
      %dma_start3A_2245 = tpu.memref_squeeze %dma_start3A_2244 : memref<1x1x1x1x128xf32, #tpu.memory_space<hbm>> -> memref<128xf32, #tpu.memory_space<hbm>>
      %dma_start3A_2246 = arith.constant 7888 : i32
      %dma_start3A_2247 = tpu.memref_slice %arg11[%dma_start3A_2246] : memref<8704xf32, #tpu.memory_space<vmem>> -> memref<128xf32, #tpu.memory_space<vmem>>
      tpu.enqueue_dma source(%dma_start3A_2247 : memref<128xf32, #tpu.memory_space<vmem>>) target(%dma_start3A_2245 : memref<128xf32, #tpu.memory_space<hbm>>) target_semaphore(%arg15 : memref<!tpu.dma_semaphore, #tpu.memory_space<semaphore_mem>>)
      %add3A_2248 = arith.addi %mul3A_2, %add3A_1193 : i32
      %shift_right_logical3A_2249 = arith.constant 5 : i32
      %shift_right_logical3A_2250 = arith.shrui %add3A_2248, %shift_right_logical3A_2249 : i32
      %rem3A_2251 = arith.constant 32 : i32
      %rem3A_2252 = arith.remsi %add3A_2248, %rem3A_2251 : i32
      %dma_start3A_2253 = arith.constant 7 : i32
      %dma_start3A_2254 = arith.constant 3 : i32
      %dma_start3A_2255 = arith.constant 8024 : i32
      %dma_start3A_2256 = tpu.memref_slice %arg11[%dma_start3A_2255] : memref<8704xf32, #tpu.memory_space<vmem>> -> memref<128xf32, #tpu.memory_space<vmem>>
      %dma_start3A_2257 = arith.constant 0 : i32
      %dma_start3A_2258 = tpu.memref_slice %arg5[%shift_right_logical3A_2250, %dma_start3A_2253, %rem3A_2252, %dma_start3A_2254, %dma_start3A_2257] : memref<200x8x32x8x128xf32, #tpu.memory_space<hbm>> -> memref<1x1x1x1x128xf32, #tpu.memory_space<hbm>>
      %dma_start3A_2259 = tpu.memref_squeeze %dma_start3A_2258 : memref<1x1x1x1x128xf32, #tpu.memory_space<hbm>> -> memref<128xf32, #tpu.memory_space<hbm>>
      %dma_start3A_2260 = arith.constant 0 : i32
      %dma_start3A_2261 = tpu.memref_slice %arg5[%shift_right_logical3A_2250, %dma_start3A_2253, %rem3A_2252, %dma_start3A_2254, %dma_start3A_2260] : memref<200x8x32x8x128xf32, #tpu.memory_space<hbm>> -> memref<1x1x1x1x128xf32, #tpu.memory_space<hbm>>
      %dma_start3A_2262 = tpu.memref_squeeze %dma_start3A_2261 : memref<1x1x1x1x128xf32, #tpu.memory_space<hbm>> -> memref<128xf32, #tpu.memory_space<hbm>>
      %dma_start3A_2263 = arith.constant 8024 : i32
      %dma_start3A_2264 = tpu.memref_slice %arg11[%dma_start3A_2263] : memref<8704xf32, #tpu.memory_space<vmem>> -> memref<128xf32, #tpu.memory_space<vmem>>
      tpu.enqueue_dma source(%dma_start3A_2264 : memref<128xf32, #tpu.memory_space<vmem>>) target(%dma_start3A_2262 : memref<128xf32, #tpu.memory_space<hbm>>) target_semaphore(%arg15 : memref<!tpu.dma_semaphore, #tpu.memory_space<semaphore_mem>>)
      %add3A_2265 = arith.addi %mul3A_2, %add3A_1193 : i32
      %shift_right_logical3A_2266 = arith.constant 5 : i32
      %shift_right_logical3A_2267 = arith.shrui %add3A_2265, %shift_right_logical3A_2266 : i32
      %rem3A_2268 = arith.constant 32 : i32
      %rem3A_2269 = arith.remsi %add3A_2265, %rem3A_2268 : i32
      %dma_start3A_2270 = arith.constant 7 : i32
      %dma_start3A_2271 = arith.constant 4 : i32
      %dma_start3A_2272 = arith.constant 8160 : i32
      %dma_start3A_2273 = tpu.memref_slice %arg11[%dma_start3A_2272] : memref<8704xf32, #tpu.memory_space<vmem>> -> memref<128xf32, #tpu.memory_space<vmem>>
      %dma_start3A_2274 = arith.constant 0 : i32
      %dma_start3A_2275 = tpu.memref_slice %arg5[%shift_right_logical3A_2267, %dma_start3A_2270, %rem3A_2269, %dma_start3A_2271, %dma_start3A_2274] : memref<200x8x32x8x128xf32, #tpu.memory_space<hbm>> -> memref<1x1x1x1x128xf32, #tpu.memory_space<hbm>>
      %dma_start3A_2276 = tpu.memref_squeeze %dma_start3A_2275 : memref<1x1x1x1x128xf32, #tpu.memory_space<hbm>> -> memref<128xf32, #tpu.memory_space<hbm>>
      %dma_start3A_2277 = arith.constant 0 : i32
      %dma_start3A_2278 = tpu.memref_slice %arg5[%shift_right_logical3A_2267, %dma_start3A_2270, %rem3A_2269, %dma_start3A_2271, %dma_start3A_2277] : memref<200x8x32x8x128xf32, #tpu.memory_space<hbm>> -> memref<1x1x1x1x128xf32, #tpu.memory_space<hbm>>
      %dma_start3A_2279 = tpu.memref_squeeze %dma_start3A_2278 : memref<1x1x1x1x128xf32, #tpu.memory_space<hbm>> -> memref<128xf32, #tpu.memory_space<hbm>>
      %dma_start3A_2280 = arith.constant 8160 : i32
      %dma_start3A_2281 = tpu.memref_slice %arg11[%dma_start3A_2280] : memref<8704xf32, #tpu.memory_space<vmem>> -> memref<128xf32, #tpu.memory_space<vmem>>
      tpu.enqueue_dma source(%dma_start3A_2281 : memref<128xf32, #tpu.memory_space<vmem>>) target(%dma_start3A_2279 : memref<128xf32, #tpu.memory_space<hbm>>) target_semaphore(%arg15 : memref<!tpu.dma_semaphore, #tpu.memory_space<semaphore_mem>>)
      %add3A_2282 = arith.addi %mul3A_2, %add3A_1193 : i32
      %shift_right_logical3A_2283 = arith.constant 5 : i32
      %shift_right_logical3A_2284 = arith.shrui %add3A_2282, %shift_right_logical3A_2283 : i32
      %rem3A_2285 = arith.constant 32 : i32
      %rem3A_2286 = arith.remsi %add3A_2282, %rem3A_2285 : i32
      %dma_start3A_2287 = arith.constant 7 : i32
      %dma_start3A_2288 = arith.constant 5 : i32
      %dma_start3A_2289 = arith.constant 8296 : i32
      %dma_start3A_2290 = tpu.memref_slice %arg11[%dma_start3A_2289] : memref<8704xf32, #tpu.memory_space<vmem>> -> memref<128xf32, #tpu.memory_space<vmem>>
      %dma_start3A_2291 = arith.constant 0 : i32
      %dma_start3A_2292 = tpu.memref_slice %arg5[%shift_right_logical3A_2284, %dma_start3A_2287, %rem3A_2286, %dma_start3A_2288, %dma_start3A_2291] : memref<200x8x32x8x128xf32, #tpu.memory_space<hbm>> -> memref<1x1x1x1x128xf32, #tpu.memory_space<hbm>>
      %dma_start3A_2293 = tpu.memref_squeeze %dma_start3A_2292 : memref<1x1x1x1x128xf32, #tpu.memory_space<hbm>> -> memref<128xf32, #tpu.memory_space<hbm>>
      %dma_start3A_2294 = arith.constant 0 : i32
      %dma_start3A_2295 = tpu.memref_slice %arg5[%shift_right_logical3A_2284, %dma_start3A_2287, %rem3A_2286, %dma_start3A_2288, %dma_start3A_2294] : memref<200x8x32x8x128xf32, #tpu.memory_space<hbm>> -> memref<1x1x1x1x128xf32, #tpu.memory_space<hbm>>
      %dma_start3A_2296 = tpu.memref_squeeze %dma_start3A_2295 : memref<1x1x1x1x128xf32, #tpu.memory_space<hbm>> -> memref<128xf32, #tpu.memory_space<hbm>>
      %dma_start3A_2297 = arith.constant 8296 : i32
      %dma_start3A_2298 = tpu.memref_slice %arg11[%dma_start3A_2297] : memref<8704xf32, #tpu.memory_space<vmem>> -> memref<128xf32, #tpu.memory_space<vmem>>
      tpu.enqueue_dma source(%dma_start3A_2298 : memref<128xf32, #tpu.memory_space<vmem>>) target(%dma_start3A_2296 : memref<128xf32, #tpu.memory_space<hbm>>) target_semaphore(%arg15 : memref<!tpu.dma_semaphore, #tpu.memory_space<semaphore_mem>>)
      %add3A_2299 = arith.addi %mul3A_2, %add3A_1193 : i32
      %shift_right_logical3A_2300 = arith.constant 5 : i32
      %shift_right_logical3A_2301 = arith.shrui %add3A_2299, %shift_right_logical3A_2300 : i32
      %rem3A_2302 = arith.constant 32 : i32
      %rem3A_2303 = arith.remsi %add3A_2299, %rem3A_2302 : i32
      %dma_start3A_2304 = arith.constant 7 : i32
      %dma_start3A_2305 = arith.constant 6 : i32
      %dma_start3A_2306 = arith.constant 8432 : i32
      %dma_start3A_2307 = tpu.memref_slice %arg11[%dma_start3A_2306] : memref<8704xf32, #tpu.memory_space<vmem>> -> memref<128xf32, #tpu.memory_space<vmem>>
      %dma_start3A_2308 = arith.constant 0 : i32
      %dma_start3A_2309 = tpu.memref_slice %arg5[%shift_right_logical3A_2301, %dma_start3A_2304, %rem3A_2303, %dma_start3A_2305, %dma_start3A_2308] : memref<200x8x32x8x128xf32, #tpu.memory_space<hbm>> -> memref<1x1x1x1x128xf32, #tpu.memory_space<hbm>>
      %dma_start3A_2310 = tpu.memref_squeeze %dma_start3A_2309 : memref<1x1x1x1x128xf32, #tpu.memory_space<hbm>> -> memref<128xf32, #tpu.memory_space<hbm>>
      %dma_start3A_2311 = arith.constant 0 : i32
      %dma_start3A_2312 = tpu.memref_slice %arg5[%shift_right_logical3A_2301, %dma_start3A_2304, %rem3A_2303, %dma_start3A_2305, %dma_start3A_2311] : memref<200x8x32x8x128xf32, #tpu.memory_space<hbm>> -> memref<1x1x1x1x128xf32, #tpu.memory_space<hbm>>
      %dma_start3A_2313 = tpu.memref_squeeze %dma_start3A_2312 : memref<1x1x1x1x128xf32, #tpu.memory_space<hbm>> -> memref<128xf32, #tpu.memory_space<hbm>>
      %dma_start3A_2314 = arith.constant 8432 : i32
      %dma_start3A_2315 = tpu.memref_slice %arg11[%dma_start3A_2314] : memref<8704xf32, #tpu.memory_space<vmem>> -> memref<128xf32, #tpu.memory_space<vmem>>
      tpu.enqueue_dma source(%dma_start3A_2315 : memref<128xf32, #tpu.memory_space<vmem>>) target(%dma_start3A_2313 : memref<128xf32, #tpu.memory_space<hbm>>) target_semaphore(%arg15 : memref<!tpu.dma_semaphore, #tpu.memory_space<semaphore_mem>>)
      %add3A_2316 = arith.addi %mul3A_2, %add3A_1193 : i32
      %shift_right_logical3A_2317 = arith.constant 5 : i32
      %shift_right_logical3A_2318 = arith.shrui %add3A_2316, %shift_right_logical3A_2317 : i32
      %rem3A_2319 = arith.constant 32 : i32
      %rem3A_2320 = arith.remsi %add3A_2316, %rem3A_2319 : i32
      %dma_start3A_2321 = arith.constant 7 : i32
      %dma_start3A_2322 = arith.constant 7 : i32
      %dma_start3A_2323 = arith.constant 8568 : i32
      %dma_start3A_2324 = tpu.memref_slice %arg11[%dma_start3A_2323] : memref<8704xf32, #tpu.memory_space<vmem>> -> memref<128xf32, #tpu.memory_space<vmem>>
      %dma_start3A_2325 = arith.constant 0 : i32
      %dma_start3A_2326 = tpu.memref_slice %arg5[%shift_right_logical3A_2318, %dma_start3A_2321, %rem3A_2320, %dma_start3A_2322, %dma_start3A_2325] : memref<200x8x32x8x128xf32, #tpu.memory_space<hbm>> -> memref<1x1x1x1x128xf32, #tpu.memory_space<hbm>>
      %dma_start3A_2327 = tpu.memref_squeeze %dma_start3A_2326 : memref<1x1x1x1x128xf32, #tpu.memory_space<hbm>> -> memref<128xf32, #tpu.memory_space<hbm>>
      %dma_start3A_2328 = arith.constant 0 : i32
      %dma_start3A_2329 = tpu.memref_slice %arg5[%shift_right_logical3A_2318, %dma_start3A_2321, %rem3A_2320, %dma_start3A_2322, %dma_start3A_2328] : memref<200x8x32x8x128xf32, #tpu.memory_space<hbm>> -> memref<1x1x1x1x128xf32, #tpu.memory_space<hbm>>
      %dma_start3A_2330 = tpu.memref_squeeze %dma_start3A_2329 : memref<1x1x1x1x128xf32, #tpu.memory_space<hbm>> -> memref<128xf32, #tpu.memory_space<hbm>>
      %dma_start3A_2331 = arith.constant 8568 : i32
      %dma_start3A_2332 = tpu.memref_slice %arg11[%dma_start3A_2331] : memref<8704xf32, #tpu.memory_space<vmem>> -> memref<128xf32, #tpu.memory_space<vmem>>
      tpu.enqueue_dma source(%dma_start3A_2332 : memref<128xf32, #tpu.memory_space<vmem>>) target(%dma_start3A_2330 : memref<128xf32, #tpu.memory_space<hbm>>) target_semaphore(%arg15 : memref<!tpu.dma_semaphore, #tpu.memory_space<semaphore_mem>>)
    }
    %scan3A_37 = arith.constant 100 : i32
    %dma_wait3A = arith.constant 0 : i32
    %dma_wait3A_38 = tpu.memref_slice %arg10[%dma_wait3A] : memref<8704xf32, #tpu.memory_space<vmem>> -> memref<8192xf32, #tpu.memory_space<vmem>>
    %dma_wait3A_39 = arith.constant 0 : i32
    %dma_wait3A_40 = tpu.memref_slice %arg3[%dma_wait3A_39] : memref<12800xf32, #tpu.memory_space<hbm>> -> memref<8192xf32, #tpu.memory_space<hbm>>
    %dma_wait3A_41 = arith.constant 0 : i32
    %dma_wait3A_42 = tpu.memref_slice %arg10[%dma_wait3A_41] : memref<8704xf32, #tpu.memory_space<vmem>> -> memref<8192xf32, #tpu.memory_space<vmem>>
    %dma_wait3A_43 = arith.constant 0 : i32
    %dma_wait3A_44 = tpu.memref_slice %arg3[%dma_wait3A_43] : memref<12800xf32, #tpu.memory_space<hbm>> -> memref<8192xf32, #tpu.memory_space<hbm>>
    tpu.wait_dma2 semaphore(%arg14 : memref<!tpu.dma_semaphore, #tpu.memory_space<semaphore_mem>>) src(%dma_wait3A_44 : memref<8192xf32, #tpu.memory_space<hbm>>) dst(%dma_wait3A_42 : memref<8192xf32, #tpu.memory_space<vmem>>)
    %dma_wait3A_45 = arith.constant 0 : i32
    %dma_wait3A_46 = tpu.memref_slice %arg11[%dma_wait3A_45] : memref<8704xf32, #tpu.memory_space<vmem>> -> memref<8192xf32, #tpu.memory_space<vmem>>
    %dma_wait3A_47 = arith.constant 0 : i32
    %dma_wait3A_48 = tpu.memref_slice %arg3[%dma_wait3A_47] : memref<12800xf32, #tpu.memory_space<hbm>> -> memref<8192xf32, #tpu.memory_space<hbm>>
    %dma_wait3A_49 = arith.constant 0 : i32
    %dma_wait3A_50 = tpu.memref_slice %arg11[%dma_wait3A_49] : memref<8704xf32, #tpu.memory_space<vmem>> -> memref<8192xf32, #tpu.memory_space<vmem>>
    %dma_wait3A_51 = arith.constant 0 : i32
    %dma_wait3A_52 = tpu.memref_slice %arg3[%dma_wait3A_51] : memref<12800xf32, #tpu.memory_space<hbm>> -> memref<8192xf32, #tpu.memory_space<hbm>>
    tpu.wait_dma2 semaphore(%arg15 : memref<!tpu.dma_semaphore, #tpu.memory_space<semaphore_mem>>) src(%dma_wait3A_52 : memref<8192xf32, #tpu.memory_space<hbm>>) dst(%dma_wait3A_50 : memref<8192xf32, #tpu.memory_space<vmem>>)
    return
  }
}

</mosaic_0001>

<sc_bundles>
// kernel: _emb_lookup.3.cloned.1.call-start
scs
__scs_entry_jumppad:
0x0: {  	(pc) =	sbr.rel $0x88, $3  }
0x1: {  	(tag) =	ssettag $0x0;
	lr =	simm.s32 $0x1  }
0x2: {  	[smem:$0x3F9E] =	sst lr;
	_ =	strace $0xD0000000  }
0x3: {  	_ = 	snop  }
0x4: {  	_ = 	snop  }
0x5: {  	_ = 	snop  }
0x6: {  	_ = 	snop  }
0x7: {  	_ = 	snop  }
__scs_overlays_trampoline_lowered:
0x8: {  	[smem:$0x3FAD] =	sst s0  }
0x9: {  	[smem:$0x3FAE] =	sst s1  }
0xa: {  	[smem:$0x3FAF] =	sst s2  }
0xb: {  	[smem:$0x3FB0] =	sst s3  }
0xc: {  	[smem:$0x3FB1] =	sst s4  }
0xd: {  	[smem:$0x3FB2] =	sst s5  }
0xe: {  	[smem:$0x3FB3] =	sst s6  }
0xf: {  	[smem:$0x3FB4] =	sst s7  }
0x10: {  	[smem:$0x3FB5] =	sst s8  }
0x11: {  	[smem:$0x3FB6] =	sst s9;
	s0 =	simm.s32 @!p0 $0x0  }
0x12: {  	s1 =	sld [smem:$0x3F9C];
	s0 =	simm.s32 @p0 $0x1  }
0x13: {  	[smem:$0x3FB7] =	sst s0;
	s0 =	simm.s32 @!p1 $0x0  }
0x14: {  	s2 =	sld [smem:$0x3F9B];
	s0 =	simm.s32 @p1 $0x1  }
0x15: {  	[smem:$0x3FB8] =	sst s0;
	s0 =	simm.s32 @!p2 $0x0  }
0x16: {  	s3 =	sld [smem:$0x3FDB];
	s0 =	simm.s32 @p2 $0x1  }
0x17: {  	s4 =	simm.s32 $0x1BF5;
	[smem:$0x3FBA] =	sst s0  }
0x18: {  	s0 =	sld [smem:$0x3F9D];
	_ =	swait.ge [sflag:s4], $0x0  }
0x19: {  	s7 =	sld [smem:$0x3F9E]  }
0x1a: {  	s8 =	sadd.s32 $0xFFFFE003, lr  }
0x1b: {  	s9 =	sadd.s32 $0xFFFFFEF7, lr;
	s5 =	simm.s32 $0xFFFFFFFF;
	p2 =	slt.u32 s8, $0xFFFFF086  }
0x1c: {  	p1 =	slt.u32 s9, $0xF7A;
	s5 =	simm.s32 @!p2 $0x0  }
0x1d: {  	s5 =	simm.s32 @p1 $0x1;
	p0 =	seq.s32 s7, s2  }
0x1e: {  	s7 =	smul.u32 @!p0 $0xF7A, s2;
	p2 =	seq.s32 @!p0 s5, $0x0  }
0x1f: {  	s9 =	smul.u32 $0xF7A, s1;
	s8 =	simm.s32 @!p0 $0x1BF5;
	p2 =	por !p2, p0  }
0x20: {  	[sflag:s8] =	ssyncset.s32 @!p0 $0xFFFFF086;
	s6 =	sadd.s32 @!p0 s3, s7;
	s7 =	simm.s32 @!p0 $0x108  }
0x21: {  	s3 =	sadd.s32 s3, s9;
	s6 =	sadd.s32 @!p0 $0x88, s6;
	s7 =	simm.s32 @p2 $0x1082  }
0x22: {  	[simem:s7], [sflag:s8] =	dma.local @!p0 [hbm:s6], $0xF7A  }
0x23: {  	s9 =	sor.u32 $0xD0000000, s2;
	s6 =	simm.s32 $0x108;
	_ =	swait.ge @!p0 [sflag:s8], $0x0  }
0x24: {  	s3 =	sadd.s32 $0x88, s3;
	s6 =	simm.s32 @!p1 $0x1082;
	[sflag:s4] =	ssyncset.s32 $0xFFFFF086  }
0x25: {  	[simem:s6], [sflag:s4] =	dma.local [hbm:s3], $0xF7A  }
0x26: {  	[smem:$0x3F9E] =	sst s1;
	(tag) =	ssettag s2;
	_ =	strace s9  }
0x27: {  	s1 =	sld [smem:$0x3FAE]  }
0x28: {  	s2 =	sld [smem:$0x3FAF]  }
0x29: {  	s4 =	sld [smem:$0x3FB1]  }
0x2a: {  	p0 =	seq.s32 s5, $0x0;
	s5 =	sld [smem:$0x3FB2]  }
0x2b: {  	s6 =	sld [smem:$0x3FB3]  }
0x2c: {  	s7 =	sld [smem:$0x3FB4]  }
0x2d: {  	s3 =	simm.s32 $0x108;
	s8 =	sld [smem:$0x3FB5]  }
0x2e: {  	s3 =	simm.s32 @!p0 $0x1082;
	s9 =	sld [smem:$0x3FB6]  }
0x2f: {  	lr =	sadd.s32 s0, s3;
	s0 =	sld [smem:$0x3FAD]  }
0x30: {  	s3 =	sld [smem:$0x3FB0]  }
0x31: {  	[smem:$0x3FB9] =	sst s10  }
0x32: {  	s10 =	sld [smem:$0x3FB7];
	_ =	sdelay $0x3  }
0x33: {  	p0 =	seq.s32 s10, $0x1;
	s10 =	sld [smem:$0x3FB9];
	_ =	sdelay $0x3  }
0x34: {  	[smem:$0x3FB9] =	sst s10  }
0x35: {  	s10 =	sld [smem:$0x3FB8];
	_ =	sdelay $0x3  }
0x36: {  	p1 =	seq.s32 s10, $0x1;
	s10 =	sld [smem:$0x3FB9];
	_ =	sdelay $0x3  }
0x37: {  	[smem:$0x3FB9] =	sst s10  }
0x38: {  	s10 =	sld [smem:$0x3FBA]  }
0x39: {  	_ = 	snop;
	(pc) =	sbr.ind lr, $3  }
0x3a: {  	_ = 	snop  }
0x3b: {  	_ = 	snop  }
0x3c: {  	p2 =	seq.s32 s10, $0x1;
	s10 =	sld [smem:$0x3FB9]  }
0x3d: {  	_ =	shalt  }
0x3e: {  	_ =	shalt  }
0x3f: {  	_ =	shalt  }
0x40: {  	_ =	shalt  }
0x41: {  	_ =	shalt  }
0x42: {  	_ =	shalt  }
0x43: {  	_ =	shalt  }
0x44: {  	_ =	shalt  }
0x45: {  	_ =	shalt  }
0x46: {  	_ =	shalt  }
0x47: {  	_ =	shalt  }
0x48: {  	_ =	shalt  }
0x49: {  	_ =	shalt  }
0x4a: {  	_ =	shalt  }
0x4b: {  	_ =	shalt  }
0x4c: {  	_ =	shalt  }
0x4d: {  	_ =	shalt  }
0x4e: {  	_ =	shalt  }
0x4f: {  	_ =	shalt  }
0x50: {  	_ =	shalt  }
0x51: {  	_ =	shalt  }
0x52: {  	_ =	shalt  }
0x53: {  	_ =	shalt  }
0x54: {  	_ =	shalt  }
0x55: {  	_ =	shalt  }
0x56: {  	_ =	shalt  }
0x57: {  	_ =	shalt  }
0x58: {  	_ =	shalt  }
0x59: {  	_ =	shalt  }
0x5a: {  	_ =	shalt  }
0x5b: {  	_ =	shalt  }
0x5c: {  	_ =	shalt  }
0x5d: {  	_ =	shalt  }
0x5e: {  	_ =	shalt  }
0x5f: {  	_ =	shalt  }
0x60: {  	_ =	shalt  }
0x61: {  	_ =	shalt  }
0x62: {  	_ =	shalt  }
0x63: {  	_ =	shalt  }
0x64: {  	_ =	shalt  }
0x65: {  	_ =	shalt  }
0x66: {  	_ =	shalt  }
0x67: {  	_ =	shalt  }
0x68: {  	_ =	shalt  }
0x69: {  	_ =	shalt  }
0x6a: {  	_ =	shalt  }
0x6b: {  	_ =	shalt  }
0x6c: {  	_ =	shalt  }
0x6d: {  	_ =	shalt  }
0x6e: {  	_ =	shalt  }
0x6f: {  	_ =	shalt  }
0x70: {  	_ =	shalt  }
0x71: {  	_ =	shalt  }
0x72: {  	_ =	shalt  }
0x73: {  	_ =	shalt  }
0x74: {  	_ =	shalt  }
0x75: {  	_ =	shalt  }
0x76: {  	_ =	shalt  }
0x77: {  	_ =	shalt  }
0x78: {  	_ =	shalt  }
0x79: {  	_ =	shalt  }
0x7a: {  	_ =	shalt  }
0x7b: {  	_ =	shalt  }
0x7c: {  	_ =	shalt  }
0x7d: {  	_ =	shalt  }
0x7e: {  	_ =	shalt  }
0x7f: {  	_ =	shalt  }
0x80: {  	_ =	shalt  }
0x81: {  	_ =	shalt  }
0x82: {  	_ =	shalt  }
0x83: {  	_ =	shalt  }
0x84: {  	_ =	shalt  }
0x85: {  	_ =	shalt  }
0x86: {  	_ =	shalt  }
0x87: {  	_ =	shalt  }
.Lfunc_end0:
.L_simem_size_0:
called_computation_lowered:
.L_overlay_start_0:
0x88: {  	s2 =	sld [smem:$0x3FD9]  }
0x89: {  	s3 =	sld [smem:$0x3FFE];
	_ =	sdelay $0x1  }
0x8a: {  	s1 =	srdreg.scid  }
0x8b: {  	s0 =	sand.u32 $0x1, s1  }
0x8c: {  	s18 =	sshll.u32 s0, $0xA;
	s2 =	sadd.s32 s3, s2  }
0x8d: {  	s2 =	sadd.s32 s2, s18  }
0x8e: {  	[smem:$0x3FC5] =	sst s2  }
0x8f: {  	_ = 	snop  }
0x90: {  	s2 =	sld [smem:$0x3FC9]  }
0x91: {  	s19 =	sld [smem:$0x3FC8]  }
0x92: {  	s4 =	sld [smem:$0x3FC7]  }
0x93: {  	s5 =	sld [smem:$0x3FD0];
	(tm) =	ssettm $0x1  }
0x94: {  	s6 =	sld [smem:$0x3FFB];
	_ =	sdelay $0x3  }
0x95: {  	_ =	strace s6  }
0x96: {  	s6 =	sld [smem:$0x3FFC];
	_ =	sdelay $0x3  }
0x97: {  	_ =	strace s6  }
0x98: {  	s6 =	sld [smem:$0x3FFD];
	_ =	sdelay $0x3  }
0x99: {  	_ =	strace s6  }
0x9a: {  	_ =	strace $0x8FFFFFFF  }
0x9b: {  	s20 =	sld [smem:$0x3FDB];
	_ =	sdelay $0x1  }
0x9c: {  	s7 =	simm.s32 $_scs_section_size  }
0x9d: {  	s8 =	simm.s32 $_size__tile_overlayer_lowered;
	s9 =	simm.s32 $_tile_overlayer_lowered  }
0x9e: {  	s23 =	simm.s32 $0x1BFF;
	s22 =	sshll.u32 s9, $0x1;
	s6 =	sadd.s32 s7, s20  }
0x9f: {  	s10 =	simm.s32 $0x0;
	s21 =	sshll.u32 s8, $0x1;
	s8 =	sadd.s32 s22, s6  }
0xa0: {  	[timem:s10], [sflag:s23] =	dma.local [hbm:s8], s21  }
0xa1: {  	_ =	swait.ge [sflag:s23], s21  }
0xa2: {  	s7 =	ssub.s32 $0x0, s21;
	[sflag:s23] =	ssyncset.done $0x0  }
0xa3: {  	[sflag:s23] =	ssyncadd.s32 s7;
	_ =	sdelay $0x1  }
0xa4: {  	s24 =	simm.s32 $0x1B8B  }
0xa5: {  	_ =	swait.ge [sflag:s24], $0x1  }
0xa6: {  	[sflag:s24] =	ssyncset.done $0x0  }
0xa7: {  	s25 =	simm.s32 $0x1B8E;
	[sflag:s24] =	ssyncadd.s32 $0xFFFFFFFF  }
0xa8: {  	s26 =	simm.s32 $execute0_lowered;
	[smem:$0x3FD2] =	sst s25  }
0xa9: {  	s7 =	sshll.u32 s26, $0x1;
	_ =	strace $0x80000046;
	[dreg:$0x1] =	wrdreg $0xFFFFFFFF  }
0xaa: {  	s28 =	simm.s32 $_size_execute0_lowered;
	s6 =	sadd.s32 s6, s7;
	[dreg:$0x0] =	wrdreg $0x0  }
0xab: {  	s7 =	sshll.u32 s28, $0x1;
	[dreg:$0x2] =	wrdreg s6  }
0xac: {  	[dreg:$0x3] =	wrdreg s7  }
0xad: {  	[dreg:$0x4] =	wrdreg $0xC0  }
0xae: {  	_ =	task [dreg:s10], $0x5FFFF  }
0xaf: {  	[dreg:$0x1] =	wrdreg $0xFFFFFFFF  }
0xb0: {  	[dreg:$0x0] =	wrdreg $0x60  }
0xb1: {  	[dreg:$0x2] =	wrdreg s2  }
0xb2: {  	[dreg:$0x3] =	wrdreg s19  }
0xb3: {  	[dreg:$0x4] =	wrdreg s4  }
0xb4: {  	[dreg:$0x5] =	wrdreg s5  }
0xb5: {  	[dreg:$0x6] =	wrdreg $0x9  }
0xb6: {  	_ =	task.clear_ibuf [dreg:s10], $0x7FFFF;
	_ =	strace $0x90000046  }
0xb7: {  	s29 =	simm.s32 $0x9;
	_ =	strace $0x80000048  }
0xb8: {  	_ =	swait.ge [sflag:s29], $0x1  }
0xb9: {  	[sflag:s29] =	ssyncadd.s32 $0xFFFFFFFF  }
0xba: {  	_ =	strace $0x90000048  }
0xbb: {  	_ =	sfence  }
0xbc: {  	s30 =	sld [smem:$0x0];
	_ =	sdelay $0x2  }
0xbd: {  	s31 =	sshll.u32 s1, $0xD;
	s1 =	sshrl.u32 s1, $0x2  }
0xbe: {  	s3 =	sand.u32 $0x4000, s31;
	s1 =	sadd.s32 s1, s30  }
0xbf: {  	s0 =	sor.u32 s3, s0;
	s1 =	sshll.u32 s1, $0x11  }
0xc0: {  	s0 =	sor.u32 s1, s0  }
0xc1: {  	s0 =	sadd.s32 $0x8F2B, s0  }
0xc2: {  	[sflag:s0] =	ssyncadd.remote.s32 $0x1  }
0xc3: {  	_ =	sfence.sel $0xFFFF  }
0xc4: {  	[dreg:$0x0] =	wrdreg $0xFFFFFFFF;
	(pc) =	sbr.abs _section_cstart, $3  }
0xc5: {  	[dreg:$0x1] =	wrdreg $0xFFFFFFFF  }
0xc6: {  	_ =	task.clear_ibuf [dreg:s10], $0x2FFFF;
	_ =	strace $0x9FFFFFFF  }
0xc7: {  	(tm) =	ssettm $0x7FFFFFFF  }
tec
execute0_lowered:
.L_overlay_start_1:
0x0: {  	(tag) =	ssettag $0x1  }
0x1: {  	s0 =	rddreg [dreg:$0x0]  }
0x2: {  	s19 =	rddreg [dreg:$0x3];
	s5 =	simm.s32 $0x0  }
0x3: {  	[smem:$0x7FF] =	sst s5;
	s9 =	sadd.s32 $0x1050, s19  }
0x4: {  	s10 =	sadd.s32 $0x1060, s19;
	_ =	strace $0x80000047;
	[dreg:$0x7] =	wrdreg s9  }
0x5: {  	s11 =	sadd.s32 $0x1070, s19;
	[dreg:$0x8] =	wrdreg s10  }
0x6: {  	s12 =	sadd.s32 $0x2000, s19;
	[dreg:$0x9] =	wrdreg s11  }
0x7: {  	s13 =	sadd.s32 $0x2010, s19;
	[dreg:$0xa] =	wrdreg s12  }
0x8: {  	s14 =	sadd.s32 $0x2020, s19;
	[dreg:$0xb] =	wrdreg s13  }
0x9: {  	s15 =	sadd.s32 $0x2030, s19;
	[dreg:$0xd] =	wrdreg s14  }
0xa: {  	s16 =	sadd.s32 $0x2040, s19;
	[dreg:$0xe] =	wrdreg s15  }
0xb: {  	s17 =	sadd.s32 $0x2050, s19;
	[dreg:$0xf] =	wrdreg s16  }
0xc: {  	s18 =	sadd.s32 $0x2060, s19;
	[dreg:$0x10] =	wrdreg s17  }
0xd: {  	s25 =	sadd.s32 $0x2070, s19;
	[dreg:$0x11] =	wrdreg s18  }
0xe: {  	s6 =	sadd.s32 $0x3020, s19;
	[dreg:$0x12] =	wrdreg s25  }
0xf: {  	s7 =	sadd.s32 $0x3030, s19;
	[dreg:$0x15] =	wrdreg s6  }
0x10: {  	[dreg:$0x16] =	wrdreg s7;
	s9 =	sadd.s32 $0x3050, s19  }
0x11: {  	s10 =	sadd.s32 $0x3060, s19;
	[dreg:$0x18] =	wrdreg s9  }
0x12: {  	s11 =	sadd.s32 $0x3070, s19;
	[dreg:$0x19] =	wrdreg s10  }
0x13: {  	s1 =	srdreg.scid;
	s12 =	sadd.s32 $0x4000, s19;
	[dreg:$0x1a] =	wrdreg s11  }
0x14: {  	s2 =	stileid.u32;
	s13 =	sadd.s32 $0x4010, s19;
	[dreg:$0x1b] =	wrdreg s12  }
0x15: {  	s1 =	sand.u32 $0x1, s1;
	s14 =	sadd.s32 $0x4020, s19;
	[dreg:$0x1c] =	wrdreg s13  }
0x16: {  	s2 =	sshll.u32 s2, $0x1;
	s15 =	sadd.s32 $0x4030, s19;
	[dreg:$0x1d] =	wrdreg s14  }
0x17: {  	s20 =	sadd.s32 $0x10, s19;
	s16 =	sadd.s32 $0x4040, s19;
	[dreg:$0x1e] =	wrdreg s15  }
0x18: {  	s21 =	sadd.s32 $0x20, s19;
	s17 =	sadd.s32 $0x4050, s19;
	[dreg:$0x1f] =	wrdreg s16  }
0x19: {  	s22 =	sadd.s32 $0x30, s19;
	s18 =	sadd.s32 $0x4060, s19;
	[smem:$0x7EB] =	sst s17  }
0x1a: {  	s23 =	sadd.s32 $0x40, s19;
	s25 =	sadd.s32 $0x4070, s19;
	[smem:$0x7EC] =	sst s18  }
0x1b: {  	s24 =	sadd.s32 $0x50, s19;
	s6 =	sadd.s32 $0x5020, s19;
	[smem:$0x7ED] =	sst s25  }
0x1c: {  	s26 =	sadd.s32 $0x60, s19;
	s7 =	sadd.s32 $0x5030, s19;
	[smem:$0x7F0] =	sst s6  }
0x1d: {  	s28 =	sadd.s32 $0x70, s19;
	[smem:$0x7F1] =	sst s7;
	s9 =	sadd.s32 $0x5050, s19  }
0x1e: {  	s29 =	sadd.s32 $0x1000, s19;
	s10 =	sadd.s32 $0x5060, s19;
	[smem:$0x7F3] =	sst s9  }
0x1f: {  	s30 =	sadd.s32 $0x1010, s19;
	s11 =	sadd.s32 $0x5070, s19;
	[smem:$0x7F4] =	sst s10  }
0x20: {  	s31 =	sadd.s32 $0x1020, s19;
	s12 =	sadd.s32 $0x6000, s19;
	[smem:$0x7F5] =	sst s11  }
0x21: {  	s3 =	ssub.s32 $0x2, s1;
	s13 =	sadd.s32 $0x6010, s19;
	[smem:$0x7F6] =	sst s12  }
0x22: {  	s1 =	sor.u32 s1, s2;
	s14 =	sadd.s32 $0x6020, s19;
	[smem:$0x7F7] =	sst s13  }
0x23: {  	s8 =	sshrl.u32 s3, $0x1;
	s15 =	sadd.s32 $0x6030, s19;
	[smem:$0x7F8] =	sst s14  }
0x24: {  	s4 =	smul.u32 $0xC80, s1;
	s16 =	sadd.s32 $0x6040, s19;
	[smem:$0x7F9] =	sst s15  }
0x25: {  	s1 =	smul.u32 $0xC8, s1;
	s17 =	sadd.s32 $0x6050, s19;
	[smem:$0x7FA] =	sst s16  }
0x26: {  	s18 =	sadd.s32 $0x6060, s19;
	s25 =	sadd.s32 $0x6070, s19;
	[smem:$0x7FB] =	sst s17  }
0x27: {  	s7 =	sadd.s32 $0x7000, s19;
	s6 =	sadd.s32 $0x7040, s19;
	[smem:$0x7FC] =	sst s18  }
0x28: {  	s2 =	ssub.s32 s3, s8;
	s3 =	sadd.s32 $0x3000, s19;
	[smem:$0x7FD] =	sst s25  }
0x29: {  	s8 =	sadd.s32 $0x3040, s19;
	s25 =	sadd.s32 $0x7010, s19;
	[dreg:$0x5] =	wrdreg s1  }
0x2a: {  	s9 =	sadd.s32 $0x7060, s19;
	s10 =	sadd.s32 $0x7070, s19;
	[dreg:$0x13] =	wrdreg s3  }
0x2b: {  	s11 =	simm.s32 $0x11600;
	s0 =	sadd.s32 s0, s4;
	[dreg:$0x17] =	wrdreg s8  }
0x2c: {  	s12 =	simm.s32 $0x13800;
	s2 =	smax.u32 s2, $0x1;
	[dreg:$0x6] =	wrdreg s0  }
0x2d: {  	s14 =	simm.s32 $0x0;
	s4 =	sadd.s32 $0x3010, s19;
	[dreg:$0xc] =	wrdreg s2  }
0x2e: {  	v0 =	vlaneseq.u32;
	s1 =	sadd.s32 $0x1040, s19;
	s3 =	sadd.s32 $0x5000, s19;
	[dreg:$0x14] =	wrdreg s4  }
0x2f: {  	v0 =	vmul.u32 $0x88, v0;
	s8 =	sadd.s32 $0x5040, s19;
	s0 =	sadd.s32 $0x1030, s19;
	[smem:$0x7EE] =	sst s3  }
0x30: {  	s4 =	sadd.s32 $0x5010, s19;
	[smem:$0x7F2] =	sst s8;
	s3 =	sadd.s32 $0x7020, s19  }
0x31: {  	v1 =	vadd.s32 $0x880, v0;
	v2 =	vadd.s32 $0x1100, v0;
	v3 =	vadd.s32 $0x1980, v0;
	s8 =	sadd.s32 $0x7050, s19;
	[smem:$0x7EF] =	sst s4;
	s4 =	sadd.s32 $0x7030, s19  }
.LBB2_1:
0x32: {  	[smem:$0x7EA] =	sst s14  }
0x33: {  	s13 =	rddreg [dreg:$0x6];
	s2 =	simm.s32 $0x5  }
0x34: {  	[tilespmem:s5], [sflag:$0x5] =	stream.linear.gather [hbm4b:s13+s5], $0x6400, $0x38;
	[tilespmem:$0x15A00] =	vst v63  }
0x35: {  	_ =	swait.ge [sflag:s2], $0x6400  }
0x36: {  	[sflag:s2] =	ssyncset.done $0x0  }
0x37: {  	[sflag:s2] =	ssyncadd.s32 $0xFFFF9C00  }
0x38: {  	s15 =	simm.s32 $0xE400;
	s14 =	rddreg [dreg:$0x1]  }
0x39: {  	[tilespmem:s15], [sflag:$0x5] =	stream.linear.gather [hbm4b:s14+s5], $0x3200, $0x38;
	[tilespmem:$0x15A00] =	vst v63  }
0x3a: {  	_ =	swait.ge [sflag:s2], $0x3200  }
0x3b: {  	[sflag:s2] =	ssyncset.done $0x0  }
0x3c: {  	s17 =	simm.s32 $0x80;
	[sflag:s2] =	ssyncadd.s32 $0xFFFFCE00  }
0x3d: {  	s18 =	simm.s32 $0x6400;
	s13 =	simm.s32 $0x0;
	s16 =	rddreg [dreg:$0x2]  }
0x3e: {  	[tilespmem:s18], [sflag:$0x1] =	stream.indirect.gather [hbm4b:s16+s17], $0x80, s5, s17, $0xb8;
	[tilespmem:$0x15A00] =	vst v63  }
.LBB2_2:
0x3f: {  	s2 =	smov.u32 s1  }
0x40: {  	s1 =	smov.u32 s0;
	s0 =	smov.u32 s31;
	s14 =	sshllo.u32 s13, $0x1  }
0x41: {  	s31 =	smov.u32 s30;
	s16 =	rddreg [dreg:$0x2];
	s15 =	sshll.u32 s14, $0x7  }
0x42: {  	s17 =	simm.s32 $0x80;
	s18 =	simm.s32 $0xA400;
	s15 =	sand.u32 $0x3FFFFF80, s15  }
0x43: {  	[tilespmem:s18], [sflag:$0x2] =	stream.indirect.gather [hbm4b:s16+s17], $0x80, s15, s17, $0xb8;
	[tilespmem:$0x15A00] =	vst v63  }
0x44: {  	s30 =	smov.u32 s29;
	s29 =	smov.u32 s28;
	s17 =	simm.s32 $0x1  }
0x45: {  	s28 =	smov.u32 s26;
	s26 =	smov.u32 s24;
	_ =	swait.ge [sflag:s17], $0x4000  }
0x46: {  	s24 =	smov.u32 s23;
	p0 =	seq.s32 s13, $0x0;
	[sflag:s17] =	ssyncset.done $0x0  }
0x47: {  	s23 =	smov.u32 s22;
	s16 =	simm.s32 @!p0 $0x3;
	[sflag:s17] =	ssyncadd.s32 $0xFFFFC000  }
0x48: {  	s22 =	smov.u32 s21;
	s21 =	smov.u32 s20;
	_ =	swait.ge @!p0 [sflag:s16], $0x2000  }
0x49: {  	s20 =	smov.u32 s19;
	s18 =	sshll.u32 s13, $0x1;
	s19 =	rddreg [dreg:$0x5]  }
0x4a: {  	s15 =	sadd.s32 s19, s18  }
0x4b: {  	[sflag:s16] =	ssyncset.done @!p0 $0x0;
	s17 =	sshll.u32 s15, $0x1  }
0x4c: {  	[sflag:s16] =	ssyncadd.s32 @!p0 $0xFFFFE000;
	s17 =	sand.u32 $0x3FFFFFC0, s17  }
0x4d: {  	v4 =	vld [tilespmem:s17+$0xE400]  }
0x4e: {  	v5 =	vld [tilespmem:s17+$0xE410]  }
0x4f: {  	v6 =	vld [tilespmem:s17+$0xE420]  }
0x50: {  	s18 =	simm.s32 $0x6600;
	s16 =	sshrl.u32 s15, $0x5;
	v7 =	vld [tilespmem:s17+$0xE430];
	s17 =	simm.s32 $0x0  }
.LBB2_3:
0x51: {  	v8 =	vld [tilespmem:s18+$0xFFFFFE00];
	_ =	sdelay $0x3  }
0x52: {  	v9 =	vadd.s32 s17, v0  }
0x53: {  	v8 =	vmul.f32 $8.000000000e+00, v8;
	_ =	sdelay $0x1  }
0x54: {  	v8 =	vadd.f32 v8, v4;
	_ =	sdelay $0x1  }
0x55: {  	[tilespmem:v9+s11+$0x0] =	vst.idx.msk $0xffff, v8  }
0x56: {  	v8 =	vld [tilespmem:s18+$0xFFFFFE10];
	_ =	sdelay $0x3  }
0x57: {  	v33 =	vadd.s32 s17, v1  }
0x58: {  	v8 =	vmul.f32 $8.000000000e+00, v8;
	_ =	sdelay $0x1  }
0x59: {  	v8 =	vadd.f32 v8, v5;
	_ =	sdelay $0x1  }
0x5a: {  	[tilespmem:v33+s11+$0x0] =	vst.idx.msk $0xffff, v8  }
0x5b: {  	v8 =	vld [tilespmem:s18+$0xFFFFFE20];
	_ =	sdelay $0x3  }
0x5c: {  	v34 =	vadd.s32 s17, v2  }
0x5d: {  	v8 =	vmul.f32 $8.000000000e+00, v8;
	_ =	sdelay $0x1  }
0x5e: {  	v8 =	vadd.f32 v8, v6;
	_ =	sdelay $0x1  }
0x5f: {  	[tilespmem:v34+s11+$0x0] =	vst.idx.msk $0xffff, v8  }
0x60: {  	v8 =	vld [tilespmem:s18+$0xFFFFFE30];
	_ =	sdelay $0x3  }
0x61: {  	v35 =	vadd.s32 s17, v3  }
0x62: {  	v8 =	vmul.f32 $8.000000000e+00, v8;
	_ =	sdelay $0x1  }
0x63: {  	v8 =	vadd.f32 v8, v7;
	_ =	sdelay $0x1  }
0x64: {  	[tilespmem:v35+s11+$0x0] =	vst.idx.msk $0xffff, v8  }
0x65: {  	v8 =	vld [tilespmem:s18+$0xFFFFFE80];
	_ =	sdelay $0x2  }
0x66: {  	s19 =	sadd.s32 $0x1, s17  }
0x67: {  	v36 =	vadd.s32 s19, v0  }
0x68: {  	v8 =	vmul.f32 $8.000000000e+00, v8;
	_ =	sdelay $0x1  }
0x69: {  	v8 =	vadd.f32 v8, v4;
	_ =	sdelay $0x1  }
0x6a: {  	[tilespmem:v36+s11+$0x0] =	vst.idx.msk $0xffff, v8  }
0x6b: {  	v8 =	vld [tilespmem:s18+$0xFFFFFE90];
	_ =	sdelay $0x3  }
0x6c: {  	v37 =	vadd.s32 s19, v1  }
0x6d: {  	v8 =	vmul.f32 $8.000000000e+00, v8;
	_ =	sdelay $0x1  }
0x6e: {  	v8 =	vadd.f32 v8, v5;
	_ =	sdelay $0x1  }
0x6f: {  	[tilespmem:v37+s11+$0x0] =	vst.idx.msk $0xffff, v8  }
0x70: {  	v8 =	vld [tilespmem:s18+$0xFFFFFEA0];
	_ =	sdelay $0x3  }
0x71: {  	v38 =	vadd.s32 s19, v2  }
0x72: {  	v8 =	vmul.f32 $8.000000000e+00, v8;
	_ =	sdelay $0x1  }
0x73: {  	v8 =	vadd.f32 v8, v6;
	_ =	sdelay $0x1  }
0x74: {  	[tilespmem:v38+s11+$0x0] =	vst.idx.msk $0xffff, v8  }
0x75: {  	v8 =	vld [tilespmem:s18+$0xFFFFFEB0];
	_ =	sdelay $0x3  }
0x76: {  	v39 =	vadd.s32 s19, v3  }
0x77: {  	v8 =	vmul.f32 $8.000000000e+00, v8;
	_ =	sdelay $0x1  }
0x78: {  	v8 =	vadd.f32 v8, v7;
	_ =	sdelay $0x1  }
0x79: {  	[tilespmem:v39+s11+$0x0] =	vst.idx.msk $0xffff, v8  }
0x7a: {  	v8 =	vld [tilespmem:s18+$0xFFFFFF00];
	_ =	sdelay $0x2  }
0x7b: {  	s19 =	sadd.s32 $0x2, s17  }
0x7c: {  	v40 =	vadd.s32 s19, v0  }
0x7d: {  	v8 =	vmul.f32 $8.000000000e+00, v8;
	_ =	sdelay $0x1  }
0x7e: {  	v8 =	vadd.f32 v8, v4;
	_ =	sdelay $0x1  }
0x7f: {  	[tilespmem:v40+s11+$0x0] =	vst.idx.msk $0xffff, v8  }
0x80: {  	v8 =	vld [tilespmem:s18+$0xFFFFFF10];
	_ =	sdelay $0x3  }
0x81: {  	v41 =	vadd.s32 s19, v1  }
0x82: {  	v8 =	vmul.f32 $8.000000000e+00, v8;
	_ =	sdelay $0x1  }
0x83: {  	v8 =	vadd.f32 v8, v5;
	_ =	sdelay $0x1  }
0x84: {  	[tilespmem:v41+s11+$0x0] =	vst.idx.msk $0xffff, v8  }
0x85: {  	v8 =	vld [tilespmem:s18+$0xFFFFFF20];
	_ =	sdelay $0x3  }
0x86: {  	v42 =	vadd.s32 s19, v2  }
0x87: {  	v8 =	vmul.f32 $8.000000000e+00, v8;
	_ =	sdelay $0x1  }
0x88: {  	v8 =	vadd.f32 v8, v6;
	_ =	sdelay $0x1  }
0x89: {  	[tilespmem:v42+s11+$0x0] =	vst.idx.msk $0xffff, v8  }
0x8a: {  	v8 =	vld [tilespmem:s18+$0xFFFFFF30];
	_ =	sdelay $0x3  }
0x8b: {  	v43 =	vadd.s32 s19, v3  }
0x8c: {  	v8 =	vmul.f32 $8.000000000e+00, v8;
	_ =	sdelay $0x1  }
0x8d: {  	v8 =	vadd.f32 v8, v7;
	_ =	sdelay $0x1  }
0x8e: {  	[tilespmem:v43+s11+$0x0] =	vst.idx.msk $0xffff, v8  }
0x8f: {  	v8 =	vld [tilespmem:s18+$0xFFFFFF80];
	_ =	sdelay $0x2  }
0x90: {  	s19 =	sadd.s32 $0x3, s17  }
0x91: {  	v44 =	vadd.s32 s19, v0  }
0x92: {  	v8 =	vmul.f32 $8.000000000e+00, v8;
	_ =	sdelay $0x1  }
0x93: {  	v8 =	vadd.f32 v8, v4;
	_ =	sdelay $0x1  }
0x94: {  	[tilespmem:v44+s11+$0x0] =	vst.idx.msk $0xffff, v8  }
0x95: {  	v8 =	vld [tilespmem:s18+$0xFFFFFF90];
	_ =	sdelay $0x3  }
0x96: {  	v45 =	vadd.s32 s19, v1  }
0x97: {  	v8 =	vmul.f32 $8.000000000e+00, v8;
	_ =	sdelay $0x1  }
0x98: {  	v8 =	vadd.f32 v8, v5;
	_ =	sdelay $0x1  }
0x99: {  	[tilespmem:v45+s11+$0x0] =	vst.idx.msk $0xffff, v8  }
0x9a: {  	v8 =	vld [tilespmem:s18+$0xFFFFFFA0];
	_ =	sdelay $0x3  }
0x9b: {  	v46 =	vadd.s32 s19, v2  }
0x9c: {  	v8 =	vmul.f32 $8.000000000e+00, v8;
	_ =	sdelay $0x1  }
0x9d: {  	v8 =	vadd.f32 v8, v6;
	_ =	sdelay $0x1  }
0x9e: {  	[tilespmem:v46+s11+$0x0] =	vst.idx.msk $0xffff, v8  }
0x9f: {  	v8 =	vld [tilespmem:s18+$0xFFFFFFB0];
	_ =	sdelay $0x3  }
0xa0: {  	v47 =	vadd.s32 s19, v3  }
0xa1: {  	v8 =	vmul.f32 $8.000000000e+00, v8;
	_ =	sdelay $0x1  }
0xa2: {  	v8 =	vadd.f32 v8, v7;
	_ =	sdelay $0x1  }
0xa3: {  	[tilespmem:v47+s11+$0x0] =	vst.idx.msk $0xffff, v8  }
0xa4: {  	v8 =	vld [tilespmem:s18+$0x0];
	_ =	sdelay $0x2  }
0xa5: {  	s19 =	sadd.s32 $0x4, s17  }
0xa6: {  	v48 =	vadd.s32 s19, v0  }
0xa7: {  	v8 =	vmul.f32 $8.000000000e+00, v8;
	_ =	sdelay $0x1  }
0xa8: {  	v8 =	vadd.f32 v8, v4;
	_ =	sdelay $0x1  }
0xa9: {  	[tilespmem:v48+s11+$0x0] =	vst.idx.msk $0xffff, v8  }
0xaa: {  	v8 =	vld [tilespmem:s18+$0x10];
	_ =	sdelay $0x3  }
0xab: {  	v49 =	vadd.s32 s19, v1  }
0xac: {  	v8 =	vmul.f32 $8.000000000e+00, v8;
	_ =	sdelay $0x1  }
0xad: {  	v8 =	vadd.f32 v8, v5;
	_ =	sdelay $0x1  }
0xae: {  	[tilespmem:v49+s11+$0x0] =	vst.idx.msk $0xffff, v8  }
0xaf: {  	v8 =	vld [tilespmem:s18+$0x20];
	_ =	sdelay $0x3  }
0xb0: {  	v50 =	vadd.s32 s19, v2  }
0xb1: {  	v8 =	vmul.f32 $8.000000000e+00, v8;
	_ =	sdelay $0x1  }
0xb2: {  	v8 =	vadd.f32 v8, v6;
	_ =	sdelay $0x1  }
0xb3: {  	[tilespmem:v50+s11+$0x0] =	vst.idx.msk $0xffff, v8  }
0xb4: {  	v8 =	vld [tilespmem:s18+$0x30];
	_ =	sdelay $0x3  }
0xb5: {  	v51 =	vadd.s32 s19, v3  }
0xb6: {  	v8 =	vmul.f32 $8.000000000e+00, v8;
	_ =	sdelay $0x1  }
0xb7: {  	v8 =	vadd.f32 v8, v7;
	_ =	sdelay $0x1  }
0xb8: {  	[tilespmem:v51+s11+$0x0] =	vst.idx.msk $0xffff, v8  }
0xb9: {  	v8 =	vld [tilespmem:s18+$0x80];
	_ =	sdelay $0x2  }
0xba: {  	s19 =	sadd.s32 $0x5, s17  }
0xbb: {  	v52 =	vadd.s32 s19, v0  }
0xbc: {  	v8 =	vmul.f32 $8.000000000e+00, v8;
	_ =	sdelay $0x1  }
0xbd: {  	v8 =	vadd.f32 v8, v4;
	_ =	sdelay $0x1  }
0xbe: {  	[tilespmem:v52+s11+$0x0] =	vst.idx.msk $0xffff, v8  }
0xbf: {  	v8 =	vld [tilespmem:s18+$0x90];
	_ =	sdelay $0x3  }
0xc0: {  	v53 =	vadd.s32 s19, v1  }
0xc1: {  	v8 =	vmul.f32 $8.000000000e+00, v8;
	_ =	sdelay $0x1  }
0xc2: {  	v8 =	vadd.f32 v8, v5;
	_ =	sdelay $0x1  }
0xc3: {  	[tilespmem:v53+s11+$0x0] =	vst.idx.msk $0xffff, v8  }
0xc4: {  	v8 =	vld [tilespmem:s18+$0xA0];
	_ =	sdelay $0x3  }
0xc5: {  	v54 =	vadd.s32 s19, v2  }
0xc6: {  	v8 =	vmul.f32 $8.000000000e+00, v8;
	_ =	sdelay $0x1  }
0xc7: {  	v8 =	vadd.f32 v8, v6;
	_ =	sdelay $0x1  }
0xc8: {  	[tilespmem:v54+s11+$0x0] =	vst.idx.msk $0xffff, v8  }
0xc9: {  	v8 =	vld [tilespmem:s18+$0xB0];
	_ =	sdelay $0x3  }
0xca: {  	v55 =	vadd.s32 s19, v3  }
0xcb: {  	v8 =	vmul.f32 $8.000000000e+00, v8;
	_ =	sdelay $0x1  }
0xcc: {  	v8 =	vadd.f32 v8, v7;
	_ =	sdelay $0x1  }
0xcd: {  	[tilespmem:v55+s11+$0x0] =	vst.idx.msk $0xffff, v8  }
0xce: {  	v8 =	vld [tilespmem:s18+$0x100];
	_ =	sdelay $0x2  }
0xcf: {  	s19 =	sadd.s32 $0x6, s17  }
0xd0: {  	v56 =	vadd.s32 s19, v0  }
0xd1: {  	v8 =	vmul.f32 $8.000000000e+00, v8;
	_ =	sdelay $0x1  }
0xd2: {  	v8 =	vadd.f32 v8, v4;
	_ =	sdelay $0x1  }
0xd3: {  	[tilespmem:v56+s11+$0x0] =	vst.idx.msk $0xffff, v8  }
0xd4: {  	v8 =	vld [tilespmem:s18+$0x110];
	_ =	sdelay $0x3  }
0xd5: {  	v57 =	vadd.s32 s19, v1  }
0xd6: {  	v8 =	vmul.f32 $8.000000000e+00, v8;
	_ =	sdelay $0x1  }
0xd7: {  	v8 =	vadd.f32 v8, v5;
	_ =	sdelay $0x1  }
0xd8: {  	[tilespmem:v57+s11+$0x0] =	vst.idx.msk $0xffff, v8  }
0xd9: {  	v8 =	vld [tilespmem:s18+$0x120];
	_ =	sdelay $0x3  }
0xda: {  	v58 =	vadd.s32 s19, v2  }
0xdb: {  	v8 =	vmul.f32 $8.000000000e+00, v8;
	_ =	sdelay $0x1  }
0xdc: {  	v8 =	vadd.f32 v8, v6;
	_ =	sdelay $0x1  }
0xdd: {  	[tilespmem:v58+s11+$0x0] =	vst.idx.msk $0xffff, v8  }
0xde: {  	v8 =	vld [tilespmem:s18+$0x130];
	_ =	sdelay $0x3  }
0xdf: {  	v59 =	vadd.s32 s19, v3  }
0xe0: {  	v8 =	vmul.f32 $8.000000000e+00, v8;
	_ =	sdelay $0x1  }
0xe1: {  	v8 =	vadd.f32 v8, v7;
	_ =	sdelay $0x1  }
0xe2: {  	[tilespmem:v59+s11+$0x0] =	vst.idx.msk $0xffff, v8  }
0xe3: {  	v8 =	vld [tilespmem:s18+$0x180];
	_ =	sdelay $0x2  }
0xe4: {  	s19 =	sadd.s32 $0x7, s17  }
0xe5: {  	v60 =	vadd.s32 s19, v0  }
0xe6: {  	v8 =	vmul.f32 $8.000000000e+00, v8;
	_ =	sdelay $0x1  }
0xe7: {  	v8 =	vadd.f32 v8, v4;
	_ =	sdelay $0x1  }
0xe8: {  	[tilespmem:v60+s11+$0x0] =	vst.idx.msk $0xffff, v8  }
0xe9: {  	v8 =	vld [tilespmem:s18+$0x190];
	_ =	sdelay $0x3  }
0xea: {  	v61 =	vadd.s32 s19, v1  }
0xeb: {  	v8 =	vmul.f32 $8.000000000e+00, v8;
	_ =	sdelay $0x1  }
0xec: {  	v8 =	vadd.f32 v8, v5;
	_ =	sdelay $0x1  }
0xed: {  	[tilespmem:v61+s11+$0x0] =	vst.idx.msk $0xffff, v8  }
0xee: {  	v8 =	vld [tilespmem:s18+$0x1A0];
	_ =	sdelay $0x3  }
0xef: {  	v62 =	vadd.s32 s19, v2  }
0xf0: {  	v8 =	vmul.f32 $8.000000000e+00, v8;
	_ =	sdelay $0x1  }
0xf1: {  	v8 =	vadd.f32 v8, v6;
	_ =	sdelay $0x1  }
0xf2: {  	[tilespmem:v62+s11+$0x0] =	vst.idx.msk $0xffff, v8  }
0xf3: {  	v8 =	vld [tilespmem:s18+$0x1B0];
	_ =	sdelay $0x3  }
0xf4: {  	p1 =	slt.u32 s17, $0x78;
	v63 =	vadd.s32 s19, v3  }
.Ltmp0:
0xf5: {  	v8 =	vmul.f32 $8.000000000e+00, v8;
	(pc) =	sbr.rel @p1 .LBB2_3-.Ltmp0, $3  }
0xf6: {  	_ = 	snop  }
0xf7: {  	v8 =	vadd.f32 v8, v7;
	_ =	sdelay $0x1  }
0xf8: {  	s17 =	sadd.s32 $0x8, s17;
	s18 =	sadd.s32 $0x400, s18;
	[tilespmem:v63+s11+$0x0] =	vst.idx.msk $0xffff, v8  }
0xf9: {  	s15 =	sshll.u32 s15, $0x7  }
0xfa: {  	s16 =	sshll.u32 s16, $0xF;
	s15 =	sand.u32 $0xF00, s15  }
0xfb: {  	s15 =	sor.u32 s15, s16  }
0xfc: {  	s19 =	smov.u32 s20;
	s16 =	sadd.s32 s20, s15  }
0xfd: {  	[hbm4b:s16+s5] =	stream.linear.scatter [tilespmem:s11], [sflag:$0x3], $0x80, $0x38;
	[tilespmem:$0x15A00] =	vst v63  }
0xfe: {  	s17 =	simm.s32 $0x11688;
	s20 =	smov.u32 s21;
	s21 =	sadd.s32 s15, s21  }
0xff: {  	[hbm4b:s21+s5] =	stream.linear.scatter [tilespmem:s17], [sflag:$0x3], $0x80, $0x38;
	[tilespmem:$0x15A00] =	vst v63  }
0x100: {  	s18 =	sadd.s32 s15, s22;
	s21 =	smov.u32 s22;
	s22 =	simm.s32 $0x11710  }
0x101: {  	[hbm4b:s18+s5] =	stream.linear.scatter [tilespmem:s22], [sflag:$0x3], $0x80, $0x38;
	[tilespmem:$0x15A00] =	vst v63  }
0x102: {  	s22 =	smov.u32 s23;
	s18 =	sadd.s32 s15, s23;
	s23 =	simm.s32 $0x11798  }
0x103: {  	[hbm4b:s18+s5] =	stream.linear.scatter [tilespmem:s23], [sflag:$0x3], $0x80, $0x38;
	[tilespmem:$0x15A00] =	vst v63  }
0x104: {  	s23 =	smov.u32 s24;
	s18 =	sadd.s32 s15, s24;
	s24 =	simm.s32 $0x11820  }
0x105: {  	[hbm4b:s18+s5] =	stream.linear.scatter [tilespmem:s24], [sflag:$0x3], $0x80, $0x38;
	[tilespmem:$0x15A00] =	vst v63  }
0x106: {  	s24 =	smov.u32 s26;
	s18 =	sadd.s32 s15, s26;
	s26 =	simm.s32 $0x118A8  }
0x107: {  	[hbm4b:s18+s5] =	stream.linear.scatter [tilespmem:s26], [sflag:$0x3], $0x80, $0x38;
	[tilespmem:$0x15A00] =	vst v63  }
0x108: {  	s17 =	sadd.s32 s15, s28;
	s18 =	simm.s32 $0x11930  }
0x109: {  	[hbm4b:s17+s5] =	stream.linear.scatter [tilespmem:s18], [sflag:$0x3], $0x80, $0x38;
	[tilespmem:$0x15A00] =	vst v63  }
0x10a: {  	s17 =	sadd.s32 s15, s29;
	s18 =	simm.s32 $0x119B8  }
0x10b: {  	[hbm4b:s17+s5] =	stream.linear.scatter [tilespmem:s18], [sflag:$0x3], $0x80, $0x38;
	[tilespmem:$0x15A00] =	vst v63  }
0x10c: {  	s17 =	sadd.s32 s15, s30;
	s18 =	simm.s32 $0x11A40  }
0x10d: {  	[hbm4b:s17+s5] =	stream.linear.scatter [tilespmem:s18], [sflag:$0x3], $0x80, $0x38;
	[tilespmem:$0x15A00] =	vst v63  }
0x10e: {  	s17 =	sadd.s32 s15, s31;
	s18 =	simm.s32 $0x11AC8  }
0x10f: {  	[hbm4b:s17+s5] =	stream.linear.scatter [tilespmem:s18], [sflag:$0x3], $0x80, $0x38;
	[tilespmem:$0x15A00] =	vst v63  }
0x110: {  	s17 =	sadd.s32 s15, s0;
	s18 =	simm.s32 $0x11B50  }
0x111: {  	[hbm4b:s17+s5] =	stream.linear.scatter [tilespmem:s18], [sflag:$0x3], $0x80, $0x38;
	[tilespmem:$0x15A00] =	vst v63  }
0x112: {  	s17 =	sadd.s32 s15, s1;
	s18 =	simm.s32 $0x11BD8  }
0x113: {  	[hbm4b:s17+s5] =	stream.linear.scatter [tilespmem:s18], [sflag:$0x3], $0x80, $0x38;
	[tilespmem:$0x15A00] =	vst v63  }
0x114: {  	s16 =	rddreg [dreg:$0x7];
	s17 =	sadd.s32 s15, s2;
	s18 =	simm.s32 $0x11C60  }
0x115: {  	[hbm4b:s17+s5] =	stream.linear.scatter [tilespmem:s18], [sflag:$0x3], $0x80, $0x38;
	[tilespmem:$0x15A00] =	vst v63  }
0x116: {  	s17 =	sadd.s32 s15, s16;
	s18 =	simm.s32 $0x11CE8;
	s16 =	rddreg [dreg:$0x8]  }
0x117: {  	[hbm4b:s17+s5] =	stream.linear.scatter [tilespmem:s18], [sflag:$0x3], $0x80, $0x38;
	[tilespmem:$0x15A00] =	vst v63  }
0x118: {  	s17 =	sadd.s32 s15, s16;
	s18 =	simm.s32 $0x11D70;
	s16 =	rddreg [dreg:$0x9]  }
0x119: {  	[hbm4b:s17+s5] =	stream.linear.scatter [tilespmem:s18], [sflag:$0x3], $0x80, $0x38;
	[tilespmem:$0x15A00] =	vst v63  }
0x11a: {  	s17 =	sadd.s32 s15, s16;
	s18 =	simm.s32 $0x11DF8;
	s16 =	rddreg [dreg:$0xa]  }
0x11b: {  	[hbm4b:s17+s5] =	stream.linear.scatter [tilespmem:s18], [sflag:$0x3], $0x80, $0x38;
	[tilespmem:$0x15A00] =	vst v63  }
0x11c: {  	s17 =	sadd.s32 s15, s16;
	s18 =	simm.s32 $0x11E80;
	s16 =	rddreg [dreg:$0xb]  }
0x11d: {  	[hbm4b:s17+s5] =	stream.linear.scatter [tilespmem:s18], [sflag:$0x3], $0x80, $0x38;
	[tilespmem:$0x15A00] =	vst v63  }
0x11e: {  	s17 =	sadd.s32 s15, s16;
	s18 =	simm.s32 $0x11F08;
	s16 =	rddreg [dreg:$0xd]  }
0x11f: {  	[hbm4b:s17+s5] =	stream.linear.scatter [tilespmem:s18], [sflag:$0x3], $0x80, $0x38;
	[tilespmem:$0x15A00] =	vst v63  }
0x120: {  	s17 =	sadd.s32 s15, s16;
	s18 =	simm.s32 $0x11F90;
	s16 =	rddreg [dreg:$0xe]  }
0x121: {  	[hbm4b:s17+s5] =	stream.linear.scatter [tilespmem:s18], [sflag:$0x3], $0x80, $0x38;
	[tilespmem:$0x15A00] =	vst v63  }
0x122: {  	s17 =	sadd.s32 s15, s16;
	s18 =	simm.s32 $0x12018;
	s16 =	rddreg [dreg:$0xf]  }
0x123: {  	[hbm4b:s17+s5] =	stream.linear.scatter [tilespmem:s18], [sflag:$0x3], $0x80, $0x38;
	[tilespmem:$0x15A00] =	vst v63  }
0x124: {  	s17 =	sadd.s32 s15, s16;
	s18 =	simm.s32 $0x120A0;
	s16 =	rddreg [dreg:$0x10]  }
0x125: {  	[hbm4b:s17+s5] =	stream.linear.scatter [tilespmem:s18], [sflag:$0x3], $0x80, $0x38;
	[tilespmem:$0x15A00] =	vst v63  }
0x126: {  	s17 =	sadd.s32 s15, s16;
	s18 =	simm.s32 $0x12128;
	s16 =	rddreg [dreg:$0x11]  }
0x127: {  	[hbm4b:s17+s5] =	stream.linear.scatter [tilespmem:s18], [sflag:$0x3], $0x80, $0x38;
	[tilespmem:$0x15A00] =	vst v63  }
0x128: {  	s17 =	sadd.s32 s15, s16;
	s18 =	simm.s32 $0x121B0;
	s16 =	rddreg [dreg:$0x12]  }
0x129: {  	[hbm4b:s17+s5] =	stream.linear.scatter [tilespmem:s18], [sflag:$0x3], $0x80, $0x38;
	[tilespmem:$0x15A00] =	vst v63  }
0x12a: {  	s17 =	sadd.s32 s15, s16;
	s18 =	simm.s32 $0x12238;
	s16 =	rddreg [dreg:$0x13]  }
0x12b: {  	[hbm4b:s17+s5] =	stream.linear.scatter [tilespmem:s18], [sflag:$0x3], $0x80, $0x38;
	[tilespmem:$0x15A00] =	vst v63  }
0x12c: {  	s17 =	sadd.s32 s15, s16;
	s18 =	simm.s32 $0x122C0;
	s16 =	rddreg [dreg:$0x14]  }
0x12d: {  	[hbm4b:s17+s5] =	stream.linear.scatter [tilespmem:s18], [sflag:$0x3], $0x80, $0x38;
	[tilespmem:$0x15A00] =	vst v63  }
0x12e: {  	s17 =	sadd.s32 s15, s16;
	s18 =	simm.s32 $0x12348;
	s16 =	rddreg [dreg:$0x15]  }
0x12f: {  	[hbm4b:s17+s5] =	stream.linear.scatter [tilespmem:s18], [sflag:$0x3], $0x80, $0x38;
	[tilespmem:$0x15A00] =	vst v63  }
0x130: {  	s17 =	sadd.s32 s15, s16;
	s18 =	simm.s32 $0x123D0;
	s16 =	rddreg [dreg:$0x16]  }
0x131: {  	[hbm4b:s17+s5] =	stream.linear.scatter [tilespmem:s18], [sflag:$0x3], $0x80, $0x38;
	[tilespmem:$0x15A00] =	vst v63  }
0x132: {  	s17 =	sadd.s32 s15, s16;
	s18 =	simm.s32 $0x12458;
	s16 =	rddreg [dreg:$0x17]  }
0x133: {  	[hbm4b:s17+s5] =	stream.linear.scatter [tilespmem:s18], [sflag:$0x3], $0x80, $0x38;
	[tilespmem:$0x15A00] =	vst v63  }
0x134: {  	s17 =	sadd.s32 s15, s16;
	s18 =	simm.s32 $0x124E0;
	s16 =	rddreg [dreg:$0x18]  }
0x135: {  	[hbm4b:s17+s5] =	stream.linear.scatter [tilespmem:s18], [sflag:$0x3], $0x80, $0x38;
	[tilespmem:$0x15A00] =	vst v63  }
0x136: {  	s17 =	sadd.s32 s15, s16;
	s18 =	simm.s32 $0x12568;
	s16 =	rddreg [dreg:$0x19]  }
0x137: {  	[hbm4b:s17+s5] =	stream.linear.scatter [tilespmem:s18], [sflag:$0x3], $0x80, $0x38;
	[tilespmem:$0x15A00] =	vst v63  }
0x138: {  	s17 =	sadd.s32 s15, s16;
	s18 =	simm.s32 $0x125F0;
	s16 =	rddreg [dreg:$0x1a]  }
0x139: {  	[hbm4b:s17+s5] =	stream.linear.scatter [tilespmem:s18], [sflag:$0x3], $0x80, $0x38;
	[tilespmem:$0x15A00] =	vst v63  }
0x13a: {  	s17 =	sadd.s32 s15, s16;
	s18 =	simm.s32 $0x12678;
	s16 =	rddreg [dreg:$0x1b]  }
0x13b: {  	[hbm4b:s17+s5] =	stream.linear.scatter [tilespmem:s18], [sflag:$0x3], $0x80, $0x38;
	[tilespmem:$0x15A00] =	vst v63  }
0x13c: {  	s17 =	sadd.s32 s15, s16;
	s18 =	simm.s32 $0x12700;
	s16 =	rddreg [dreg:$0x1c]  }
0x13d: {  	[hbm4b:s17+s5] =	stream.linear.scatter [tilespmem:s18], [sflag:$0x3], $0x80, $0x38;
	[tilespmem:$0x15A00] =	vst v63  }
0x13e: {  	s17 =	sadd.s32 s15, s16;
	s18 =	simm.s32 $0x12788;
	s16 =	rddreg [dreg:$0x1d]  }
0x13f: {  	[hbm4b:s17+s5] =	stream.linear.scatter [tilespmem:s18], [sflag:$0x3], $0x80, $0x38;
	[tilespmem:$0x15A00] =	vst v63  }
0x140: {  	s17 =	sadd.s32 s15, s16;
	s18 =	simm.s32 $0x12810;
	s16 =	rddreg [dreg:$0x1e]  }
0x141: {  	[hbm4b:s17+s5] =	stream.linear.scatter [tilespmem:s18], [sflag:$0x3], $0x80, $0x38;
	[tilespmem:$0x15A00] =	vst v63  }
0x142: {  	s17 =	sadd.s32 s15, s16;
	s18 =	simm.s32 $0x12898;
	s16 =	rddreg [dreg:$0x1f]  }
0x143: {  	[hbm4b:s17+s5] =	stream.linear.scatter [tilespmem:s18], [sflag:$0x3], $0x80, $0x38;
	[tilespmem:$0x15A00] =	vst v63  }
0x144: {  	s17 =	sadd.s32 s15, s16;
	s16 =	sld [smem:$0x7EB]  }
0x145: {  	s18 =	simm.s32 $0x12920  }
0x146: {  	[hbm4b:s17+s5] =	stream.linear.scatter [tilespmem:s18], [sflag:$0x3], $0x80, $0x38;
	[tilespmem:$0x15A00] =	vst v63  }
0x147: {  	s17 =	sadd.s32 s15, s16;
	s16 =	sld [smem:$0x7EC]  }
0x148: {  	s18 =	simm.s32 $0x129A8  }
0x149: {  	[hbm4b:s17+s5] =	stream.linear.scatter [tilespmem:s18], [sflag:$0x3], $0x80, $0x38;
	[tilespmem:$0x15A00] =	vst v63  }
0x14a: {  	s17 =	sadd.s32 s15, s16;
	s16 =	sld [smem:$0x7ED]  }
0x14b: {  	s18 =	simm.s32 $0x12A30  }
0x14c: {  	[hbm4b:s17+s5] =	stream.linear.scatter [tilespmem:s18], [sflag:$0x3], $0x80, $0x38;
	[tilespmem:$0x15A00] =	vst v63  }
0x14d: {  	s17 =	sadd.s32 s15, s16;
	s16 =	sld [smem:$0x7EE]  }
0x14e: {  	s18 =	simm.s32 $0x12AB8  }
0x14f: {  	[hbm4b:s17+s5] =	stream.linear.scatter [tilespmem:s18], [sflag:$0x3], $0x80, $0x38;
	[tilespmem:$0x15A00] =	vst v63  }
0x150: {  	s17 =	sadd.s32 s15, s16;
	s16 =	sld [smem:$0x7EF]  }
0x151: {  	s18 =	simm.s32 $0x12B40  }
0x152: {  	[hbm4b:s17+s5] =	stream.linear.scatter [tilespmem:s18], [sflag:$0x3], $0x80, $0x38;
	[tilespmem:$0x15A00] =	vst v63  }
0x153: {  	s17 =	sadd.s32 s15, s16;
	s16 =	sld [smem:$0x7F0]  }
0x154: {  	s18 =	simm.s32 $0x12BC8  }
0x155: {  	[hbm4b:s17+s5] =	stream.linear.scatter [tilespmem:s18], [sflag:$0x3], $0x80, $0x38;
	[tilespmem:$0x15A00] =	vst v63  }
0x156: {  	s17 =	sadd.s32 s15, s16;
	s16 =	sld [smem:$0x7F1]  }
0x157: {  	s18 =	simm.s32 $0x12C50  }
0x158: {  	[hbm4b:s17+s5] =	stream.linear.scatter [tilespmem:s18], [sflag:$0x3], $0x80, $0x38;
	[tilespmem:$0x15A00] =	vst v63  }
0x159: {  	s17 =	sadd.s32 s15, s16;
	s16 =	sld [smem:$0x7F2]  }
0x15a: {  	s18 =	simm.s32 $0x12CD8  }
0x15b: {  	[hbm4b:s17+s5] =	stream.linear.scatter [tilespmem:s18], [sflag:$0x3], $0x80, $0x38;
	[tilespmem:$0x15A00] =	vst v63  }
0x15c: {  	s17 =	sadd.s32 s15, s16;
	s16 =	sld [smem:$0x7F3]  }
0x15d: {  	s18 =	simm.s32 $0x12D60  }
0x15e: {  	[hbm4b:s17+s5] =	stream.linear.scatter [tilespmem:s18], [sflag:$0x3], $0x80, $0x38;
	[tilespmem:$0x15A00] =	vst v63  }
0x15f: {  	s17 =	sadd.s32 s15, s16;
	s16 =	sld [smem:$0x7F4]  }
0x160: {  	s18 =	simm.s32 $0x12DE8  }
0x161: {  	[hbm4b:s17+s5] =	stream.linear.scatter [tilespmem:s18], [sflag:$0x3], $0x80, $0x38;
	[tilespmem:$0x15A00] =	vst v63  }
0x162: {  	s17 =	sadd.s32 s15, s16;
	s16 =	sld [smem:$0x7F5]  }
0x163: {  	s18 =	simm.s32 $0x12E70  }
0x164: {  	[hbm4b:s17+s5] =	stream.linear.scatter [tilespmem:s18], [sflag:$0x3], $0x80, $0x38;
	[tilespmem:$0x15A00] =	vst v63  }
0x165: {  	s17 =	sadd.s32 s15, s16;
	s16 =	sld [smem:$0x7F6]  }
0x166: {  	s18 =	simm.s32 $0x12EF8  }
0x167: {  	[hbm4b:s17+s5] =	stream.linear.scatter [tilespmem:s18], [sflag:$0x3], $0x80, $0x38;
	[tilespmem:$0x15A00] =	vst v63  }
0x168: {  	s17 =	sadd.s32 s15, s16;
	s16 =	sld [smem:$0x7F7]  }
0x169: {  	s18 =	simm.s32 $0x12F80  }
0x16a: {  	[hbm4b:s17+s5] =	stream.linear.scatter [tilespmem:s18], [sflag:$0x3], $0x80, $0x38;
	[tilespmem:$0x15A00] =	vst v63  }
0x16b: {  	s17 =	sadd.s32 s15, s16;
	s16 =	sld [smem:$0x7F8]  }
0x16c: {  	s18 =	simm.s32 $0x13008  }
0x16d: {  	[hbm4b:s17+s5] =	stream.linear.scatter [tilespmem:s18], [sflag:$0x3], $0x80, $0x38;
	[tilespmem:$0x15A00] =	vst v63  }
0x16e: {  	s17 =	sadd.s32 s15, s16;
	s16 =	sld [smem:$0x7F9]  }
0x16f: {  	s18 =	simm.s32 $0x13090  }
0x170: {  	[hbm4b:s17+s5] =	stream.linear.scatter [tilespmem:s18], [sflag:$0x3], $0x80, $0x38;
	[tilespmem:$0x15A00] =	vst v63  }
0x171: {  	s17 =	sadd.s32 s15, s16;
	s16 =	sld [smem:$0x7FA]  }
0x172: {  	s18 =	simm.s32 $0x13118  }
0x173: {  	[hbm4b:s17+s5] =	stream.linear.scatter [tilespmem:s18], [sflag:$0x3], $0x80, $0x38;
	[tilespmem:$0x15A00] =	vst v63  }
0x174: {  	s17 =	sadd.s32 s15, s16;
	s16 =	sld [smem:$0x7FB]  }
0x175: {  	s18 =	simm.s32 $0x131A0  }
0x176: {  	[hbm4b:s17+s5] =	stream.linear.scatter [tilespmem:s18], [sflag:$0x3], $0x80, $0x38;
	[tilespmem:$0x15A00] =	vst v63  }
0x177: {  	s17 =	sadd.s32 s15, s16;
	s16 =	sld [smem:$0x7FC]  }
0x178: {  	s18 =	simm.s32 $0x13228  }
0x179: {  	[hbm4b:s17+s5] =	stream.linear.scatter [tilespmem:s18], [sflag:$0x3], $0x80, $0x38;
	[tilespmem:$0x15A00] =	vst v63  }
0x17a: {  	s17 =	sadd.s32 s15, s16;
	s16 =	sld [smem:$0x7FD]  }
0x17b: {  	s18 =	simm.s32 $0x132B0  }
0x17c: {  	[hbm4b:s17+s5] =	stream.linear.scatter [tilespmem:s18], [sflag:$0x3], $0x80, $0x38;
	[tilespmem:$0x15A00] =	vst v63  }
0x17d: {  	s18 =	simm.s32 $0x13338;
	s17 =	sadd.s32 s15, s16  }
0x17e: {  	[hbm4b:s17+s5] =	stream.linear.scatter [tilespmem:s18], [sflag:$0x3], $0x80, $0x38;
	[tilespmem:$0x15A00] =	vst v63  }
0x17f: {  	s17 =	sadd.s32 s15, s7;
	s18 =	simm.s32 $0x133C0  }
0x180: {  	[hbm4b:s17+s5] =	stream.linear.scatter [tilespmem:s18], [sflag:$0x3], $0x80, $0x38;
	[tilespmem:$0x15A00] =	vst v63  }
0x181: {  	p1 =	sne.s32 s13, $0x63;
	s17 =	sadd.s32 s15, s25;
	s18 =	simm.s32 $0x13448  }
0x182: {  	[hbm4b:s17+s5] =	stream.linear.scatter [tilespmem:s18], [sflag:$0x3], $0x80, $0x38;
	[tilespmem:$0x15A00] =	vst v63  }
0x183: {  	s26 =	smov.u32 s28;
	s17 =	sadd.s32 s15, s3;
	s18 =	simm.s32 $0x134D0  }
0x184: {  	[hbm4b:s17+s5] =	stream.linear.scatter [tilespmem:s18], [sflag:$0x3], $0x80, $0x38;
	[tilespmem:$0x15A00] =	vst v63  }
0x185: {  	s28 =	smov.u32 s29;
	s17 =	sadd.s32 s15, s4;
	s18 =	simm.s32 $0x13558  }
0x186: {  	[hbm4b:s17+s5] =	stream.linear.scatter [tilespmem:s18], [sflag:$0x3], $0x80, $0x38;
	[tilespmem:$0x15A00] =	vst v63  }
0x187: {  	s29 =	smov.u32 s30;
	s17 =	sadd.s32 s15, s6;
	s18 =	simm.s32 $0x135E0  }
0x188: {  	[hbm4b:s17+s5] =	stream.linear.scatter [tilespmem:s18], [sflag:$0x3], $0x80, $0x38;
	[tilespmem:$0x15A00] =	vst v63  }
0x189: {  	s30 =	smov.u32 s31;
	s17 =	sadd.s32 s15, s8;
	s18 =	simm.s32 $0x13668  }
0x18a: {  	[hbm4b:s17+s5] =	stream.linear.scatter [tilespmem:s18], [sflag:$0x3], $0x80, $0x38;
	[tilespmem:$0x15A00] =	vst v63  }
.Ltmp1:
0x18b: {  	s31 =	smov.u32 s0;
	s0 =	smov.u32 s1;
	(pc) =	sbr.rel @p1 .LBB2_6-.Ltmp1, $4  }
0x18c: {  	s1 =	smov.u32 s2;
	s2 =	sadd.s32 s15, s9;
	s17 =	simm.s32 $0x136F0  }
0x18d: {  	[hbm4b:s2+s5] =	stream.linear.scatter [tilespmem:s17], [sflag:$0x3], $0x80, $0x38;
	[tilespmem:$0x15A00] =	vst v63  }
0x18e: {  	s15 =	sadd.s32 s15, s10;
	s18 =	simm.s32 $0x13778  }
0x18f: {  	[hbm4b:s15+s5] =	stream.linear.scatter [tilespmem:s18], [sflag:$0x3], $0x80, $0x38;
	[tilespmem:$0x15A00] =	vst v63  }
.Ltmp2:
0x190: {  	(pc) =	sbr.rel .LBB2_7-.Ltmp2, $4  }
0x191: {  	s2 =	simm.s32 $0x2  }
0x192: {  	_ =	swait.ge [sflag:s2], $0x4000  }
0x193: {  	[sflag:s2] =	ssyncset.done $0x0  }
0x194: {  	[sflag:s2] =	ssyncadd.s32 $0xFFFFC000  }
.LBB2_6:
0x195: {  	s15 =	sshll.u32 s13, $0x8;
	s16 =	rddreg [dreg:$0x2]  }
0x196: {  	s2 =	simm.s32 $0x80;
	s17 =	simm.s32 $0x6400;
	s15 =	sand.u32 $0x3FFFFF00, s15  }
.Ltmp3:
0x197: {  	s18 =	simm.s32 $0x2;
	s15 =	sadd.s32 $0x100, s15;
	(pc) =	sbr.rel @p0 .LBB2_8-.Ltmp3, $4  }
0x198: {  	[tilespmem:s17], [sflag:$0x1] =	stream.indirect.gather [hbm4b:s16+s2], $0x80, s15, s2, $0xb8;
	[tilespmem:$0x15A00] =	vst v63  }
0x199: {  	_ =	swait.ge [sflag:s18], $0x4000  }
0x19a: {  	[sflag:s18] =	ssyncset.done $0x0  }
0x19b: {  	[sflag:s18] =	ssyncadd.s32 $0xFFFFC000  }
.LBB2_7:
0x19c: {  	s2 =	simm.s32 $0x4  }
0x19d: {  	_ =	swait.ge [sflag:s2], $0x2000  }
0x19e: {  	[sflag:s2] =	ssyncset.done $0x0  }
0x19f: {  	[sflag:s2] =	ssyncadd.s32 $0xFFFFE000  }
.LBB2_8:
0x1a0: {  	s15 =	rddreg [dreg:$0x5]  }
0x1a1: {  	s14 =	sadd.s32 s15, s14  }
0x1a2: {  	s15 =	sshll.u32 s14, $0x1  }
0x1a3: {  	s16 =	sand.u32 $0x3FFFFFC0, s15  }
0x1a4: {  	v4 =	vld [tilespmem:s16+$0xE400]  }
0x1a5: {  	v5 =	vld [tilespmem:s16+$0xE410]  }
0x1a6: {  	v6 =	vld [tilespmem:s16+$0xE420]  }
0x1a7: {  	s17 =	simm.s32 $0xA600;
	s15 =	sshrl.u32 s14, $0x5;
	v7 =	vld [tilespmem:s16+$0xE430];
	s16 =	simm.s32 $0x0  }
.LBB2_9:
0x1a8: {  	v8 =	vld [tilespmem:s17+$0xFFFFFE00];
	_ =	sdelay $0x3  }
0x1a9: {  	v9 =	vadd.s32 s16, v0  }
0x1aa: {  	v8 =	vmul.f32 $8.000000000e+00, v8;
	_ =	sdelay $0x1  }
0x1ab: {  	v8 =	vadd.f32 v8, v4;
	_ =	sdelay $0x1  }
0x1ac: {  	[tilespmem:v9+s12+$0x0] =	vst.idx.msk $0xffff, v8  }
0x1ad: {  	v8 =	vld [tilespmem:s17+$0xFFFFFE10];
	_ =	sdelay $0x3  }
0x1ae: {  	v33 =	vadd.s32 s16, v1  }
0x1af: {  	v8 =	vmul.f32 $8.000000000e+00, v8;
	_ =	sdelay $0x1  }
0x1b0: {  	v8 =	vadd.f32 v8, v5;
	_ =	sdelay $0x1  }
0x1b1: {  	[tilespmem:v33+s12+$0x0] =	vst.idx.msk $0xffff, v8  }
0x1b2: {  	v8 =	vld [tilespmem:s17+$0xFFFFFE20];
	_ =	sdelay $0x3  }
0x1b3: {  	v34 =	vadd.s32 s16, v2  }
0x1b4: {  	v8 =	vmul.f32 $8.000000000e+00, v8;
	_ =	sdelay $0x1  }
0x1b5: {  	v8 =	vadd.f32 v8, v6;
	_ =	sdelay $0x1  }
0x1b6: {  	[tilespmem:v34+s12+$0x0] =	vst.idx.msk $0xffff, v8  }
0x1b7: {  	v8 =	vld [tilespmem:s17+$0xFFFFFE30];
	_ =	sdelay $0x3  }
0x1b8: {  	v35 =	vadd.s32 s16, v3  }
0x1b9: {  	v8 =	vmul.f32 $8.000000000e+00, v8;
	_ =	sdelay $0x1  }
0x1ba: {  	v8 =	vadd.f32 v8, v7;
	_ =	sdelay $0x1  }
0x1bb: {  	[tilespmem:v35+s12+$0x0] =	vst.idx.msk $0xffff, v8  }
0x1bc: {  	v8 =	vld [tilespmem:s17+$0xFFFFFE80];
	_ =	sdelay $0x2  }
0x1bd: {  	s18 =	sadd.s32 $0x1, s16  }
0x1be: {  	v36 =	vadd.s32 s18, v0  }
0x1bf: {  	v8 =	vmul.f32 $8.000000000e+00, v8;
	_ =	sdelay $0x1  }
0x1c0: {  	v8 =	vadd.f32 v8, v4;
	_ =	sdelay $0x1  }
0x1c1: {  	[tilespmem:v36+s12+$0x0] =	vst.idx.msk $0xffff, v8  }
0x1c2: {  	v8 =	vld [tilespmem:s17+$0xFFFFFE90];
	_ =	sdelay $0x3  }
0x1c3: {  	v37 =	vadd.s32 s18, v1  }
0x1c4: {  	v8 =	vmul.f32 $8.000000000e+00, v8;
	_ =	sdelay $0x1  }
0x1c5: {  	v8 =	vadd.f32 v8, v5;
	_ =	sdelay $0x1  }
0x1c6: {  	[tilespmem:v37+s12+$0x0] =	vst.idx.msk $0xffff, v8  }
0x1c7: {  	v8 =	vld [tilespmem:s17+$0xFFFFFEA0];
	_ =	sdelay $0x3  }
0x1c8: {  	v38 =	vadd.s32 s18, v2  }
0x1c9: {  	v8 =	vmul.f32 $8.000000000e+00, v8;
	_ =	sdelay $0x1  }
0x1ca: {  	v8 =	vadd.f32 v8, v6;
	_ =	sdelay $0x1  }
0x1cb: {  	[tilespmem:v38+s12+$0x0] =	vst.idx.msk $0xffff, v8  }
0x1cc: {  	v8 =	vld [tilespmem:s17+$0xFFFFFEB0];
	_ =	sdelay $0x3  }
0x1cd: {  	v39 =	vadd.s32 s18, v3  }
0x1ce: {  	v8 =	vmul.f32 $8.000000000e+00, v8;
	_ =	sdelay $0x1  }
0x1cf: {  	v8 =	vadd.f32 v8, v7;
	_ =	sdelay $0x1  }
0x1d0: {  	[tilespmem:v39+s12+$0x0] =	vst.idx.msk $0xffff, v8  }
0x1d1: {  	v8 =	vld [tilespmem:s17+$0xFFFFFF00];
	_ =	sdelay $0x2  }
0x1d2: {  	s2 =	sadd.s32 $0x2, s16  }
0x1d3: {  	v40 =	vadd.s32 s2, v0  }
0x1d4: {  	v8 =	vmul.f32 $8.000000000e+00, v8;
	_ =	sdelay $0x1  }
0x1d5: {  	v8 =	vadd.f32 v8, v4;
	_ =	sdelay $0x1  }
0x1d6: {  	[tilespmem:v40+s12+$0x0] =	vst.idx.msk $0xffff, v8  }
0x1d7: {  	v8 =	vld [tilespmem:s17+$0xFFFFFF10];
	_ =	sdelay $0x3  }
0x1d8: {  	v41 =	vadd.s32 s2, v1  }
0x1d9: {  	v8 =	vmul.f32 $8.000000000e+00, v8;
	_ =	sdelay $0x1  }
0x1da: {  	v8 =	vadd.f32 v8, v5;
	_ =	sdelay $0x1  }
0x1db: {  	[tilespmem:v41+s12+$0x0] =	vst.idx.msk $0xffff, v8  }
0x1dc: {  	v8 =	vld [tilespmem:s17+$0xFFFFFF20];
	_ =	sdelay $0x3  }
0x1dd: {  	v42 =	vadd.s32 s2, v2  }
0x1de: {  	v8 =	vmul.f32 $8.000000000e+00, v8;
	_ =	sdelay $0x1  }
0x1df: {  	v8 =	vadd.f32 v8, v6;
	_ =	sdelay $0x1  }
0x1e0: {  	[tilespmem:v42+s12+$0x0] =	vst.idx.msk $0xffff, v8  }
0x1e1: {  	v8 =	vld [tilespmem:s17+$0xFFFFFF30];
	_ =	sdelay $0x3  }
0x1e2: {  	v43 =	vadd.s32 s2, v3  }
0x1e3: {  	v8 =	vmul.f32 $8.000000000e+00, v8;
	_ =	sdelay $0x1  }
0x1e4: {  	v8 =	vadd.f32 v8, v7;
	_ =	sdelay $0x1  }
0x1e5: {  	[tilespmem:v43+s12+$0x0] =	vst.idx.msk $0xffff, v8  }
0x1e6: {  	v8 =	vld [tilespmem:s17+$0xFFFFFF80];
	_ =	sdelay $0x2  }
0x1e7: {  	s2 =	sadd.s32 $0x3, s16  }
0x1e8: {  	v44 =	vadd.s32 s2, v0  }
0x1e9: {  	v8 =	vmul.f32 $8.000000000e+00, v8;
	_ =	sdelay $0x1  }
0x1ea: {  	v8 =	vadd.f32 v8, v4;
	_ =	sdelay $0x1  }
0x1eb: {  	[tilespmem:v44+s12+$0x0] =	vst.idx.msk $0xffff, v8  }
0x1ec: {  	v8 =	vld [tilespmem:s17+$0xFFFFFF90];
	_ =	sdelay $0x3  }
0x1ed: {  	v45 =	vadd.s32 s2, v1  }
0x1ee: {  	v8 =	vmul.f32 $8.000000000e+00, v8;
	_ =	sdelay $0x1  }
0x1ef: {  	v8 =	vadd.f32 v8, v5;
	_ =	sdelay $0x1  }
0x1f0: {  	[tilespmem:v45+s12+$0x0] =	vst.idx.msk $0xffff, v8  }
0x1f1: {  	v8 =	vld [tilespmem:s17+$0xFFFFFFA0];
	_ =	sdelay $0x3  }
0x1f2: {  	v46 =	vadd.s32 s2, v2  }
0x1f3: {  	v8 =	vmul.f32 $8.000000000e+00, v8;
	_ =	sdelay $0x1  }
0x1f4: {  	v8 =	vadd.f32 v8, v6;
	_ =	sdelay $0x1  }
0x1f5: {  	[tilespmem:v46+s12+$0x0] =	vst.idx.msk $0xffff, v8  }
0x1f6: {  	v8 =	vld [tilespmem:s17+$0xFFFFFFB0];
	_ =	sdelay $0x3  }
0x1f7: {  	v47 =	vadd.s32 s2, v3  }
0x1f8: {  	v8 =	vmul.f32 $8.000000000e+00, v8;
	_ =	sdelay $0x1  }
0x1f9: {  	v8 =	vadd.f32 v8, v7;
	_ =	sdelay $0x1  }
0x1fa: {  	[tilespmem:v47+s12+$0x0] =	vst.idx.msk $0xffff, v8  }
0x1fb: {  	v8 =	vld [tilespmem:s17+$0x0];
	_ =	sdelay $0x2  }
0x1fc: {  	s2 =	sadd.s32 $0x4, s16  }
0x1fd: {  	v48 =	vadd.s32 s2, v0  }
0x1fe: {  	v8 =	vmul.f32 $8.000000000e+00, v8;
	_ =	sdelay $0x1  }
0x1ff: {  	v8 =	vadd.f32 v8, v4;
	_ =	sdelay $0x1  }
0x200: {  	[tilespmem:v48+s12+$0x0] =	vst.idx.msk $0xffff, v8  }
0x201: {  	v8 =	vld [tilespmem:s17+$0x10];
	_ =	sdelay $0x3  }
0x202: {  	v49 =	vadd.s32 s2, v1  }
0x203: {  	v8 =	vmul.f32 $8.000000000e+00, v8;
	_ =	sdelay $0x1  }
0x204: {  	v8 =	vadd.f32 v8, v5;
	_ =	sdelay $0x1  }
0x205: {  	[tilespmem:v49+s12+$0x0] =	vst.idx.msk $0xffff, v8  }
0x206: {  	v8 =	vld [tilespmem:s17+$0x20];
	_ =	sdelay $0x3  }
0x207: {  	v50 =	vadd.s32 s2, v2  }
0x208: {  	v8 =	vmul.f32 $8.000000000e+00, v8;
	_ =	sdelay $0x1  }
0x209: {  	v8 =	vadd.f32 v8, v6;
	_ =	sdelay $0x1  }
0x20a: {  	[tilespmem:v50+s12+$0x0] =	vst.idx.msk $0xffff, v8  }
0x20b: {  	v8 =	vld [tilespmem:s17+$0x30];
	_ =	sdelay $0x3  }
0x20c: {  	v51 =	vadd.s32 s2, v3  }
0x20d: {  	v8 =	vmul.f32 $8.000000000e+00, v8;
	_ =	sdelay $0x1  }
0x20e: {  	v8 =	vadd.f32 v8, v7;
	_ =	sdelay $0x1  }
0x20f: {  	[tilespmem:v51+s12+$0x0] =	vst.idx.msk $0xffff, v8  }
0x210: {  	v8 =	vld [tilespmem:s17+$0x80];
	_ =	sdelay $0x2  }
0x211: {  	s2 =	sadd.s32 $0x5, s16  }
0x212: {  	v52 =	vadd.s32 s2, v0  }
0x213: {  	v8 =	vmul.f32 $8.000000000e+00, v8;
	_ =	sdelay $0x1  }
0x214: {  	v8 =	vadd.f32 v8, v4;
	_ =	sdelay $0x1  }
0x215: {  	[tilespmem:v52+s12+$0x0] =	vst.idx.msk $0xffff, v8  }
0x216: {  	v8 =	vld [tilespmem:s17+$0x90];
	_ =	sdelay $0x3  }
0x217: {  	v53 =	vadd.s32 s2, v1  }
0x218: {  	v8 =	vmul.f32 $8.000000000e+00, v8;
	_ =	sdelay $0x1  }
0x219: {  	v8 =	vadd.f32 v8, v5;
	_ =	sdelay $0x1  }
0x21a: {  	[tilespmem:v53+s12+$0x0] =	vst.idx.msk $0xffff, v8  }
0x21b: {  	v8 =	vld [tilespmem:s17+$0xA0];
	_ =	sdelay $0x3  }
0x21c: {  	v54 =	vadd.s32 s2, v2  }
0x21d: {  	v8 =	vmul.f32 $8.000000000e+00, v8;
	_ =	sdelay $0x1  }
0x21e: {  	v8 =	vadd.f32 v8, v6;
	_ =	sdelay $0x1  }
0x21f: {  	[tilespmem:v54+s12+$0x0] =	vst.idx.msk $0xffff, v8  }
0x220: {  	v8 =	vld [tilespmem:s17+$0xB0];
	_ =	sdelay $0x3  }
0x221: {  	v55 =	vadd.s32 s2, v3  }
0x222: {  	v8 =	vmul.f32 $8.000000000e+00, v8;
	_ =	sdelay $0x1  }
0x223: {  	v8 =	vadd.f32 v8, v7;
	_ =	sdelay $0x1  }
0x224: {  	[tilespmem:v55+s12+$0x0] =	vst.idx.msk $0xffff, v8  }
0x225: {  	v8 =	vld [tilespmem:s17+$0x100];
	_ =	sdelay $0x2  }
0x226: {  	s2 =	sadd.s32 $0x6, s16  }
0x227: {  	v56 =	vadd.s32 s2, v0  }
0x228: {  	v8 =	vmul.f32 $8.000000000e+00, v8;
	_ =	sdelay $0x1  }
0x229: {  	v8 =	vadd.f32 v8, v4;
	_ =	sdelay $0x1  }
0x22a: {  	[tilespmem:v56+s12+$0x0] =	vst.idx.msk $0xffff, v8  }
0x22b: {  	v8 =	vld [tilespmem:s17+$0x110];
	_ =	sdelay $0x3  }
0x22c: {  	v57 =	vadd.s32 s2, v1  }
0x22d: {  	v8 =	vmul.f32 $8.000000000e+00, v8;
	_ =	sdelay $0x1  }
0x22e: {  	v8 =	vadd.f32 v8, v5;
	_ =	sdelay $0x1  }
0x22f: {  	[tilespmem:v57+s12+$0x0] =	vst.idx.msk $0xffff, v8  }
0x230: {  	v8 =	vld [tilespmem:s17+$0x120];
	_ =	sdelay $0x3  }
0x231: {  	v58 =	vadd.s32 s2, v2  }
0x232: {  	v8 =	vmul.f32 $8.000000000e+00, v8;
	_ =	sdelay $0x1  }
0x233: {  	v8 =	vadd.f32 v8, v6;
	_ =	sdelay $0x1  }
0x234: {  	[tilespmem:v58+s12+$0x0] =	vst.idx.msk $0xffff, v8  }
0x235: {  	v8 =	vld [tilespmem:s17+$0x130];
	_ =	sdelay $0x3  }
0x236: {  	v59 =	vadd.s32 s2, v3  }
0x237: {  	v8 =	vmul.f32 $8.000000000e+00, v8;
	_ =	sdelay $0x1  }
0x238: {  	v8 =	vadd.f32 v8, v7;
	_ =	sdelay $0x1  }
0x239: {  	[tilespmem:v59+s12+$0x0] =	vst.idx.msk $0xffff, v8  }
0x23a: {  	v8 =	vld [tilespmem:s17+$0x180];
	_ =	sdelay $0x2  }
0x23b: {  	s2 =	sadd.s32 $0x7, s16  }
0x23c: {  	v60 =	vadd.s32 s2, v0  }
0x23d: {  	v8 =	vmul.f32 $8.000000000e+00, v8;
	_ =	sdelay $0x1  }
0x23e: {  	v8 =	vadd.f32 v8, v4;
	_ =	sdelay $0x1  }
0x23f: {  	[tilespmem:v60+s12+$0x0] =	vst.idx.msk $0xffff, v8  }
0x240: {  	v8 =	vld [tilespmem:s17+$0x190];
	_ =	sdelay $0x3  }
0x241: {  	v61 =	vadd.s32 s2, v1  }
0x242: {  	v8 =	vmul.f32 $8.000000000e+00, v8;
	_ =	sdelay $0x1  }
0x243: {  	v8 =	vadd.f32 v8, v5;
	_ =	sdelay $0x1  }
0x244: {  	[tilespmem:v61+s12+$0x0] =	vst.idx.msk $0xffff, v8  }
0x245: {  	v8 =	vld [tilespmem:s17+$0x1A0];
	_ =	sdelay $0x3  }
0x246: {  	v62 =	vadd.s32 s2, v2  }
0x247: {  	v8 =	vmul.f32 $8.000000000e+00, v8;
	_ =	sdelay $0x1  }
0x248: {  	v8 =	vadd.f32 v8, v6;
	_ =	sdelay $0x1  }
0x249: {  	[tilespmem:v62+s12+$0x0] =	vst.idx.msk $0xffff, v8  }
0x24a: {  	v8 =	vld [tilespmem:s17+$0x1B0];
	_ =	sdelay $0x3  }
0x24b: {  	p0 =	slt.u32 s16, $0x78;
	v63 =	vadd.s32 s2, v3  }
.Ltmp4:
0x24c: {  	v8 =	vmul.f32 $8.000000000e+00, v8;
	(pc) =	sbr.rel @p0 .LBB2_9-.Ltmp4, $3  }
0x24d: {  	_ = 	snop  }
0x24e: {  	v8 =	vadd.f32 v8, v7;
	_ =	sdelay $0x1  }
0x24f: {  	s16 =	sadd.s32 $0x8, s16;
	s17 =	sadd.s32 $0x400, s17;
	[tilespmem:v63+s12+$0x0] =	vst.idx.msk $0xffff, v8  }
0x250: {  	s14 =	sshll.u32 s14, $0x7  }
0x251: {  	s15 =	sshll.u32 s15, $0xF;
	s14 =	sand.u32 $0xF80, s14  }
0x252: {  	s14 =	sor.u32 s14, s15  }
0x253: {  	s15 =	sadd.s32 s19, s14  }
0x254: {  	[hbm4b:s15+s5] =	stream.linear.scatter [tilespmem:s12], [sflag:$0x4], $0x80, $0x38;
	[tilespmem:$0x15A00] =	vst v63  }
0x255: {  	s2 =	simm.s32 $0x13888;
	s16 =	sadd.s32 s14, s20  }
0x256: {  	[hbm4b:s16+s5] =	stream.linear.scatter [tilespmem:s2], [sflag:$0x4], $0x80, $0x38;
	[tilespmem:$0x15A00] =	vst v63  }
0x257: {  	s18 =	simm.s32 $0x13910;
	s17 =	sadd.s32 s14, s21  }
0x258: {  	[hbm4b:s17+s5] =	stream.linear.scatter [tilespmem:s18], [sflag:$0x4], $0x80, $0x38;
	[tilespmem:$0x15A00] =	vst v63  }
0x259: {  	s2 =	sadd.s32 s14, s22;
	s16 =	simm.s32 $0x13998  }
0x25a: {  	[hbm4b:s2+s5] =	stream.linear.scatter [tilespmem:s16], [sflag:$0x4], $0x80, $0x38;
	[tilespmem:$0x15A00] =	vst v63  }
0x25b: {  	s17 =	sadd.s32 s14, s23;
	s18 =	simm.s32 $0x13A20  }
0x25c: {  	[hbm4b:s17+s5] =	stream.linear.scatter [tilespmem:s18], [sflag:$0x4], $0x80, $0x38;
	[tilespmem:$0x15A00] =	vst v63  }
0x25d: {  	s2 =	sadd.s32 s14, s24;
	s16 =	simm.s32 $0x13AA8  }
0x25e: {  	[hbm4b:s2+s5] =	stream.linear.scatter [tilespmem:s16], [sflag:$0x4], $0x80, $0x38;
	[tilespmem:$0x15A00] =	vst v63  }
0x25f: {  	s17 =	sadd.s32 s14, s26;
	s18 =	simm.s32 $0x13B30  }
0x260: {  	[hbm4b:s17+s5] =	stream.linear.scatter [tilespmem:s18], [sflag:$0x4], $0x80, $0x38;
	[tilespmem:$0x15A00] =	vst v63  }
0x261: {  	s2 =	sadd.s32 s14, s28;
	s16 =	simm.s32 $0x13BB8  }
0x262: {  	[hbm4b:s2+s5] =	stream.linear.scatter [tilespmem:s16], [sflag:$0x4], $0x80, $0x38;
	[tilespmem:$0x15A00] =	vst v63  }
0x263: {  	s17 =	sadd.s32 s14, s29;
	s18 =	simm.s32 $0x13C40  }
0x264: {  	[hbm4b:s17+s5] =	stream.linear.scatter [tilespmem:s18], [sflag:$0x4], $0x80, $0x38;
	[tilespmem:$0x15A00] =	vst v63  }
0x265: {  	s2 =	sadd.s32 s14, s30;
	s16 =	simm.s32 $0x13CC8  }
0x266: {  	[hbm4b:s2+s5] =	stream.linear.scatter [tilespmem:s16], [sflag:$0x4], $0x80, $0x38;
	[tilespmem:$0x15A00] =	vst v63  }
0x267: {  	s17 =	sadd.s32 s14, s31;
	s18 =	simm.s32 $0x13D50  }
0x268: {  	[hbm4b:s17+s5] =	stream.linear.scatter [tilespmem:s18], [sflag:$0x4], $0x80, $0x38;
	[tilespmem:$0x15A00] =	vst v63  }
0x269: {  	s2 =	sadd.s32 s14, s0;
	s16 =	simm.s32 $0x13DD8  }
0x26a: {  	[hbm4b:s2+s5] =	stream.linear.scatter [tilespmem:s16], [sflag:$0x4], $0x80, $0x38;
	[tilespmem:$0x15A00] =	vst v63  }
0x26b: {  	s17 =	sadd.s32 s14, s1;
	s18 =	simm.s32 $0x13E60;
	s16 =	rddreg [dreg:$0x7]  }
0x26c: {  	[hbm4b:s17+s5] =	stream.linear.scatter [tilespmem:s18], [sflag:$0x4], $0x80, $0x38;
	[tilespmem:$0x15A00] =	vst v63  }
0x26d: {  	s17 =	sadd.s32 s14, s16;
	s18 =	simm.s32 $0x13EE8;
	s16 =	rddreg [dreg:$0x8]  }
0x26e: {  	[hbm4b:s17+s5] =	stream.linear.scatter [tilespmem:s18], [sflag:$0x4], $0x80, $0x38;
	[tilespmem:$0x15A00] =	vst v63  }
0x26f: {  	s17 =	sadd.s32 s14, s16;
	s18 =	simm.s32 $0x13F70;
	s16 =	rddreg [dreg:$0x9]  }
0x270: {  	[hbm4b:s17+s5] =	stream.linear.scatter [tilespmem:s18], [sflag:$0x4], $0x80, $0x38;
	[tilespmem:$0x15A00] =	vst v63  }
0x271: {  	s17 =	sadd.s32 s14, s16;
	s18 =	simm.s32 $0x13FF8;
	s16 =	rddreg [dreg:$0xa]  }
0x272: {  	[hbm4b:s17+s5] =	stream.linear.scatter [tilespmem:s18], [sflag:$0x4], $0x80, $0x38;
	[tilespmem:$0x15A00] =	vst v63  }
0x273: {  	s17 =	sadd.s32 s14, s16;
	s18 =	simm.s32 $0x14080;
	s16 =	rddreg [dreg:$0xb]  }
0x274: {  	[hbm4b:s17+s5] =	stream.linear.scatter [tilespmem:s18], [sflag:$0x4], $0x80, $0x38;
	[tilespmem:$0x15A00] =	vst v63  }
0x275: {  	s17 =	sadd.s32 s14, s16;
	s18 =	simm.s32 $0x14108;
	s16 =	rddreg [dreg:$0xd]  }
0x276: {  	[hbm4b:s17+s5] =	stream.linear.scatter [tilespmem:s18], [sflag:$0x4], $0x80, $0x38;
	[tilespmem:$0x15A00] =	vst v63  }
0x277: {  	s17 =	sadd.s32 s14, s16;
	s18 =	simm.s32 $0x14190;
	s16 =	rddreg [dreg:$0xe]  }
0x278: {  	[hbm4b:s17+s5] =	stream.linear.scatter [tilespmem:s18], [sflag:$0x4], $0x80, $0x38;
	[tilespmem:$0x15A00] =	vst v63  }
0x279: {  	s17 =	sadd.s32 s14, s16;
	s18 =	simm.s32 $0x14218;
	s16 =	rddreg [dreg:$0xf]  }
0x27a: {  	[hbm4b:s17+s5] =	stream.linear.scatter [tilespmem:s18], [sflag:$0x4], $0x80, $0x38;
	[tilespmem:$0x15A00] =	vst v63  }
0x27b: {  	s17 =	sadd.s32 s14, s16;
	s18 =	simm.s32 $0x142A0;
	s16 =	rddreg [dreg:$0x10]  }
0x27c: {  	[hbm4b:s17+s5] =	stream.linear.scatter [tilespmem:s18], [sflag:$0x4], $0x80, $0x38;
	[tilespmem:$0x15A00] =	vst v63  }
0x27d: {  	s17 =	sadd.s32 s14, s16;
	s18 =	simm.s32 $0x14328;
	s16 =	rddreg [dreg:$0x11]  }
0x27e: {  	[hbm4b:s17+s5] =	stream.linear.scatter [tilespmem:s18], [sflag:$0x4], $0x80, $0x38;
	[tilespmem:$0x15A00] =	vst v63  }
0x27f: {  	s17 =	sadd.s32 s14, s16;
	s18 =	simm.s32 $0x143B0;
	s16 =	rddreg [dreg:$0x12]  }
0x280: {  	[hbm4b:s17+s5] =	stream.linear.scatter [tilespmem:s18], [sflag:$0x4], $0x80, $0x38;
	[tilespmem:$0x15A00] =	vst v63  }
0x281: {  	s17 =	sadd.s32 s14, s16;
	s18 =	simm.s32 $0x14438;
	s16 =	rddreg [dreg:$0x13]  }
0x282: {  	[hbm4b:s17+s5] =	stream.linear.scatter [tilespmem:s18], [sflag:$0x4], $0x80, $0x38;
	[tilespmem:$0x15A00] =	vst v63  }
0x283: {  	s17 =	sadd.s32 s14, s16;
	s18 =	simm.s32 $0x144C0;
	s16 =	rddreg [dreg:$0x14]  }
0x284: {  	[hbm4b:s17+s5] =	stream.linear.scatter [tilespmem:s18], [sflag:$0x4], $0x80, $0x38;
	[tilespmem:$0x15A00] =	vst v63  }
0x285: {  	s17 =	sadd.s32 s14, s16;
	s18 =	simm.s32 $0x14548;
	s16 =	rddreg [dreg:$0x15]  }
0x286: {  	[hbm4b:s17+s5] =	stream.linear.scatter [tilespmem:s18], [sflag:$0x4], $0x80, $0x38;
	[tilespmem:$0x15A00] =	vst v63  }
0x287: {  	s17 =	sadd.s32 s14, s16;
	s18 =	simm.s32 $0x145D0;
	s16 =	rddreg [dreg:$0x16]  }
0x288: {  	[hbm4b:s17+s5] =	stream.linear.scatter [tilespmem:s18], [sflag:$0x4], $0x80, $0x38;
	[tilespmem:$0x15A00] =	vst v63  }
0x289: {  	s17 =	sadd.s32 s14, s16;
	s18 =	simm.s32 $0x14658;
	s16 =	rddreg [dreg:$0x17]  }
0x28a: {  	[hbm4b:s17+s5] =	stream.linear.scatter [tilespmem:s18], [sflag:$0x4], $0x80, $0x38;
	[tilespmem:$0x15A00] =	vst v63  }
0x28b: {  	s17 =	sadd.s32 s14, s16;
	s18 =	simm.s32 $0x146E0;
	s16 =	rddreg [dreg:$0x18]  }
0x28c: {  	[hbm4b:s17+s5] =	stream.linear.scatter [tilespmem:s18], [sflag:$0x4], $0x80, $0x38;
	[tilespmem:$0x15A00] =	vst v63  }
0x28d: {  	s17 =	sadd.s32 s14, s16;
	s18 =	simm.s32 $0x14768;
	s16 =	rddreg [dreg:$0x19]  }
0x28e: {  	[hbm4b:s17+s5] =	stream.linear.scatter [tilespmem:s18], [sflag:$0x4], $0x80, $0x38;
	[tilespmem:$0x15A00] =	vst v63  }
0x28f: {  	s17 =	sadd.s32 s14, s16;
	s18 =	simm.s32 $0x147F0;
	s16 =	rddreg [dreg:$0x1a]  }
0x290: {  	[hbm4b:s17+s5] =	stream.linear.scatter [tilespmem:s18], [sflag:$0x4], $0x80, $0x38;
	[tilespmem:$0x15A00] =	vst v63  }
0x291: {  	s17 =	sadd.s32 s14, s16;
	s18 =	simm.s32 $0x14878;
	s16 =	rddreg [dreg:$0x1b]  }
0x292: {  	[hbm4b:s17+s5] =	stream.linear.scatter [tilespmem:s18], [sflag:$0x4], $0x80, $0x38;
	[tilespmem:$0x15A00] =	vst v63  }
0x293: {  	s17 =	sadd.s32 s14, s16;
	s18 =	simm.s32 $0x14900;
	s16 =	rddreg [dreg:$0x1c]  }
0x294: {  	[hbm4b:s17+s5] =	stream.linear.scatter [tilespmem:s18], [sflag:$0x4], $0x80, $0x38;
	[tilespmem:$0x15A00] =	vst v63  }
0x295: {  	s17 =	sadd.s32 s14, s16;
	s18 =	simm.s32 $0x14988;
	s16 =	rddreg [dreg:$0x1d]  }
0x296: {  	[hbm4b:s17+s5] =	stream.linear.scatter [tilespmem:s18], [sflag:$0x4], $0x80, $0x38;
	[tilespmem:$0x15A00] =	vst v63  }
0x297: {  	s17 =	sadd.s32 s14, s16;
	s18 =	simm.s32 $0x14A10;
	s16 =	rddreg [dreg:$0x1e]  }
0x298: {  	[hbm4b:s17+s5] =	stream.linear.scatter [tilespmem:s18], [sflag:$0x4], $0x80, $0x38;
	[tilespmem:$0x15A00] =	vst v63  }
0x299: {  	s17 =	sadd.s32 s14, s16;
	s18 =	simm.s32 $0x14A98;
	s16 =	rddreg [dreg:$0x1f]  }
0x29a: {  	[hbm4b:s17+s5] =	stream.linear.scatter [tilespmem:s18], [sflag:$0x4], $0x80, $0x38;
	[tilespmem:$0x15A00] =	vst v63  }
0x29b: {  	s17 =	sadd.s32 s14, s16;
	s16 =	sld [smem:$0x7EB]  }
0x29c: {  	s18 =	simm.s32 $0x14B20  }
0x29d: {  	[hbm4b:s17+s5] =	stream.linear.scatter [tilespmem:s18], [sflag:$0x4], $0x80, $0x38;
	[tilespmem:$0x15A00] =	vst v63  }
0x29e: {  	s17 =	sadd.s32 s14, s16;
	s16 =	sld [smem:$0x7EC]  }
0x29f: {  	s18 =	simm.s32 $0x14BA8  }
0x2a0: {  	[hbm4b:s17+s5] =	stream.linear.scatter [tilespmem:s18], [sflag:$0x4], $0x80, $0x38;
	[tilespmem:$0x15A00] =	vst v63  }
0x2a1: {  	s17 =	sadd.s32 s14, s16;
	s16 =	sld [smem:$0x7ED]  }
0x2a2: {  	s18 =	simm.s32 $0x14C30  }
0x2a3: {  	[hbm4b:s17+s5] =	stream.linear.scatter [tilespmem:s18], [sflag:$0x4], $0x80, $0x38;
	[tilespmem:$0x15A00] =	vst v63  }
0x2a4: {  	s17 =	sadd.s32 s14, s16;
	s16 =	sld [smem:$0x7EE]  }
0x2a5: {  	s18 =	simm.s32 $0x14CB8  }
0x2a6: {  	[hbm4b:s17+s5] =	stream.linear.scatter [tilespmem:s18], [sflag:$0x4], $0x80, $0x38;
	[tilespmem:$0x15A00] =	vst v63  }
0x2a7: {  	s17 =	sadd.s32 s14, s16;
	s16 =	sld [smem:$0x7EF]  }
0x2a8: {  	s18 =	simm.s32 $0x14D40  }
0x2a9: {  	[hbm4b:s17+s5] =	stream.linear.scatter [tilespmem:s18], [sflag:$0x4], $0x80, $0x38;
	[tilespmem:$0x15A00] =	vst v63  }
0x2aa: {  	s17 =	sadd.s32 s14, s16;
	s16 =	sld [smem:$0x7F0]  }
0x2ab: {  	s18 =	simm.s32 $0x14DC8  }
0x2ac: {  	[hbm4b:s17+s5] =	stream.linear.scatter [tilespmem:s18], [sflag:$0x4], $0x80, $0x38;
	[tilespmem:$0x15A00] =	vst v63  }
0x2ad: {  	s17 =	sadd.s32 s14, s16;
	s16 =	sld [smem:$0x7F1]  }
0x2ae: {  	s18 =	simm.s32 $0x14E50  }
0x2af: {  	[hbm4b:s17+s5] =	stream.linear.scatter [tilespmem:s18], [sflag:$0x4], $0x80, $0x38;
	[tilespmem:$0x15A00] =	vst v63  }
0x2b0: {  	s17 =	sadd.s32 s14, s16;
	s16 =	sld [smem:$0x7F2]  }
0x2b1: {  	s18 =	simm.s32 $0x14ED8  }
0x2b2: {  	[hbm4b:s17+s5] =	stream.linear.scatter [tilespmem:s18], [sflag:$0x4], $0x80, $0x38;
	[tilespmem:$0x15A00] =	vst v63  }
0x2b3: {  	s17 =	sadd.s32 s14, s16;
	s16 =	sld [smem:$0x7F3]  }
0x2b4: {  	s18 =	simm.s32 $0x14F60  }
0x2b5: {  	[hbm4b:s17+s5] =	stream.linear.scatter [tilespmem:s18], [sflag:$0x4], $0x80, $0x38;
	[tilespmem:$0x15A00] =	vst v63  }
0x2b6: {  	s17 =	sadd.s32 s14, s16;
	s16 =	sld [smem:$0x7F4]  }
0x2b7: {  	s18 =	simm.s32 $0x14FE8  }
0x2b8: {  	[hbm4b:s17+s5] =	stream.linear.scatter [tilespmem:s18], [sflag:$0x4], $0x80, $0x38;
	[tilespmem:$0x15A00] =	vst v63  }
0x2b9: {  	s17 =	sadd.s32 s14, s16;
	s16 =	sld [smem:$0x7F5]  }
0x2ba: {  	s18 =	simm.s32 $0x15070  }
0x2bb: {  	[hbm4b:s17+s5] =	stream.linear.scatter [tilespmem:s18], [sflag:$0x4], $0x80, $0x38;
	[tilespmem:$0x15A00] =	vst v63  }
0x2bc: {  	s17 =	sadd.s32 s14, s16;
	s16 =	sld [smem:$0x7F6]  }
0x2bd: {  	s18 =	simm.s32 $0x150F8  }
0x2be: {  	[hbm4b:s17+s5] =	stream.linear.scatter [tilespmem:s18], [sflag:$0x4], $0x80, $0x38;
	[tilespmem:$0x15A00] =	vst v63  }
0x2bf: {  	s17 =	sadd.s32 s14, s16;
	s16 =	sld [smem:$0x7F7]  }
0x2c0: {  	s18 =	simm.s32 $0x15180  }
0x2c1: {  	[hbm4b:s17+s5] =	stream.linear.scatter [tilespmem:s18], [sflag:$0x4], $0x80, $0x38;
	[tilespmem:$0x15A00] =	vst v63  }
0x2c2: {  	s17 =	sadd.s32 s14, s16;
	s16 =	sld [smem:$0x7F8]  }
0x2c3: {  	s18 =	simm.s32 $0x15208  }
0x2c4: {  	[hbm4b:s17+s5] =	stream.linear.scatter [tilespmem:s18], [sflag:$0x4], $0x80, $0x38;
	[tilespmem:$0x15A00] =	vst v63  }
0x2c5: {  	s17 =	sadd.s32 s14, s16;
	s16 =	sld [smem:$0x7F9]  }
0x2c6: {  	s18 =	simm.s32 $0x15290  }
0x2c7: {  	[hbm4b:s17+s5] =	stream.linear.scatter [tilespmem:s18], [sflag:$0x4], $0x80, $0x38;
	[tilespmem:$0x15A00] =	vst v63  }
0x2c8: {  	s17 =	sadd.s32 s14, s16;
	s16 =	sld [smem:$0x7FA]  }
0x2c9: {  	s18 =	simm.s32 $0x15318  }
0x2ca: {  	[hbm4b:s17+s5] =	stream.linear.scatter [tilespmem:s18], [sflag:$0x4], $0x80, $0x38;
	[tilespmem:$0x15A00] =	vst v63  }
0x2cb: {  	s17 =	sadd.s32 s14, s16;
	s16 =	sld [smem:$0x7FB]  }
0x2cc: {  	s18 =	simm.s32 $0x153A0  }
0x2cd: {  	[hbm4b:s17+s5] =	stream.linear.scatter [tilespmem:s18], [sflag:$0x4], $0x80, $0x38;
	[tilespmem:$0x15A00] =	vst v63  }
0x2ce: {  	s17 =	sadd.s32 s14, s16;
	s16 =	sld [smem:$0x7FC]  }
0x2cf: {  	s18 =	simm.s32 $0x15428  }
0x2d0: {  	[hbm4b:s17+s5] =	stream.linear.scatter [tilespmem:s18], [sflag:$0x4], $0x80, $0x38;
	[tilespmem:$0x15A00] =	vst v63  }
0x2d1: {  	s17 =	sadd.s32 s14, s16;
	s16 =	sld [smem:$0x7FD]  }
0x2d2: {  	s18 =	simm.s32 $0x154B0  }
0x2d3: {  	[hbm4b:s17+s5] =	stream.linear.scatter [tilespmem:s18], [sflag:$0x4], $0x80, $0x38;
	[tilespmem:$0x15A00] =	vst v63  }
0x2d4: {  	s18 =	simm.s32 $0x15538;
	s17 =	sadd.s32 s14, s16  }
0x2d5: {  	[hbm4b:s17+s5] =	stream.linear.scatter [tilespmem:s18], [sflag:$0x4], $0x80, $0x38;
	[tilespmem:$0x15A00] =	vst v63  }
0x2d6: {  	s2 =	sadd.s32 s14, s7;
	s16 =	simm.s32 $0x155C0  }
0x2d7: {  	[hbm4b:s2+s5] =	stream.linear.scatter [tilespmem:s16], [sflag:$0x4], $0x80, $0x38;
	[tilespmem:$0x15A00] =	vst v63  }
0x2d8: {  	s17 =	sadd.s32 s14, s25;
	s18 =	simm.s32 $0x15648  }
0x2d9: {  	[hbm4b:s17+s5] =	stream.linear.scatter [tilespmem:s18], [sflag:$0x4], $0x80, $0x38;
	[tilespmem:$0x15A00] =	vst v63  }
0x2da: {  	s2 =	sadd.s32 s14, s3;
	s16 =	simm.s32 $0x156D0  }
0x2db: {  	[hbm4b:s2+s5] =	stream.linear.scatter [tilespmem:s16], [sflag:$0x4], $0x80, $0x38;
	[tilespmem:$0x15A00] =	vst v63  }
0x2dc: {  	s17 =	sadd.s32 s14, s4;
	s18 =	simm.s32 $0x15758  }
0x2dd: {  	[hbm4b:s17+s5] =	stream.linear.scatter [tilespmem:s18], [sflag:$0x4], $0x80, $0x38;
	[tilespmem:$0x15A00] =	vst v63  }
0x2de: {  	s13 =	sadd.s32 $0x1, s13;
	s2 =	sadd.s32 s14, s6;
	s16 =	simm.s32 $0x157E0  }
0x2df: {  	[hbm4b:s2+s5] =	stream.linear.scatter [tilespmem:s16], [sflag:$0x4], $0x80, $0x38;
	[tilespmem:$0x15A00] =	vst v63  }
0x2e0: {  	p0 =	sne.s32 s13, $0x64;
	s17 =	sadd.s32 s14, s8;
	s18 =	simm.s32 $0x15868  }
0x2e1: {  	[hbm4b:s17+s5] =	stream.linear.scatter [tilespmem:s18], [sflag:$0x4], $0x80, $0x38;
	[tilespmem:$0x15A00] =	vst v63  }
.Ltmp5:
0x2e2: {  	_ = 	snop;
	(pc) =	sbr.rel @p0 .LBB2_2-.Ltmp5, $4  }
0x2e3: {  	s16 =	sadd.s32 s14, s9;
	s17 =	simm.s32 $0x158F0  }
0x2e4: {  	[hbm4b:s16+s5] =	stream.linear.scatter [tilespmem:s17], [sflag:$0x4], $0x80, $0x38;
	[tilespmem:$0x15A00] =	vst v63  }
0x2e5: {  	s14 =	sadd.s32 s14, s10;
	s18 =	simm.s32 $0x15978  }
0x2e6: {  	[hbm4b:s14+s5] =	stream.linear.scatter [tilespmem:s18], [sflag:$0x4], $0x80, $0x38;
	[tilespmem:$0x15A00] =	vst v63  }
0x2e7: {  	s2 =	simm.s32 $0x3  }
0x2e8: {  	_ =	swait.ge [sflag:s2], $0x2000  }
0x2e9: {  	[sflag:s2] =	ssyncset.done $0x0  }
0x2ea: {  	s13 =	simm.s32 $0x4;
	[sflag:s2] =	ssyncadd.s32 $0xFFFFE000  }
0x2eb: {  	_ =	swait.ge [sflag:s13], $0x2000  }
0x2ec: {  	s14 =	sld [smem:$0x7EA];
	_ =	sdelay $0x2  }
0x2ed: {  	s18 =	rddreg [dreg:$0xc];
	s14 =	sadd.s32 $0x1, s14  }
0x2ee: {  	p0 =	sne.s32 s14, s18  }
.Ltmp6:
0x2ef: {  	_ = 	snop;
	(pc) =	sbr.rel @p0 .LBB2_1-.Ltmp6, $3  }
0x2f0: {  	_ =	sdelay $0x1  }
0x2f1: {  	[sflag:s13] =	ssyncset.done $0x0  }
0x2f2: {  	[sflag:s13] =	ssyncadd.s32 $0xFFFFE000  }
0x2f3: {  	_ =	sfence.sel $0x180000  }
0x2f4: {  	[bflag:$0x0] =	sbarrier.arrive $0xFFFF  }
0x2f5: {  	_ =	strace $0x90000047  }
0x2f6: {  	s0 =	stileid.u32;
	[bflag:$0x2] =	sbarrier.arrive $0xFFFF  }
0x2f7: {  	p0 =	sne.s32 s0, $0x0;
	s0 =	rddreg [dreg:$0x4]  }
0x2f8: {  	s0 =	sadd.s32 @!p0 $0x100000, s0  }
0x2f9: {  	[sflag:s0] =	ssyncadd.tile.s32 @!p0 $0x1;
	_ =	shalt  }
.Lfunc_end2:
_tile_overlayer_lowered:
.L_overlay_start_2:
0x2fa: {  	(tag) =	ssettag $0x2  }
0x2fb: {  	s0 =	rddreg [dreg:$0x0];
	s2 =	stileid.u32  }
0x2fc: {  	s1 =	rddreg [dreg:$0x1];
	p0 =	sne.s32 s2, $0x0  }
0x2fd: {  	s3 =	rddreg [dreg:$0x2];
	[bflag:$0x3] =	sbarrier.arrive $0xFFFF;
	s2 =	simm.s32 @!p0 $0x1C05  }
0x2fe: {  	[timem:s3], [sflag:s2] =	dma.local @!p0 [hbm:s0], s1  }
0x2ff: {  	s0 =	simm.s32 @!p0 $0x5  }
0x300: {  	_ =	swait.ge @!p0 [sflag:s0], s1  }
0x301: {  	s1 =	ssub.s32 @!p0 $0x0, s1;
	[sflag:s0] =	ssyncset.done @!p0 $0x0  }
0x302: {  	[sflag:s0] =	ssyncadd.s32 @!p0 s1  }
0x303: {  	[bflag:$0x3] =	sbarrier.arrive $0xFFFF  }
0x304: {  	_ =	shalt  }

</sc_bundles>
